<compile_context>
chip_gen: v7x
topology: tpu7x:2x2x1
jax: 0.10.2.dev20260603
libtpu: 0.0.44.dev20260713+nightly
codegen_flags: <defaults>
</compile_context>

<pallas_src>
import functools

import jax
import jax.numpy as jnp
from jax import lax
from jax.experimental import pallas as pl
from jax.experimental.pallas import tpu as pltpu
from jax.experimental.pallas import tpu_sc as plsc

VOCAB = 1000000
DIM = 64
B = 4096
L = 200

NUM_CORES = 2
NUM_SUBCORES = 16
NW = NUM_CORES * NUM_SUBCORES
B_PER_W = B // NW
IDX_PER_W = B_PER_W * L
BPG = 2
GROWS = BPG * L
NGRP = B_PER_W // BPG
NBUF = 3
LANES = 16
NCH = DIM // LANES
OUT_PER_W = B_PER_W * DIM

_mesh = plsc.VectorSubcoreMesh(
    core_axis_name="c", subcore_axis_name="s",
    num_cores=NUM_CORES, num_subcores=NUM_SUBCORES)


@functools.partial(
    pl.kernel,
    out_type=jax.ShapeDtypeStruct((B * DIM,), jnp.float32),
    mesh=_mesh,
    scratch_types=[
        pltpu.VMEM((IDX_PER_W,), jnp.int32),
        [pltpu.VMEM((GROWS, DIM), jnp.float32) for _ in range(NBUF)],
        pltpu.VMEM((OUT_PER_W,), jnp.float32),
        pltpu.SemaphoreType.DMA,
        [pltpu.SemaphoreType.DMA for _ in range(NBUF)],
        pltpu.SemaphoreType.DMA,
    ],
    compiler_params=pltpu.CompilerParams(use_tc_tiling_on_sc=False),
)
def _embed_mean(idx_hbm, table_hbm, out_hbm, idx_v, bufs, out_v, isem,
                rsems, osem):
    wid = lax.axis_index("s") * NUM_CORES + lax.axis_index("c")
    ibase = wid * IDX_PER_W
    IHALF = IDX_PER_W // 2

    pltpu.async_copy(idx_hbm.at[pl.ds(ibase, IHALF)],
                     idx_v.at[pl.ds(0, IHALF)], isem)
    pltpu.async_copy(idx_hbm.at[pl.ds(ibase + IHALF, IHALF)],
                     idx_v.at[pl.ds(IHALF, IHALF)], isem)

    def gather(s, g):
        pltpu.async_copy(table_hbm.at[idx_v.at[pl.ds(g * GROWS, GROWS)]],
                         bufs[s], rsems[s])

    def wait_rows(s):
        pltpu.make_async_copy(table_hbm.at[pl.ds(0, GROWS)], bufs[s],
                              rsems[s]).wait()

    pltpu.make_async_copy(idx_hbm.at[pl.ds(0, IHALF)],
                          idx_v.at[pl.ds(0, IHALF)], isem).wait()
    for s in range(NBUF):
        gather(s, s)
    pltpu.make_async_copy(idx_hbm.at[pl.ds(0, IHALF)],
                          idx_v.at[pl.ds(0, IHALF)], isem).wait()

    scale = jnp.float32(1.0 / L)
    UNROLL = 8

    def accumulate(buf, g):
        for j in range(BPG):
            b = g * BPG + j

            def acc_body(i, carry, j=j):
                acc = list(carry)
                base = j * L + i * UNROLL
                for r in range(UNROLL):
                    for c in range(NCH):
                        k = c * 2 + (r % 2)
                        acc[k] = acc[k] + buf[base + r,
                                              pl.ds(c * LANES, LANES)]
                return tuple(acc)

            zero = jnp.zeros((LANES,), jnp.float32)
            acc = lax.fori_loop(0, L // UNROLL, acc_body, (zero,) * (2 * NCH))
            for c in range(NCH):
                out_v[pl.ds(b * DIM + c * LANES, LANES)] = (
                    acc[c * 2] + acc[c * 2 + 1]) * scale

    def body(i, carry):
        g0 = NBUF * i
        for off in range(NBUF):
            g = g0 + off
            wait_rows(off)
            accumulate(bufs[off], g)

            @pl.when(g + NBUF < NGRP)
            def _():
                gather(off, g + NBUF)
        return carry

    SPLIT_ITERS = 10
    SPLIT_EL = SPLIT_ITERS * NBUF * BPG * DIM
    lax.fori_loop(0, SPLIT_ITERS, body, 0)
    pltpu.async_copy(out_v.at[pl.ds(0, SPLIT_EL)],
                     out_hbm.at[pl.ds(wid * OUT_PER_W, SPLIT_EL)], osem)
    lax.fori_loop(SPLIT_ITERS, NGRP // NBUF, body, 0)

    REM = NGRP % NBUF
    for r in range(REM):
        wait_rows(r)
        accumulate(bufs[r], NGRP - REM + r)

    pltpu.async_copy(
        out_v.at[pl.ds(SPLIT_EL, OUT_PER_W - SPLIT_EL)],
        out_hbm.at[pl.ds(wid * OUT_PER_W + SPLIT_EL, OUT_PER_W - SPLIT_EL)],
        osem)
    pltpu.make_async_copy(out_v.at[pl.ds(0, SPLIT_EL)],
                          out_hbm.at[pl.ds(0, SPLIT_EL)], osem).wait()
    pltpu.make_async_copy(
        out_v.at[pl.ds(SPLIT_EL, OUT_PER_W - SPLIT_EL)],
        out_hbm.at[pl.ds(0, OUT_PER_W - SPLIT_EL)], osem).wait()


def kernel(indices, table):
    out = _embed_mean(indices.reshape(-1), table)
    return out.reshape(B, DIM)

# --- scband reference (transcript-rebuilt; emitter-appended) ---
"""Pipeline reference for scband-word2-vec-embedder-24601572672068 (READ-ONLY COPY).

The authoritative reference and input builder live on the scoring server;
editing this copy changes nothing except your own understanding.
"""

import jax, jax.numpy as jnp
import numpy as np

VOCAB = 1000000
DIM = 64
B = 4096
L = 200


def setup_inputs(seed: int = 0) -> dict:
    key = jax.random.key(seed)
    k1, k2 = jax.random.split(key)
    indices = jax.random.randint(k1, (B, L), 0, VOCAB, dtype=jnp.int64 if jax.config.jax_enable_x64 else jnp.int32).astype(jnp.int32)
    table = jax.random.normal(k2, (VOCAB, DIM), dtype=jnp.float32) * 0.02
    return {"indices": indices, "table": table}


def reference(indices, table):
    # Faithful translation of Word2VecEmbedder: token-vector lookup
    # (spaCy's encoded.tensor replaced by a learned embedding table gather)
    # followed by mean pooling over the token axis (embedding_strategy =
    # mean_embeddings, np.mean(emb, axis=-2)).
    vectors = jnp.take(table, indices, axis=0)  # [B, L, D] gather
    return jnp.mean(vectors, axis=-2)            # [B, D]

if __name__ == "__main__":
    import jax
    _d = setup_inputs()
    print(jax.jit(kernel)(*tuple(_d.values())))

</pallas_src>

<mosaic_0001>
#map = affine_map<(d0, d1) -> (0)>
#map1 = affine_map<(d0, d1) -> (0, 0)>
module attributes {stable_mosaic.version = 14 : i64} {
  func.func @_embed_mean(%arg0: i32, %arg1: i32, %arg2: memref<819200xi32, #tpu.memory_space<hbm>>, %arg3: memref<1000000x64xf32, #tpu.memory_space<hbm>>, %arg4: memref<262144xf32, #tpu.memory_space<hbm>>, %arg5: memref<25600xi32, #tpu.memory_space<vmem>>, %arg6: memref<400x64xf32, #tpu.memory_space<vmem>>, %arg7: memref<400x64xf32, #tpu.memory_space<vmem>>, %arg8: memref<400x64xf32, #tpu.memory_space<vmem>>, %arg9: memref<8192xf32, #tpu.memory_space<vmem>>, %arg10: memref<!tpu.dma_semaphore, #tpu.memory_space<semaphore_mem>>, %arg11: memref<!tpu.dma_semaphore, #tpu.memory_space<semaphore_mem>>, %arg12: memref<!tpu.dma_semaphore, #tpu.memory_space<semaphore_mem>>, %arg13: memref<!tpu.dma_semaphore, #tpu.memory_space<semaphore_mem>>, %arg14: memref<!tpu.dma_semaphore, #tpu.memory_space<semaphore_mem>>) attributes {dimension_semantics = [#tpu.dimension_semantics<core_parallel>, #tpu.dimension_semantics<subcore_parallel>], iteration_bounds = array<i64: 2, 16>, scalar_prefetch = 0 : i64, scratch_operands = 10 : i64, tpu.core_type = #tpu.core_type<sc_vector_subcore>, window_params = [{transform_indices = #map}, {transform_indices = #map1}, {transform_indices = #map}]} {
    %mul3A = arith.constant 2 : i32
    %mul3A_0 = arith.muli %arg1, %mul3A : i32
    %add3A = arith.addi %mul3A_0, %arg0 : i32
    %mul3A_1 = arith.constant 25600 : i32
    %mul3A_2 = arith.muli %add3A, %mul3A_1 : i32
    %dma_start3A = arith.constant 0 : i32
    %dma_start3A_3 = tpu.memref_slice %arg5[%dma_start3A] : memref<25600xi32, #tpu.memory_space<vmem>> -> memref<12800xi32, #tpu.memory_space<vmem>>
    %dma_start3A_4 = tpu.memref_slice %arg2[%mul3A_2] : memref<819200xi32, #tpu.memory_space<hbm>> -> memref<12800xi32, #tpu.memory_space<hbm>>
    %dma_start3A_5 = arith.constant 0 : i32
    %dma_start3A_6 = tpu.memref_slice %arg5[%dma_start3A_5] : memref<25600xi32, #tpu.memory_space<vmem>> -> memref<12800xi32, #tpu.memory_space<vmem>>
    %dma_start3A_7 = tpu.memref_slice %arg2[%mul3A_2] : memref<819200xi32, #tpu.memory_space<hbm>> -> memref<12800xi32, #tpu.memory_space<hbm>>
    tpu.enqueue_dma source(%dma_start3A_7 : memref<12800xi32, #tpu.memory_space<hbm>>) target(%dma_start3A_6 : memref<12800xi32, #tpu.memory_space<vmem>>) target_semaphore(%arg10 : memref<!tpu.dma_semaphore, #tpu.memory_space<semaphore_mem>>)
    %add3A_8 = arith.constant 12800 : i32
    %add3A_9 = arith.addi %mul3A_2, %add3A_8 : i32
    %dma_start3A_10 = arith.constant 12800 : i32
    %dma_start3A_11 = tpu.memref_slice %arg5[%dma_start3A_10] : memref<25600xi32, #tpu.memory_space<vmem>> -> memref<12800xi32, #tpu.memory_space<vmem>>
    %dma_start3A_12 = tpu.memref_slice %arg2[%add3A_9] : memref<819200xi32, #tpu.memory_space<hbm>> -> memref<12800xi32, #tpu.memory_space<hbm>>
    %dma_start3A_13 = arith.constant 12800 : i32
    %dma_start3A_14 = tpu.memref_slice %arg5[%dma_start3A_13] : memref<25600xi32, #tpu.memory_space<vmem>> -> memref<12800xi32, #tpu.memory_space<vmem>>
    %dma_start3A_15 = tpu.memref_slice %arg2[%add3A_9] : memref<819200xi32, #tpu.memory_space<hbm>> -> memref<12800xi32, #tpu.memory_space<hbm>>
    tpu.enqueue_dma source(%dma_start3A_15 : memref<12800xi32, #tpu.memory_space<hbm>>) target(%dma_start3A_14 : memref<12800xi32, #tpu.memory_space<vmem>>) target_semaphore(%arg10 : memref<!tpu.dma_semaphore, #tpu.memory_space<semaphore_mem>>)
    %dma_wait3A = arith.constant 0 : i32
    %dma_wait3A_16 = tpu.memref_slice %arg5[%dma_wait3A] : memref<25600xi32, #tpu.memory_space<vmem>> -> memref<12800xi32, #tpu.memory_space<vmem>>
    %dma_wait3A_17 = arith.constant 0 : i32
    %dma_wait3A_18 = tpu.memref_slice %arg2[%dma_wait3A_17] : memref<819200xi32, #tpu.memory_space<hbm>> -> memref<12800xi32, #tpu.memory_space<hbm>>
    %dma_wait3A_19 = arith.constant 0 : i32
    %dma_wait3A_20 = tpu.memref_slice %arg5[%dma_wait3A_19] : memref<25600xi32, #tpu.memory_space<vmem>> -> memref<12800xi32, #tpu.memory_space<vmem>>
    %dma_wait3A_21 = arith.constant 0 : i32
    %dma_wait3A_22 = tpu.memref_slice %arg2[%dma_wait3A_21] : memref<819200xi32, #tpu.memory_space<hbm>> -> memref<12800xi32, #tpu.memory_space<hbm>>
    tpu.wait_dma2 semaphore(%arg10 : memref<!tpu.dma_semaphore, #tpu.memory_space<semaphore_mem>>) src(%dma_wait3A_22 : memref<12800xi32, #tpu.memory_space<hbm>>) dst(%dma_wait3A_20 : memref<12800xi32, #tpu.memory_space<vmem>>)
    %dma_start3A_23 = arith.constant 0 : i32
    %dma_start3A_24 = tpu.memref_slice %arg5[%dma_start3A_23] : memref<25600xi32, #tpu.memory_space<vmem>> -> memref<400xi32, #tpu.memory_space<vmem>>
    %dma_start3A_25 = arith.constant 0 : i32
    %dma_start3A_26 = arith.constant 0 : i32
    %dma_start3A_27 = tpu.memref_slice %arg3[%dma_start3A_25, %dma_start3A_26] : memref<1000000x64xf32, #tpu.memory_space<hbm>> -> memref<1000000x64xf32, #tpu.memory_space<hbm>>
    tpu.enqueue_indirect_dma source(%dma_start3A_27 : memref<1000000x64xf32, #tpu.memory_space<hbm>>) target(%arg6 : memref<400x64xf32, #tpu.memory_space<vmem>>) offsets(%dma_start3A_24 : memref<400xi32, #tpu.memory_space<vmem>>) semaphore(%arg11 : memref<!tpu.dma_semaphore, #tpu.memory_space<semaphore_mem>>)
    %dma_start3A_28 = arith.constant 400 : i32
    %dma_start3A_29 = tpu.memref_slice %arg5[%dma_start3A_28] : memref<25600xi32, #tpu.memory_space<vmem>> -> memref<400xi32, #tpu.memory_space<vmem>>
    %dma_start3A_30 = arith.constant 0 : i32
    %dma_start3A_31 = arith.constant 0 : i32
    %dma_start3A_32 = tpu.memref_slice %arg3[%dma_start3A_30, %dma_start3A_31] : memref<1000000x64xf32, #tpu.memory_space<hbm>> -> memref<1000000x64xf32, #tpu.memory_space<hbm>>
    tpu.enqueue_indirect_dma source(%dma_start3A_32 : memref<1000000x64xf32, #tpu.memory_space<hbm>>) target(%arg7 : memref<400x64xf32, #tpu.memory_space<vmem>>) offsets(%dma_start3A_29 : memref<400xi32, #tpu.memory_space<vmem>>) semaphore(%arg12 : memref<!tpu.dma_semaphore, #tpu.memory_space<semaphore_mem>>)
    %dma_start3A_33 = arith.constant 800 : i32
    %dma_start3A_34 = tpu.memref_slice %arg5[%dma_start3A_33] : memref<25600xi32, #tpu.memory_space<vmem>> -> memref<400xi32, #tpu.memory_space<vmem>>
    %dma_start3A_35 = arith.constant 0 : i32
    %dma_start3A_36 = arith.constant 0 : i32
    %dma_start3A_37 = tpu.memref_slice %arg3[%dma_start3A_35, %dma_start3A_36] : memref<1000000x64xf32, #tpu.memory_space<hbm>> -> memref<1000000x64xf32, #tpu.memory_space<hbm>>
    tpu.enqueue_indirect_dma source(%dma_start3A_37 : memref<1000000x64xf32, #tpu.memory_space<hbm>>) target(%arg8 : memref<400x64xf32, #tpu.memory_space<vmem>>) offsets(%dma_start3A_34 : memref<400xi32, #tpu.memory_space<vmem>>) semaphore(%arg13 : memref<!tpu.dma_semaphore, #tpu.memory_space<semaphore_mem>>)
    %dma_wait3A_38 = arith.constant 0 : i32
    %dma_wait3A_39 = tpu.memref_slice %arg5[%dma_wait3A_38] : memref<25600xi32, #tpu.memory_space<vmem>> -> memref<12800xi32, #tpu.memory_space<vmem>>
    %dma_wait3A_40 = arith.constant 0 : i32
    %dma_wait3A_41 = tpu.memref_slice %arg2[%dma_wait3A_40] : memref<819200xi32, #tpu.memory_space<hbm>> -> memref<12800xi32, #tpu.memory_space<hbm>>
    %dma_wait3A_42 = arith.constant 0 : i32
    %dma_wait3A_43 = tpu.memref_slice %arg5[%dma_wait3A_42] : memref<25600xi32, #tpu.memory_space<vmem>> -> memref<12800xi32, #tpu.memory_space<vmem>>
    %dma_wait3A_44 = arith.constant 0 : i32
    %dma_wait3A_45 = tpu.memref_slice %arg2[%dma_wait3A_44] : memref<819200xi32, #tpu.memory_space<hbm>> -> memref<12800xi32, #tpu.memory_space<hbm>>
    tpu.wait_dma2 semaphore(%arg10 : memref<!tpu.dma_semaphore, #tpu.memory_space<semaphore_mem>>) src(%dma_wait3A_45 : memref<12800xi32, #tpu.memory_space<hbm>>) dst(%dma_wait3A_43 : memref<12800xi32, #tpu.memory_space<vmem>>)
    %scan3A = arith.constant 0 : i32
    %scan3A_46 = arith.constant 5.000000e-03 : f32
    %scan3A_47 = arith.constant 0 : i32
    %scan3A_48 = arith.constant 10 : i32
    %scan3A_49 = arith.addi %scan3A_47, %scan3A_48 : i32
    %scan3A_50 = arith.constant 1 : i32
    scf.for %scan3A_177 = %scan3A_47 to %scan3A_49 step %scan3A_50  : i32 {
      %mul3A_178 = arith.constant 3 : i32
      %mul3A_179 = arith.muli %mul3A_178, %scan3A_177 : i32
      %add3A_180 = arith.constant 0 : i32
      %add3A_181 = arith.addi %mul3A_179, %add3A_180 : i32
      %dma_wait3A_182 = arith.constant 0 : i32
      %dma_wait3A_183 = arith.constant 0 : i32
      %dma_wait3A_184 = tpu.memref_slice %arg3[%dma_wait3A_182, %dma_wait3A_183] : memref<1000000x64xf32, #tpu.memory_space<hbm>> -> memref<400x64xf32, #tpu.memory_space<hbm>>
      %dma_wait3A_185 = arith.constant 0 : i32
      %dma_wait3A_186 = arith.constant 0 : i32
      %dma_wait3A_187 = tpu.memref_slice %arg3[%dma_wait3A_185, %dma_wait3A_186] : memref<1000000x64xf32, #tpu.memory_space<hbm>> -> memref<400x64xf32, #tpu.memory_space<hbm>>
      tpu.wait_dma2 semaphore(%arg11 : memref<!tpu.dma_semaphore, #tpu.memory_space<semaphore_mem>>) src(%dma_wait3A_187 : memref<400x64xf32, #tpu.memory_space<hbm>>) dst(%arg6 : memref<400x64xf32, #tpu.memory_space<vmem>>)
      %mul3A_188 = arith.constant 2 : i32
      %mul3A_189 = arith.muli %add3A_181, %mul3A_188 : i32
      %add3A_190 = arith.constant 0 : i32
      %add3A_191 = arith.addi %mul3A_189, %add3A_190 : i32
      %broadcast_in_dim3A_192 = arith.constant 0.000000e+00 : f32
      %broadcast_in_dim3A_193 = vector.broadcast %broadcast_in_dim3A_192 : f32 to vector<16xf32>
      %scan3A_194 = arith.constant 0 : i32
      %scan3A_195 = arith.constant 25 : i32
      %scan3A_196 = arith.addi %scan3A_194, %scan3A_195 : i32
      %scan3A_197 = arith.constant 1 : i32
      %scan3A_198:8 = scf.for %scan3A_558 = %scan3A_194 to %scan3A_196 step %scan3A_197 iter_args(%scan3A_559 = %broadcast_in_dim3A_193, %scan3A_560 = %broadcast_in_dim3A_193, %scan3A_561 = %broadcast_in_dim3A_193, %scan3A_562 = %broadcast_in_dim3A_193, %scan3A_563 = %broadcast_in_dim3A_193, %scan3A_564 = %broadcast_in_dim3A_193, %scan3A_565 = %broadcast_in_dim3A_193, %scan3A_566 = %broadcast_in_dim3A_193) -> (vector<16xf32>, vector<16xf32>, vector<16xf32>, vector<16xf32>, vector<16xf32>, vector<16xf32>, vector<16xf32>, vector<16xf32>)  : i32 {
        %mul3A_567 = arith.constant 8 : i32
        %mul3A_568 = arith.muli %scan3A_558, %mul3A_567 : i32
        %add3A_569 = arith.constant 0 : i32
        %add3A_570 = arith.addi %add3A_569, %mul3A_568 : i32
        %add3A_571 = arith.constant 0 : i32
        %add3A_572 = arith.addi %add3A_570, %add3A_571 : i32
        %get3A = arith.index_cast %add3A_572 : i32 to index
        %get3A_573 = arith.constant 0 : index
        %get3A_574 = tpu.vector_load %arg6[%get3A, %get3A_573] {strides = array<i32>} : memref<400x64xf32, #tpu.memory_space<vmem>>, vector<1x16xf32>,
        %get3A_575 = vector.shape_cast %get3A_574 : vector<1x16xf32> to vector<16xf32>
        %add3A_576 = arith.addf %scan3A_559, %get3A_575 : vector<16xf32>
        %add3A_577 = arith.constant 0 : i32
        %add3A_578 = arith.addi %add3A_570, %add3A_577 : i32
        %get3A_579 = arith.index_cast %add3A_578 : i32 to index
        %get3A_580 = arith.constant 16 : index
        %get3A_581 = tpu.vector_load %arg6[%get3A_579, %get3A_580] {strides = array<i32>} : memref<400x64xf32, #tpu.memory_space<vmem>>, vector<1x16xf32>,
        %get3A_582 = vector.shape_cast %get3A_581 : vector<1x16xf32> to vector<16xf32>
        %add3A_583 = arith.addf %scan3A_561, %get3A_582 : vector<16xf32>
        %add3A_584 = arith.constant 0 : i32
        %add3A_585 = arith.addi %add3A_570, %add3A_584 : i32
        %get3A_586 = arith.index_cast %add3A_585 : i32 to index
        %get3A_587 = arith.constant 32 : index
        %get3A_588 = tpu.vector_load %arg6[%get3A_586, %get3A_587] {strides = array<i32>} : memref<400x64xf32, #tpu.memory_space<vmem>>, vector<1x16xf32>,
        %get3A_589 = vector.shape_cast %get3A_588 : vector<1x16xf32> to vector<16xf32>
        %add3A_590 = arith.addf %scan3A_563, %get3A_589 : vector<16xf32>
        %add3A_591 = arith.constant 0 : i32
        %add3A_592 = arith.addi %add3A_570, %add3A_591 : i32
        %get3A_593 = arith.index_cast %add3A_592 : i32 to index
        %get3A_594 = arith.constant 48 : index
        %get3A_595 = tpu.vector_load %arg6[%get3A_593, %get3A_594] {strides = array<i32>} : memref<400x64xf32, #tpu.memory_space<vmem>>, vector<1x16xf32>,
        %get3A_596 = vector.shape_cast %get3A_595 : vector<1x16xf32> to vector<16xf32>
        %add3A_597 = arith.addf %scan3A_565, %get3A_596 : vector<16xf32>
        %add3A_598 = arith.constant 1 : i32
        %add3A_599 = arith.addi %add3A_570, %add3A_598 : i32
        %get3A_600 = arith.index_cast %add3A_599 : i32 to index
        %get3A_601 = arith.constant 0 : index
        %get3A_602 = tpu.vector_load %arg6[%get3A_600, %get3A_601] {strides = array<i32>} : memref<400x64xf32, #tpu.memory_space<vmem>>, vector<1x16xf32>,
        %get3A_603 = vector.shape_cast %get3A_602 : vector<1x16xf32> to vector<16xf32>
        %add3A_604 = arith.addf %scan3A_560, %get3A_603 : vector<16xf32>
        %add3A_605 = arith.constant 1 : i32
        %add3A_606 = arith.addi %add3A_570, %add3A_605 : i32
        %get3A_607 = arith.index_cast %add3A_606 : i32 to index
        %get3A_608 = arith.constant 16 : index
        %get3A_609 = tpu.vector_load %arg6[%get3A_607, %get3A_608] {strides = array<i32>} : memref<400x64xf32, #tpu.memory_space<vmem>>, vector<1x16xf32>,
        %get3A_610 = vector.shape_cast %get3A_609 : vector<1x16xf32> to vector<16xf32>
        %add3A_611 = arith.addf %scan3A_562, %get3A_610 : vector<16xf32>
        %add3A_612 = arith.constant 1 : i32
        %add3A_613 = arith.addi %add3A_570, %add3A_612 : i32
        %get3A_614 = arith.index_cast %add3A_613 : i32 to index
        %get3A_615 = arith.constant 32 : index
        %get3A_616 = tpu.vector_load %arg6[%get3A_614, %get3A_615] {strides = array<i32>} : memref<400x64xf32, #tpu.memory_space<vmem>>, vector<1x16xf32>,
        %get3A_617 = vector.shape_cast %get3A_616 : vector<1x16xf32> to vector<16xf32>
        %add3A_618 = arith.addf %scan3A_564, %get3A_617 : vector<16xf32>
        %add3A_619 = arith.constant 1 : i32
        %add3A_620 = arith.addi %add3A_570, %add3A_619 : i32
        %get3A_621 = arith.index_cast %add3A_620 : i32 to index
        %get3A_622 = arith.constant 48 : index
        %get3A_623 = tpu.vector_load %arg6[%get3A_621, %get3A_622] {strides = array<i32>} : memref<400x64xf32, #tpu.memory_space<vmem>>, vector<1x16xf32>,
        %get3A_624 = vector.shape_cast %get3A_623 : vector<1x16xf32> to vector<16xf32>
        %add3A_625 = arith.addf %scan3A_566, %get3A_624 : vector<16xf32>
        %add3A_626 = arith.constant 2 : i32
        %add3A_627 = arith.addi %add3A_570, %add3A_626 : i32
        %get3A_628 = arith.index_cast %add3A_627 : i32 to index
        %get3A_629 = arith.constant 0 : index
        %get3A_630 = tpu.vector_load %arg6[%get3A_628, %get3A_629] {strides = array<i32>} : memref<400x64xf32, #tpu.memory_space<vmem>>, vector<1x16xf32>,
        %get3A_631 = vector.shape_cast %get3A_630 : vector<1x16xf32> to vector<16xf32>
        %add3A_632 = arith.addf %add3A_576, %get3A_631 : vector<16xf32>
        %add3A_633 = arith.constant 2 : i32
        %add3A_634 = arith.addi %add3A_570, %add3A_633 : i32
        %get3A_635 = arith.index_cast %add3A_634 : i32 to index
        %get3A_636 = arith.constant 16 : index
        %get3A_637 = tpu.vector_load %arg6[%get3A_635, %get3A_636] {strides = array<i32>} : memref<400x64xf32, #tpu.memory_space<vmem>>, vector<1x16xf32>,
        %get3A_638 = vector.shape_cast %get3A_637 : vector<1x16xf32> to vector<16xf32>
        %add3A_639 = arith.addf %add3A_583, %get3A_638 : vector<16xf32>
        %add3A_640 = arith.constant 2 : i32
        %add3A_641 = arith.addi %add3A_570, %add3A_640 : i32
        %get3A_642 = arith.index_cast %add3A_641 : i32 to index
        %get3A_643 = arith.constant 32 : index
        %get3A_644 = tpu.vector_load %arg6[%get3A_642, %get3A_643] {strides = array<i32>} : memref<400x64xf32, #tpu.memory_space<vmem>>, vector<1x16xf32>,
        %get3A_645 = vector.shape_cast %get3A_644 : vector<1x16xf32> to vector<16xf32>
        %add3A_646 = arith.addf %add3A_590, %get3A_645 : vector<16xf32>
        %add3A_647 = arith.constant 2 : i32
        %add3A_648 = arith.addi %add3A_570, %add3A_647 : i32
        %get3A_649 = arith.index_cast %add3A_648 : i32 to index
        %get3A_650 = arith.constant 48 : index
        %get3A_651 = tpu.vector_load %arg6[%get3A_649, %get3A_650] {strides = array<i32>} : memref<400x64xf32, #tpu.memory_space<vmem>>, vector<1x16xf32>,
        %get3A_652 = vector.shape_cast %get3A_651 : vector<1x16xf32> to vector<16xf32>
        %add3A_653 = arith.addf %add3A_597, %get3A_652 : vector<16xf32>
        %add3A_654 = arith.constant 3 : i32
        %add3A_655 = arith.addi %add3A_570, %add3A_654 : i32
        %get3A_656 = arith.index_cast %add3A_655 : i32 to index
        %get3A_657 = arith.constant 0 : index
        %get3A_658 = tpu.vector_load %arg6[%get3A_656, %get3A_657] {strides = array<i32>} : memref<400x64xf32, #tpu.memory_space<vmem>>, vector<1x16xf32>,
        %get3A_659 = vector.shape_cast %get3A_658 : vector<1x16xf32> to vector<16xf32>
        %add3A_660 = arith.addf %add3A_604, %get3A_659 : vector<16xf32>
        %add3A_661 = arith.constant 3 : i32
        %add3A_662 = arith.addi %add3A_570, %add3A_661 : i32
        %get3A_663 = arith.index_cast %add3A_662 : i32 to index
        %get3A_664 = arith.constant 16 : index
        %get3A_665 = tpu.vector_load %arg6[%get3A_663, %get3A_664] {strides = array<i32>} : memref<400x64xf32, #tpu.memory_space<vmem>>, vector<1x16xf32>,
        %get3A_666 = vector.shape_cast %get3A_665 : vector<1x16xf32> to vector<16xf32>
        %add3A_667 = arith.addf %add3A_611, %get3A_666 : vector<16xf32>
        %add3A_668 = arith.constant 3 : i32
        %add3A_669 = arith.addi %add3A_570, %add3A_668 : i32
        %get3A_670 = arith.index_cast %add3A_669 : i32 to index
        %get3A_671 = arith.constant 32 : index
        %get3A_672 = tpu.vector_load %arg6[%get3A_670, %get3A_671] {strides = array<i32>} : memref<400x64xf32, #tpu.memory_space<vmem>>, vector<1x16xf32>,
        %get3A_673 = vector.shape_cast %get3A_672 : vector<1x16xf32> to vector<16xf32>
        %add3A_674 = arith.addf %add3A_618, %get3A_673 : vector<16xf32>
        %add3A_675 = arith.constant 3 : i32
        %add3A_676 = arith.addi %add3A_570, %add3A_675 : i32
        %get3A_677 = arith.index_cast %add3A_676 : i32 to index
        %get3A_678 = arith.constant 48 : index
        %get3A_679 = tpu.vector_load %arg6[%get3A_677, %get3A_678] {strides = array<i32>} : memref<400x64xf32, #tpu.memory_space<vmem>>, vector<1x16xf32>,
        %get3A_680 = vector.shape_cast %get3A_679 : vector<1x16xf32> to vector<16xf32>
        %add3A_681 = arith.addf %add3A_625, %get3A_680 : vector<16xf32>
        %add3A_682 = arith.constant 4 : i32
        %add3A_683 = arith.addi %add3A_570, %add3A_682 : i32
        %get3A_684 = arith.index_cast %add3A_683 : i32 to index
        %get3A_685 = arith.constant 0 : index
        %get3A_686 = tpu.vector_load %arg6[%get3A_684, %get3A_685] {strides = array<i32>} : memref<400x64xf32, #tpu.memory_space<vmem>>, vector<1x16xf32>,
        %get3A_687 = vector.shape_cast %get3A_686 : vector<1x16xf32> to vector<16xf32>
        %add3A_688 = arith.addf %add3A_632, %get3A_687 : vector<16xf32>
        %add3A_689 = arith.constant 4 : i32
        %add3A_690 = arith.addi %add3A_570, %add3A_689 : i32
        %get3A_691 = arith.index_cast %add3A_690 : i32 to index
        %get3A_692 = arith.constant 16 : index
        %get3A_693 = tpu.vector_load %arg6[%get3A_691, %get3A_692] {strides = array<i32>} : memref<400x64xf32, #tpu.memory_space<vmem>>, vector<1x16xf32>,
        %get3A_694 = vector.shape_cast %get3A_693 : vector<1x16xf32> to vector<16xf32>
        %add3A_695 = arith.addf %add3A_639, %get3A_694 : vector<16xf32>
        %add3A_696 = arith.constant 4 : i32
        %add3A_697 = arith.addi %add3A_570, %add3A_696 : i32
        %get3A_698 = arith.index_cast %add3A_697 : i32 to index
        %get3A_699 = arith.constant 32 : index
        %get3A_700 = tpu.vector_load %arg6[%get3A_698, %get3A_699] {strides = array<i32>} : memref<400x64xf32, #tpu.memory_space<vmem>>, vector<1x16xf32>,
        %get3A_701 = vector.shape_cast %get3A_700 : vector<1x16xf32> to vector<16xf32>
        %add3A_702 = arith.addf %add3A_646, %get3A_701 : vector<16xf32>
        %add3A_703 = arith.constant 4 : i32
        %add3A_704 = arith.addi %add3A_570, %add3A_703 : i32
        %get3A_705 = arith.index_cast %add3A_704 : i32 to index
        %get3A_706 = arith.constant 48 : index
        %get3A_707 = tpu.vector_load %arg6[%get3A_705, %get3A_706] {strides = array<i32>} : memref<400x64xf32, #tpu.memory_space<vmem>>, vector<1x16xf32>,
        %get3A_708 = vector.shape_cast %get3A_707 : vector<1x16xf32> to vector<16xf32>
        %add3A_709 = arith.addf %add3A_653, %get3A_708 : vector<16xf32>
        %add3A_710 = arith.constant 5 : i32
        %add3A_711 = arith.addi %add3A_570, %add3A_710 : i32
        %get3A_712 = arith.index_cast %add3A_711 : i32 to index
        %get3A_713 = arith.constant 0 : index
        %get3A_714 = tpu.vector_load %arg6[%get3A_712, %get3A_713] {strides = array<i32>} : memref<400x64xf32, #tpu.memory_space<vmem>>, vector<1x16xf32>,
        %get3A_715 = vector.shape_cast %get3A_714 : vector<1x16xf32> to vector<16xf32>
        %add3A_716 = arith.addf %add3A_660, %get3A_715 : vector<16xf32>
        %add3A_717 = arith.constant 5 : i32
        %add3A_718 = arith.addi %add3A_570, %add3A_717 : i32
        %get3A_719 = arith.index_cast %add3A_718 : i32 to index
        %get3A_720 = arith.constant 16 : index
        %get3A_721 = tpu.vector_load %arg6[%get3A_719, %get3A_720] {strides = array<i32>} : memref<400x64xf32, #tpu.memory_space<vmem>>, vector<1x16xf32>,
        %get3A_722 = vector.shape_cast %get3A_721 : vector<1x16xf32> to vector<16xf32>
        %add3A_723 = arith.addf %add3A_667, %get3A_722 : vector<16xf32>
        %add3A_724 = arith.constant 5 : i32
        %add3A_725 = arith.addi %add3A_570, %add3A_724 : i32
        %get3A_726 = arith.index_cast %add3A_725 : i32 to index
        %get3A_727 = arith.constant 32 : index
        %get3A_728 = tpu.vector_load %arg6[%get3A_726, %get3A_727] {strides = array<i32>} : memref<400x64xf32, #tpu.memory_space<vmem>>, vector<1x16xf32>,
        %get3A_729 = vector.shape_cast %get3A_728 : vector<1x16xf32> to vector<16xf32>
        %add3A_730 = arith.addf %add3A_674, %get3A_729 : vector<16xf32>
        %add3A_731 = arith.constant 5 : i32
        %add3A_732 = arith.addi %add3A_570, %add3A_731 : i32
        %get3A_733 = arith.index_cast %add3A_732 : i32 to index
        %get3A_734 = arith.constant 48 : index
        %get3A_735 = tpu.vector_load %arg6[%get3A_733, %get3A_734] {strides = array<i32>} : memref<400x64xf32, #tpu.memory_space<vmem>>, vector<1x16xf32>,
        %get3A_736 = vector.shape_cast %get3A_735 : vector<1x16xf32> to vector<16xf32>
        %add3A_737 = arith.addf %add3A_681, %get3A_736 : vector<16xf32>
        %add3A_738 = arith.constant 6 : i32
        %add3A_739 = arith.addi %add3A_570, %add3A_738 : i32
        %get3A_740 = arith.index_cast %add3A_739 : i32 to index
        %get3A_741 = arith.constant 0 : index
        %get3A_742 = tpu.vector_load %arg6[%get3A_740, %get3A_741] {strides = array<i32>} : memref<400x64xf32, #tpu.memory_space<vmem>>, vector<1x16xf32>,
        %get3A_743 = vector.shape_cast %get3A_742 : vector<1x16xf32> to vector<16xf32>
        %add3A_744 = arith.addf %add3A_688, %get3A_743 : vector<16xf32>
        %add3A_745 = arith.constant 6 : i32
        %add3A_746 = arith.addi %add3A_570, %add3A_745 : i32
        %get3A_747 = arith.index_cast %add3A_746 : i32 to index
        %get3A_748 = arith.constant 16 : index
        %get3A_749 = tpu.vector_load %arg6[%get3A_747, %get3A_748] {strides = array<i32>} : memref<400x64xf32, #tpu.memory_space<vmem>>, vector<1x16xf32>,
        %get3A_750 = vector.shape_cast %get3A_749 : vector<1x16xf32> to vector<16xf32>
        %add3A_751 = arith.addf %add3A_695, %get3A_750 : vector<16xf32>
        %add3A_752 = arith.constant 6 : i32
        %add3A_753 = arith.addi %add3A_570, %add3A_752 : i32
        %get3A_754 = arith.index_cast %add3A_753 : i32 to index
        %get3A_755 = arith.constant 32 : index
        %get3A_756 = tpu.vector_load %arg6[%get3A_754, %get3A_755] {strides = array<i32>} : memref<400x64xf32, #tpu.memory_space<vmem>>, vector<1x16xf32>,
        %get3A_757 = vector.shape_cast %get3A_756 : vector<1x16xf32> to vector<16xf32>
        %add3A_758 = arith.addf %add3A_702, %get3A_757 : vector<16xf32>
        %add3A_759 = arith.constant 6 : i32
        %add3A_760 = arith.addi %add3A_570, %add3A_759 : i32
        %get3A_761 = arith.index_cast %add3A_760 : i32 to index
        %get3A_762 = arith.constant 48 : index
        %get3A_763 = tpu.vector_load %arg6[%get3A_761, %get3A_762] {strides = array<i32>} : memref<400x64xf32, #tpu.memory_space<vmem>>, vector<1x16xf32>,
        %get3A_764 = vector.shape_cast %get3A_763 : vector<1x16xf32> to vector<16xf32>
        %add3A_765 = arith.addf %add3A_709, %get3A_764 : vector<16xf32>
        %add3A_766 = arith.constant 7 : i32
        %add3A_767 = arith.addi %add3A_570, %add3A_766 : i32
        %get3A_768 = arith.index_cast %add3A_767 : i32 to index
        %get3A_769 = arith.constant 0 : index
        %get3A_770 = tpu.vector_load %arg6[%get3A_768, %get3A_769] {strides = array<i32>} : memref<400x64xf32, #tpu.memory_space<vmem>>, vector<1x16xf32>,
        %get3A_771 = vector.shape_cast %get3A_770 : vector<1x16xf32> to vector<16xf32>
        %add3A_772 = arith.addf %add3A_716, %get3A_771 : vector<16xf32>
        %add3A_773 = arith.constant 7 : i32
        %add3A_774 = arith.addi %add3A_570, %add3A_773 : i32
        %get3A_775 = arith.index_cast %add3A_774 : i32 to index
        %get3A_776 = arith.constant 16 : index
        %get3A_777 = tpu.vector_load %arg6[%get3A_775, %get3A_776] {strides = array<i32>} : memref<400x64xf32, #tpu.memory_space<vmem>>, vector<1x16xf32>,
        %get3A_778 = vector.shape_cast %get3A_777 : vector<1x16xf32> to vector<16xf32>
        %add3A_779 = arith.addf %add3A_723, %get3A_778 : vector<16xf32>
        %add3A_780 = arith.constant 7 : i32
        %add3A_781 = arith.addi %add3A_570, %add3A_780 : i32
        %get3A_782 = arith.index_cast %add3A_781 : i32 to index
        %get3A_783 = arith.constant 32 : index
        %get3A_784 = tpu.vector_load %arg6[%get3A_782, %get3A_783] {strides = array<i32>} : memref<400x64xf32, #tpu.memory_space<vmem>>, vector<1x16xf32>,
        %get3A_785 = vector.shape_cast %get3A_784 : vector<1x16xf32> to vector<16xf32>
        %add3A_786 = arith.addf %add3A_730, %get3A_785 : vector<16xf32>
        %add3A_787 = arith.constant 7 : i32
        %add3A_788 = arith.addi %add3A_570, %add3A_787 : i32
        %get3A_789 = arith.index_cast %add3A_788 : i32 to index
        %get3A_790 = arith.constant 48 : index
        %get3A_791 = tpu.vector_load %arg6[%get3A_789, %get3A_790] {strides = array<i32>} : memref<400x64xf32, #tpu.memory_space<vmem>>, vector<1x16xf32>,
        %get3A_792 = vector.shape_cast %get3A_791 : vector<1x16xf32> to vector<16xf32>
        %add3A_793 = arith.addf %add3A_737, %get3A_792 : vector<16xf32>
        scf.yield %add3A_744, %add3A_772, %add3A_751, %add3A_779, %add3A_758, %add3A_786, %add3A_765, %add3A_793 : vector<16xf32>, vector<16xf32>, vector<16xf32>, vector<16xf32>, vector<16xf32>, vector<16xf32>, vector<16xf32>, vector<16xf32>
      }
      %scan3A_199 = arith.constant 25 : i32
      %add3A_200 = arith.addf %scan3A_198#0, %scan3A_198#1 : vector<16xf32>
      %mul3A_201 = vector.broadcast %scan3A_46 : f32 to vector<16xf32>
      %mul3A_202 = arith.mulf %add3A_200, %mul3A_201 : vector<16xf32>
      %mul3A_203 = arith.constant 64 : i32
      %mul3A_204 = arith.muli %add3A_191, %mul3A_203 : i32
      %add3A_205 = arith.constant 0 : i32
      %add3A_206 = arith.addi %mul3A_204, %add3A_205 : i32
      %swap3A_207 = arith.index_cast %add3A_206 : i32 to index
      %swap3A_208 = tpu.vector_load %arg9[%swap3A_207] {strides = array<i32>} : memref<8192xf32, #tpu.memory_space<vmem>>, vector<16xf32>,
      %swap3A_209 = vector.shape_cast %swap3A_208 : vector<16xf32> to vector<16xf32>
      %swap3A_210 = vector.shape_cast %mul3A_202 : vector<16xf32> to vector<16xf32>
      tpu.vector_store %arg9[%swap3A_207], %swap3A_210 {strides = array<i32>} : memref<8192xf32, #tpu.memory_space<vmem>>, vector<16xf32>,
      %add3A_211 = arith.addf %scan3A_198#2, %scan3A_198#3 : vector<16xf32>
      %mul3A_212 = vector.broadcast %scan3A_46 : f32 to vector<16xf32>
      %mul3A_213 = arith.mulf %add3A_211, %mul3A_212 : vector<16xf32>
      %mul3A_214 = arith.constant 64 : i32
      %mul3A_215 = arith.muli %add3A_191, %mul3A_214 : i32
      %add3A_216 = arith.constant 16 : i32
      %add3A_217 = arith.addi %mul3A_215, %add3A_216 : i32
      %swap3A_218 = arith.index_cast %add3A_217 : i32 to index
      %swap3A_219 = tpu.vector_load %arg9[%swap3A_218] {strides = array<i32>} : memref<8192xf32, #tpu.memory_space<vmem>>, vector<16xf32>,
      %swap3A_220 = vector.shape_cast %swap3A_219 : vector<16xf32> to vector<16xf32>
      %swap3A_221 = vector.shape_cast %mul3A_213 : vector<16xf32> to vector<16xf32>
      tpu.vector_store %arg9[%swap3A_218], %swap3A_221 {strides = array<i32>} : memref<8192xf32, #tpu.memory_space<vmem>>, vector<16xf32>,
      %add3A_222 = arith.addf %scan3A_198#4, %scan3A_198#5 : vector<16xf32>
      %mul3A_223 = vector.broadcast %scan3A_46 : f32 to vector<16xf32>
      %mul3A_224 = arith.mulf %add3A_222, %mul3A_223 : vector<16xf32>
      %mul3A_225 = arith.constant 64 : i32
      %mul3A_226 = arith.muli %add3A_191, %mul3A_225 : i32
      %add3A_227 = arith.constant 32 : i32
      %add3A_228 = arith.addi %mul3A_226, %add3A_227 : i32
      %swap3A_229 = arith.index_cast %add3A_228 : i32 to index
      %swap3A_230 = tpu.vector_load %arg9[%swap3A_229] {strides = array<i32>} : memref<8192xf32, #tpu.memory_space<vmem>>, vector<16xf32>,
      %swap3A_231 = vector.shape_cast %swap3A_230 : vector<16xf32> to vector<16xf32>
      %swap3A_232 = vector.shape_cast %mul3A_224 : vector<16xf32> to vector<16xf32>
      tpu.vector_store %arg9[%swap3A_229], %swap3A_232 {strides = array<i32>} : memref<8192xf32, #tpu.memory_space<vmem>>, vector<16xf32>,
      %add3A_233 = arith.addf %scan3A_198#6, %scan3A_198#7 : vector<16xf32>
      %mul3A_234 = vector.broadcast %scan3A_46 : f32 to vector<16xf32>
      %mul3A_235 = arith.mulf %add3A_233, %mul3A_234 : vector<16xf32>
      %mul3A_236 = arith.constant 64 : i32
      %mul3A_237 = arith.muli %add3A_191, %mul3A_236 : i32
      %add3A_238 = arith.constant 48 : i32
      %add3A_239 = arith.addi %mul3A_237, %add3A_238 : i32
      %swap3A_240 = arith.index_cast %add3A_239 : i32 to index
      %swap3A_241 = tpu.vector_load %arg9[%swap3A_240] {strides = array<i32>} : memref<8192xf32, #tpu.memory_space<vmem>>, vector<16xf32>,
      %swap3A_242 = vector.shape_cast %swap3A_241 : vector<16xf32> to vector<16xf32>
      %swap3A_243 = vector.shape_cast %mul3A_235 : vector<16xf32> to vector<16xf32>
      tpu.vector_store %arg9[%swap3A_240], %swap3A_243 {strides = array<i32>} : memref<8192xf32, #tpu.memory_space<vmem>>, vector<16xf32>,
      %mul3A_244 = arith.constant 2 : i32
      %mul3A_245 = arith.muli %add3A_181, %mul3A_244 : i32
      %add3A_246 = arith.constant 1 : i32
      %add3A_247 = arith.addi %mul3A_245, %add3A_246 : i32
      %broadcast_in_dim3A_248 = arith.constant 0.000000e+00 : f32
      %broadcast_in_dim3A_249 = vector.broadcast %broadcast_in_dim3A_248 : f32 to vector<16xf32>
      %scan3A_250 = arith.constant 0 : i32
      %scan3A_251 = arith.constant 25 : i32
      %scan3A_252 = arith.addi %scan3A_250, %scan3A_251 : i32
      %scan3A_253 = arith.constant 1 : i32
      %scan3A_254:8 = scf.for %scan3A_558 = %scan3A_250 to %scan3A_252 step %scan3A_253 iter_args(%scan3A_559 = %broadcast_in_dim3A_249, %scan3A_560 = %broadcast_in_dim3A_249, %scan3A_561 = %broadcast_in_dim3A_249, %scan3A_562 = %broadcast_in_dim3A_249, %scan3A_563 = %broadcast_in_dim3A_249, %scan3A_564 = %broadcast_in_dim3A_249, %scan3A_565 = %broadcast_in_dim3A_249, %scan3A_566 = %broadcast_in_dim3A_249) -> (vector<16xf32>, vector<16xf32>, vector<16xf32>, vector<16xf32>, vector<16xf32>, vector<16xf32>, vector<16xf32>, vector<16xf32>)  : i32 {
        %mul3A_567 = arith.constant 8 : i32
        %mul3A_568 = arith.muli %scan3A_558, %mul3A_567 : i32
        %add3A_569 = arith.constant 200 : i32
        %add3A_570 = arith.addi %add3A_569, %mul3A_568 : i32
        %add3A_571 = arith.constant 0 : i32
        %add3A_572 = arith.addi %add3A_570, %add3A_571 : i32
        %get3A = arith.index_cast %add3A_572 : i32 to index
        %get3A_573 = arith.constant 0 : index
        %get3A_574 = tpu.vector_load %arg6[%get3A, %get3A_573] {strides = array<i32>} : memref<400x64xf32, #tpu.memory_space<vmem>>, vector<1x16xf32>,
        %get3A_575 = vector.shape_cast %get3A_574 : vector<1x16xf32> to vector<16xf32>
        %add3A_576 = arith.addf %scan3A_559, %get3A_575 : vector<16xf32>
        %add3A_577 = arith.constant 0 : i32
        %add3A_578 = arith.addi %add3A_570, %add3A_577 : i32
        %get3A_579 = arith.index_cast %add3A_578 : i32 to index
        %get3A_580 = arith.constant 16 : index
        %get3A_581 = tpu.vector_load %arg6[%get3A_579, %get3A_580] {strides = array<i32>} : memref<400x64xf32, #tpu.memory_space<vmem>>, vector<1x16xf32>,
        %get3A_582 = vector.shape_cast %get3A_581 : vector<1x16xf32> to vector<16xf32>
        %add3A_583 = arith.addf %scan3A_561, %get3A_582 : vector<16xf32>
        %add3A_584 = arith.constant 0 : i32
        %add3A_585 = arith.addi %add3A_570, %add3A_584 : i32
        %get3A_586 = arith.index_cast %add3A_585 : i32 to index
        %get3A_587 = arith.constant 32 : index
        %get3A_588 = tpu.vector_load %arg6[%get3A_586, %get3A_587] {strides = array<i32>} : memref<400x64xf32, #tpu.memory_space<vmem>>, vector<1x16xf32>,
        %get3A_589 = vector.shape_cast %get3A_588 : vector<1x16xf32> to vector<16xf32>
        %add3A_590 = arith.addf %scan3A_563, %get3A_589 : vector<16xf32>
        %add3A_591 = arith.constant 0 : i32
        %add3A_592 = arith.addi %add3A_570, %add3A_591 : i32
        %get3A_593 = arith.index_cast %add3A_592 : i32 to index
        %get3A_594 = arith.constant 48 : index
        %get3A_595 = tpu.vector_load %arg6[%get3A_593, %get3A_594] {strides = array<i32>} : memref<400x64xf32, #tpu.memory_space<vmem>>, vector<1x16xf32>,
        %get3A_596 = vector.shape_cast %get3A_595 : vector<1x16xf32> to vector<16xf32>
        %add3A_597 = arith.addf %scan3A_565, %get3A_596 : vector<16xf32>
        %add3A_598 = arith.constant 1 : i32
        %add3A_599 = arith.addi %add3A_570, %add3A_598 : i32
        %get3A_600 = arith.index_cast %add3A_599 : i32 to index
        %get3A_601 = arith.constant 0 : index
        %get3A_602 = tpu.vector_load %arg6[%get3A_600, %get3A_601] {strides = array<i32>} : memref<400x64xf32, #tpu.memory_space<vmem>>, vector<1x16xf32>,
        %get3A_603 = vector.shape_cast %get3A_602 : vector<1x16xf32> to vector<16xf32>
        %add3A_604 = arith.addf %scan3A_560, %get3A_603 : vector<16xf32>
        %add3A_605 = arith.constant 1 : i32
        %add3A_606 = arith.addi %add3A_570, %add3A_605 : i32
        %get3A_607 = arith.index_cast %add3A_606 : i32 to index
        %get3A_608 = arith.constant 16 : index
        %get3A_609 = tpu.vector_load %arg6[%get3A_607, %get3A_608] {strides = array<i32>} : memref<400x64xf32, #tpu.memory_space<vmem>>, vector<1x16xf32>,
        %get3A_610 = vector.shape_cast %get3A_609 : vector<1x16xf32> to vector<16xf32>
        %add3A_611 = arith.addf %scan3A_562, %get3A_610 : vector<16xf32>
        %add3A_612 = arith.constant 1 : i32
        %add3A_613 = arith.addi %add3A_570, %add3A_612 : i32
        %get3A_614 = arith.index_cast %add3A_613 : i32 to index
        %get3A_615 = arith.constant 32 : index
        %get3A_616 = tpu.vector_load %arg6[%get3A_614, %get3A_615] {strides = array<i32>} : memref<400x64xf32, #tpu.memory_space<vmem>>, vector<1x16xf32>,
        %get3A_617 = vector.shape_cast %get3A_616 : vector<1x16xf32> to vector<16xf32>
        %add3A_618 = arith.addf %scan3A_564, %get3A_617 : vector<16xf32>
        %add3A_619 = arith.constant 1 : i32
        %add3A_620 = arith.addi %add3A_570, %add3A_619 : i32
        %get3A_621 = arith.index_cast %add3A_620 : i32 to index
        %get3A_622 = arith.constant 48 : index
        %get3A_623 = tpu.vector_load %arg6[%get3A_621, %get3A_622] {strides = array<i32>} : memref<400x64xf32, #tpu.memory_space<vmem>>, vector<1x16xf32>,
        %get3A_624 = vector.shape_cast %get3A_623 : vector<1x16xf32> to vector<16xf32>
        %add3A_625 = arith.addf %scan3A_566, %get3A_624 : vector<16xf32>
        %add3A_626 = arith.constant 2 : i32
        %add3A_627 = arith.addi %add3A_570, %add3A_626 : i32
        %get3A_628 = arith.index_cast %add3A_627 : i32 to index
        %get3A_629 = arith.constant 0 : index
        %get3A_630 = tpu.vector_load %arg6[%get3A_628, %get3A_629] {strides = array<i32>} : memref<400x64xf32, #tpu.memory_space<vmem>>, vector<1x16xf32>,
        %get3A_631 = vector.shape_cast %get3A_630 : vector<1x16xf32> to vector<16xf32>
        %add3A_632 = arith.addf %add3A_576, %get3A_631 : vector<16xf32>
        %add3A_633 = arith.constant 2 : i32
        %add3A_634 = arith.addi %add3A_570, %add3A_633 : i32
        %get3A_635 = arith.index_cast %add3A_634 : i32 to index
        %get3A_636 = arith.constant 16 : index
        %get3A_637 = tpu.vector_load %arg6[%get3A_635, %get3A_636] {strides = array<i32>} : memref<400x64xf32, #tpu.memory_space<vmem>>, vector<1x16xf32>,
        %get3A_638 = vector.shape_cast %get3A_637 : vector<1x16xf32> to vector<16xf32>
        %add3A_639 = arith.addf %add3A_583, %get3A_638 : vector<16xf32>
        %add3A_640 = arith.constant 2 : i32
        %add3A_641 = arith.addi %add3A_570, %add3A_640 : i32
        %get3A_642 = arith.index_cast %add3A_641 : i32 to index
        %get3A_643 = arith.constant 32 : index
        %get3A_644 = tpu.vector_load %arg6[%get3A_642, %get3A_643] {strides = array<i32>} : memref<400x64xf32, #tpu.memory_space<vmem>>, vector<1x16xf32>,
        %get3A_645 = vector.shape_cast %get3A_644 : vector<1x16xf32> to vector<16xf32>
        %add3A_646 = arith.addf %add3A_590, %get3A_645 : vector<16xf32>
        %add3A_647 = arith.constant 2 : i32
        %add3A_648 = arith.addi %add3A_570, %add3A_647 : i32
        %get3A_649 = arith.index_cast %add3A_648 : i32 to index
        %get3A_650 = arith.constant 48 : index
        %get3A_651 = tpu.vector_load %arg6[%get3A_649, %get3A_650] {strides = array<i32>} : memref<400x64xf32, #tpu.memory_space<vmem>>, vector<1x16xf32>,
        %get3A_652 = vector.shape_cast %get3A_651 : vector<1x16xf32> to vector<16xf32>
        %add3A_653 = arith.addf %add3A_597, %get3A_652 : vector<16xf32>
        %add3A_654 = arith.constant 3 : i32
        %add3A_655 = arith.addi %add3A_570, %add3A_654 : i32
        %get3A_656 = arith.index_cast %add3A_655 : i32 to index
        %get3A_657 = arith.constant 0 : index
        %get3A_658 = tpu.vector_load %arg6[%get3A_656, %get3A_657] {strides = array<i32>} : memref<400x64xf32, #tpu.memory_space<vmem>>, vector<1x16xf32>,
        %get3A_659 = vector.shape_cast %get3A_658 : vector<1x16xf32> to vector<16xf32>
        %add3A_660 = arith.addf %add3A_604, %get3A_659 : vector<16xf32>
        %add3A_661 = arith.constant 3 : i32
        %add3A_662 = arith.addi %add3A_570, %add3A_661 : i32
        %get3A_663 = arith.index_cast %add3A_662 : i32 to index
        %get3A_664 = arith.constant 16 : index
        %get3A_665 = tpu.vector_load %arg6[%get3A_663, %get3A_664] {strides = array<i32>} : memref<400x64xf32, #tpu.memory_space<vmem>>, vector<1x16xf32>,
        %get3A_666 = vector.shape_cast %get3A_665 : vector<1x16xf32> to vector<16xf32>
        %add3A_667 = arith.addf %add3A_611, %get3A_666 : vector<16xf32>
        %add3A_668 = arith.constant 3 : i32
        %add3A_669 = arith.addi %add3A_570, %add3A_668 : i32
        %get3A_670 = arith.index_cast %add3A_669 : i32 to index
        %get3A_671 = arith.constant 32 : index
        %get3A_672 = tpu.vector_load %arg6[%get3A_670, %get3A_671] {strides = array<i32>} : memref<400x64xf32, #tpu.memory_space<vmem>>, vector<1x16xf32>,
        %get3A_673 = vector.shape_cast %get3A_672 : vector<1x16xf32> to vector<16xf32>
        %add3A_674 = arith.addf %add3A_618, %get3A_673 : vector<16xf32>
        %add3A_675 = arith.constant 3 : i32
        %add3A_676 = arith.addi %add3A_570, %add3A_675 : i32
        %get3A_677 = arith.index_cast %add3A_676 : i32 to index
        %get3A_678 = arith.constant 48 : index
        %get3A_679 = tpu.vector_load %arg6[%get3A_677, %get3A_678] {strides = array<i32>} : memref<400x64xf32, #tpu.memory_space<vmem>>, vector<1x16xf32>,
        %get3A_680 = vector.shape_cast %get3A_679 : vector<1x16xf32> to vector<16xf32>
        %add3A_681 = arith.addf %add3A_625, %get3A_680 : vector<16xf32>
        %add3A_682 = arith.constant 4 : i32
        %add3A_683 = arith.addi %add3A_570, %add3A_682 : i32
        %get3A_684 = arith.index_cast %add3A_683 : i32 to index
        %get3A_685 = arith.constant 0 : index
        %get3A_686 = tpu.vector_load %arg6[%get3A_684, %get3A_685] {strides = array<i32>} : memref<400x64xf32, #tpu.memory_space<vmem>>, vector<1x16xf32>,
        %get3A_687 = vector.shape_cast %get3A_686 : vector<1x16xf32> to vector<16xf32>
        %add3A_688 = arith.addf %add3A_632, %get3A_687 : vector<16xf32>
        %add3A_689 = arith.constant 4 : i32
        %add3A_690 = arith.addi %add3A_570, %add3A_689 : i32
        %get3A_691 = arith.index_cast %add3A_690 : i32 to index
        %get3A_692 = arith.constant 16 : index
        %get3A_693 = tpu.vector_load %arg6[%get3A_691, %get3A_692] {strides = array<i32>} : memref<400x64xf32, #tpu.memory_space<vmem>>, vector<1x16xf32>,
        %get3A_694 = vector.shape_cast %get3A_693 : vector<1x16xf32> to vector<16xf32>
        %add3A_695 = arith.addf %add3A_639, %get3A_694 : vector<16xf32>
        %add3A_696 = arith.constant 4 : i32
        %add3A_697 = arith.addi %add3A_570, %add3A_696 : i32
        %get3A_698 = arith.index_cast %add3A_697 : i32 to index
        %get3A_699 = arith.constant 32 : index
        %get3A_700 = tpu.vector_load %arg6[%get3A_698, %get3A_699] {strides = array<i32>} : memref<400x64xf32, #tpu.memory_space<vmem>>, vector<1x16xf32>,
        %get3A_701 = vector.shape_cast %get3A_700 : vector<1x16xf32> to vector<16xf32>
        %add3A_702 = arith.addf %add3A_646, %get3A_701 : vector<16xf32>
        %add3A_703 = arith.constant 4 : i32
        %add3A_704 = arith.addi %add3A_570, %add3A_703 : i32
        %get3A_705 = arith.index_cast %add3A_704 : i32 to index
        %get3A_706 = arith.constant 48 : index
        %get3A_707 = tpu.vector_load %arg6[%get3A_705, %get3A_706] {strides = array<i32>} : memref<400x64xf32, #tpu.memory_space<vmem>>, vector<1x16xf32>,
        %get3A_708 = vector.shape_cast %get3A_707 : vector<1x16xf32> to vector<16xf32>
        %add3A_709 = arith.addf %add3A_653, %get3A_708 : vector<16xf32>
        %add3A_710 = arith.constant 5 : i32
        %add3A_711 = arith.addi %add3A_570, %add3A_710 : i32
        %get3A_712 = arith.index_cast %add3A_711 : i32 to index
        %get3A_713 = arith.constant 0 : index
        %get3A_714 = tpu.vector_load %arg6[%get3A_712, %get3A_713] {strides = array<i32>} : memref<400x64xf32, #tpu.memory_space<vmem>>, vector<1x16xf32>,
        %get3A_715 = vector.shape_cast %get3A_714 : vector<1x16xf32> to vector<16xf32>
        %add3A_716 = arith.addf %add3A_660, %get3A_715 : vector<16xf32>
        %add3A_717 = arith.constant 5 : i32
        %add3A_718 = arith.addi %add3A_570, %add3A_717 : i32
        %get3A_719 = arith.index_cast %add3A_718 : i32 to index
        %get3A_720 = arith.constant 16 : index
        %get3A_721 = tpu.vector_load %arg6[%get3A_719, %get3A_720] {strides = array<i32>} : memref<400x64xf32, #tpu.memory_space<vmem>>, vector<1x16xf32>,
        %get3A_722 = vector.shape_cast %get3A_721 : vector<1x16xf32> to vector<16xf32>
        %add3A_723 = arith.addf %add3A_667, %get3A_722 : vector<16xf32>
        %add3A_724 = arith.constant 5 : i32
        %add3A_725 = arith.addi %add3A_570, %add3A_724 : i32
        %get3A_726 = arith.index_cast %add3A_725 : i32 to index
        %get3A_727 = arith.constant 32 : index
        %get3A_728 = tpu.vector_load %arg6[%get3A_726, %get3A_727] {strides = array<i32>} : memref<400x64xf32, #tpu.memory_space<vmem>>, vector<1x16xf32>,
        %get3A_729 = vector.shape_cast %get3A_728 : vector<1x16xf32> to vector<16xf32>
        %add3A_730 = arith.addf %add3A_674, %get3A_729 : vector<16xf32>
        %add3A_731 = arith.constant 5 : i32
        %add3A_732 = arith.addi %add3A_570, %add3A_731 : i32
        %get3A_733 = arith.index_cast %add3A_732 : i32 to index
        %get3A_734 = arith.constant 48 : index
        %get3A_735 = tpu.vector_load %arg6[%get3A_733, %get3A_734] {strides = array<i32>} : memref<400x64xf32, #tpu.memory_space<vmem>>, vector<1x16xf32>,
        %get3A_736 = vector.shape_cast %get3A_735 : vector<1x16xf32> to vector<16xf32>
        %add3A_737 = arith.addf %add3A_681, %get3A_736 : vector<16xf32>
        %add3A_738 = arith.constant 6 : i32
        %add3A_739 = arith.addi %add3A_570, %add3A_738 : i32
        %get3A_740 = arith.index_cast %add3A_739 : i32 to index
        %get3A_741 = arith.constant 0 : index
        %get3A_742 = tpu.vector_load %arg6[%get3A_740, %get3A_741] {strides = array<i32>} : memref<400x64xf32, #tpu.memory_space<vmem>>, vector<1x16xf32>,
        %get3A_743 = vector.shape_cast %get3A_742 : vector<1x16xf32> to vector<16xf32>
        %add3A_744 = arith.addf %add3A_688, %get3A_743 : vector<16xf32>
        %add3A_745 = arith.constant 6 : i32
        %add3A_746 = arith.addi %add3A_570, %add3A_745 : i32
        %get3A_747 = arith.index_cast %add3A_746 : i32 to index
        %get3A_748 = arith.constant 16 : index
        %get3A_749 = tpu.vector_load %arg6[%get3A_747, %get3A_748] {strides = array<i32>} : memref<400x64xf32, #tpu.memory_space<vmem>>, vector<1x16xf32>,
        %get3A_750 = vector.shape_cast %get3A_749 : vector<1x16xf32> to vector<16xf32>
        %add3A_751 = arith.addf %add3A_695, %get3A_750 : vector<16xf32>
        %add3A_752 = arith.constant 6 : i32
        %add3A_753 = arith.addi %add3A_570, %add3A_752 : i32
        %get3A_754 = arith.index_cast %add3A_753 : i32 to index
        %get3A_755 = arith.constant 32 : index
        %get3A_756 = tpu.vector_load %arg6[%get3A_754, %get3A_755] {strides = array<i32>} : memref<400x64xf32, #tpu.memory_space<vmem>>, vector<1x16xf32>,
        %get3A_757 = vector.shape_cast %get3A_756 : vector<1x16xf32> to vector<16xf32>
        %add3A_758 = arith.addf %add3A_702, %get3A_757 : vector<16xf32>
        %add3A_759 = arith.constant 6 : i32
        %add3A_760 = arith.addi %add3A_570, %add3A_759 : i32
        %get3A_761 = arith.index_cast %add3A_760 : i32 to index
        %get3A_762 = arith.constant 48 : index
        %get3A_763 = tpu.vector_load %arg6[%get3A_761, %get3A_762] {strides = array<i32>} : memref<400x64xf32, #tpu.memory_space<vmem>>, vector<1x16xf32>,
        %get3A_764 = vector.shape_cast %get3A_763 : vector<1x16xf32> to vector<16xf32>
        %add3A_765 = arith.addf %add3A_709, %get3A_764 : vector<16xf32>
        %add3A_766 = arith.constant 7 : i32
        %add3A_767 = arith.addi %add3A_570, %add3A_766 : i32
        %get3A_768 = arith.index_cast %add3A_767 : i32 to index
        %get3A_769 = arith.constant 0 : index
        %get3A_770 = tpu.vector_load %arg6[%get3A_768, %get3A_769] {strides = array<i32>} : memref<400x64xf32, #tpu.memory_space<vmem>>, vector<1x16xf32>,
        %get3A_771 = vector.shape_cast %get3A_770 : vector<1x16xf32> to vector<16xf32>
        %add3A_772 = arith.addf %add3A_716, %get3A_771 : vector<16xf32>
        %add3A_773 = arith.constant 7 : i32
        %add3A_774 = arith.addi %add3A_570, %add3A_773 : i32
        %get3A_775 = arith.index_cast %add3A_774 : i32 to index
        %get3A_776 = arith.constant 16 : index
        %get3A_777 = tpu.vector_load %arg6[%get3A_775, %get3A_776] {strides = array<i32>} : memref<400x64xf32, #tpu.memory_space<vmem>>, vector<1x16xf32>,
        %get3A_778 = vector.shape_cast %get3A_777 : vector<1x16xf32> to vector<16xf32>
        %add3A_779 = arith.addf %add3A_723, %get3A_778 : vector<16xf32>
        %add3A_780 = arith.constant 7 : i32
        %add3A_781 = arith.addi %add3A_570, %add3A_780 : i32
        %get3A_782 = arith.index_cast %add3A_781 : i32 to index
        %get3A_783 = arith.constant 32 : index
        %get3A_784 = tpu.vector_load %arg6[%get3A_782, %get3A_783] {strides = array<i32>} : memref<400x64xf32, #tpu.memory_space<vmem>>, vector<1x16xf32>,
        %get3A_785 = vector.shape_cast %get3A_784 : vector<1x16xf32> to vector<16xf32>
        %add3A_786 = arith.addf %add3A_730, %get3A_785 : vector<16xf32>
        %add3A_787 = arith.constant 7 : i32
        %add3A_788 = arith.addi %add3A_570, %add3A_787 : i32
        %get3A_789 = arith.index_cast %add3A_788 : i32 to index
        %get3A_790 = arith.constant 48 : index
        %get3A_791 = tpu.vector_load %arg6[%get3A_789, %get3A_790] {strides = array<i32>} : memref<400x64xf32, #tpu.memory_space<vmem>>, vector<1x16xf32>,
        %get3A_792 = vector.shape_cast %get3A_791 : vector<1x16xf32> to vector<16xf32>
        %add3A_793 = arith.addf %add3A_737, %get3A_792 : vector<16xf32>
        scf.yield %add3A_744, %add3A_772, %add3A_751, %add3A_779, %add3A_758, %add3A_786, %add3A_765, %add3A_793 : vector<16xf32>, vector<16xf32>, vector<16xf32>, vector<16xf32>, vector<16xf32>, vector<16xf32>, vector<16xf32>, vector<16xf32>
      }
      %scan3A_255 = arith.constant 25 : i32
      %add3A_256 = arith.addf %scan3A_254#0, %scan3A_254#1 : vector<16xf32>
      %mul3A_257 = vector.broadcast %scan3A_46 : f32 to vector<16xf32>
      %mul3A_258 = arith.mulf %add3A_256, %mul3A_257 : vector<16xf32>
      %mul3A_259 = arith.constant 64 : i32
      %mul3A_260 = arith.muli %add3A_247, %mul3A_259 : i32
      %add3A_261 = arith.constant 0 : i32
      %add3A_262 = arith.addi %mul3A_260, %add3A_261 : i32
      %swap3A_263 = arith.index_cast %add3A_262 : i32 to index
      %swap3A_264 = tpu.vector_load %arg9[%swap3A_263] {strides = array<i32>} : memref<8192xf32, #tpu.memory_space<vmem>>, vector<16xf32>,
      %swap3A_265 = vector.shape_cast %swap3A_264 : vector<16xf32> to vector<16xf32>
      %swap3A_266 = vector.shape_cast %mul3A_258 : vector<16xf32> to vector<16xf32>
      tpu.vector_store %arg9[%swap3A_263], %swap3A_266 {strides = array<i32>} : memref<8192xf32, #tpu.memory_space<vmem>>, vector<16xf32>,
      %add3A_267 = arith.addf %scan3A_254#2, %scan3A_254#3 : vector<16xf32>
      %mul3A_268 = vector.broadcast %scan3A_46 : f32 to vector<16xf32>
      %mul3A_269 = arith.mulf %add3A_267, %mul3A_268 : vector<16xf32>
      %mul3A_270 = arith.constant 64 : i32
      %mul3A_271 = arith.muli %add3A_247, %mul3A_270 : i32
      %add3A_272 = arith.constant 16 : i32
      %add3A_273 = arith.addi %mul3A_271, %add3A_272 : i32
      %swap3A_274 = arith.index_cast %add3A_273 : i32 to index
      %swap3A_275 = tpu.vector_load %arg9[%swap3A_274] {strides = array<i32>} : memref<8192xf32, #tpu.memory_space<vmem>>, vector<16xf32>,
      %swap3A_276 = vector.shape_cast %swap3A_275 : vector<16xf32> to vector<16xf32>
      %swap3A_277 = vector.shape_cast %mul3A_269 : vector<16xf32> to vector<16xf32>
      tpu.vector_store %arg9[%swap3A_274], %swap3A_277 {strides = array<i32>} : memref<8192xf32, #tpu.memory_space<vmem>>, vector<16xf32>,
      %add3A_278 = arith.addf %scan3A_254#4, %scan3A_254#5 : vector<16xf32>
      %mul3A_279 = vector.broadcast %scan3A_46 : f32 to vector<16xf32>
      %mul3A_280 = arith.mulf %add3A_278, %mul3A_279 : vector<16xf32>
      %mul3A_281 = arith.constant 64 : i32
      %mul3A_282 = arith.muli %add3A_247, %mul3A_281 : i32
      %add3A_283 = arith.constant 32 : i32
      %add3A_284 = arith.addi %mul3A_282, %add3A_283 : i32
      %swap3A_285 = arith.index_cast %add3A_284 : i32 to index
      %swap3A_286 = tpu.vector_load %arg9[%swap3A_285] {strides = array<i32>} : memref<8192xf32, #tpu.memory_space<vmem>>, vector<16xf32>,
      %swap3A_287 = vector.shape_cast %swap3A_286 : vector<16xf32> to vector<16xf32>
      %swap3A_288 = vector.shape_cast %mul3A_280 : vector<16xf32> to vector<16xf32>
      tpu.vector_store %arg9[%swap3A_285], %swap3A_288 {strides = array<i32>} : memref<8192xf32, #tpu.memory_space<vmem>>, vector<16xf32>,
      %add3A_289 = arith.addf %scan3A_254#6, %scan3A_254#7 : vector<16xf32>
      %mul3A_290 = vector.broadcast %scan3A_46 : f32 to vector<16xf32>
      %mul3A_291 = arith.mulf %add3A_289, %mul3A_290 : vector<16xf32>
      %mul3A_292 = arith.constant 64 : i32
      %mul3A_293 = arith.muli %add3A_247, %mul3A_292 : i32
      %add3A_294 = arith.constant 48 : i32
      %add3A_295 = arith.addi %mul3A_293, %add3A_294 : i32
      %swap3A_296 = arith.index_cast %add3A_295 : i32 to index
      %swap3A_297 = tpu.vector_load %arg9[%swap3A_296] {strides = array<i32>} : memref<8192xf32, #tpu.memory_space<vmem>>, vector<16xf32>,
      %swap3A_298 = vector.shape_cast %swap3A_297 : vector<16xf32> to vector<16xf32>
      %swap3A_299 = vector.shape_cast %mul3A_291 : vector<16xf32> to vector<16xf32>
      tpu.vector_store %arg9[%swap3A_296], %swap3A_299 {strides = array<i32>} : memref<8192xf32, #tpu.memory_space<vmem>>, vector<16xf32>,
      %add3A_300 = arith.constant 3 : i32
      %add3A_301 = arith.addi %add3A_181, %add3A_300 : i32
      %lt3A = arith.constant 64 : i32
      %lt3A_302 = arith.cmpi slt, %add3A_301, %lt3A : i32
      %convert_element_type3A = arith.extui %lt3A_302 : i1 to i32
      %cond3A = arith.constant 0 : i32
      %cond3A_303 = arith.cmpi ne, %convert_element_type3A, %cond3A : i32
      scf.if %cond3A_303 {
        %add3A_558 = arith.constant 3 : i32
        %add3A_559 = arith.addi %add3A_181, %add3A_558 : i32
        %mul3A_560 = arith.constant 400 : i32
        %mul3A_561 = arith.muli %add3A_559, %mul3A_560 : i32
        %dma_start3A_562 = tpu.memref_slice %arg5[%mul3A_561] : memref<25600xi32, #tpu.memory_space<vmem>> -> memref<400xi32, #tpu.memory_space<vmem>>
        %dma_start3A_563 = arith.constant 0 : i32
        %dma_start3A_564 = arith.constant 0 : i32
        %dma_start3A_565 = tpu.memref_slice %arg3[%dma_start3A_563, %dma_start3A_564] : memref<1000000x64xf32, #tpu.memory_space<hbm>> -> memref<1000000x64xf32, #tpu.memory_space<hbm>>
        tpu.enqueue_indirect_dma source(%dma_start3A_565 : memref<1000000x64xf32, #tpu.memory_space<hbm>>) target(%arg6 : memref<400x64xf32, #tpu.memory_space<vmem>>) offsets(%dma_start3A_562 : memref<400xi32, #tpu.memory_space<vmem>>) semaphore(%arg11 : memref<!tpu.dma_semaphore, #tpu.memory_space<semaphore_mem>>)
      } else {
      }
      %add3A_304 = arith.constant 1 : i32
      %add3A_305 = arith.addi %mul3A_179, %add3A_304 : i32
      %dma_wait3A_306 = arith.constant 0 : i32
      %dma_wait3A_307 = arith.constant 0 : i32
      %dma_wait3A_308 = tpu.memref_slice %arg3[%dma_wait3A_306, %dma_wait3A_307] : memref<1000000x64xf32, #tpu.memory_space<hbm>> -> memref<400x64xf32, #tpu.memory_space<hbm>>
      %dma_wait3A_309 = arith.constant 0 : i32
      %dma_wait3A_310 = arith.constant 0 : i32
      %dma_wait3A_311 = tpu.memref_slice %arg3[%dma_wait3A_309, %dma_wait3A_310] : memref<1000000x64xf32, #tpu.memory_space<hbm>> -> memref<400x64xf32, #tpu.memory_space<hbm>>
      tpu.wait_dma2 semaphore(%arg12 : memref<!tpu.dma_semaphore, #tpu.memory_space<semaphore_mem>>) src(%dma_wait3A_311 : memref<400x64xf32, #tpu.memory_space<hbm>>) dst(%arg7 : memref<400x64xf32, #tpu.memory_space<vmem>>)
      %mul3A_312 = arith.constant 2 : i32
      %mul3A_313 = arith.muli %add3A_305, %mul3A_312 : i32
      %add3A_314 = arith.constant 0 : i32
      %add3A_315 = arith.addi %mul3A_313, %add3A_314 : i32
      %broadcast_in_dim3A_316 = arith.constant 0.000000e+00 : f32
      %broadcast_in_dim3A_317 = vector.broadcast %broadcast_in_dim3A_316 : f32 to vector<16xf32>
      %scan3A_318 = arith.constant 0 : i32
      %scan3A_319 = arith.constant 25 : i32
      %scan3A_320 = arith.addi %scan3A_318, %scan3A_319 : i32
      %scan3A_321 = arith.constant 1 : i32
      %scan3A_322:8 = scf.for %scan3A_558 = %scan3A_318 to %scan3A_320 step %scan3A_321 iter_args(%scan3A_559 = %broadcast_in_dim3A_317, %scan3A_560 = %broadcast_in_dim3A_317, %scan3A_561 = %broadcast_in_dim3A_317, %scan3A_562 = %broadcast_in_dim3A_317, %scan3A_563 = %broadcast_in_dim3A_317, %scan3A_564 = %broadcast_in_dim3A_317, %scan3A_565 = %broadcast_in_dim3A_317, %scan3A_566 = %broadcast_in_dim3A_317) -> (vector<16xf32>, vector<16xf32>, vector<16xf32>, vector<16xf32>, vector<16xf32>, vector<16xf32>, vector<16xf32>, vector<16xf32>)  : i32 {
        %mul3A_567 = arith.constant 8 : i32
        %mul3A_568 = arith.muli %scan3A_558, %mul3A_567 : i32
        %add3A_569 = arith.constant 0 : i32
        %add3A_570 = arith.addi %add3A_569, %mul3A_568 : i32
        %add3A_571 = arith.constant 0 : i32
        %add3A_572 = arith.addi %add3A_570, %add3A_571 : i32
        %get3A = arith.index_cast %add3A_572 : i32 to index
        %get3A_573 = arith.constant 0 : index
        %get3A_574 = tpu.vector_load %arg7[%get3A, %get3A_573] {strides = array<i32>} : memref<400x64xf32, #tpu.memory_space<vmem>>, vector<1x16xf32>,
        %get3A_575 = vector.shape_cast %get3A_574 : vector<1x16xf32> to vector<16xf32>
        %add3A_576 = arith.addf %scan3A_559, %get3A_575 : vector<16xf32>
        %add3A_577 = arith.constant 0 : i32
        %add3A_578 = arith.addi %add3A_570, %add3A_577 : i32
        %get3A_579 = arith.index_cast %add3A_578 : i32 to index
        %get3A_580 = arith.constant 16 : index
        %get3A_581 = tpu.vector_load %arg7[%get3A_579, %get3A_580] {strides = array<i32>} : memref<400x64xf32, #tpu.memory_space<vmem>>, vector<1x16xf32>,
        %get3A_582 = vector.shape_cast %get3A_581 : vector<1x16xf32> to vector<16xf32>
        %add3A_583 = arith.addf %scan3A_561, %get3A_582 : vector<16xf32>
        %add3A_584 = arith.constant 0 : i32
        %add3A_585 = arith.addi %add3A_570, %add3A_584 : i32
        %get3A_586 = arith.index_cast %add3A_585 : i32 to index
        %get3A_587 = arith.constant 32 : index
        %get3A_588 = tpu.vector_load %arg7[%get3A_586, %get3A_587] {strides = array<i32>} : memref<400x64xf32, #tpu.memory_space<vmem>>, vector<1x16xf32>,
        %get3A_589 = vector.shape_cast %get3A_588 : vector<1x16xf32> to vector<16xf32>
        %add3A_590 = arith.addf %scan3A_563, %get3A_589 : vector<16xf32>
        %add3A_591 = arith.constant 0 : i32
        %add3A_592 = arith.addi %add3A_570, %add3A_591 : i32
        %get3A_593 = arith.index_cast %add3A_592 : i32 to index
        %get3A_594 = arith.constant 48 : index
        %get3A_595 = tpu.vector_load %arg7[%get3A_593, %get3A_594] {strides = array<i32>} : memref<400x64xf32, #tpu.memory_space<vmem>>, vector<1x16xf32>,
        %get3A_596 = vector.shape_cast %get3A_595 : vector<1x16xf32> to vector<16xf32>
        %add3A_597 = arith.addf %scan3A_565, %get3A_596 : vector<16xf32>
        %add3A_598 = arith.constant 1 : i32
        %add3A_599 = arith.addi %add3A_570, %add3A_598 : i32
        %get3A_600 = arith.index_cast %add3A_599 : i32 to index
        %get3A_601 = arith.constant 0 : index
        %get3A_602 = tpu.vector_load %arg7[%get3A_600, %get3A_601] {strides = array<i32>} : memref<400x64xf32, #tpu.memory_space<vmem>>, vector<1x16xf32>,
        %get3A_603 = vector.shape_cast %get3A_602 : vector<1x16xf32> to vector<16xf32>
        %add3A_604 = arith.addf %scan3A_560, %get3A_603 : vector<16xf32>
        %add3A_605 = arith.constant 1 : i32
        %add3A_606 = arith.addi %add3A_570, %add3A_605 : i32
        %get3A_607 = arith.index_cast %add3A_606 : i32 to index
        %get3A_608 = arith.constant 16 : index
        %get3A_609 = tpu.vector_load %arg7[%get3A_607, %get3A_608] {strides = array<i32>} : memref<400x64xf32, #tpu.memory_space<vmem>>, vector<1x16xf32>,
        %get3A_610 = vector.shape_cast %get3A_609 : vector<1x16xf32> to vector<16xf32>
        %add3A_611 = arith.addf %scan3A_562, %get3A_610 : vector<16xf32>
        %add3A_612 = arith.constant 1 : i32
        %add3A_613 = arith.addi %add3A_570, %add3A_612 : i32
        %get3A_614 = arith.index_cast %add3A_613 : i32 to index
        %get3A_615 = arith.constant 32 : index
        %get3A_616 = tpu.vector_load %arg7[%get3A_614, %get3A_615] {strides = array<i32>} : memref<400x64xf32, #tpu.memory_space<vmem>>, vector<1x16xf32>,
        %get3A_617 = vector.shape_cast %get3A_616 : vector<1x16xf32> to vector<16xf32>
        %add3A_618 = arith.addf %scan3A_564, %get3A_617 : vector<16xf32>
        %add3A_619 = arith.constant 1 : i32
        %add3A_620 = arith.addi %add3A_570, %add3A_619 : i32
        %get3A_621 = arith.index_cast %add3A_620 : i32 to index
        %get3A_622 = arith.constant 48 : index
        %get3A_623 = tpu.vector_load %arg7[%get3A_621, %get3A_622] {strides = array<i32>} : memref<400x64xf32, #tpu.memory_space<vmem>>, vector<1x16xf32>,
        %get3A_624 = vector.shape_cast %get3A_623 : vector<1x16xf32> to vector<16xf32>
        %add3A_625 = arith.addf %scan3A_566, %get3A_624 : vector<16xf32>
        %add3A_626 = arith.constant 2 : i32
        %add3A_627 = arith.addi %add3A_570, %add3A_626 : i32
        %get3A_628 = arith.index_cast %add3A_627 : i32 to index
        %get3A_629 = arith.constant 0 : index
        %get3A_630 = tpu.vector_load %arg7[%get3A_628, %get3A_629] {strides = array<i32>} : memref<400x64xf32, #tpu.memory_space<vmem>>, vector<1x16xf32>,
        %get3A_631 = vector.shape_cast %get3A_630 : vector<1x16xf32> to vector<16xf32>
        %add3A_632 = arith.addf %add3A_576, %get3A_631 : vector<16xf32>
        %add3A_633 = arith.constant 2 : i32
        %add3A_634 = arith.addi %add3A_570, %add3A_633 : i32
        %get3A_635 = arith.index_cast %add3A_634 : i32 to index
        %get3A_636 = arith.constant 16 : index
        %get3A_637 = tpu.vector_load %arg7[%get3A_635, %get3A_636] {strides = array<i32>} : memref<400x64xf32, #tpu.memory_space<vmem>>, vector<1x16xf32>,
        %get3A_638 = vector.shape_cast %get3A_637 : vector<1x16xf32> to vector<16xf32>
        %add3A_639 = arith.addf %add3A_583, %get3A_638 : vector<16xf32>
        %add3A_640 = arith.constant 2 : i32
        %add3A_641 = arith.addi %add3A_570, %add3A_640 : i32
        %get3A_642 = arith.index_cast %add3A_641 : i32 to index
        %get3A_643 = arith.constant 32 : index
        %get3A_644 = tpu.vector_load %arg7[%get3A_642, %get3A_643] {strides = array<i32>} : memref<400x64xf32, #tpu.memory_space<vmem>>, vector<1x16xf32>,
        %get3A_645 = vector.shape_cast %get3A_644 : vector<1x16xf32> to vector<16xf32>
        %add3A_646 = arith.addf %add3A_590, %get3A_645 : vector<16xf32>
        %add3A_647 = arith.constant 2 : i32
        %add3A_648 = arith.addi %add3A_570, %add3A_647 : i32
        %get3A_649 = arith.index_cast %add3A_648 : i32 to index
        %get3A_650 = arith.constant 48 : index
        %get3A_651 = tpu.vector_load %arg7[%get3A_649, %get3A_650] {strides = array<i32>} : memref<400x64xf32, #tpu.memory_space<vmem>>, vector<1x16xf32>,
        %get3A_652 = vector.shape_cast %get3A_651 : vector<1x16xf32> to vector<16xf32>
        %add3A_653 = arith.addf %add3A_597, %get3A_652 : vector<16xf32>
        %add3A_654 = arith.constant 3 : i32
        %add3A_655 = arith.addi %add3A_570, %add3A_654 : i32
        %get3A_656 = arith.index_cast %add3A_655 : i32 to index
        %get3A_657 = arith.constant 0 : index
        %get3A_658 = tpu.vector_load %arg7[%get3A_656, %get3A_657] {strides = array<i32>} : memref<400x64xf32, #tpu.memory_space<vmem>>, vector<1x16xf32>,
        %get3A_659 = vector.shape_cast %get3A_658 : vector<1x16xf32> to vector<16xf32>
        %add3A_660 = arith.addf %add3A_604, %get3A_659 : vector<16xf32>
        %add3A_661 = arith.constant 3 : i32
        %add3A_662 = arith.addi %add3A_570, %add3A_661 : i32
        %get3A_663 = arith.index_cast %add3A_662 : i32 to index
        %get3A_664 = arith.constant 16 : index
        %get3A_665 = tpu.vector_load %arg7[%get3A_663, %get3A_664] {strides = array<i32>} : memref<400x64xf32, #tpu.memory_space<vmem>>, vector<1x16xf32>,
        %get3A_666 = vector.shape_cast %get3A_665 : vector<1x16xf32> to vector<16xf32>
        %add3A_667 = arith.addf %add3A_611, %get3A_666 : vector<16xf32>
        %add3A_668 = arith.constant 3 : i32
        %add3A_669 = arith.addi %add3A_570, %add3A_668 : i32
        %get3A_670 = arith.index_cast %add3A_669 : i32 to index
        %get3A_671 = arith.constant 32 : index
        %get3A_672 = tpu.vector_load %arg7[%get3A_670, %get3A_671] {strides = array<i32>} : memref<400x64xf32, #tpu.memory_space<vmem>>, vector<1x16xf32>,
        %get3A_673 = vector.shape_cast %get3A_672 : vector<1x16xf32> to vector<16xf32>
        %add3A_674 = arith.addf %add3A_618, %get3A_673 : vector<16xf32>
        %add3A_675 = arith.constant 3 : i32
        %add3A_676 = arith.addi %add3A_570, %add3A_675 : i32
        %get3A_677 = arith.index_cast %add3A_676 : i32 to index
        %get3A_678 = arith.constant 48 : index
        %get3A_679 = tpu.vector_load %arg7[%get3A_677, %get3A_678] {strides = array<i32>} : memref<400x64xf32, #tpu.memory_space<vmem>>, vector<1x16xf32>,
        %get3A_680 = vector.shape_cast %get3A_679 : vector<1x16xf32> to vector<16xf32>
        %add3A_681 = arith.addf %add3A_625, %get3A_680 : vector<16xf32>
        %add3A_682 = arith.constant 4 : i32
        %add3A_683 = arith.addi %add3A_570, %add3A_682 : i32
        %get3A_684 = arith.index_cast %add3A_683 : i32 to index
        %get3A_685 = arith.constant 0 : index
        %get3A_686 = tpu.vector_load %arg7[%get3A_684, %get3A_685] {strides = array<i32>} : memref<400x64xf32, #tpu.memory_space<vmem>>, vector<1x16xf32>,
        %get3A_687 = vector.shape_cast %get3A_686 : vector<1x16xf32> to vector<16xf32>
        %add3A_688 = arith.addf %add3A_632, %get3A_687 : vector<16xf32>
        %add3A_689 = arith.constant 4 : i32
        %add3A_690 = arith.addi %add3A_570, %add3A_689 : i32
        %get3A_691 = arith.index_cast %add3A_690 : i32 to index
        %get3A_692 = arith.constant 16 : index
        %get3A_693 = tpu.vector_load %arg7[%get3A_691, %get3A_692] {strides = array<i32>} : memref<400x64xf32, #tpu.memory_space<vmem>>, vector<1x16xf32>,
        %get3A_694 = vector.shape_cast %get3A_693 : vector<1x16xf32> to vector<16xf32>
        %add3A_695 = arith.addf %add3A_639, %get3A_694 : vector<16xf32>
        %add3A_696 = arith.constant 4 : i32
        %add3A_697 = arith.addi %add3A_570, %add3A_696 : i32
        %get3A_698 = arith.index_cast %add3A_697 : i32 to index
        %get3A_699 = arith.constant 32 : index
        %get3A_700 = tpu.vector_load %arg7[%get3A_698, %get3A_699] {strides = array<i32>} : memref<400x64xf32, #tpu.memory_space<vmem>>, vector<1x16xf32>,
        %get3A_701 = vector.shape_cast %get3A_700 : vector<1x16xf32> to vector<16xf32>
        %add3A_702 = arith.addf %add3A_646, %get3A_701 : vector<16xf32>
        %add3A_703 = arith.constant 4 : i32
        %add3A_704 = arith.addi %add3A_570, %add3A_703 : i32
        %get3A_705 = arith.index_cast %add3A_704 : i32 to index
        %get3A_706 = arith.constant 48 : index
        %get3A_707 = tpu.vector_load %arg7[%get3A_705, %get3A_706] {strides = array<i32>} : memref<400x64xf32, #tpu.memory_space<vmem>>, vector<1x16xf32>,
        %get3A_708 = vector.shape_cast %get3A_707 : vector<1x16xf32> to vector<16xf32>
        %add3A_709 = arith.addf %add3A_653, %get3A_708 : vector<16xf32>
        %add3A_710 = arith.constant 5 : i32
        %add3A_711 = arith.addi %add3A_570, %add3A_710 : i32
        %get3A_712 = arith.index_cast %add3A_711 : i32 to index
        %get3A_713 = arith.constant 0 : index
        %get3A_714 = tpu.vector_load %arg7[%get3A_712, %get3A_713] {strides = array<i32>} : memref<400x64xf32, #tpu.memory_space<vmem>>, vector<1x16xf32>,
        %get3A_715 = vector.shape_cast %get3A_714 : vector<1x16xf32> to vector<16xf32>
        %add3A_716 = arith.addf %add3A_660, %get3A_715 : vector<16xf32>
        %add3A_717 = arith.constant 5 : i32
        %add3A_718 = arith.addi %add3A_570, %add3A_717 : i32
        %get3A_719 = arith.index_cast %add3A_718 : i32 to index
        %get3A_720 = arith.constant 16 : index
        %get3A_721 = tpu.vector_load %arg7[%get3A_719, %get3A_720] {strides = array<i32>} : memref<400x64xf32, #tpu.memory_space<vmem>>, vector<1x16xf32>,
        %get3A_722 = vector.shape_cast %get3A_721 : vector<1x16xf32> to vector<16xf32>
        %add3A_723 = arith.addf %add3A_667, %get3A_722 : vector<16xf32>
        %add3A_724 = arith.constant 5 : i32
        %add3A_725 = arith.addi %add3A_570, %add3A_724 : i32
        %get3A_726 = arith.index_cast %add3A_725 : i32 to index
        %get3A_727 = arith.constant 32 : index
        %get3A_728 = tpu.vector_load %arg7[%get3A_726, %get3A_727] {strides = array<i32>} : memref<400x64xf32, #tpu.memory_space<vmem>>, vector<1x16xf32>,
        %get3A_729 = vector.shape_cast %get3A_728 : vector<1x16xf32> to vector<16xf32>
        %add3A_730 = arith.addf %add3A_674, %get3A_729 : vector<16xf32>
        %add3A_731 = arith.constant 5 : i32
        %add3A_732 = arith.addi %add3A_570, %add3A_731 : i32
        %get3A_733 = arith.index_cast %add3A_732 : i32 to index
        %get3A_734 = arith.constant 48 : index
        %get3A_735 = tpu.vector_load %arg7[%get3A_733, %get3A_734] {strides = array<i32>} : memref<400x64xf32, #tpu.memory_space<vmem>>, vector<1x16xf32>,
        %get3A_736 = vector.shape_cast %get3A_735 : vector<1x16xf32> to vector<16xf32>
        %add3A_737 = arith.addf %add3A_681, %get3A_736 : vector<16xf32>
        %add3A_738 = arith.constant 6 : i32
        %add3A_739 = arith.addi %add3A_570, %add3A_738 : i32
        %get3A_740 = arith.index_cast %add3A_739 : i32 to index
        %get3A_741 = arith.constant 0 : index
        %get3A_742 = tpu.vector_load %arg7[%get3A_740, %get3A_741] {strides = array<i32>} : memref<400x64xf32, #tpu.memory_space<vmem>>, vector<1x16xf32>,
        %get3A_743 = vector.shape_cast %get3A_742 : vector<1x16xf32> to vector<16xf32>
        %add3A_744 = arith.addf %add3A_688, %get3A_743 : vector<16xf32>
        %add3A_745 = arith.constant 6 : i32
        %add3A_746 = arith.addi %add3A_570, %add3A_745 : i32
        %get3A_747 = arith.index_cast %add3A_746 : i32 to index
        %get3A_748 = arith.constant 16 : index
        %get3A_749 = tpu.vector_load %arg7[%get3A_747, %get3A_748] {strides = array<i32>} : memref<400x64xf32, #tpu.memory_space<vmem>>, vector<1x16xf32>,
        %get3A_750 = vector.shape_cast %get3A_749 : vector<1x16xf32> to vector<16xf32>
        %add3A_751 = arith.addf %add3A_695, %get3A_750 : vector<16xf32>
        %add3A_752 = arith.constant 6 : i32
        %add3A_753 = arith.addi %add3A_570, %add3A_752 : i32
        %get3A_754 = arith.index_cast %add3A_753 : i32 to index
        %get3A_755 = arith.constant 32 : index
        %get3A_756 = tpu.vector_load %arg7[%get3A_754, %get3A_755] {strides = array<i32>} : memref<400x64xf32, #tpu.memory_space<vmem>>, vector<1x16xf32>,
        %get3A_757 = vector.shape_cast %get3A_756 : vector<1x16xf32> to vector<16xf32>
        %add3A_758 = arith.addf %add3A_702, %get3A_757 : vector<16xf32>
        %add3A_759 = arith.constant 6 : i32
        %add3A_760 = arith.addi %add3A_570, %add3A_759 : i32
        %get3A_761 = arith.index_cast %add3A_760 : i32 to index
        %get3A_762 = arith.constant 48 : index
        %get3A_763 = tpu.vector_load %arg7[%get3A_761, %get3A_762] {strides = array<i32>} : memref<400x64xf32, #tpu.memory_space<vmem>>, vector<1x16xf32>,
        %get3A_764 = vector.shape_cast %get3A_763 : vector<1x16xf32> to vector<16xf32>
        %add3A_765 = arith.addf %add3A_709, %get3A_764 : vector<16xf32>
        %add3A_766 = arith.constant 7 : i32
        %add3A_767 = arith.addi %add3A_570, %add3A_766 : i32
        %get3A_768 = arith.index_cast %add3A_767 : i32 to index
        %get3A_769 = arith.constant 0 : index
        %get3A_770 = tpu.vector_load %arg7[%get3A_768, %get3A_769] {strides = array<i32>} : memref<400x64xf32, #tpu.memory_space<vmem>>, vector<1x16xf32>,
        %get3A_771 = vector.shape_cast %get3A_770 : vector<1x16xf32> to vector<16xf32>
        %add3A_772 = arith.addf %add3A_716, %get3A_771 : vector<16xf32>
        %add3A_773 = arith.constant 7 : i32
        %add3A_774 = arith.addi %add3A_570, %add3A_773 : i32
        %get3A_775 = arith.index_cast %add3A_774 : i32 to index
        %get3A_776 = arith.constant 16 : index
        %get3A_777 = tpu.vector_load %arg7[%get3A_775, %get3A_776] {strides = array<i32>} : memref<400x64xf32, #tpu.memory_space<vmem>>, vector<1x16xf32>,
        %get3A_778 = vector.shape_cast %get3A_777 : vector<1x16xf32> to vector<16xf32>
        %add3A_779 = arith.addf %add3A_723, %get3A_778 : vector<16xf32>
        %add3A_780 = arith.constant 7 : i32
        %add3A_781 = arith.addi %add3A_570, %add3A_780 : i32
        %get3A_782 = arith.index_cast %add3A_781 : i32 to index
        %get3A_783 = arith.constant 32 : index
        %get3A_784 = tpu.vector_load %arg7[%get3A_782, %get3A_783] {strides = array<i32>} : memref<400x64xf32, #tpu.memory_space<vmem>>, vector<1x16xf32>,
        %get3A_785 = vector.shape_cast %get3A_784 : vector<1x16xf32> to vector<16xf32>
        %add3A_786 = arith.addf %add3A_730, %get3A_785 : vector<16xf32>
        %add3A_787 = arith.constant 7 : i32
        %add3A_788 = arith.addi %add3A_570, %add3A_787 : i32
        %get3A_789 = arith.index_cast %add3A_788 : i32 to index
        %get3A_790 = arith.constant 48 : index
        %get3A_791 = tpu.vector_load %arg7[%get3A_789, %get3A_790] {strides = array<i32>} : memref<400x64xf32, #tpu.memory_space<vmem>>, vector<1x16xf32>,
        %get3A_792 = vector.shape_cast %get3A_791 : vector<1x16xf32> to vector<16xf32>
        %add3A_793 = arith.addf %add3A_737, %get3A_792 : vector<16xf32>
        scf.yield %add3A_744, %add3A_772, %add3A_751, %add3A_779, %add3A_758, %add3A_786, %add3A_765, %add3A_793 : vector<16xf32>, vector<16xf32>, vector<16xf32>, vector<16xf32>, vector<16xf32>, vector<16xf32>, vector<16xf32>, vector<16xf32>
      }
      %scan3A_323 = arith.constant 25 : i32
      %add3A_324 = arith.addf %scan3A_322#0, %scan3A_322#1 : vector<16xf32>
      %mul3A_325 = vector.broadcast %scan3A_46 : f32 to vector<16xf32>
      %mul3A_326 = arith.mulf %add3A_324, %mul3A_325 : vector<16xf32>
      %mul3A_327 = arith.constant 64 : i32
      %mul3A_328 = arith.muli %add3A_315, %mul3A_327 : i32
      %add3A_329 = arith.constant 0 : i32
      %add3A_330 = arith.addi %mul3A_328, %add3A_329 : i32
      %swap3A_331 = arith.index_cast %add3A_330 : i32 to index
      %swap3A_332 = tpu.vector_load %arg9[%swap3A_331] {strides = array<i32>} : memref<8192xf32, #tpu.memory_space<vmem>>, vector<16xf32>,
      %swap3A_333 = vector.shape_cast %swap3A_332 : vector<16xf32> to vector<16xf32>
      %swap3A_334 = vector.shape_cast %mul3A_326 : vector<16xf32> to vector<16xf32>
      tpu.vector_store %arg9[%swap3A_331], %swap3A_334 {strides = array<i32>} : memref<8192xf32, #tpu.memory_space<vmem>>, vector<16xf32>,
      %add3A_335 = arith.addf %scan3A_322#2, %scan3A_322#3 : vector<16xf32>
      %mul3A_336 = vector.broadcast %scan3A_46 : f32 to vector<16xf32>
      %mul3A_337 = arith.mulf %add3A_335, %mul3A_336 : vector<16xf32>
      %mul3A_338 = arith.constant 64 : i32
      %mul3A_339 = arith.muli %add3A_315, %mul3A_338 : i32
      %add3A_340 = arith.constant 16 : i32
      %add3A_341 = arith.addi %mul3A_339, %add3A_340 : i32
      %swap3A_342 = arith.index_cast %add3A_341 : i32 to index
      %swap3A_343 = tpu.vector_load %arg9[%swap3A_342] {strides = array<i32>} : memref<8192xf32, #tpu.memory_space<vmem>>, vector<16xf32>,
      %swap3A_344 = vector.shape_cast %swap3A_343 : vector<16xf32> to vector<16xf32>
      %swap3A_345 = vector.shape_cast %mul3A_337 : vector<16xf32> to vector<16xf32>
      tpu.vector_store %arg9[%swap3A_342], %swap3A_345 {strides = array<i32>} : memref<8192xf32, #tpu.memory_space<vmem>>, vector<16xf32>,
      %add3A_346 = arith.addf %scan3A_322#4, %scan3A_322#5 : vector<16xf32>
      %mul3A_347 = vector.broadcast %scan3A_46 : f32 to vector<16xf32>
      %mul3A_348 = arith.mulf %add3A_346, %mul3A_347 : vector<16xf32>
      %mul3A_349 = arith.constant 64 : i32
      %mul3A_350 = arith.muli %add3A_315, %mul3A_349 : i32
      %add3A_351 = arith.constant 32 : i32
      %add3A_352 = arith.addi %mul3A_350, %add3A_351 : i32
      %swap3A_353 = arith.index_cast %add3A_352 : i32 to index
      %swap3A_354 = tpu.vector_load %arg9[%swap3A_353] {strides = array<i32>} : memref<8192xf32, #tpu.memory_space<vmem>>, vector<16xf32>,
      %swap3A_355 = vector.shape_cast %swap3A_354 : vector<16xf32> to vector<16xf32>
      %swap3A_356 = vector.shape_cast %mul3A_348 : vector<16xf32> to vector<16xf32>
      tpu.vector_store %arg9[%swap3A_353], %swap3A_356 {strides = array<i32>} : memref<8192xf32, #tpu.memory_space<vmem>>, vector<16xf32>,
      %add3A_357 = arith.addf %scan3A_322#6, %scan3A_322#7 : vector<16xf32>
      %mul3A_358 = vector.broadcast %scan3A_46 : f32 to vector<16xf32>
      %mul3A_359 = arith.mulf %add3A_357, %mul3A_358 : vector<16xf32>
      %mul3A_360 = arith.constant 64 : i32
      %mul3A_361 = arith.muli %add3A_315, %mul3A_360 : i32
      %add3A_362 = arith.constant 48 : i32
      %add3A_363 = arith.addi %mul3A_361, %add3A_362 : i32
      %swap3A_364 = arith.index_cast %add3A_363 : i32 to index
      %swap3A_365 = tpu.vector_load %arg9[%swap3A_364] {strides = array<i32>} : memref<8192xf32, #tpu.memory_space<vmem>>, vector<16xf32>,
      %swap3A_366 = vector.shape_cast %swap3A_365 : vector<16xf32> to vector<16xf32>
      %swap3A_367 = vector.shape_cast %mul3A_359 : vector<16xf32> to vector<16xf32>
      tpu.vector_store %arg9[%swap3A_364], %swap3A_367 {strides = array<i32>} : memref<8192xf32, #tpu.memory_space<vmem>>, vector<16xf32>,
      %mul3A_368 = arith.constant 2 : i32
      %mul3A_369 = arith.muli %add3A_305, %mul3A_368 : i32
      %add3A_370 = arith.constant 1 : i32
      %add3A_371 = arith.addi %mul3A_369, %add3A_370 : i32
      %broadcast_in_dim3A_372 = arith.constant 0.000000e+00 : f32
      %broadcast_in_dim3A_373 = vector.broadcast %broadcast_in_dim3A_372 : f32 to vector<16xf32>
      %scan3A_374 = arith.constant 0 : i32
      %scan3A_375 = arith.constant 25 : i32
      %scan3A_376 = arith.addi %scan3A_374, %scan3A_375 : i32
      %scan3A_377 = arith.constant 1 : i32
      %scan3A_378:8 = scf.for %scan3A_558 = %scan3A_374 to %scan3A_376 step %scan3A_377 iter_args(%scan3A_559 = %broadcast_in_dim3A_373, %scan3A_560 = %broadcast_in_dim3A_373, %scan3A_561 = %broadcast_in_dim3A_373, %scan3A_562 = %broadcast_in_dim3A_373, %scan3A_563 = %broadcast_in_dim3A_373, %scan3A_564 = %broadcast_in_dim3A_373, %scan3A_565 = %broadcast_in_dim3A_373, %scan3A_566 = %broadcast_in_dim3A_373) -> (vector<16xf32>, vector<16xf32>, vector<16xf32>, vector<16xf32>, vector<16xf32>, vector<16xf32>, vector<16xf32>, vector<16xf32>)  : i32 {
        %mul3A_567 = arith.constant 8 : i32
        %mul3A_568 = arith.muli %scan3A_558, %mul3A_567 : i32
        %add3A_569 = arith.constant 200 : i32
        %add3A_570 = arith.addi %add3A_569, %mul3A_568 : i32
        %add3A_571 = arith.constant 0 : i32
        %add3A_572 = arith.addi %add3A_570, %add3A_571 : i32
        %get3A = arith.index_cast %add3A_572 : i32 to index
        %get3A_573 = arith.constant 0 : index
        %get3A_574 = tpu.vector_load %arg7[%get3A, %get3A_573] {strides = array<i32>} : memref<400x64xf32, #tpu.memory_space<vmem>>, vector<1x16xf32>,
        %get3A_575 = vector.shape_cast %get3A_574 : vector<1x16xf32> to vector<16xf32>
        %add3A_576 = arith.addf %scan3A_559, %get3A_575 : vector<16xf32>
        %add3A_577 = arith.constant 0 : i32
        %add3A_578 = arith.addi %add3A_570, %add3A_577 : i32
        %get3A_579 = arith.index_cast %add3A_578 : i32 to index
        %get3A_580 = arith.constant 16 : index
        %get3A_581 = tpu.vector_load %arg7[%get3A_579, %get3A_580] {strides = array<i32>} : memref<400x64xf32, #tpu.memory_space<vmem>>, vector<1x16xf32>,
        %get3A_582 = vector.shape_cast %get3A_581 : vector<1x16xf32> to vector<16xf32>
        %add3A_583 = arith.addf %scan3A_561, %get3A_582 : vector<16xf32>
        %add3A_584 = arith.constant 0 : i32
        %add3A_585 = arith.addi %add3A_570, %add3A_584 : i32
        %get3A_586 = arith.index_cast %add3A_585 : i32 to index
        %get3A_587 = arith.constant 32 : index
        %get3A_588 = tpu.vector_load %arg7[%get3A_586, %get3A_587] {strides = array<i32>} : memref<400x64xf32, #tpu.memory_space<vmem>>, vector<1x16xf32>,
        %get3A_589 = vector.shape_cast %get3A_588 : vector<1x16xf32> to vector<16xf32>
        %add3A_590 = arith.addf %scan3A_563, %get3A_589 : vector<16xf32>
        %add3A_591 = arith.constant 0 : i32
        %add3A_592 = arith.addi %add3A_570, %add3A_591 : i32
        %get3A_593 = arith.index_cast %add3A_592 : i32 to index
        %get3A_594 = arith.constant 48 : index
        %get3A_595 = tpu.vector_load %arg7[%get3A_593, %get3A_594] {strides = array<i32>} : memref<400x64xf32, #tpu.memory_space<vmem>>, vector<1x16xf32>,
        %get3A_596 = vector.shape_cast %get3A_595 : vector<1x16xf32> to vector<16xf32>
        %add3A_597 = arith.addf %scan3A_565, %get3A_596 : vector<16xf32>
        %add3A_598 = arith.constant 1 : i32
        %add3A_599 = arith.addi %add3A_570, %add3A_598 : i32
        %get3A_600 = arith.index_cast %add3A_599 : i32 to index
        %get3A_601 = arith.constant 0 : index
        %get3A_602 = tpu.vector_load %arg7[%get3A_600, %get3A_601] {strides = array<i32>} : memref<400x64xf32, #tpu.memory_space<vmem>>, vector<1x16xf32>,
        %get3A_603 = vector.shape_cast %get3A_602 : vector<1x16xf32> to vector<16xf32>
        %add3A_604 = arith.addf %scan3A_560, %get3A_603 : vector<16xf32>
        %add3A_605 = arith.constant 1 : i32
        %add3A_606 = arith.addi %add3A_570, %add3A_605 : i32
        %get3A_607 = arith.index_cast %add3A_606 : i32 to index
        %get3A_608 = arith.constant 16 : index
        %get3A_609 = tpu.vector_load %arg7[%get3A_607, %get3A_608] {strides = array<i32>} : memref<400x64xf32, #tpu.memory_space<vmem>>, vector<1x16xf32>,
        %get3A_610 = vector.shape_cast %get3A_609 : vector<1x16xf32> to vector<16xf32>
        %add3A_611 = arith.addf %scan3A_562, %get3A_610 : vector<16xf32>
        %add3A_612 = arith.constant 1 : i32
        %add3A_613 = arith.addi %add3A_570, %add3A_612 : i32
        %get3A_614 = arith.index_cast %add3A_613 : i32 to index
        %get3A_615 = arith.constant 32 : index
        %get3A_616 = tpu.vector_load %arg7[%get3A_614, %get3A_615] {strides = array<i32>} : memref<400x64xf32, #tpu.memory_space<vmem>>, vector<1x16xf32>,
        %get3A_617 = vector.shape_cast %get3A_616 : vector<1x16xf32> to vector<16xf32>
        %add3A_618 = arith.addf %scan3A_564, %get3A_617 : vector<16xf32>
        %add3A_619 = arith.constant 1 : i32
        %add3A_620 = arith.addi %add3A_570, %add3A_619 : i32
        %get3A_621 = arith.index_cast %add3A_620 : i32 to index
        %get3A_622 = arith.constant 48 : index
        %get3A_623 = tpu.vector_load %arg7[%get3A_621, %get3A_622] {strides = array<i32>} : memref<400x64xf32, #tpu.memory_space<vmem>>, vector<1x16xf32>,
        %get3A_624 = vector.shape_cast %get3A_623 : vector<1x16xf32> to vector<16xf32>
        %add3A_625 = arith.addf %scan3A_566, %get3A_624 : vector<16xf32>
        %add3A_626 = arith.constant 2 : i32
        %add3A_627 = arith.addi %add3A_570, %add3A_626 : i32
        %get3A_628 = arith.index_cast %add3A_627 : i32 to index
        %get3A_629 = arith.constant 0 : index
        %get3A_630 = tpu.vector_load %arg7[%get3A_628, %get3A_629] {strides = array<i32>} : memref<400x64xf32, #tpu.memory_space<vmem>>, vector<1x16xf32>,
        %get3A_631 = vector.shape_cast %get3A_630 : vector<1x16xf32> to vector<16xf32>
        %add3A_632 = arith.addf %add3A_576, %get3A_631 : vector<16xf32>
        %add3A_633 = arith.constant 2 : i32
        %add3A_634 = arith.addi %add3A_570, %add3A_633 : i32
        %get3A_635 = arith.index_cast %add3A_634 : i32 to index
        %get3A_636 = arith.constant 16 : index
        %get3A_637 = tpu.vector_load %arg7[%get3A_635, %get3A_636] {strides = array<i32>} : memref<400x64xf32, #tpu.memory_space<vmem>>, vector<1x16xf32>,
        %get3A_638 = vector.shape_cast %get3A_637 : vector<1x16xf32> to vector<16xf32>
        %add3A_639 = arith.addf %add3A_583, %get3A_638 : vector<16xf32>
        %add3A_640 = arith.constant 2 : i32
        %add3A_641 = arith.addi %add3A_570, %add3A_640 : i32
        %get3A_642 = arith.index_cast %add3A_641 : i32 to index
        %get3A_643 = arith.constant 32 : index
        %get3A_644 = tpu.vector_load %arg7[%get3A_642, %get3A_643] {strides = array<i32>} : memref<400x64xf32, #tpu.memory_space<vmem>>, vector<1x16xf32>,
        %get3A_645 = vector.shape_cast %get3A_644 : vector<1x16xf32> to vector<16xf32>
        %add3A_646 = arith.addf %add3A_590, %get3A_645 : vector<16xf32>
        %add3A_647 = arith.constant 2 : i32
        %add3A_648 = arith.addi %add3A_570, %add3A_647 : i32
        %get3A_649 = arith.index_cast %add3A_648 : i32 to index
        %get3A_650 = arith.constant 48 : index
        %get3A_651 = tpu.vector_load %arg7[%get3A_649, %get3A_650] {strides = array<i32>} : memref<400x64xf32, #tpu.memory_space<vmem>>, vector<1x16xf32>,
        %get3A_652 = vector.shape_cast %get3A_651 : vector<1x16xf32> to vector<16xf32>
        %add3A_653 = arith.addf %add3A_597, %get3A_652 : vector<16xf32>
        %add3A_654 = arith.constant 3 : i32
        %add3A_655 = arith.addi %add3A_570, %add3A_654 : i32
        %get3A_656 = arith.index_cast %add3A_655 : i32 to index
        %get3A_657 = arith.constant 0 : index
        %get3A_658 = tpu.vector_load %arg7[%get3A_656, %get3A_657] {strides = array<i32>} : memref<400x64xf32, #tpu.memory_space<vmem>>, vector<1x16xf32>,
        %get3A_659 = vector.shape_cast %get3A_658 : vector<1x16xf32> to vector<16xf32>
        %add3A_660 = arith.addf %add3A_604, %get3A_659 : vector<16xf32>
        %add3A_661 = arith.constant 3 : i32
        %add3A_662 = arith.addi %add3A_570, %add3A_661 : i32
        %get3A_663 = arith.index_cast %add3A_662 : i32 to index
        %get3A_664 = arith.constant 16 : index
        %get3A_665 = tpu.vector_load %arg7[%get3A_663, %get3A_664] {strides = array<i32>} : memref<400x64xf32, #tpu.memory_space<vmem>>, vector<1x16xf32>,
        %get3A_666 = vector.shape_cast %get3A_665 : vector<1x16xf32> to vector<16xf32>
        %add3A_667 = arith.addf %add3A_611, %get3A_666 : vector<16xf32>
        %add3A_668 = arith.constant 3 : i32
        %add3A_669 = arith.addi %add3A_570, %add3A_668 : i32
        %get3A_670 = arith.index_cast %add3A_669 : i32 to index
        %get3A_671 = arith.constant 32 : index
        %get3A_672 = tpu.vector_load %arg7[%get3A_670, %get3A_671] {strides = array<i32>} : memref<400x64xf32, #tpu.memory_space<vmem>>, vector<1x16xf32>,
        %get3A_673 = vector.shape_cast %get3A_672 : vector<1x16xf32> to vector<16xf32>
        %add3A_674 = arith.addf %add3A_618, %get3A_673 : vector<16xf32>
        %add3A_675 = arith.constant 3 : i32
        %add3A_676 = arith.addi %add3A_570, %add3A_675 : i32
        %get3A_677 = arith.index_cast %add3A_676 : i32 to index
        %get3A_678 = arith.constant 48 : index
        %get3A_679 = tpu.vector_load %arg7[%get3A_677, %get3A_678] {strides = array<i32>} : memref<400x64xf32, #tpu.memory_space<vmem>>, vector<1x16xf32>,
        %get3A_680 = vector.shape_cast %get3A_679 : vector<1x16xf32> to vector<16xf32>
        %add3A_681 = arith.addf %add3A_625, %get3A_680 : vector<16xf32>
        %add3A_682 = arith.constant 4 : i32
        %add3A_683 = arith.addi %add3A_570, %add3A_682 : i32
        %get3A_684 = arith.index_cast %add3A_683 : i32 to index
        %get3A_685 = arith.constant 0 : index
        %get3A_686 = tpu.vector_load %arg7[%get3A_684, %get3A_685] {strides = array<i32>} : memref<400x64xf32, #tpu.memory_space<vmem>>, vector<1x16xf32>,
        %get3A_687 = vector.shape_cast %get3A_686 : vector<1x16xf32> to vector<16xf32>
        %add3A_688 = arith.addf %add3A_632, %get3A_687 : vector<16xf32>
        %add3A_689 = arith.constant 4 : i32
        %add3A_690 = arith.addi %add3A_570, %add3A_689 : i32
        %get3A_691 = arith.index_cast %add3A_690 : i32 to index
        %get3A_692 = arith.constant 16 : index
        %get3A_693 = tpu.vector_load %arg7[%get3A_691, %get3A_692] {strides = array<i32>} : memref<400x64xf32, #tpu.memory_space<vmem>>, vector<1x16xf32>,
        %get3A_694 = vector.shape_cast %get3A_693 : vector<1x16xf32> to vector<16xf32>
        %add3A_695 = arith.addf %add3A_639, %get3A_694 : vector<16xf32>
        %add3A_696 = arith.constant 4 : i32
        %add3A_697 = arith.addi %add3A_570, %add3A_696 : i32
        %get3A_698 = arith.index_cast %add3A_697 : i32 to index
        %get3A_699 = arith.constant 32 : index
        %get3A_700 = tpu.vector_load %arg7[%get3A_698, %get3A_699] {strides = array<i32>} : memref<400x64xf32, #tpu.memory_space<vmem>>, vector<1x16xf32>,
        %get3A_701 = vector.shape_cast %get3A_700 : vector<1x16xf32> to vector<16xf32>
        %add3A_702 = arith.addf %add3A_646, %get3A_701 : vector<16xf32>
        %add3A_703 = arith.constant 4 : i32
        %add3A_704 = arith.addi %add3A_570, %add3A_703 : i32
        %get3A_705 = arith.index_cast %add3A_704 : i32 to index
        %get3A_706 = arith.constant 48 : index
        %get3A_707 = tpu.vector_load %arg7[%get3A_705, %get3A_706] {strides = array<i32>} : memref<400x64xf32, #tpu.memory_space<vmem>>, vector<1x16xf32>,
        %get3A_708 = vector.shape_cast %get3A_707 : vector<1x16xf32> to vector<16xf32>
        %add3A_709 = arith.addf %add3A_653, %get3A_708 : vector<16xf32>
        %add3A_710 = arith.constant 5 : i32
        %add3A_711 = arith.addi %add3A_570, %add3A_710 : i32
        %get3A_712 = arith.index_cast %add3A_711 : i32 to index
        %get3A_713 = arith.constant 0 : index
        %get3A_714 = tpu.vector_load %arg7[%get3A_712, %get3A_713] {strides = array<i32>} : memref<400x64xf32, #tpu.memory_space<vmem>>, vector<1x16xf32>,
        %get3A_715 = vector.shape_cast %get3A_714 : vector<1x16xf32> to vector<16xf32>
        %add3A_716 = arith.addf %add3A_660, %get3A_715 : vector<16xf32>
        %add3A_717 = arith.constant 5 : i32
        %add3A_718 = arith.addi %add3A_570, %add3A_717 : i32
        %get3A_719 = arith.index_cast %add3A_718 : i32 to index
        %get3A_720 = arith.constant 16 : index
        %get3A_721 = tpu.vector_load %arg7[%get3A_719, %get3A_720] {strides = array<i32>} : memref<400x64xf32, #tpu.memory_space<vmem>>, vector<1x16xf32>,
        %get3A_722 = vector.shape_cast %get3A_721 : vector<1x16xf32> to vector<16xf32>
        %add3A_723 = arith.addf %add3A_667, %get3A_722 : vector<16xf32>
        %add3A_724 = arith.constant 5 : i32
        %add3A_725 = arith.addi %add3A_570, %add3A_724 : i32
        %get3A_726 = arith.index_cast %add3A_725 : i32 to index
        %get3A_727 = arith.constant 32 : index
        %get3A_728 = tpu.vector_load %arg7[%get3A_726, %get3A_727] {strides = array<i32>} : memref<400x64xf32, #tpu.memory_space<vmem>>, vector<1x16xf32>,
        %get3A_729 = vector.shape_cast %get3A_728 : vector<1x16xf32> to vector<16xf32>
        %add3A_730 = arith.addf %add3A_674, %get3A_729 : vector<16xf32>
        %add3A_731 = arith.constant 5 : i32
        %add3A_732 = arith.addi %add3A_570, %add3A_731 : i32
        %get3A_733 = arith.index_cast %add3A_732 : i32 to index
        %get3A_734 = arith.constant 48 : index
        %get3A_735 = tpu.vector_load %arg7[%get3A_733, %get3A_734] {strides = array<i32>} : memref<400x64xf32, #tpu.memory_space<vmem>>, vector<1x16xf32>,
        %get3A_736 = vector.shape_cast %get3A_735 : vector<1x16xf32> to vector<16xf32>
        %add3A_737 = arith.addf %add3A_681, %get3A_736 : vector<16xf32>
        %add3A_738 = arith.constant 6 : i32
        %add3A_739 = arith.addi %add3A_570, %add3A_738 : i32
        %get3A_740 = arith.index_cast %add3A_739 : i32 to index
        %get3A_741 = arith.constant 0 : index
        %get3A_742 = tpu.vector_load %arg7[%get3A_740, %get3A_741] {strides = array<i32>} : memref<400x64xf32, #tpu.memory_space<vmem>>, vector<1x16xf32>,
        %get3A_743 = vector.shape_cast %get3A_742 : vector<1x16xf32> to vector<16xf32>
        %add3A_744 = arith.addf %add3A_688, %get3A_743 : vector<16xf32>
        %add3A_745 = arith.constant 6 : i32
        %add3A_746 = arith.addi %add3A_570, %add3A_745 : i32
        %get3A_747 = arith.index_cast %add3A_746 : i32 to index
        %get3A_748 = arith.constant 16 : index
        %get3A_749 = tpu.vector_load %arg7[%get3A_747, %get3A_748] {strides = array<i32>} : memref<400x64xf32, #tpu.memory_space<vmem>>, vector<1x16xf32>,
        %get3A_750 = vector.shape_cast %get3A_749 : vector<1x16xf32> to vector<16xf32>
        %add3A_751 = arith.addf %add3A_695, %get3A_750 : vector<16xf32>
        %add3A_752 = arith.constant 6 : i32
        %add3A_753 = arith.addi %add3A_570, %add3A_752 : i32
        %get3A_754 = arith.index_cast %add3A_753 : i32 to index
        %get3A_755 = arith.constant 32 : index
        %get3A_756 = tpu.vector_load %arg7[%get3A_754, %get3A_755] {strides = array<i32>} : memref<400x64xf32, #tpu.memory_space<vmem>>, vector<1x16xf32>,
        %get3A_757 = vector.shape_cast %get3A_756 : vector<1x16xf32> to vector<16xf32>
        %add3A_758 = arith.addf %add3A_702, %get3A_757 : vector<16xf32>
        %add3A_759 = arith.constant 6 : i32
        %add3A_760 = arith.addi %add3A_570, %add3A_759 : i32
        %get3A_761 = arith.index_cast %add3A_760 : i32 to index
        %get3A_762 = arith.constant 48 : index
        %get3A_763 = tpu.vector_load %arg7[%get3A_761, %get3A_762] {strides = array<i32>} : memref<400x64xf32, #tpu.memory_space<vmem>>, vector<1x16xf32>,
        %get3A_764 = vector.shape_cast %get3A_763 : vector<1x16xf32> to vector<16xf32>
        %add3A_765 = arith.addf %add3A_709, %get3A_764 : vector<16xf32>
        %add3A_766 = arith.constant 7 : i32
        %add3A_767 = arith.addi %add3A_570, %add3A_766 : i32
        %get3A_768 = arith.index_cast %add3A_767 : i32 to index
        %get3A_769 = arith.constant 0 : index
        %get3A_770 = tpu.vector_load %arg7[%get3A_768, %get3A_769] {strides = array<i32>} : memref<400x64xf32, #tpu.memory_space<vmem>>, vector<1x16xf32>,
        %get3A_771 = vector.shape_cast %get3A_770 : vector<1x16xf32> to vector<16xf32>
        %add3A_772 = arith.addf %add3A_716, %get3A_771 : vector<16xf32>
        %add3A_773 = arith.constant 7 : i32
        %add3A_774 = arith.addi %add3A_570, %add3A_773 : i32
        %get3A_775 = arith.index_cast %add3A_774 : i32 to index
        %get3A_776 = arith.constant 16 : index
        %get3A_777 = tpu.vector_load %arg7[%get3A_775, %get3A_776] {strides = array<i32>} : memref<400x64xf32, #tpu.memory_space<vmem>>, vector<1x16xf32>,
        %get3A_778 = vector.shape_cast %get3A_777 : vector<1x16xf32> to vector<16xf32>
        %add3A_779 = arith.addf %add3A_723, %get3A_778 : vector<16xf32>
        %add3A_780 = arith.constant 7 : i32
        %add3A_781 = arith.addi %add3A_570, %add3A_780 : i32
        %get3A_782 = arith.index_cast %add3A_781 : i32 to index
        %get3A_783 = arith.constant 32 : index
        %get3A_784 = tpu.vector_load %arg7[%get3A_782, %get3A_783] {strides = array<i32>} : memref<400x64xf32, #tpu.memory_space<vmem>>, vector<1x16xf32>,
        %get3A_785 = vector.shape_cast %get3A_784 : vector<1x16xf32> to vector<16xf32>
        %add3A_786 = arith.addf %add3A_730, %get3A_785 : vector<16xf32>
        %add3A_787 = arith.constant 7 : i32
        %add3A_788 = arith.addi %add3A_570, %add3A_787 : i32
        %get3A_789 = arith.index_cast %add3A_788 : i32 to index
        %get3A_790 = arith.constant 48 : index
        %get3A_791 = tpu.vector_load %arg7[%get3A_789, %get3A_790] {strides = array<i32>} : memref<400x64xf32, #tpu.memory_space<vmem>>, vector<1x16xf32>,
        %get3A_792 = vector.shape_cast %get3A_791 : vector<1x16xf32> to vector<16xf32>
        %add3A_793 = arith.addf %add3A_737, %get3A_792 : vector<16xf32>
        scf.yield %add3A_744, %add3A_772, %add3A_751, %add3A_779, %add3A_758, %add3A_786, %add3A_765, %add3A_793 : vector<16xf32>, vector<16xf32>, vector<16xf32>, vector<16xf32>, vector<16xf32>, vector<16xf32>, vector<16xf32>, vector<16xf32>
      }
      %scan3A_379 = arith.constant 25 : i32
      %add3A_380 = arith.addf %scan3A_378#0, %scan3A_378#1 : vector<16xf32>
      %mul3A_381 = vector.broadcast %scan3A_46 : f32 to vector<16xf32>
      %mul3A_382 = arith.mulf %add3A_380, %mul3A_381 : vector<16xf32>
      %mul3A_383 = arith.constant 64 : i32
      %mul3A_384 = arith.muli %add3A_371, %mul3A_383 : i32
      %add3A_385 = arith.constant 0 : i32
      %add3A_386 = arith.addi %mul3A_384, %add3A_385 : i32
      %swap3A_387 = arith.index_cast %add3A_386 : i32 to index
      %swap3A_388 = tpu.vector_load %arg9[%swap3A_387] {strides = array<i32>} : memref<8192xf32, #tpu.memory_space<vmem>>, vector<16xf32>,
      %swap3A_389 = vector.shape_cast %swap3A_388 : vector<16xf32> to vector<16xf32>
      %swap3A_390 = vector.shape_cast %mul3A_382 : vector<16xf32> to vector<16xf32>
      tpu.vector_store %arg9[%swap3A_387], %swap3A_390 {strides = array<i32>} : memref<8192xf32, #tpu.memory_space<vmem>>, vector<16xf32>,
      %add3A_391 = arith.addf %scan3A_378#2, %scan3A_378#3 : vector<16xf32>
      %mul3A_392 = vector.broadcast %scan3A_46 : f32 to vector<16xf32>
      %mul3A_393 = arith.mulf %add3A_391, %mul3A_392 : vector<16xf32>
      %mul3A_394 = arith.constant 64 : i32
      %mul3A_395 = arith.muli %add3A_371, %mul3A_394 : i32
      %add3A_396 = arith.constant 16 : i32
      %add3A_397 = arith.addi %mul3A_395, %add3A_396 : i32
      %swap3A_398 = arith.index_cast %add3A_397 : i32 to index
      %swap3A_399 = tpu.vector_load %arg9[%swap3A_398] {strides = array<i32>} : memref<8192xf32, #tpu.memory_space<vmem>>, vector<16xf32>,
      %swap3A_400 = vector.shape_cast %swap3A_399 : vector<16xf32> to vector<16xf32>
      %swap3A_401 = vector.shape_cast %mul3A_393 : vector<16xf32> to vector<16xf32>
      tpu.vector_store %arg9[%swap3A_398], %swap3A_401 {strides = array<i32>} : memref<8192xf32, #tpu.memory_space<vmem>>, vector<16xf32>,
      %add3A_402 = arith.addf %scan3A_378#4, %scan3A_378#5 : vector<16xf32>
      %mul3A_403 = vector.broadcast %scan3A_46 : f32 to vector<16xf32>
      %mul3A_404 = arith.mulf %add3A_402, %mul3A_403 : vector<16xf32>
      %mul3A_405 = arith.constant 64 : i32
      %mul3A_406 = arith.muli %add3A_371, %mul3A_405 : i32
      %add3A_407 = arith.constant 32 : i32
      %add3A_408 = arith.addi %mul3A_406, %add3A_407 : i32
      %swap3A_409 = arith.index_cast %add3A_408 : i32 to index
      %swap3A_410 = tpu.vector_load %arg9[%swap3A_409] {strides = array<i32>} : memref<8192xf32, #tpu.memory_space<vmem>>, vector<16xf32>,
      %swap3A_411 = vector.shape_cast %swap3A_410 : vector<16xf32> to vector<16xf32>
      %swap3A_412 = vector.shape_cast %mul3A_404 : vector<16xf32> to vector<16xf32>
      tpu.vector_store %arg9[%swap3A_409], %swap3A_412 {strides = array<i32>} : memref<8192xf32, #tpu.memory_space<vmem>>, vector<16xf32>,
      %add3A_413 = arith.addf %scan3A_378#6, %scan3A_378#7 : vector<16xf32>
      %mul3A_414 = vector.broadcast %scan3A_46 : f32 to vector<16xf32>
      %mul3A_415 = arith.mulf %add3A_413, %mul3A_414 : vector<16xf32>
      %mul3A_416 = arith.constant 64 : i32
      %mul3A_417 = arith.muli %add3A_371, %mul3A_416 : i32
      %add3A_418 = arith.constant 48 : i32
      %add3A_419 = arith.addi %mul3A_417, %add3A_418 : i32
      %swap3A_420 = arith.index_cast %add3A_419 : i32 to index
      %swap3A_421 = tpu.vector_load %arg9[%swap3A_420] {strides = array<i32>} : memref<8192xf32, #tpu.memory_space<vmem>>, vector<16xf32>,
      %swap3A_422 = vector.shape_cast %swap3A_421 : vector<16xf32> to vector<16xf32>
      %swap3A_423 = vector.shape_cast %mul3A_415 : vector<16xf32> to vector<16xf32>
      tpu.vector_store %arg9[%swap3A_420], %swap3A_423 {strides = array<i32>} : memref<8192xf32, #tpu.memory_space<vmem>>, vector<16xf32>,
      %add3A_424 = arith.constant 3 : i32
      %add3A_425 = arith.addi %add3A_305, %add3A_424 : i32
      %lt3A_426 = arith.constant 64 : i32
      %lt3A_427 = arith.cmpi slt, %add3A_425, %lt3A_426 : i32
      %convert_element_type3A_428 = arith.extui %lt3A_427 : i1 to i32
      %cond3A_429 = arith.constant 0 : i32
      %cond3A_430 = arith.cmpi ne, %convert_element_type3A_428, %cond3A_429 : i32
      scf.if %cond3A_430 {
        %add3A_558 = arith.constant 3 : i32
        %add3A_559 = arith.addi %add3A_305, %add3A_558 : i32
        %mul3A_560 = arith.constant 400 : i32
        %mul3A_561 = arith.muli %add3A_559, %mul3A_560 : i32
        %dma_start3A_562 = tpu.memref_slice %arg5[%mul3A_561] : memref<25600xi32, #tpu.memory_space<vmem>> -> memref<400xi32, #tpu.memory_space<vmem>>
        %dma_start3A_563 = arith.constant 0 : i32
        %dma_start3A_564 = arith.constant 0 : i32
        %dma_start3A_565 = tpu.memref_slice %arg3[%dma_start3A_563, %dma_start3A_564] : memref<1000000x64xf32, #tpu.memory_space<hbm>> -> memref<1000000x64xf32, #tpu.memory_space<hbm>>
        tpu.enqueue_indirect_dma source(%dma_start3A_565 : memref<1000000x64xf32, #tpu.memory_space<hbm>>) target(%arg7 : memref<400x64xf32, #tpu.memory_space<vmem>>) offsets(%dma_start3A_562 : memref<400xi32, #tpu.memory_space<vmem>>) semaphore(%arg12 : memref<!tpu.dma_semaphore, #tpu.memory_space<semaphore_mem>>)
      } else {
      }
      %add3A_431 = arith.constant 2 : i32
      %add3A_432 = arith.addi %mul3A_179, %add3A_431 : i32
      %dma_wait3A_433 = arith.constant 0 : i32
      %dma_wait3A_434 = arith.constant 0 : i32
      %dma_wait3A_435 = tpu.memref_slice %arg3[%dma_wait3A_433, %dma_wait3A_434] : memref<1000000x64xf32, #tpu.memory_space<hbm>> -> memref<400x64xf32, #tpu.memory_space<hbm>>
      %dma_wait3A_436 = arith.constant 0 : i32
      %dma_wait3A_437 = arith.constant 0 : i32
      %dma_wait3A_438 = tpu.memref_slice %arg3[%dma_wait3A_436, %dma_wait3A_437] : memref<1000000x64xf32, #tpu.memory_space<hbm>> -> memref<400x64xf32, #tpu.memory_space<hbm>>
      tpu.wait_dma2 semaphore(%arg13 : memref<!tpu.dma_semaphore, #tpu.memory_space<semaphore_mem>>) src(%dma_wait3A_438 : memref<400x64xf32, #tpu.memory_space<hbm>>) dst(%arg8 : memref<400x64xf32, #tpu.memory_space<vmem>>)
      %mul3A_439 = arith.constant 2 : i32
      %mul3A_440 = arith.muli %add3A_432, %mul3A_439 : i32
      %add3A_441 = arith.constant 0 : i32
      %add3A_442 = arith.addi %mul3A_440, %add3A_441 : i32
      %broadcast_in_dim3A_443 = arith.constant 0.000000e+00 : f32
      %broadcast_in_dim3A_444 = vector.broadcast %broadcast_in_dim3A_443 : f32 to vector<16xf32>
      %scan3A_445 = arith.constant 0 : i32
      %scan3A_446 = arith.constant 25 : i32
      %scan3A_447 = arith.addi %scan3A_445, %scan3A_446 : i32
      %scan3A_448 = arith.constant 1 : i32
      %scan3A_449:8 = scf.for %scan3A_558 = %scan3A_445 to %scan3A_447 step %scan3A_448 iter_args(%scan3A_559 = %broadcast_in_dim3A_444, %scan3A_560 = %broadcast_in_dim3A_444, %scan3A_561 = %broadcast_in_dim3A_444, %scan3A_562 = %broadcast_in_dim3A_444, %scan3A_563 = %broadcast_in_dim3A_444, %scan3A_564 = %broadcast_in_dim3A_444, %scan3A_565 = %broadcast_in_dim3A_444, %scan3A_566 = %broadcast_in_dim3A_444) -> (vector<16xf32>, vector<16xf32>, vector<16xf32>, vector<16xf32>, vector<16xf32>, vector<16xf32>, vector<16xf32>, vector<16xf32>)  : i32 {
        %mul3A_567 = arith.constant 8 : i32
        %mul3A_568 = arith.muli %scan3A_558, %mul3A_567 : i32
        %add3A_569 = arith.constant 0 : i32
        %add3A_570 = arith.addi %add3A_569, %mul3A_568 : i32
        %add3A_571 = arith.constant 0 : i32
        %add3A_572 = arith.addi %add3A_570, %add3A_571 : i32
        %get3A = arith.index_cast %add3A_572 : i32 to index
        %get3A_573 = arith.constant 0 : index
        %get3A_574 = tpu.vector_load %arg8[%get3A, %get3A_573] {strides = array<i32>} : memref<400x64xf32, #tpu.memory_space<vmem>>, vector<1x16xf32>,
        %get3A_575 = vector.shape_cast %get3A_574 : vector<1x16xf32> to vector<16xf32>
        %add3A_576 = arith.addf %scan3A_559, %get3A_575 : vector<16xf32>
        %add3A_577 = arith.constant 0 : i32
        %add3A_578 = arith.addi %add3A_570, %add3A_577 : i32
        %get3A_579 = arith.index_cast %add3A_578 : i32 to index
        %get3A_580 = arith.constant 16 : index
        %get3A_581 = tpu.vector_load %arg8[%get3A_579, %get3A_580] {strides = array<i32>} : memref<400x64xf32, #tpu.memory_space<vmem>>, vector<1x16xf32>,
        %get3A_582 = vector.shape_cast %get3A_581 : vector<1x16xf32> to vector<16xf32>
        %add3A_583 = arith.addf %scan3A_561, %get3A_582 : vector<16xf32>
        %add3A_584 = arith.constant 0 : i32
        %add3A_585 = arith.addi %add3A_570, %add3A_584 : i32
        %get3A_586 = arith.index_cast %add3A_585 : i32 to index
        %get3A_587 = arith.constant 32 : index
        %get3A_588 = tpu.vector_load %arg8[%get3A_586, %get3A_587] {strides = array<i32>} : memref<400x64xf32, #tpu.memory_space<vmem>>, vector<1x16xf32>,
        %get3A_589 = vector.shape_cast %get3A_588 : vector<1x16xf32> to vector<16xf32>
        %add3A_590 = arith.addf %scan3A_563, %get3A_589 : vector<16xf32>
        %add3A_591 = arith.constant 0 : i32
        %add3A_592 = arith.addi %add3A_570, %add3A_591 : i32
        %get3A_593 = arith.index_cast %add3A_592 : i32 to index
        %get3A_594 = arith.constant 48 : index
        %get3A_595 = tpu.vector_load %arg8[%get3A_593, %get3A_594] {strides = array<i32>} : memref<400x64xf32, #tpu.memory_space<vmem>>, vector<1x16xf32>,
        %get3A_596 = vector.shape_cast %get3A_595 : vector<1x16xf32> to vector<16xf32>
        %add3A_597 = arith.addf %scan3A_565, %get3A_596 : vector<16xf32>
        %add3A_598 = arith.constant 1 : i32
        %add3A_599 = arith.addi %add3A_570, %add3A_598 : i32
        %get3A_600 = arith.index_cast %add3A_599 : i32 to index
        %get3A_601 = arith.constant 0 : index
        %get3A_602 = tpu.vector_load %arg8[%get3A_600, %get3A_601] {strides = array<i32>} : memref<400x64xf32, #tpu.memory_space<vmem>>, vector<1x16xf32>,
        %get3A_603 = vector.shape_cast %get3A_602 : vector<1x16xf32> to vector<16xf32>
        %add3A_604 = arith.addf %scan3A_560, %get3A_603 : vector<16xf32>
        %add3A_605 = arith.constant 1 : i32
        %add3A_606 = arith.addi %add3A_570, %add3A_605 : i32
        %get3A_607 = arith.index_cast %add3A_606 : i32 to index
        %get3A_608 = arith.constant 16 : index
        %get3A_609 = tpu.vector_load %arg8[%get3A_607, %get3A_608] {strides = array<i32>} : memref<400x64xf32, #tpu.memory_space<vmem>>, vector<1x16xf32>,
        %get3A_610 = vector.shape_cast %get3A_609 : vector<1x16xf32> to vector<16xf32>
        %add3A_611 = arith.addf %scan3A_562, %get3A_610 : vector<16xf32>
        %add3A_612 = arith.constant 1 : i32
        %add3A_613 = arith.addi %add3A_570, %add3A_612 : i32
        %get3A_614 = arith.index_cast %add3A_613 : i32 to index
        %get3A_615 = arith.constant 32 : index
        %get3A_616 = tpu.vector_load %arg8[%get3A_614, %get3A_615] {strides = array<i32>} : memref<400x64xf32, #tpu.memory_space<vmem>>, vector<1x16xf32>,
        %get3A_617 = vector.shape_cast %get3A_616 : vector<1x16xf32> to vector<16xf32>
        %add3A_618 = arith.addf %scan3A_564, %get3A_617 : vector<16xf32>
        %add3A_619 = arith.constant 1 : i32
        %add3A_620 = arith.addi %add3A_570, %add3A_619 : i32
        %get3A_621 = arith.index_cast %add3A_620 : i32 to index
        %get3A_622 = arith.constant 48 : index
        %get3A_623 = tpu.vector_load %arg8[%get3A_621, %get3A_622] {strides = array<i32>} : memref<400x64xf32, #tpu.memory_space<vmem>>, vector<1x16xf32>,
        %get3A_624 = vector.shape_cast %get3A_623 : vector<1x16xf32> to vector<16xf32>
        %add3A_625 = arith.addf %scan3A_566, %get3A_624 : vector<16xf32>
        %add3A_626 = arith.constant 2 : i32
        %add3A_627 = arith.addi %add3A_570, %add3A_626 : i32
        %get3A_628 = arith.index_cast %add3A_627 : i32 to index
        %get3A_629 = arith.constant 0 : index
        %get3A_630 = tpu.vector_load %arg8[%get3A_628, %get3A_629] {strides = array<i32>} : memref<400x64xf32, #tpu.memory_space<vmem>>, vector<1x16xf32>,
        %get3A_631 = vector.shape_cast %get3A_630 : vector<1x16xf32> to vector<16xf32>
        %add3A_632 = arith.addf %add3A_576, %get3A_631 : vector<16xf32>
        %add3A_633 = arith.constant 2 : i32
        %add3A_634 = arith.addi %add3A_570, %add3A_633 : i32
        %get3A_635 = arith.index_cast %add3A_634 : i32 to index
        %get3A_636 = arith.constant 16 : index
        %get3A_637 = tpu.vector_load %arg8[%get3A_635, %get3A_636] {strides = array<i32>} : memref<400x64xf32, #tpu.memory_space<vmem>>, vector<1x16xf32>,
        %get3A_638 = vector.shape_cast %get3A_637 : vector<1x16xf32> to vector<16xf32>
        %add3A_639 = arith.addf %add3A_583, %get3A_638 : vector<16xf32>
        %add3A_640 = arith.constant 2 : i32
        %add3A_641 = arith.addi %add3A_570, %add3A_640 : i32
        %get3A_642 = arith.index_cast %add3A_641 : i32 to index
        %get3A_643 = arith.constant 32 : index
        %get3A_644 = tpu.vector_load %arg8[%get3A_642, %get3A_643] {strides = array<i32>} : memref<400x64xf32, #tpu.memory_space<vmem>>, vector<1x16xf32>,
        %get3A_645 = vector.shape_cast %get3A_644 : vector<1x16xf32> to vector<16xf32>
        %add3A_646 = arith.addf %add3A_590, %get3A_645 : vector<16xf32>
        %add3A_647 = arith.constant 2 : i32
        %add3A_648 = arith.addi %add3A_570, %add3A_647 : i32
        %get3A_649 = arith.index_cast %add3A_648 : i32 to index
        %get3A_650 = arith.constant 48 : index
        %get3A_651 = tpu.vector_load %arg8[%get3A_649, %get3A_650] {strides = array<i32>} : memref<400x64xf32, #tpu.memory_space<vmem>>, vector<1x16xf32>,
        %get3A_652 = vector.shape_cast %get3A_651 : vector<1x16xf32> to vector<16xf32>
        %add3A_653 = arith.addf %add3A_597, %get3A_652 : vector<16xf32>
        %add3A_654 = arith.constant 3 : i32
        %add3A_655 = arith.addi %add3A_570, %add3A_654 : i32
        %get3A_656 = arith.index_cast %add3A_655 : i32 to index
        %get3A_657 = arith.constant 0 : index
        %get3A_658 = tpu.vector_load %arg8[%get3A_656, %get3A_657] {strides = array<i32>} : memref<400x64xf32, #tpu.memory_space<vmem>>, vector<1x16xf32>,
        %get3A_659 = vector.shape_cast %get3A_658 : vector<1x16xf32> to vector<16xf32>
        %add3A_660 = arith.addf %add3A_604, %get3A_659 : vector<16xf32>
        %add3A_661 = arith.constant 3 : i32
        %add3A_662 = arith.addi %add3A_570, %add3A_661 : i32
        %get3A_663 = arith.index_cast %add3A_662 : i32 to index
        %get3A_664 = arith.constant 16 : index
        %get3A_665 = tpu.vector_load %arg8[%get3A_663, %get3A_664] {strides = array<i32>} : memref<400x64xf32, #tpu.memory_space<vmem>>, vector<1x16xf32>,
        %get3A_666 = vector.shape_cast %get3A_665 : vector<1x16xf32> to vector<16xf32>
        %add3A_667 = arith.addf %add3A_611, %get3A_666 : vector<16xf32>
        %add3A_668 = arith.constant 3 : i32
        %add3A_669 = arith.addi %add3A_570, %add3A_668 : i32
        %get3A_670 = arith.index_cast %add3A_669 : i32 to index
        %get3A_671 = arith.constant 32 : index
        %get3A_672 = tpu.vector_load %arg8[%get3A_670, %get3A_671] {strides = array<i32>} : memref<400x64xf32, #tpu.memory_space<vmem>>, vector<1x16xf32>,
        %get3A_673 = vector.shape_cast %get3A_672 : vector<1x16xf32> to vector<16xf32>
        %add3A_674 = arith.addf %add3A_618, %get3A_673 : vector<16xf32>
        %add3A_675 = arith.constant 3 : i32
        %add3A_676 = arith.addi %add3A_570, %add3A_675 : i32
        %get3A_677 = arith.index_cast %add3A_676 : i32 to index
        %get3A_678 = arith.constant 48 : index
        %get3A_679 = tpu.vector_load %arg8[%get3A_677, %get3A_678] {strides = array<i32>} : memref<400x64xf32, #tpu.memory_space<vmem>>, vector<1x16xf32>,
        %get3A_680 = vector.shape_cast %get3A_679 : vector<1x16xf32> to vector<16xf32>
        %add3A_681 = arith.addf %add3A_625, %get3A_680 : vector<16xf32>
        %add3A_682 = arith.constant 4 : i32
        %add3A_683 = arith.addi %add3A_570, %add3A_682 : i32
        %get3A_684 = arith.index_cast %add3A_683 : i32 to index
        %get3A_685 = arith.constant 0 : index
        %get3A_686 = tpu.vector_load %arg8[%get3A_684, %get3A_685] {strides = array<i32>} : memref<400x64xf32, #tpu.memory_space<vmem>>, vector<1x16xf32>,
        %get3A_687 = vector.shape_cast %get3A_686 : vector<1x16xf32> to vector<16xf32>
        %add3A_688 = arith.addf %add3A_632, %get3A_687 : vector<16xf32>
        %add3A_689 = arith.constant 4 : i32
        %add3A_690 = arith.addi %add3A_570, %add3A_689 : i32
        %get3A_691 = arith.index_cast %add3A_690 : i32 to index
        %get3A_692 = arith.constant 16 : index
        %get3A_693 = tpu.vector_load %arg8[%get3A_691, %get3A_692] {strides = array<i32>} : memref<400x64xf32, #tpu.memory_space<vmem>>, vector<1x16xf32>,
        %get3A_694 = vector.shape_cast %get3A_693 : vector<1x16xf32> to vector<16xf32>
        %add3A_695 = arith.addf %add3A_639, %get3A_694 : vector<16xf32>
        %add3A_696 = arith.constant 4 : i32
        %add3A_697 = arith.addi %add3A_570, %add3A_696 : i32
        %get3A_698 = arith.index_cast %add3A_697 : i32 to index
        %get3A_699 = arith.constant 32 : index
        %get3A_700 = tpu.vector_load %arg8[%get3A_698, %get3A_699] {strides = array<i32>} : memref<400x64xf32, #tpu.memory_space<vmem>>, vector<1x16xf32>,
        %get3A_701 = vector.shape_cast %get3A_700 : vector<1x16xf32> to vector<16xf32>
        %add3A_702 = arith.addf %add3A_646, %get3A_701 : vector<16xf32>
        %add3A_703 = arith.constant 4 : i32
        %add3A_704 = arith.addi %add3A_570, %add3A_703 : i32
        %get3A_705 = arith.index_cast %add3A_704 : i32 to index
        %get3A_706 = arith.constant 48 : index
        %get3A_707 = tpu.vector_load %arg8[%get3A_705, %get3A_706] {strides = array<i32>} : memref<400x64xf32, #tpu.memory_space<vmem>>, vector<1x16xf32>,
        %get3A_708 = vector.shape_cast %get3A_707 : vector<1x16xf32> to vector<16xf32>
        %add3A_709 = arith.addf %add3A_653, %get3A_708 : vector<16xf32>
        %add3A_710 = arith.constant 5 : i32
        %add3A_711 = arith.addi %add3A_570, %add3A_710 : i32
        %get3A_712 = arith.index_cast %add3A_711 : i32 to index
        %get3A_713 = arith.constant 0 : index
        %get3A_714 = tpu.vector_load %arg8[%get3A_712, %get3A_713] {strides = array<i32>} : memref<400x64xf32, #tpu.memory_space<vmem>>, vector<1x16xf32>,
        %get3A_715 = vector.shape_cast %get3A_714 : vector<1x16xf32> to vector<16xf32>
        %add3A_716 = arith.addf %add3A_660, %get3A_715 : vector<16xf32>
        %add3A_717 = arith.constant 5 : i32
        %add3A_718 = arith.addi %add3A_570, %add3A_717 : i32
        %get3A_719 = arith.index_cast %add3A_718 : i32 to index
        %get3A_720 = arith.constant 16 : index
        %get3A_721 = tpu.vector_load %arg8[%get3A_719, %get3A_720] {strides = array<i32>} : memref<400x64xf32, #tpu.memory_space<vmem>>, vector<1x16xf32>,
        %get3A_722 = vector.shape_cast %get3A_721 : vector<1x16xf32> to vector<16xf32>
        %add3A_723 = arith.addf %add3A_667, %get3A_722 : vector<16xf32>
        %add3A_724 = arith.constant 5 : i32
        %add3A_725 = arith.addi %add3A_570, %add3A_724 : i32
        %get3A_726 = arith.index_cast %add3A_725 : i32 to index
        %get3A_727 = arith.constant 32 : index
        %get3A_728 = tpu.vector_load %arg8[%get3A_726, %get3A_727] {strides = array<i32>} : memref<400x64xf32, #tpu.memory_space<vmem>>, vector<1x16xf32>,
        %get3A_729 = vector.shape_cast %get3A_728 : vector<1x16xf32> to vector<16xf32>
        %add3A_730 = arith.addf %add3A_674, %get3A_729 : vector<16xf32>
        %add3A_731 = arith.constant 5 : i32
        %add3A_732 = arith.addi %add3A_570, %add3A_731 : i32
        %get3A_733 = arith.index_cast %add3A_732 : i32 to index
        %get3A_734 = arith.constant 48 : index
        %get3A_735 = tpu.vector_load %arg8[%get3A_733, %get3A_734] {strides = array<i32>} : memref<400x64xf32, #tpu.memory_space<vmem>>, vector<1x16xf32>,
        %get3A_736 = vector.shape_cast %get3A_735 : vector<1x16xf32> to vector<16xf32>
        %add3A_737 = arith.addf %add3A_681, %get3A_736 : vector<16xf32>
        %add3A_738 = arith.constant 6 : i32
        %add3A_739 = arith.addi %add3A_570, %add3A_738 : i32
        %get3A_740 = arith.index_cast %add3A_739 : i32 to index
        %get3A_741 = arith.constant 0 : index
        %get3A_742 = tpu.vector_load %arg8[%get3A_740, %get3A_741] {strides = array<i32>} : memref<400x64xf32, #tpu.memory_space<vmem>>, vector<1x16xf32>,
        %get3A_743 = vector.shape_cast %get3A_742 : vector<1x16xf32> to vector<16xf32>
        %add3A_744 = arith.addf %add3A_688, %get3A_743 : vector<16xf32>
        %add3A_745 = arith.constant 6 : i32
        %add3A_746 = arith.addi %add3A_570, %add3A_745 : i32
        %get3A_747 = arith.index_cast %add3A_746 : i32 to index
        %get3A_748 = arith.constant 16 : index
        %get3A_749 = tpu.vector_load %arg8[%get3A_747, %get3A_748] {strides = array<i32>} : memref<400x64xf32, #tpu.memory_space<vmem>>, vector<1x16xf32>,
        %get3A_750 = vector.shape_cast %get3A_749 : vector<1x16xf32> to vector<16xf32>
        %add3A_751 = arith.addf %add3A_695, %get3A_750 : vector<16xf32>
        %add3A_752 = arith.constant 6 : i32
        %add3A_753 = arith.addi %add3A_570, %add3A_752 : i32
        %get3A_754 = arith.index_cast %add3A_753 : i32 to index
        %get3A_755 = arith.constant 32 : index
        %get3A_756 = tpu.vector_load %arg8[%get3A_754, %get3A_755] {strides = array<i32>} : memref<400x64xf32, #tpu.memory_space<vmem>>, vector<1x16xf32>,
        %get3A_757 = vector.shape_cast %get3A_756 : vector<1x16xf32> to vector<16xf32>
        %add3A_758 = arith.addf %add3A_702, %get3A_757 : vector<16xf32>
        %add3A_759 = arith.constant 6 : i32
        %add3A_760 = arith.addi %add3A_570, %add3A_759 : i32
        %get3A_761 = arith.index_cast %add3A_760 : i32 to index
        %get3A_762 = arith.constant 48 : index
        %get3A_763 = tpu.vector_load %arg8[%get3A_761, %get3A_762] {strides = array<i32>} : memref<400x64xf32, #tpu.memory_space<vmem>>, vector<1x16xf32>,
        %get3A_764 = vector.shape_cast %get3A_763 : vector<1x16xf32> to vector<16xf32>
        %add3A_765 = arith.addf %add3A_709, %get3A_764 : vector<16xf32>
        %add3A_766 = arith.constant 7 : i32
        %add3A_767 = arith.addi %add3A_570, %add3A_766 : i32
        %get3A_768 = arith.index_cast %add3A_767 : i32 to index
        %get3A_769 = arith.constant 0 : index
        %get3A_770 = tpu.vector_load %arg8[%get3A_768, %get3A_769] {strides = array<i32>} : memref<400x64xf32, #tpu.memory_space<vmem>>, vector<1x16xf32>,
        %get3A_771 = vector.shape_cast %get3A_770 : vector<1x16xf32> to vector<16xf32>
        %add3A_772 = arith.addf %add3A_716, %get3A_771 : vector<16xf32>
        %add3A_773 = arith.constant 7 : i32
        %add3A_774 = arith.addi %add3A_570, %add3A_773 : i32
        %get3A_775 = arith.index_cast %add3A_774 : i32 to index
        %get3A_776 = arith.constant 16 : index
        %get3A_777 = tpu.vector_load %arg8[%get3A_775, %get3A_776] {strides = array<i32>} : memref<400x64xf32, #tpu.memory_space<vmem>>, vector<1x16xf32>,
        %get3A_778 = vector.shape_cast %get3A_777 : vector<1x16xf32> to vector<16xf32>
        %add3A_779 = arith.addf %add3A_723, %get3A_778 : vector<16xf32>
        %add3A_780 = arith.constant 7 : i32
        %add3A_781 = arith.addi %add3A_570, %add3A_780 : i32
        %get3A_782 = arith.index_cast %add3A_781 : i32 to index
        %get3A_783 = arith.constant 32 : index
        %get3A_784 = tpu.vector_load %arg8[%get3A_782, %get3A_783] {strides = array<i32>} : memref<400x64xf32, #tpu.memory_space<vmem>>, vector<1x16xf32>,
        %get3A_785 = vector.shape_cast %get3A_784 : vector<1x16xf32> to vector<16xf32>
        %add3A_786 = arith.addf %add3A_730, %get3A_785 : vector<16xf32>
        %add3A_787 = arith.constant 7 : i32
        %add3A_788 = arith.addi %add3A_570, %add3A_787 : i32
        %get3A_789 = arith.index_cast %add3A_788 : i32 to index
        %get3A_790 = arith.constant 48 : index
        %get3A_791 = tpu.vector_load %arg8[%get3A_789, %get3A_790] {strides = array<i32>} : memref<400x64xf32, #tpu.memory_space<vmem>>, vector<1x16xf32>,
        %get3A_792 = vector.shape_cast %get3A_791 : vector<1x16xf32> to vector<16xf32>
        %add3A_793 = arith.addf %add3A_737, %get3A_792 : vector<16xf32>
        scf.yield %add3A_744, %add3A_772, %add3A_751, %add3A_779, %add3A_758, %add3A_786, %add3A_765, %add3A_793 : vector<16xf32>, vector<16xf32>, vector<16xf32>, vector<16xf32>, vector<16xf32>, vector<16xf32>, vector<16xf32>, vector<16xf32>
      }
      %scan3A_450 = arith.constant 25 : i32
      %add3A_451 = arith.addf %scan3A_449#0, %scan3A_449#1 : vector<16xf32>
      %mul3A_452 = vector.broadcast %scan3A_46 : f32 to vector<16xf32>
      %mul3A_453 = arith.mulf %add3A_451, %mul3A_452 : vector<16xf32>
      %mul3A_454 = arith.constant 64 : i32
      %mul3A_455 = arith.muli %add3A_442, %mul3A_454 : i32
      %add3A_456 = arith.constant 0 : i32
      %add3A_457 = arith.addi %mul3A_455, %add3A_456 : i32
      %swap3A_458 = arith.index_cast %add3A_457 : i32 to index
      %swap3A_459 = tpu.vector_load %arg9[%swap3A_458] {strides = array<i32>} : memref<8192xf32, #tpu.memory_space<vmem>>, vector<16xf32>,
      %swap3A_460 = vector.shape_cast %swap3A_459 : vector<16xf32> to vector<16xf32>
      %swap3A_461 = vector.shape_cast %mul3A_453 : vector<16xf32> to vector<16xf32>
      tpu.vector_store %arg9[%swap3A_458], %swap3A_461 {strides = array<i32>} : memref<8192xf32, #tpu.memory_space<vmem>>, vector<16xf32>,
      %add3A_462 = arith.addf %scan3A_449#2, %scan3A_449#3 : vector<16xf32>
      %mul3A_463 = vector.broadcast %scan3A_46 : f32 to vector<16xf32>
      %mul3A_464 = arith.mulf %add3A_462, %mul3A_463 : vector<16xf32>
      %mul3A_465 = arith.constant 64 : i32
      %mul3A_466 = arith.muli %add3A_442, %mul3A_465 : i32
      %add3A_467 = arith.constant 16 : i32
      %add3A_468 = arith.addi %mul3A_466, %add3A_467 : i32
      %swap3A_469 = arith.index_cast %add3A_468 : i32 to index
      %swap3A_470 = tpu.vector_load %arg9[%swap3A_469] {strides = array<i32>} : memref<8192xf32, #tpu.memory_space<vmem>>, vector<16xf32>,
      %swap3A_471 = vector.shape_cast %swap3A_470 : vector<16xf32> to vector<16xf32>
      %swap3A_472 = vector.shape_cast %mul3A_464 : vector<16xf32> to vector<16xf32>
      tpu.vector_store %arg9[%swap3A_469], %swap3A_472 {strides = array<i32>} : memref<8192xf32, #tpu.memory_space<vmem>>, vector<16xf32>,
      %add3A_473 = arith.addf %scan3A_449#4, %scan3A_449#5 : vector<16xf32>
      %mul3A_474 = vector.broadcast %scan3A_46 : f32 to vector<16xf32>
      %mul3A_475 = arith.mulf %add3A_473, %mul3A_474 : vector<16xf32>
      %mul3A_476 = arith.constant 64 : i32
      %mul3A_477 = arith.muli %add3A_442, %mul3A_476 : i32
      %add3A_478 = arith.constant 32 : i32
      %add3A_479 = arith.addi %mul3A_477, %add3A_478 : i32
      %swap3A_480 = arith.index_cast %add3A_479 : i32 to index
      %swap3A_481 = tpu.vector_load %arg9[%swap3A_480] {strides = array<i32>} : memref<8192xf32, #tpu.memory_space<vmem>>, vector<16xf32>,
      %swap3A_482 = vector.shape_cast %swap3A_481 : vector<16xf32> to vector<16xf32>
      %swap3A_483 = vector.shape_cast %mul3A_475 : vector<16xf32> to vector<16xf32>
      tpu.vector_store %arg9[%swap3A_480], %swap3A_483 {strides = array<i32>} : memref<8192xf32, #tpu.memory_space<vmem>>, vector<16xf32>,
      %add3A_484 = arith.addf %scan3A_449#6, %scan3A_449#7 : vector<16xf32>
      %mul3A_485 = vector.broadcast %scan3A_46 : f32 to vector<16xf32>
      %mul3A_486 = arith.mulf %add3A_484, %mul3A_485 : vector<16xf32>
      %mul3A_487 = arith.constant 64 : i32
      %mul3A_488 = arith.muli %add3A_442, %mul3A_487 : i32
      %add3A_489 = arith.constant 48 : i32
      %add3A_490 = arith.addi %mul3A_488, %add3A_489 : i32
      %swap3A_491 = arith.index_cast %add3A_490 : i32 to index
      %swap3A_492 = tpu.vector_load %arg9[%swap3A_491] {strides = array<i32>} : memref<8192xf32, #tpu.memory_space<vmem>>, vector<16xf32>,
      %swap3A_493 = vector.shape_cast %swap3A_492 : vector<16xf32> to vector<16xf32>
      %swap3A_494 = vector.shape_cast %mul3A_486 : vector<16xf32> to vector<16xf32>
      tpu.vector_store %arg9[%swap3A_491], %swap3A_494 {strides = array<i32>} : memref<8192xf32, #tpu.memory_space<vmem>>, vector<16xf32>,
      %mul3A_495 = arith.constant 2 : i32
      %mul3A_496 = arith.muli %add3A_432, %mul3A_495 : i32
      %add3A_497 = arith.constant 1 : i32
      %add3A_498 = arith.addi %mul3A_496, %add3A_497 : i32
      %broadcast_in_dim3A_499 = arith.constant 0.000000e+00 : f32
      %broadcast_in_dim3A_500 = vector.broadcast %broadcast_in_dim3A_499 : f32 to vector<16xf32>
      %scan3A_501 = arith.constant 0 : i32
      %scan3A_502 = arith.constant 25 : i32
      %scan3A_503 = arith.addi %scan3A_501, %scan3A_502 : i32
      %scan3A_504 = arith.constant 1 : i32
      %scan3A_505:8 = scf.for %scan3A_558 = %scan3A_501 to %scan3A_503 step %scan3A_504 iter_args(%scan3A_559 = %broadcast_in_dim3A_500, %scan3A_560 = %broadcast_in_dim3A_500, %scan3A_561 = %broadcast_in_dim3A_500, %scan3A_562 = %broadcast_in_dim3A_500, %scan3A_563 = %broadcast_in_dim3A_500, %scan3A_564 = %broadcast_in_dim3A_500, %scan3A_565 = %broadcast_in_dim3A_500, %scan3A_566 = %broadcast_in_dim3A_500) -> (vector<16xf32>, vector<16xf32>, vector<16xf32>, vector<16xf32>, vector<16xf32>, vector<16xf32>, vector<16xf32>, vector<16xf32>)  : i32 {
        %mul3A_567 = arith.constant 8 : i32
        %mul3A_568 = arith.muli %scan3A_558, %mul3A_567 : i32
        %add3A_569 = arith.constant 200 : i32
        %add3A_570 = arith.addi %add3A_569, %mul3A_568 : i32
        %add3A_571 = arith.constant 0 : i32
        %add3A_572 = arith.addi %add3A_570, %add3A_571 : i32
        %get3A = arith.index_cast %add3A_572 : i32 to index
        %get3A_573 = arith.constant 0 : index
        %get3A_574 = tpu.vector_load %arg8[%get3A, %get3A_573] {strides = array<i32>} : memref<400x64xf32, #tpu.memory_space<vmem>>, vector<1x16xf32>,
        %get3A_575 = vector.shape_cast %get3A_574 : vector<1x16xf32> to vector<16xf32>
        %add3A_576 = arith.addf %scan3A_559, %get3A_575 : vector<16xf32>
        %add3A_577 = arith.constant 0 : i32
        %add3A_578 = arith.addi %add3A_570, %add3A_577 : i32
        %get3A_579 = arith.index_cast %add3A_578 : i32 to index
        %get3A_580 = arith.constant 16 : index
        %get3A_581 = tpu.vector_load %arg8[%get3A_579, %get3A_580] {strides = array<i32>} : memref<400x64xf32, #tpu.memory_space<vmem>>, vector<1x16xf32>,
        %get3A_582 = vector.shape_cast %get3A_581 : vector<1x16xf32> to vector<16xf32>
        %add3A_583 = arith.addf %scan3A_561, %get3A_582 : vector<16xf32>
        %add3A_584 = arith.constant 0 : i32
        %add3A_585 = arith.addi %add3A_570, %add3A_584 : i32
        %get3A_586 = arith.index_cast %add3A_585 : i32 to index
        %get3A_587 = arith.constant 32 : index
        %get3A_588 = tpu.vector_load %arg8[%get3A_586, %get3A_587] {strides = array<i32>} : memref<400x64xf32, #tpu.memory_space<vmem>>, vector<1x16xf32>,
        %get3A_589 = vector.shape_cast %get3A_588 : vector<1x16xf32> to vector<16xf32>
        %add3A_590 = arith.addf %scan3A_563, %get3A_589 : vector<16xf32>
        %add3A_591 = arith.constant 0 : i32
        %add3A_592 = arith.addi %add3A_570, %add3A_591 : i32
        %get3A_593 = arith.index_cast %add3A_592 : i32 to index
        %get3A_594 = arith.constant 48 : index
        %get3A_595 = tpu.vector_load %arg8[%get3A_593, %get3A_594] {strides = array<i32>} : memref<400x64xf32, #tpu.memory_space<vmem>>, vector<1x16xf32>,
        %get3A_596 = vector.shape_cast %get3A_595 : vector<1x16xf32> to vector<16xf32>
        %add3A_597 = arith.addf %scan3A_565, %get3A_596 : vector<16xf32>
        %add3A_598 = arith.constant 1 : i32
        %add3A_599 = arith.addi %add3A_570, %add3A_598 : i32
        %get3A_600 = arith.index_cast %add3A_599 : i32 to index
        %get3A_601 = arith.constant 0 : index
        %get3A_602 = tpu.vector_load %arg8[%get3A_600, %get3A_601] {strides = array<i32>} : memref<400x64xf32, #tpu.memory_space<vmem>>, vector<1x16xf32>,
        %get3A_603 = vector.shape_cast %get3A_602 : vector<1x16xf32> to vector<16xf32>
        %add3A_604 = arith.addf %scan3A_560, %get3A_603 : vector<16xf32>
        %add3A_605 = arith.constant 1 : i32
        %add3A_606 = arith.addi %add3A_570, %add3A_605 : i32
        %get3A_607 = arith.index_cast %add3A_606 : i32 to index
        %get3A_608 = arith.constant 16 : index
        %get3A_609 = tpu.vector_load %arg8[%get3A_607, %get3A_608] {strides = array<i32>} : memref<400x64xf32, #tpu.memory_space<vmem>>, vector<1x16xf32>,
        %get3A_610 = vector.shape_cast %get3A_609 : vector<1x16xf32> to vector<16xf32>
        %add3A_611 = arith.addf %scan3A_562, %get3A_610 : vector<16xf32>
        %add3A_612 = arith.constant 1 : i32
        %add3A_613 = arith.addi %add3A_570, %add3A_612 : i32
        %get3A_614 = arith.index_cast %add3A_613 : i32 to index
        %get3A_615 = arith.constant 32 : index
        %get3A_616 = tpu.vector_load %arg8[%get3A_614, %get3A_615] {strides = array<i32>} : memref<400x64xf32, #tpu.memory_space<vmem>>, vector<1x16xf32>,
        %get3A_617 = vector.shape_cast %get3A_616 : vector<1x16xf32> to vector<16xf32>
        %add3A_618 = arith.addf %scan3A_564, %get3A_617 : vector<16xf32>
        %add3A_619 = arith.constant 1 : i32
        %add3A_620 = arith.addi %add3A_570, %add3A_619 : i32
        %get3A_621 = arith.index_cast %add3A_620 : i32 to index
        %get3A_622 = arith.constant 48 : index
        %get3A_623 = tpu.vector_load %arg8[%get3A_621, %get3A_622] {strides = array<i32>} : memref<400x64xf32, #tpu.memory_space<vmem>>, vector<1x16xf32>,
        %get3A_624 = vector.shape_cast %get3A_623 : vector<1x16xf32> to vector<16xf32>
        %add3A_625 = arith.addf %scan3A_566, %get3A_624 : vector<16xf32>
        %add3A_626 = arith.constant 2 : i32
        %add3A_627 = arith.addi %add3A_570, %add3A_626 : i32
        %get3A_628 = arith.index_cast %add3A_627 : i32 to index
        %get3A_629 = arith.constant 0 : index
        %get3A_630 = tpu.vector_load %arg8[%get3A_628, %get3A_629] {strides = array<i32>} : memref<400x64xf32, #tpu.memory_space<vmem>>, vector<1x16xf32>,
        %get3A_631 = vector.shape_cast %get3A_630 : vector<1x16xf32> to vector<16xf32>
        %add3A_632 = arith.addf %add3A_576, %get3A_631 : vector<16xf32>
        %add3A_633 = arith.constant 2 : i32
        %add3A_634 = arith.addi %add3A_570, %add3A_633 : i32
        %get3A_635 = arith.index_cast %add3A_634 : i32 to index
        %get3A_636 = arith.constant 16 : index
        %get3A_637 = tpu.vector_load %arg8[%get3A_635, %get3A_636] {strides = array<i32>} : memref<400x64xf32, #tpu.memory_space<vmem>>, vector<1x16xf32>,
        %get3A_638 = vector.shape_cast %get3A_637 : vector<1x16xf32> to vector<16xf32>
        %add3A_639 = arith.addf %add3A_583, %get3A_638 : vector<16xf32>
        %add3A_640 = arith.constant 2 : i32
        %add3A_641 = arith.addi %add3A_570, %add3A_640 : i32
        %get3A_642 = arith.index_cast %add3A_641 : i32 to index
        %get3A_643 = arith.constant 32 : index
        %get3A_644 = tpu.vector_load %arg8[%get3A_642, %get3A_643] {strides = array<i32>} : memref<400x64xf32, #tpu.memory_space<vmem>>, vector<1x16xf32>,
        %get3A_645 = vector.shape_cast %get3A_644 : vector<1x16xf32> to vector<16xf32>
        %add3A_646 = arith.addf %add3A_590, %get3A_645 : vector<16xf32>
        %add3A_647 = arith.constant 2 : i32
        %add3A_648 = arith.addi %add3A_570, %add3A_647 : i32
        %get3A_649 = arith.index_cast %add3A_648 : i32 to index
        %get3A_650 = arith.constant 48 : index
        %get3A_651 = tpu.vector_load %arg8[%get3A_649, %get3A_650] {strides = array<i32>} : memref<400x64xf32, #tpu.memory_space<vmem>>, vector<1x16xf32>,
        %get3A_652 = vector.shape_cast %get3A_651 : vector<1x16xf32> to vector<16xf32>
        %add3A_653 = arith.addf %add3A_597, %get3A_652 : vector<16xf32>
        %add3A_654 = arith.constant 3 : i32
        %add3A_655 = arith.addi %add3A_570, %add3A_654 : i32
        %get3A_656 = arith.index_cast %add3A_655 : i32 to index
        %get3A_657 = arith.constant 0 : index
        %get3A_658 = tpu.vector_load %arg8[%get3A_656, %get3A_657] {strides = array<i32>} : memref<400x64xf32, #tpu.memory_space<vmem>>, vector<1x16xf32>,
        %get3A_659 = vector.shape_cast %get3A_658 : vector<1x16xf32> to vector<16xf32>
        %add3A_660 = arith.addf %add3A_604, %get3A_659 : vector<16xf32>
        %add3A_661 = arith.constant 3 : i32
        %add3A_662 = arith.addi %add3A_570, %add3A_661 : i32
        %get3A_663 = arith.index_cast %add3A_662 : i32 to index
        %get3A_664 = arith.constant 16 : index
        %get3A_665 = tpu.vector_load %arg8[%get3A_663, %get3A_664] {strides = array<i32>} : memref<400x64xf32, #tpu.memory_space<vmem>>, vector<1x16xf32>,
        %get3A_666 = vector.shape_cast %get3A_665 : vector<1x16xf32> to vector<16xf32>
        %add3A_667 = arith.addf %add3A_611, %get3A_666 : vector<16xf32>
        %add3A_668 = arith.constant 3 : i32
        %add3A_669 = arith.addi %add3A_570, %add3A_668 : i32
        %get3A_670 = arith.index_cast %add3A_669 : i32 to index
        %get3A_671 = arith.constant 32 : index
        %get3A_672 = tpu.vector_load %arg8[%get3A_670, %get3A_671] {strides = array<i32>} : memref<400x64xf32, #tpu.memory_space<vmem>>, vector<1x16xf32>,
        %get3A_673 = vector.shape_cast %get3A_672 : vector<1x16xf32> to vector<16xf32>
        %add3A_674 = arith.addf %add3A_618, %get3A_673 : vector<16xf32>
        %add3A_675 = arith.constant 3 : i32
        %add3A_676 = arith.addi %add3A_570, %add3A_675 : i32
        %get3A_677 = arith.index_cast %add3A_676 : i32 to index
        %get3A_678 = arith.constant 48 : index
        %get3A_679 = tpu.vector_load %arg8[%get3A_677, %get3A_678] {strides = array<i32>} : memref<400x64xf32, #tpu.memory_space<vmem>>, vector<1x16xf32>,
        %get3A_680 = vector.shape_cast %get3A_679 : vector<1x16xf32> to vector<16xf32>
        %add3A_681 = arith.addf %add3A_625, %get3A_680 : vector<16xf32>
        %add3A_682 = arith.constant 4 : i32
        %add3A_683 = arith.addi %add3A_570, %add3A_682 : i32
        %get3A_684 = arith.index_cast %add3A_683 : i32 to index
        %get3A_685 = arith.constant 0 : index
        %get3A_686 = tpu.vector_load %arg8[%get3A_684, %get3A_685] {strides = array<i32>} : memref<400x64xf32, #tpu.memory_space<vmem>>, vector<1x16xf32>,
        %get3A_687 = vector.shape_cast %get3A_686 : vector<1x16xf32> to vector<16xf32>
        %add3A_688 = arith.addf %add3A_632, %get3A_687 : vector<16xf32>
        %add3A_689 = arith.constant 4 : i32
        %add3A_690 = arith.addi %add3A_570, %add3A_689 : i32
        %get3A_691 = arith.index_cast %add3A_690 : i32 to index
        %get3A_692 = arith.constant 16 : index
        %get3A_693 = tpu.vector_load %arg8[%get3A_691, %get3A_692] {strides = array<i32>} : memref<400x64xf32, #tpu.memory_space<vmem>>, vector<1x16xf32>,
        %get3A_694 = vector.shape_cast %get3A_693 : vector<1x16xf32> to vector<16xf32>
        %add3A_695 = arith.addf %add3A_639, %get3A_694 : vector<16xf32>
        %add3A_696 = arith.constant 4 : i32
        %add3A_697 = arith.addi %add3A_570, %add3A_696 : i32
        %get3A_698 = arith.index_cast %add3A_697 : i32 to index
        %get3A_699 = arith.constant 32 : index
        %get3A_700 = tpu.vector_load %arg8[%get3A_698, %get3A_699] {strides = array<i32>} : memref<400x64xf32, #tpu.memory_space<vmem>>, vector<1x16xf32>,
        %get3A_701 = vector.shape_cast %get3A_700 : vector<1x16xf32> to vector<16xf32>
        %add3A_702 = arith.addf %add3A_646, %get3A_701 : vector<16xf32>
        %add3A_703 = arith.constant 4 : i32
        %add3A_704 = arith.addi %add3A_570, %add3A_703 : i32
        %get3A_705 = arith.index_cast %add3A_704 : i32 to index
        %get3A_706 = arith.constant 48 : index
        %get3A_707 = tpu.vector_load %arg8[%get3A_705, %get3A_706] {strides = array<i32>} : memref<400x64xf32, #tpu.memory_space<vmem>>, vector<1x16xf32>,
        %get3A_708 = vector.shape_cast %get3A_707 : vector<1x16xf32> to vector<16xf32>
        %add3A_709 = arith.addf %add3A_653, %get3A_708 : vector<16xf32>
        %add3A_710 = arith.constant 5 : i32
        %add3A_711 = arith.addi %add3A_570, %add3A_710 : i32
        %get3A_712 = arith.index_cast %add3A_711 : i32 to index
        %get3A_713 = arith.constant 0 : index
        %get3A_714 = tpu.vector_load %arg8[%get3A_712, %get3A_713] {strides = array<i32>} : memref<400x64xf32, #tpu.memory_space<vmem>>, vector<1x16xf32>,
        %get3A_715 = vector.shape_cast %get3A_714 : vector<1x16xf32> to vector<16xf32>
        %add3A_716 = arith.addf %add3A_660, %get3A_715 : vector<16xf32>
        %add3A_717 = arith.constant 5 : i32
        %add3A_718 = arith.addi %add3A_570, %add3A_717 : i32
        %get3A_719 = arith.index_cast %add3A_718 : i32 to index
        %get3A_720 = arith.constant 16 : index
        %get3A_721 = tpu.vector_load %arg8[%get3A_719, %get3A_720] {strides = array<i32>} : memref<400x64xf32, #tpu.memory_space<vmem>>, vector<1x16xf32>,
        %get3A_722 = vector.shape_cast %get3A_721 : vector<1x16xf32> to vector<16xf32>
        %add3A_723 = arith.addf %add3A_667, %get3A_722 : vector<16xf32>
        %add3A_724 = arith.constant 5 : i32
        %add3A_725 = arith.addi %add3A_570, %add3A_724 : i32
        %get3A_726 = arith.index_cast %add3A_725 : i32 to index
        %get3A_727 = arith.constant 32 : index
        %get3A_728 = tpu.vector_load %arg8[%get3A_726, %get3A_727] {strides = array<i32>} : memref<400x64xf32, #tpu.memory_space<vmem>>, vector<1x16xf32>,
        %get3A_729 = vector.shape_cast %get3A_728 : vector<1x16xf32> to vector<16xf32>
        %add3A_730 = arith.addf %add3A_674, %get3A_729 : vector<16xf32>
        %add3A_731 = arith.constant 5 : i32
        %add3A_732 = arith.addi %add3A_570, %add3A_731 : i32
        %get3A_733 = arith.index_cast %add3A_732 : i32 to index
        %get3A_734 = arith.constant 48 : index
        %get3A_735 = tpu.vector_load %arg8[%get3A_733, %get3A_734] {strides = array<i32>} : memref<400x64xf32, #tpu.memory_space<vmem>>, vector<1x16xf32>,
        %get3A_736 = vector.shape_cast %get3A_735 : vector<1x16xf32> to vector<16xf32>
        %add3A_737 = arith.addf %add3A_681, %get3A_736 : vector<16xf32>
        %add3A_738 = arith.constant 6 : i32
        %add3A_739 = arith.addi %add3A_570, %add3A_738 : i32
        %get3A_740 = arith.index_cast %add3A_739 : i32 to index
        %get3A_741 = arith.constant 0 : index
        %get3A_742 = tpu.vector_load %arg8[%get3A_740, %get3A_741] {strides = array<i32>} : memref<400x64xf32, #tpu.memory_space<vmem>>, vector<1x16xf32>,
        %get3A_743 = vector.shape_cast %get3A_742 : vector<1x16xf32> to vector<16xf32>
        %add3A_744 = arith.addf %add3A_688, %get3A_743 : vector<16xf32>
        %add3A_745 = arith.constant 6 : i32
        %add3A_746 = arith.addi %add3A_570, %add3A_745 : i32
        %get3A_747 = arith.index_cast %add3A_746 : i32 to index
        %get3A_748 = arith.constant 16 : index
        %get3A_749 = tpu.vector_load %arg8[%get3A_747, %get3A_748] {strides = array<i32>} : memref<400x64xf32, #tpu.memory_space<vmem>>, vector<1x16xf32>,
        %get3A_750 = vector.shape_cast %get3A_749 : vector<1x16xf32> to vector<16xf32>
        %add3A_751 = arith.addf %add3A_695, %get3A_750 : vector<16xf32>
        %add3A_752 = arith.constant 6 : i32
        %add3A_753 = arith.addi %add3A_570, %add3A_752 : i32
        %get3A_754 = arith.index_cast %add3A_753 : i32 to index
        %get3A_755 = arith.constant 32 : index
        %get3A_756 = tpu.vector_load %arg8[%get3A_754, %get3A_755] {strides = array<i32>} : memref<400x64xf32, #tpu.memory_space<vmem>>, vector<1x16xf32>,
        %get3A_757 = vector.shape_cast %get3A_756 : vector<1x16xf32> to vector<16xf32>
        %add3A_758 = arith.addf %add3A_702, %get3A_757 : vector<16xf32>
        %add3A_759 = arith.constant 6 : i32
        %add3A_760 = arith.addi %add3A_570, %add3A_759 : i32
        %get3A_761 = arith.index_cast %add3A_760 : i32 to index
        %get3A_762 = arith.constant 48 : index
        %get3A_763 = tpu.vector_load %arg8[%get3A_761, %get3A_762] {strides = array<i32>} : memref<400x64xf32, #tpu.memory_space<vmem>>, vector<1x16xf32>,
        %get3A_764 = vector.shape_cast %get3A_763 : vector<1x16xf32> to vector<16xf32>
        %add3A_765 = arith.addf %add3A_709, %get3A_764 : vector<16xf32>
        %add3A_766 = arith.constant 7 : i32
        %add3A_767 = arith.addi %add3A_570, %add3A_766 : i32
        %get3A_768 = arith.index_cast %add3A_767 : i32 to index
        %get3A_769 = arith.constant 0 : index
        %get3A_770 = tpu.vector_load %arg8[%get3A_768, %get3A_769] {strides = array<i32>} : memref<400x64xf32, #tpu.memory_space<vmem>>, vector<1x16xf32>,
        %get3A_771 = vector.shape_cast %get3A_770 : vector<1x16xf32> to vector<16xf32>
        %add3A_772 = arith.addf %add3A_716, %get3A_771 : vector<16xf32>
        %add3A_773 = arith.constant 7 : i32
        %add3A_774 = arith.addi %add3A_570, %add3A_773 : i32
        %get3A_775 = arith.index_cast %add3A_774 : i32 to index
        %get3A_776 = arith.constant 16 : index
        %get3A_777 = tpu.vector_load %arg8[%get3A_775, %get3A_776] {strides = array<i32>} : memref<400x64xf32, #tpu.memory_space<vmem>>, vector<1x16xf32>,
        %get3A_778 = vector.shape_cast %get3A_777 : vector<1x16xf32> to vector<16xf32>
        %add3A_779 = arith.addf %add3A_723, %get3A_778 : vector<16xf32>
        %add3A_780 = arith.constant 7 : i32
        %add3A_781 = arith.addi %add3A_570, %add3A_780 : i32
        %get3A_782 = arith.index_cast %add3A_781 : i32 to index
        %get3A_783 = arith.constant 32 : index
        %get3A_784 = tpu.vector_load %arg8[%get3A_782, %get3A_783] {strides = array<i32>} : memref<400x64xf32, #tpu.memory_space<vmem>>, vector<1x16xf32>,
        %get3A_785 = vector.shape_cast %get3A_784 : vector<1x16xf32> to vector<16xf32>
        %add3A_786 = arith.addf %add3A_730, %get3A_785 : vector<16xf32>
        %add3A_787 = arith.constant 7 : i32
        %add3A_788 = arith.addi %add3A_570, %add3A_787 : i32
        %get3A_789 = arith.index_cast %add3A_788 : i32 to index
        %get3A_790 = arith.constant 48 : index
        %get3A_791 = tpu.vector_load %arg8[%get3A_789, %get3A_790] {strides = array<i32>} : memref<400x64xf32, #tpu.memory_space<vmem>>, vector<1x16xf32>,
        %get3A_792 = vector.shape_cast %get3A_791 : vector<1x16xf32> to vector<16xf32>
        %add3A_793 = arith.addf %add3A_737, %get3A_792 : vector<16xf32>
        scf.yield %add3A_744, %add3A_772, %add3A_751, %add3A_779, %add3A_758, %add3A_786, %add3A_765, %add3A_793 : vector<16xf32>, vector<16xf32>, vector<16xf32>, vector<16xf32>, vector<16xf32>, vector<16xf32>, vector<16xf32>, vector<16xf32>
      }
      %scan3A_506 = arith.constant 25 : i32
      %add3A_507 = arith.addf %scan3A_505#0, %scan3A_505#1 : vector<16xf32>
      %mul3A_508 = vector.broadcast %scan3A_46 : f32 to vector<16xf32>
      %mul3A_509 = arith.mulf %add3A_507, %mul3A_508 : vector<16xf32>
      %mul3A_510 = arith.constant 64 : i32
      %mul3A_511 = arith.muli %add3A_498, %mul3A_510 : i32
      %add3A_512 = arith.constant 0 : i32
      %add3A_513 = arith.addi %mul3A_511, %add3A_512 : i32
      %swap3A_514 = arith.index_cast %add3A_513 : i32 to index
      %swap3A_515 = tpu.vector_load %arg9[%swap3A_514] {strides = array<i32>} : memref<8192xf32, #tpu.memory_space<vmem>>, vector<16xf32>,
      %swap3A_516 = vector.shape_cast %swap3A_515 : vector<16xf32> to vector<16xf32>
      %swap3A_517 = vector.shape_cast %mul3A_509 : vector<16xf32> to vector<16xf32>
      tpu.vector_store %arg9[%swap3A_514], %swap3A_517 {strides = array<i32>} : memref<8192xf32, #tpu.memory_space<vmem>>, vector<16xf32>,
      %add3A_518 = arith.addf %scan3A_505#2, %scan3A_505#3 : vector<16xf32>
      %mul3A_519 = vector.broadcast %scan3A_46 : f32 to vector<16xf32>
      %mul3A_520 = arith.mulf %add3A_518, %mul3A_519 : vector<16xf32>
      %mul3A_521 = arith.constant 64 : i32
      %mul3A_522 = arith.muli %add3A_498, %mul3A_521 : i32
      %add3A_523 = arith.constant 16 : i32
      %add3A_524 = arith.addi %mul3A_522, %add3A_523 : i32
      %swap3A_525 = arith.index_cast %add3A_524 : i32 to index
      %swap3A_526 = tpu.vector_load %arg9[%swap3A_525] {strides = array<i32>} : memref<8192xf32, #tpu.memory_space<vmem>>, vector<16xf32>,
      %swap3A_527 = vector.shape_cast %swap3A_526 : vector<16xf32> to vector<16xf32>
      %swap3A_528 = vector.shape_cast %mul3A_520 : vector<16xf32> to vector<16xf32>
      tpu.vector_store %arg9[%swap3A_525], %swap3A_528 {strides = array<i32>} : memref<8192xf32, #tpu.memory_space<vmem>>, vector<16xf32>,
      %add3A_529 = arith.addf %scan3A_505#4, %scan3A_505#5 : vector<16xf32>
      %mul3A_530 = vector.broadcast %scan3A_46 : f32 to vector<16xf32>
      %mul3A_531 = arith.mulf %add3A_529, %mul3A_530 : vector<16xf32>
      %mul3A_532 = arith.constant 64 : i32
      %mul3A_533 = arith.muli %add3A_498, %mul3A_532 : i32
      %add3A_534 = arith.constant 32 : i32
      %add3A_535 = arith.addi %mul3A_533, %add3A_534 : i32
      %swap3A_536 = arith.index_cast %add3A_535 : i32 to index
      %swap3A_537 = tpu.vector_load %arg9[%swap3A_536] {strides = array<i32>} : memref<8192xf32, #tpu.memory_space<vmem>>, vector<16xf32>,
      %swap3A_538 = vector.shape_cast %swap3A_537 : vector<16xf32> to vector<16xf32>
      %swap3A_539 = vector.shape_cast %mul3A_531 : vector<16xf32> to vector<16xf32>
      tpu.vector_store %arg9[%swap3A_536], %swap3A_539 {strides = array<i32>} : memref<8192xf32, #tpu.memory_space<vmem>>, vector<16xf32>,
      %add3A_540 = arith.addf %scan3A_505#6, %scan3A_505#7 : vector<16xf32>
      %mul3A_541 = vector.broadcast %scan3A_46 : f32 to vector<16xf32>
      %mul3A_542 = arith.mulf %add3A_540, %mul3A_541 : vector<16xf32>
      %mul3A_543 = arith.constant 64 : i32
      %mul3A_544 = arith.muli %add3A_498, %mul3A_543 : i32
      %add3A_545 = arith.constant 48 : i32
      %add3A_546 = arith.addi %mul3A_544, %add3A_545 : i32
      %swap3A_547 = arith.index_cast %add3A_546 : i32 to index
      %swap3A_548 = tpu.vector_load %arg9[%swap3A_547] {strides = array<i32>} : memref<8192xf32, #tpu.memory_space<vmem>>, vector<16xf32>,
      %swap3A_549 = vector.shape_cast %swap3A_548 : vector<16xf32> to vector<16xf32>
      %swap3A_550 = vector.shape_cast %mul3A_542 : vector<16xf32> to vector<16xf32>
      tpu.vector_store %arg9[%swap3A_547], %swap3A_550 {strides = array<i32>} : memref<8192xf32, #tpu.memory_space<vmem>>, vector<16xf32>,
      %add3A_551 = arith.constant 3 : i32
      %add3A_552 = arith.addi %add3A_432, %add3A_551 : i32
      %lt3A_553 = arith.constant 64 : i32
      %lt3A_554 = arith.cmpi slt, %add3A_552, %lt3A_553 : i32
      %convert_element_type3A_555 = arith.extui %lt3A_554 : i1 to i32
      %cond3A_556 = arith.constant 0 : i32
      %cond3A_557 = arith.cmpi ne, %convert_element_type3A_555, %cond3A_556 : i32
      scf.if %cond3A_557 {
        %add3A_558 = arith.constant 3 : i32
        %add3A_559 = arith.addi %add3A_432, %add3A_558 : i32
        %mul3A_560 = arith.constant 400 : i32
        %mul3A_561 = arith.muli %add3A_559, %mul3A_560 : i32
        %dma_start3A_562 = tpu.memref_slice %arg5[%mul3A_561] : memref<25600xi32, #tpu.memory_space<vmem>> -> memref<400xi32, #tpu.memory_space<vmem>>
        %dma_start3A_563 = arith.constant 0 : i32
        %dma_start3A_564 = arith.constant 0 : i32
        %dma_start3A_565 = tpu.memref_slice %arg3[%dma_start3A_563, %dma_start3A_564] : memref<1000000x64xf32, #tpu.memory_space<hbm>> -> memref<1000000x64xf32, #tpu.memory_space<hbm>>
        tpu.enqueue_indirect_dma source(%dma_start3A_565 : memref<1000000x64xf32, #tpu.memory_space<hbm>>) target(%arg8 : memref<400x64xf32, #tpu.memory_space<vmem>>) offsets(%dma_start3A_562 : memref<400xi32, #tpu.memory_space<vmem>>) semaphore(%arg13 : memref<!tpu.dma_semaphore, #tpu.memory_space<semaphore_mem>>)
      } else {
      }
    }
    %scan3A_51 = arith.constant 10 : i32
    %mul3A_52 = arith.constant 8192 : i32
    %mul3A_53 = arith.muli %add3A, %mul3A_52 : i32
    %dma_start3A_54 = arith.constant 0 : i32
    %dma_start3A_55 = tpu.memref_slice %arg9[%dma_start3A_54] : memref<8192xf32, #tpu.memory_space<vmem>> -> memref<3840xf32, #tpu.memory_space<vmem>>
    %dma_start3A_56 = tpu.memref_slice %arg4[%mul3A_53] : memref<262144xf32, #tpu.memory_space<hbm>> -> memref<3840xf32, #tpu.memory_space<hbm>>
    %dma_start3A_57 = tpu.memref_slice %arg4[%mul3A_53] : memref<262144xf32, #tpu.memory_space<hbm>> -> memref<3840xf32, #tpu.memory_space<hbm>>
    %dma_start3A_58 = arith.constant 0 : i32
    %dma_start3A_59 = tpu.memref_slice %arg9[%dma_start3A_58] : memref<8192xf32, #tpu.memory_space<vmem>> -> memref<3840xf32, #tpu.memory_space<vmem>>
    tpu.enqueue_dma source(%dma_start3A_59 : memref<3840xf32, #tpu.memory_space<vmem>>) target(%dma_start3A_57 : memref<3840xf32, #tpu.memory_space<hbm>>) target_semaphore(%arg14 : memref<!tpu.dma_semaphore, #tpu.memory_space<semaphore_mem>>)
    %scan3A_60 = arith.constant 0 : i32
    %scan3A_61 = arith.constant 5.000000e-03 : f32
    %scan3A_62 = arith.constant 10 : i32
    %scan3A_63 = arith.constant 11 : i32
    %scan3A_64 = arith.addi %scan3A_62, %scan3A_63 : i32
    %scan3A_65 = arith.constant 1 : i32
    scf.for %scan3A_177 = %scan3A_62 to %scan3A_64 step %scan3A_65  : i32 {
      %mul3A_178 = arith.constant 3 : i32
      %mul3A_179 = arith.muli %mul3A_178, %scan3A_177 : i32
      %add3A_180 = arith.constant 0 : i32
      %add3A_181 = arith.addi %mul3A_179, %add3A_180 : i32
      %dma_wait3A_182 = arith.constant 0 : i32
      %dma_wait3A_183 = arith.constant 0 : i32
      %dma_wait3A_184 = tpu.memref_slice %arg3[%dma_wait3A_182, %dma_wait3A_183] : memref<1000000x64xf32, #tpu.memory_space<hbm>> -> memref<400x64xf32, #tpu.memory_space<hbm>>
      %dma_wait3A_185 = arith.constant 0 : i32
      %dma_wait3A_186 = arith.constant 0 : i32
      %dma_wait3A_187 = tpu.memref_slice %arg3[%dma_wait3A_185, %dma_wait3A_186] : memref<1000000x64xf32, #tpu.memory_space<hbm>> -> memref<400x64xf32, #tpu.memory_space<hbm>>
      tpu.wait_dma2 semaphore(%arg11 : memref<!tpu.dma_semaphore, #tpu.memory_space<semaphore_mem>>) src(%dma_wait3A_187 : memref<400x64xf32, #tpu.memory_space<hbm>>) dst(%arg6 : memref<400x64xf32, #tpu.memory_space<vmem>>)
      %mul3A_188 = arith.constant 2 : i32
      %mul3A_189 = arith.muli %add3A_181, %mul3A_188 : i32
      %add3A_190 = arith.constant 0 : i32
      %add3A_191 = arith.addi %mul3A_189, %add3A_190 : i32
      %broadcast_in_dim3A_192 = arith.constant 0.000000e+00 : f32
      %broadcast_in_dim3A_193 = vector.broadcast %broadcast_in_dim3A_192 : f32 to vector<16xf32>
      %scan3A_194 = arith.constant 0 : i32
      %scan3A_195 = arith.constant 25 : i32
      %scan3A_196 = arith.addi %scan3A_194, %scan3A_195 : i32
      %scan3A_197 = arith.constant 1 : i32
      %scan3A_198:8 = scf.for %scan3A_558 = %scan3A_194 to %scan3A_196 step %scan3A_197 iter_args(%scan3A_559 = %broadcast_in_dim3A_193, %scan3A_560 = %broadcast_in_dim3A_193, %scan3A_561 = %broadcast_in_dim3A_193, %scan3A_562 = %broadcast_in_dim3A_193, %scan3A_563 = %broadcast_in_dim3A_193, %scan3A_564 = %broadcast_in_dim3A_193, %scan3A_565 = %broadcast_in_dim3A_193, %scan3A_566 = %broadcast_in_dim3A_193) -> (vector<16xf32>, vector<16xf32>, vector<16xf32>, vector<16xf32>, vector<16xf32>, vector<16xf32>, vector<16xf32>, vector<16xf32>)  : i32 {
        %mul3A_567 = arith.constant 8 : i32
        %mul3A_568 = arith.muli %scan3A_558, %mul3A_567 : i32
        %add3A_569 = arith.constant 0 : i32
        %add3A_570 = arith.addi %add3A_569, %mul3A_568 : i32
        %add3A_571 = arith.constant 0 : i32
        %add3A_572 = arith.addi %add3A_570, %add3A_571 : i32
        %get3A = arith.index_cast %add3A_572 : i32 to index
        %get3A_573 = arith.constant 0 : index
        %get3A_574 = tpu.vector_load %arg6[%get3A, %get3A_573] {strides = array<i32>} : memref<400x64xf32, #tpu.memory_space<vmem>>, vector<1x16xf32>,
        %get3A_575 = vector.shape_cast %get3A_574 : vector<1x16xf32> to vector<16xf32>
        %add3A_576 = arith.addf %scan3A_559, %get3A_575 : vector<16xf32>
        %add3A_577 = arith.constant 0 : i32
        %add3A_578 = arith.addi %add3A_570, %add3A_577 : i32
        %get3A_579 = arith.index_cast %add3A_578 : i32 to index
        %get3A_580 = arith.constant 16 : index
        %get3A_581 = tpu.vector_load %arg6[%get3A_579, %get3A_580] {strides = array<i32>} : memref<400x64xf32, #tpu.memory_space<vmem>>, vector<1x16xf32>,
        %get3A_582 = vector.shape_cast %get3A_581 : vector<1x16xf32> to vector<16xf32>
        %add3A_583 = arith.addf %scan3A_561, %get3A_582 : vector<16xf32>
        %add3A_584 = arith.constant 0 : i32
        %add3A_585 = arith.addi %add3A_570, %add3A_584 : i32
        %get3A_586 = arith.index_cast %add3A_585 : i32 to index
        %get3A_587 = arith.constant 32 : index
        %get3A_588 = tpu.vector_load %arg6[%get3A_586, %get3A_587] {strides = array<i32>} : memref<400x64xf32, #tpu.memory_space<vmem>>, vector<1x16xf32>,
        %get3A_589 = vector.shape_cast %get3A_588 : vector<1x16xf32> to vector<16xf32>
        %add3A_590 = arith.addf %scan3A_563, %get3A_589 : vector<16xf32>
        %add3A_591 = arith.constant 0 : i32
        %add3A_592 = arith.addi %add3A_570, %add3A_591 : i32
        %get3A_593 = arith.index_cast %add3A_592 : i32 to index
        %get3A_594 = arith.constant 48 : index
        %get3A_595 = tpu.vector_load %arg6[%get3A_593, %get3A_594] {strides = array<i32>} : memref<400x64xf32, #tpu.memory_space<vmem>>, vector<1x16xf32>,
        %get3A_596 = vector.shape_cast %get3A_595 : vector<1x16xf32> to vector<16xf32>
        %add3A_597 = arith.addf %scan3A_565, %get3A_596 : vector<16xf32>
        %add3A_598 = arith.constant 1 : i32
        %add3A_599 = arith.addi %add3A_570, %add3A_598 : i32
        %get3A_600 = arith.index_cast %add3A_599 : i32 to index
        %get3A_601 = arith.constant 0 : index
        %get3A_602 = tpu.vector_load %arg6[%get3A_600, %get3A_601] {strides = array<i32>} : memref<400x64xf32, #tpu.memory_space<vmem>>, vector<1x16xf32>,
        %get3A_603 = vector.shape_cast %get3A_602 : vector<1x16xf32> to vector<16xf32>
        %add3A_604 = arith.addf %scan3A_560, %get3A_603 : vector<16xf32>
        %add3A_605 = arith.constant 1 : i32
        %add3A_606 = arith.addi %add3A_570, %add3A_605 : i32
        %get3A_607 = arith.index_cast %add3A_606 : i32 to index
        %get3A_608 = arith.constant 16 : index
        %get3A_609 = tpu.vector_load %arg6[%get3A_607, %get3A_608] {strides = array<i32>} : memref<400x64xf32, #tpu.memory_space<vmem>>, vector<1x16xf32>,
        %get3A_610 = vector.shape_cast %get3A_609 : vector<1x16xf32> to vector<16xf32>
        %add3A_611 = arith.addf %scan3A_562, %get3A_610 : vector<16xf32>
        %add3A_612 = arith.constant 1 : i32
        %add3A_613 = arith.addi %add3A_570, %add3A_612 : i32
        %get3A_614 = arith.index_cast %add3A_613 : i32 to index
        %get3A_615 = arith.constant 32 : index
        %get3A_616 = tpu.vector_load %arg6[%get3A_614, %get3A_615] {strides = array<i32>} : memref<400x64xf32, #tpu.memory_space<vmem>>, vector<1x16xf32>,
        %get3A_617 = vector.shape_cast %get3A_616 : vector<1x16xf32> to vector<16xf32>
        %add3A_618 = arith.addf %scan3A_564, %get3A_617 : vector<16xf32>
        %add3A_619 = arith.constant 1 : i32
        %add3A_620 = arith.addi %add3A_570, %add3A_619 : i32
        %get3A_621 = arith.index_cast %add3A_620 : i32 to index
        %get3A_622 = arith.constant 48 : index
        %get3A_623 = tpu.vector_load %arg6[%get3A_621, %get3A_622] {strides = array<i32>} : memref<400x64xf32, #tpu.memory_space<vmem>>, vector<1x16xf32>,
        %get3A_624 = vector.shape_cast %get3A_623 : vector<1x16xf32> to vector<16xf32>
        %add3A_625 = arith.addf %scan3A_566, %get3A_624 : vector<16xf32>
        %add3A_626 = arith.constant 2 : i32
        %add3A_627 = arith.addi %add3A_570, %add3A_626 : i32
        %get3A_628 = arith.index_cast %add3A_627 : i32 to index
        %get3A_629 = arith.constant 0 : index
        %get3A_630 = tpu.vector_load %arg6[%get3A_628, %get3A_629] {strides = array<i32>} : memref<400x64xf32, #tpu.memory_space<vmem>>, vector<1x16xf32>,
        %get3A_631 = vector.shape_cast %get3A_630 : vector<1x16xf32> to vector<16xf32>
        %add3A_632 = arith.addf %add3A_576, %get3A_631 : vector<16xf32>
        %add3A_633 = arith.constant 2 : i32
        %add3A_634 = arith.addi %add3A_570, %add3A_633 : i32
        %get3A_635 = arith.index_cast %add3A_634 : i32 to index
        %get3A_636 = arith.constant 16 : index
        %get3A_637 = tpu.vector_load %arg6[%get3A_635, %get3A_636] {strides = array<i32>} : memref<400x64xf32, #tpu.memory_space<vmem>>, vector<1x16xf32>,
        %get3A_638 = vector.shape_cast %get3A_637 : vector<1x16xf32> to vector<16xf32>
        %add3A_639 = arith.addf %add3A_583, %get3A_638 : vector<16xf32>
        %add3A_640 = arith.constant 2 : i32
        %add3A_641 = arith.addi %add3A_570, %add3A_640 : i32
        %get3A_642 = arith.index_cast %add3A_641 : i32 to index
        %get3A_643 = arith.constant 32 : index
        %get3A_644 = tpu.vector_load %arg6[%get3A_642, %get3A_643] {strides = array<i32>} : memref<400x64xf32, #tpu.memory_space<vmem>>, vector<1x16xf32>,
        %get3A_645 = vector.shape_cast %get3A_644 : vector<1x16xf32> to vector<16xf32>
        %add3A_646 = arith.addf %add3A_590, %get3A_645 : vector<16xf32>
        %add3A_647 = arith.constant 2 : i32
        %add3A_648 = arith.addi %add3A_570, %add3A_647 : i32
        %get3A_649 = arith.index_cast %add3A_648 : i32 to index
        %get3A_650 = arith.constant 48 : index
        %get3A_651 = tpu.vector_load %arg6[%get3A_649, %get3A_650] {strides = array<i32>} : memref<400x64xf32, #tpu.memory_space<vmem>>, vector<1x16xf32>,
        %get3A_652 = vector.shape_cast %get3A_651 : vector<1x16xf32> to vector<16xf32>
        %add3A_653 = arith.addf %add3A_597, %get3A_652 : vector<16xf32>
        %add3A_654 = arith.constant 3 : i32
        %add3A_655 = arith.addi %add3A_570, %add3A_654 : i32
        %get3A_656 = arith.index_cast %add3A_655 : i32 to index
        %get3A_657 = arith.constant 0 : index
        %get3A_658 = tpu.vector_load %arg6[%get3A_656, %get3A_657] {strides = array<i32>} : memref<400x64xf32, #tpu.memory_space<vmem>>, vector<1x16xf32>,
        %get3A_659 = vector.shape_cast %get3A_658 : vector<1x16xf32> to vector<16xf32>
        %add3A_660 = arith.addf %add3A_604, %get3A_659 : vector<16xf32>
        %add3A_661 = arith.constant 3 : i32
        %add3A_662 = arith.addi %add3A_570, %add3A_661 : i32
        %get3A_663 = arith.index_cast %add3A_662 : i32 to index
        %get3A_664 = arith.constant 16 : index
        %get3A_665 = tpu.vector_load %arg6[%get3A_663, %get3A_664] {strides = array<i32>} : memref<400x64xf32, #tpu.memory_space<vmem>>, vector<1x16xf32>,
        %get3A_666 = vector.shape_cast %get3A_665 : vector<1x16xf32> to vector<16xf32>
        %add3A_667 = arith.addf %add3A_611, %get3A_666 : vector<16xf32>
        %add3A_668 = arith.constant 3 : i32
        %add3A_669 = arith.addi %add3A_570, %add3A_668 : i32
        %get3A_670 = arith.index_cast %add3A_669 : i32 to index
        %get3A_671 = arith.constant 32 : index
        %get3A_672 = tpu.vector_load %arg6[%get3A_670, %get3A_671] {strides = array<i32>} : memref<400x64xf32, #tpu.memory_space<vmem>>, vector<1x16xf32>,
        %get3A_673 = vector.shape_cast %get3A_672 : vector<1x16xf32> to vector<16xf32>
        %add3A_674 = arith.addf %add3A_618, %get3A_673 : vector<16xf32>
        %add3A_675 = arith.constant 3 : i32
        %add3A_676 = arith.addi %add3A_570, %add3A_675 : i32
        %get3A_677 = arith.index_cast %add3A_676 : i32 to index
        %get3A_678 = arith.constant 48 : index
        %get3A_679 = tpu.vector_load %arg6[%get3A_677, %get3A_678] {strides = array<i32>} : memref<400x64xf32, #tpu.memory_space<vmem>>, vector<1x16xf32>,
        %get3A_680 = vector.shape_cast %get3A_679 : vector<1x16xf32> to vector<16xf32>
        %add3A_681 = arith.addf %add3A_625, %get3A_680 : vector<16xf32>
        %add3A_682 = arith.constant 4 : i32
        %add3A_683 = arith.addi %add3A_570, %add3A_682 : i32
        %get3A_684 = arith.index_cast %add3A_683 : i32 to index
        %get3A_685 = arith.constant 0 : index
        %get3A_686 = tpu.vector_load %arg6[%get3A_684, %get3A_685] {strides = array<i32>} : memref<400x64xf32, #tpu.memory_space<vmem>>, vector<1x16xf32>,
        %get3A_687 = vector.shape_cast %get3A_686 : vector<1x16xf32> to vector<16xf32>
        %add3A_688 = arith.addf %add3A_632, %get3A_687 : vector<16xf32>
        %add3A_689 = arith.constant 4 : i32
        %add3A_690 = arith.addi %add3A_570, %add3A_689 : i32
        %get3A_691 = arith.index_cast %add3A_690 : i32 to index
        %get3A_692 = arith.constant 16 : index
        %get3A_693 = tpu.vector_load %arg6[%get3A_691, %get3A_692] {strides = array<i32>} : memref<400x64xf32, #tpu.memory_space<vmem>>, vector<1x16xf32>,
        %get3A_694 = vector.shape_cast %get3A_693 : vector<1x16xf32> to vector<16xf32>
        %add3A_695 = arith.addf %add3A_639, %get3A_694 : vector<16xf32>
        %add3A_696 = arith.constant 4 : i32
        %add3A_697 = arith.addi %add3A_570, %add3A_696 : i32
        %get3A_698 = arith.index_cast %add3A_697 : i32 to index
        %get3A_699 = arith.constant 32 : index
        %get3A_700 = tpu.vector_load %arg6[%get3A_698, %get3A_699] {strides = array<i32>} : memref<400x64xf32, #tpu.memory_space<vmem>>, vector<1x16xf32>,
        %get3A_701 = vector.shape_cast %get3A_700 : vector<1x16xf32> to vector<16xf32>
        %add3A_702 = arith.addf %add3A_646, %get3A_701 : vector<16xf32>
        %add3A_703 = arith.constant 4 : i32
        %add3A_704 = arith.addi %add3A_570, %add3A_703 : i32
        %get3A_705 = arith.index_cast %add3A_704 : i32 to index
        %get3A_706 = arith.constant 48 : index
        %get3A_707 = tpu.vector_load %arg6[%get3A_705, %get3A_706] {strides = array<i32>} : memref<400x64xf32, #tpu.memory_space<vmem>>, vector<1x16xf32>,
        %get3A_708 = vector.shape_cast %get3A_707 : vector<1x16xf32> to vector<16xf32>
        %add3A_709 = arith.addf %add3A_653, %get3A_708 : vector<16xf32>
        %add3A_710 = arith.constant 5 : i32
        %add3A_711 = arith.addi %add3A_570, %add3A_710 : i32
        %get3A_712 = arith.index_cast %add3A_711 : i32 to index
        %get3A_713 = arith.constant 0 : index
        %get3A_714 = tpu.vector_load %arg6[%get3A_712, %get3A_713] {strides = array<i32>} : memref<400x64xf32, #tpu.memory_space<vmem>>, vector<1x16xf32>,
        %get3A_715 = vector.shape_cast %get3A_714 : vector<1x16xf32> to vector<16xf32>
        %add3A_716 = arith.addf %add3A_660, %get3A_715 : vector<16xf32>
        %add3A_717 = arith.constant 5 : i32
        %add3A_718 = arith.addi %add3A_570, %add3A_717 : i32
        %get3A_719 = arith.index_cast %add3A_718 : i32 to index
        %get3A_720 = arith.constant 16 : index
        %get3A_721 = tpu.vector_load %arg6[%get3A_719, %get3A_720] {strides = array<i32>} : memref<400x64xf32, #tpu.memory_space<vmem>>, vector<1x16xf32>,
        %get3A_722 = vector.shape_cast %get3A_721 : vector<1x16xf32> to vector<16xf32>
        %add3A_723 = arith.addf %add3A_667, %get3A_722 : vector<16xf32>
        %add3A_724 = arith.constant 5 : i32
        %add3A_725 = arith.addi %add3A_570, %add3A_724 : i32
        %get3A_726 = arith.index_cast %add3A_725 : i32 to index
        %get3A_727 = arith.constant 32 : index
        %get3A_728 = tpu.vector_load %arg6[%get3A_726, %get3A_727] {strides = array<i32>} : memref<400x64xf32, #tpu.memory_space<vmem>>, vector<1x16xf32>,
        %get3A_729 = vector.shape_cast %get3A_728 : vector<1x16xf32> to vector<16xf32>
        %add3A_730 = arith.addf %add3A_674, %get3A_729 : vector<16xf32>
        %add3A_731 = arith.constant 5 : i32
        %add3A_732 = arith.addi %add3A_570, %add3A_731 : i32
        %get3A_733 = arith.index_cast %add3A_732 : i32 to index
        %get3A_734 = arith.constant 48 : index
        %get3A_735 = tpu.vector_load %arg6[%get3A_733, %get3A_734] {strides = array<i32>} : memref<400x64xf32, #tpu.memory_space<vmem>>, vector<1x16xf32>,
        %get3A_736 = vector.shape_cast %get3A_735 : vector<1x16xf32> to vector<16xf32>
        %add3A_737 = arith.addf %add3A_681, %get3A_736 : vector<16xf32>
        %add3A_738 = arith.constant 6 : i32
        %add3A_739 = arith.addi %add3A_570, %add3A_738 : i32
        %get3A_740 = arith.index_cast %add3A_739 : i32 to index
        %get3A_741 = arith.constant 0 : index
        %get3A_742 = tpu.vector_load %arg6[%get3A_740, %get3A_741] {strides = array<i32>} : memref<400x64xf32, #tpu.memory_space<vmem>>, vector<1x16xf32>,
        %get3A_743 = vector.shape_cast %get3A_742 : vector<1x16xf32> to vector<16xf32>
        %add3A_744 = arith.addf %add3A_688, %get3A_743 : vector<16xf32>
        %add3A_745 = arith.constant 6 : i32
        %add3A_746 = arith.addi %add3A_570, %add3A_745 : i32
        %get3A_747 = arith.index_cast %add3A_746 : i32 to index
        %get3A_748 = arith.constant 16 : index
        %get3A_749 = tpu.vector_load %arg6[%get3A_747, %get3A_748] {strides = array<i32>} : memref<400x64xf32, #tpu.memory_space<vmem>>, vector<1x16xf32>,
        %get3A_750 = vector.shape_cast %get3A_749 : vector<1x16xf32> to vector<16xf32>
        %add3A_751 = arith.addf %add3A_695, %get3A_750 : vector<16xf32>
        %add3A_752 = arith.constant 6 : i32
        %add3A_753 = arith.addi %add3A_570, %add3A_752 : i32
        %get3A_754 = arith.index_cast %add3A_753 : i32 to index
        %get3A_755 = arith.constant 32 : index
        %get3A_756 = tpu.vector_load %arg6[%get3A_754, %get3A_755] {strides = array<i32>} : memref<400x64xf32, #tpu.memory_space<vmem>>, vector<1x16xf32>,
        %get3A_757 = vector.shape_cast %get3A_756 : vector<1x16xf32> to vector<16xf32>
        %add3A_758 = arith.addf %add3A_702, %get3A_757 : vector<16xf32>
        %add3A_759 = arith.constant 6 : i32
        %add3A_760 = arith.addi %add3A_570, %add3A_759 : i32
        %get3A_761 = arith.index_cast %add3A_760 : i32 to index
        %get3A_762 = arith.constant 48 : index
        %get3A_763 = tpu.vector_load %arg6[%get3A_761, %get3A_762] {strides = array<i32>} : memref<400x64xf32, #tpu.memory_space<vmem>>, vector<1x16xf32>,
        %get3A_764 = vector.shape_cast %get3A_763 : vector<1x16xf32> to vector<16xf32>
        %add3A_765 = arith.addf %add3A_709, %get3A_764 : vector<16xf32>
        %add3A_766 = arith.constant 7 : i32
        %add3A_767 = arith.addi %add3A_570, %add3A_766 : i32
        %get3A_768 = arith.index_cast %add3A_767 : i32 to index
        %get3A_769 = arith.constant 0 : index
        %get3A_770 = tpu.vector_load %arg6[%get3A_768, %get3A_769] {strides = array<i32>} : memref<400x64xf32, #tpu.memory_space<vmem>>, vector<1x16xf32>,
        %get3A_771 = vector.shape_cast %get3A_770 : vector<1x16xf32> to vector<16xf32>
        %add3A_772 = arith.addf %add3A_716, %get3A_771 : vector<16xf32>
        %add3A_773 = arith.constant 7 : i32
        %add3A_774 = arith.addi %add3A_570, %add3A_773 : i32
        %get3A_775 = arith.index_cast %add3A_774 : i32 to index
        %get3A_776 = arith.constant 16 : index
        %get3A_777 = tpu.vector_load %arg6[%get3A_775, %get3A_776] {strides = array<i32>} : memref<400x64xf32, #tpu.memory_space<vmem>>, vector<1x16xf32>,
        %get3A_778 = vector.shape_cast %get3A_777 : vector<1x16xf32> to vector<16xf32>
        %add3A_779 = arith.addf %add3A_723, %get3A_778 : vector<16xf32>
        %add3A_780 = arith.constant 7 : i32
        %add3A_781 = arith.addi %add3A_570, %add3A_780 : i32
        %get3A_782 = arith.index_cast %add3A_781 : i32 to index
        %get3A_783 = arith.constant 32 : index
        %get3A_784 = tpu.vector_load %arg6[%get3A_782, %get3A_783] {strides = array<i32>} : memref<400x64xf32, #tpu.memory_space<vmem>>, vector<1x16xf32>,
        %get3A_785 = vector.shape_cast %get3A_784 : vector<1x16xf32> to vector<16xf32>
        %add3A_786 = arith.addf %add3A_730, %get3A_785 : vector<16xf32>
        %add3A_787 = arith.constant 7 : i32
        %add3A_788 = arith.addi %add3A_570, %add3A_787 : i32
        %get3A_789 = arith.index_cast %add3A_788 : i32 to index
        %get3A_790 = arith.constant 48 : index
        %get3A_791 = tpu.vector_load %arg6[%get3A_789, %get3A_790] {strides = array<i32>} : memref<400x64xf32, #tpu.memory_space<vmem>>, vector<1x16xf32>,
        %get3A_792 = vector.shape_cast %get3A_791 : vector<1x16xf32> to vector<16xf32>
        %add3A_793 = arith.addf %add3A_737, %get3A_792 : vector<16xf32>
        scf.yield %add3A_744, %add3A_772, %add3A_751, %add3A_779, %add3A_758, %add3A_786, %add3A_765, %add3A_793 : vector<16xf32>, vector<16xf32>, vector<16xf32>, vector<16xf32>, vector<16xf32>, vector<16xf32>, vector<16xf32>, vector<16xf32>
      }
      %scan3A_199 = arith.constant 25 : i32
      %add3A_200 = arith.addf %scan3A_198#0, %scan3A_198#1 : vector<16xf32>
      %mul3A_201 = vector.broadcast %scan3A_61 : f32 to vector<16xf32>
      %mul3A_202 = arith.mulf %add3A_200, %mul3A_201 : vector<16xf32>
      %mul3A_203 = arith.constant 64 : i32
      %mul3A_204 = arith.muli %add3A_191, %mul3A_203 : i32
      %add3A_205 = arith.constant 0 : i32
      %add3A_206 = arith.addi %mul3A_204, %add3A_205 : i32
      %swap3A_207 = arith.index_cast %add3A_206 : i32 to index
      %swap3A_208 = tpu.vector_load %arg9[%swap3A_207] {strides = array<i32>} : memref<8192xf32, #tpu.memory_space<vmem>>, vector<16xf32>,
      %swap3A_209 = vector.shape_cast %swap3A_208 : vector<16xf32> to vector<16xf32>
      %swap3A_210 = vector.shape_cast %mul3A_202 : vector<16xf32> to vector<16xf32>
      tpu.vector_store %arg9[%swap3A_207], %swap3A_210 {strides = array<i32>} : memref<8192xf32, #tpu.memory_space<vmem>>, vector<16xf32>,
      %add3A_211 = arith.addf %scan3A_198#2, %scan3A_198#3 : vector<16xf32>
      %mul3A_212 = vector.broadcast %scan3A_61 : f32 to vector<16xf32>
      %mul3A_213 = arith.mulf %add3A_211, %mul3A_212 : vector<16xf32>
      %mul3A_214 = arith.constant 64 : i32
      %mul3A_215 = arith.muli %add3A_191, %mul3A_214 : i32
      %add3A_216 = arith.constant 16 : i32
      %add3A_217 = arith.addi %mul3A_215, %add3A_216 : i32
      %swap3A_218 = arith.index_cast %add3A_217 : i32 to index
      %swap3A_219 = tpu.vector_load %arg9[%swap3A_218] {strides = array<i32>} : memref<8192xf32, #tpu.memory_space<vmem>>, vector<16xf32>,
      %swap3A_220 = vector.shape_cast %swap3A_219 : vector<16xf32> to vector<16xf32>
      %swap3A_221 = vector.shape_cast %mul3A_213 : vector<16xf32> to vector<16xf32>
      tpu.vector_store %arg9[%swap3A_218], %swap3A_221 {strides = array<i32>} : memref<8192xf32, #tpu.memory_space<vmem>>, vector<16xf32>,
      %add3A_222 = arith.addf %scan3A_198#4, %scan3A_198#5 : vector<16xf32>
      %mul3A_223 = vector.broadcast %scan3A_61 : f32 to vector<16xf32>
      %mul3A_224 = arith.mulf %add3A_222, %mul3A_223 : vector<16xf32>
      %mul3A_225 = arith.constant 64 : i32
      %mul3A_226 = arith.muli %add3A_191, %mul3A_225 : i32
      %add3A_227 = arith.constant 32 : i32
      %add3A_228 = arith.addi %mul3A_226, %add3A_227 : i32
      %swap3A_229 = arith.index_cast %add3A_228 : i32 to index
      %swap3A_230 = tpu.vector_load %arg9[%swap3A_229] {strides = array<i32>} : memref<8192xf32, #tpu.memory_space<vmem>>, vector<16xf32>,
      %swap3A_231 = vector.shape_cast %swap3A_230 : vector<16xf32> to vector<16xf32>
      %swap3A_232 = vector.shape_cast %mul3A_224 : vector<16xf32> to vector<16xf32>
      tpu.vector_store %arg9[%swap3A_229], %swap3A_232 {strides = array<i32>} : memref<8192xf32, #tpu.memory_space<vmem>>, vector<16xf32>,
      %add3A_233 = arith.addf %scan3A_198#6, %scan3A_198#7 : vector<16xf32>
      %mul3A_234 = vector.broadcast %scan3A_61 : f32 to vector<16xf32>
      %mul3A_235 = arith.mulf %add3A_233, %mul3A_234 : vector<16xf32>
      %mul3A_236 = arith.constant 64 : i32
      %mul3A_237 = arith.muli %add3A_191, %mul3A_236 : i32
      %add3A_238 = arith.constant 48 : i32
      %add3A_239 = arith.addi %mul3A_237, %add3A_238 : i32
      %swap3A_240 = arith.index_cast %add3A_239 : i32 to index
      %swap3A_241 = tpu.vector_load %arg9[%swap3A_240] {strides = array<i32>} : memref<8192xf32, #tpu.memory_space<vmem>>, vector<16xf32>,
      %swap3A_242 = vector.shape_cast %swap3A_241 : vector<16xf32> to vector<16xf32>
      %swap3A_243 = vector.shape_cast %mul3A_235 : vector<16xf32> to vector<16xf32>
      tpu.vector_store %arg9[%swap3A_240], %swap3A_243 {strides = array<i32>} : memref<8192xf32, #tpu.memory_space<vmem>>, vector<16xf32>,
      %mul3A_244 = arith.constant 2 : i32
      %mul3A_245 = arith.muli %add3A_181, %mul3A_244 : i32
      %add3A_246 = arith.constant 1 : i32
      %add3A_247 = arith.addi %mul3A_245, %add3A_246 : i32
      %broadcast_in_dim3A_248 = arith.constant 0.000000e+00 : f32
      %broadcast_in_dim3A_249 = vector.broadcast %broadcast_in_dim3A_248 : f32 to vector<16xf32>
      %scan3A_250 = arith.constant 0 : i32
      %scan3A_251 = arith.constant 25 : i32
      %scan3A_252 = arith.addi %scan3A_250, %scan3A_251 : i32
      %scan3A_253 = arith.constant 1 : i32
      %scan3A_254:8 = scf.for %scan3A_558 = %scan3A_250 to %scan3A_252 step %scan3A_253 iter_args(%scan3A_559 = %broadcast_in_dim3A_249, %scan3A_560 = %broadcast_in_dim3A_249, %scan3A_561 = %broadcast_in_dim3A_249, %scan3A_562 = %broadcast_in_dim3A_249, %scan3A_563 = %broadcast_in_dim3A_249, %scan3A_564 = %broadcast_in_dim3A_249, %scan3A_565 = %broadcast_in_dim3A_249, %scan3A_566 = %broadcast_in_dim3A_249) -> (vector<16xf32>, vector<16xf32>, vector<16xf32>, vector<16xf32>, vector<16xf32>, vector<16xf32>, vector<16xf32>, vector<16xf32>)  : i32 {
        %mul3A_567 = arith.constant 8 : i32
        %mul3A_568 = arith.muli %scan3A_558, %mul3A_567 : i32
        %add3A_569 = arith.constant 200 : i32
        %add3A_570 = arith.addi %add3A_569, %mul3A_568 : i32
        %add3A_571 = arith.constant 0 : i32
        %add3A_572 = arith.addi %add3A_570, %add3A_571 : i32
        %get3A = arith.index_cast %add3A_572 : i32 to index
        %get3A_573 = arith.constant 0 : index
        %get3A_574 = tpu.vector_load %arg6[%get3A, %get3A_573] {strides = array<i32>} : memref<400x64xf32, #tpu.memory_space<vmem>>, vector<1x16xf32>,
        %get3A_575 = vector.shape_cast %get3A_574 : vector<1x16xf32> to vector<16xf32>
        %add3A_576 = arith.addf %scan3A_559, %get3A_575 : vector<16xf32>
        %add3A_577 = arith.constant 0 : i32
        %add3A_578 = arith.addi %add3A_570, %add3A_577 : i32
        %get3A_579 = arith.index_cast %add3A_578 : i32 to index
        %get3A_580 = arith.constant 16 : index
        %get3A_581 = tpu.vector_load %arg6[%get3A_579, %get3A_580] {strides = array<i32>} : memref<400x64xf32, #tpu.memory_space<vmem>>, vector<1x16xf32>,
        %get3A_582 = vector.shape_cast %get3A_581 : vector<1x16xf32> to vector<16xf32>
        %add3A_583 = arith.addf %scan3A_561, %get3A_582 : vector<16xf32>
        %add3A_584 = arith.constant 0 : i32
        %add3A_585 = arith.addi %add3A_570, %add3A_584 : i32
        %get3A_586 = arith.index_cast %add3A_585 : i32 to index
        %get3A_587 = arith.constant 32 : index
        %get3A_588 = tpu.vector_load %arg6[%get3A_586, %get3A_587] {strides = array<i32>} : memref<400x64xf32, #tpu.memory_space<vmem>>, vector<1x16xf32>,
        %get3A_589 = vector.shape_cast %get3A_588 : vector<1x16xf32> to vector<16xf32>
        %add3A_590 = arith.addf %scan3A_563, %get3A_589 : vector<16xf32>
        %add3A_591 = arith.constant 0 : i32
        %add3A_592 = arith.addi %add3A_570, %add3A_591 : i32
        %get3A_593 = arith.index_cast %add3A_592 : i32 to index
        %get3A_594 = arith.constant 48 : index
        %get3A_595 = tpu.vector_load %arg6[%get3A_593, %get3A_594] {strides = array<i32>} : memref<400x64xf32, #tpu.memory_space<vmem>>, vector<1x16xf32>,
        %get3A_596 = vector.shape_cast %get3A_595 : vector<1x16xf32> to vector<16xf32>
        %add3A_597 = arith.addf %scan3A_565, %get3A_596 : vector<16xf32>
        %add3A_598 = arith.constant 1 : i32
        %add3A_599 = arith.addi %add3A_570, %add3A_598 : i32
        %get3A_600 = arith.index_cast %add3A_599 : i32 to index
        %get3A_601 = arith.constant 0 : index
        %get3A_602 = tpu.vector_load %arg6[%get3A_600, %get3A_601] {strides = array<i32>} : memref<400x64xf32, #tpu.memory_space<vmem>>, vector<1x16xf32>,
        %get3A_603 = vector.shape_cast %get3A_602 : vector<1x16xf32> to vector<16xf32>
        %add3A_604 = arith.addf %scan3A_560, %get3A_603 : vector<16xf32>
        %add3A_605 = arith.constant 1 : i32
        %add3A_606 = arith.addi %add3A_570, %add3A_605 : i32
        %get3A_607 = arith.index_cast %add3A_606 : i32 to index
        %get3A_608 = arith.constant 16 : index
        %get3A_609 = tpu.vector_load %arg6[%get3A_607, %get3A_608] {strides = array<i32>} : memref<400x64xf32, #tpu.memory_space<vmem>>, vector<1x16xf32>,
        %get3A_610 = vector.shape_cast %get3A_609 : vector<1x16xf32> to vector<16xf32>
        %add3A_611 = arith.addf %scan3A_562, %get3A_610 : vector<16xf32>
        %add3A_612 = arith.constant 1 : i32
        %add3A_613 = arith.addi %add3A_570, %add3A_612 : i32
        %get3A_614 = arith.index_cast %add3A_613 : i32 to index
        %get3A_615 = arith.constant 32 : index
        %get3A_616 = tpu.vector_load %arg6[%get3A_614, %get3A_615] {strides = array<i32>} : memref<400x64xf32, #tpu.memory_space<vmem>>, vector<1x16xf32>,
        %get3A_617 = vector.shape_cast %get3A_616 : vector<1x16xf32> to vector<16xf32>
        %add3A_618 = arith.addf %scan3A_564, %get3A_617 : vector<16xf32>
        %add3A_619 = arith.constant 1 : i32
        %add3A_620 = arith.addi %add3A_570, %add3A_619 : i32
        %get3A_621 = arith.index_cast %add3A_620 : i32 to index
        %get3A_622 = arith.constant 48 : index
        %get3A_623 = tpu.vector_load %arg6[%get3A_621, %get3A_622] {strides = array<i32>} : memref<400x64xf32, #tpu.memory_space<vmem>>, vector<1x16xf32>,
        %get3A_624 = vector.shape_cast %get3A_623 : vector<1x16xf32> to vector<16xf32>
        %add3A_625 = arith.addf %scan3A_566, %get3A_624 : vector<16xf32>
        %add3A_626 = arith.constant 2 : i32
        %add3A_627 = arith.addi %add3A_570, %add3A_626 : i32
        %get3A_628 = arith.index_cast %add3A_627 : i32 to index
        %get3A_629 = arith.constant 0 : index
        %get3A_630 = tpu.vector_load %arg6[%get3A_628, %get3A_629] {strides = array<i32>} : memref<400x64xf32, #tpu.memory_space<vmem>>, vector<1x16xf32>,
        %get3A_631 = vector.shape_cast %get3A_630 : vector<1x16xf32> to vector<16xf32>
        %add3A_632 = arith.addf %add3A_576, %get3A_631 : vector<16xf32>
        %add3A_633 = arith.constant 2 : i32
        %add3A_634 = arith.addi %add3A_570, %add3A_633 : i32
        %get3A_635 = arith.index_cast %add3A_634 : i32 to index
        %get3A_636 = arith.constant 16 : index
        %get3A_637 = tpu.vector_load %arg6[%get3A_635, %get3A_636] {strides = array<i32>} : memref<400x64xf32, #tpu.memory_space<vmem>>, vector<1x16xf32>,
        %get3A_638 = vector.shape_cast %get3A_637 : vector<1x16xf32> to vector<16xf32>
        %add3A_639 = arith.addf %add3A_583, %get3A_638 : vector<16xf32>
        %add3A_640 = arith.constant 2 : i32
        %add3A_641 = arith.addi %add3A_570, %add3A_640 : i32
        %get3A_642 = arith.index_cast %add3A_641 : i32 to index
        %get3A_643 = arith.constant 32 : index
        %get3A_644 = tpu.vector_load %arg6[%get3A_642, %get3A_643] {strides = array<i32>} : memref<400x64xf32, #tpu.memory_space<vmem>>, vector<1x16xf32>,
        %get3A_645 = vector.shape_cast %get3A_644 : vector<1x16xf32> to vector<16xf32>
        %add3A_646 = arith.addf %add3A_590, %get3A_645 : vector<16xf32>
        %add3A_647 = arith.constant 2 : i32
        %add3A_648 = arith.addi %add3A_570, %add3A_647 : i32
        %get3A_649 = arith.index_cast %add3A_648 : i32 to index
        %get3A_650 = arith.constant 48 : index
        %get3A_651 = tpu.vector_load %arg6[%get3A_649, %get3A_650] {strides = array<i32>} : memref<400x64xf32, #tpu.memory_space<vmem>>, vector<1x16xf32>,
        %get3A_652 = vector.shape_cast %get3A_651 : vector<1x16xf32> to vector<16xf32>
        %add3A_653 = arith.addf %add3A_597, %get3A_652 : vector<16xf32>
        %add3A_654 = arith.constant 3 : i32
        %add3A_655 = arith.addi %add3A_570, %add3A_654 : i32
        %get3A_656 = arith.index_cast %add3A_655 : i32 to index
        %get3A_657 = arith.constant 0 : index
        %get3A_658 = tpu.vector_load %arg6[%get3A_656, %get3A_657] {strides = array<i32>} : memref<400x64xf32, #tpu.memory_space<vmem>>, vector<1x16xf32>,
        %get3A_659 = vector.shape_cast %get3A_658 : vector<1x16xf32> to vector<16xf32>
        %add3A_660 = arith.addf %add3A_604, %get3A_659 : vector<16xf32>
        %add3A_661 = arith.constant 3 : i32
        %add3A_662 = arith.addi %add3A_570, %add3A_661 : i32
        %get3A_663 = arith.index_cast %add3A_662 : i32 to index
        %get3A_664 = arith.constant 16 : index
        %get3A_665 = tpu.vector_load %arg6[%get3A_663, %get3A_664] {strides = array<i32>} : memref<400x64xf32, #tpu.memory_space<vmem>>, vector<1x16xf32>,
        %get3A_666 = vector.shape_cast %get3A_665 : vector<1x16xf32> to vector<16xf32>
        %add3A_667 = arith.addf %add3A_611, %get3A_666 : vector<16xf32>
        %add3A_668 = arith.constant 3 : i32
        %add3A_669 = arith.addi %add3A_570, %add3A_668 : i32
        %get3A_670 = arith.index_cast %add3A_669 : i32 to index
        %get3A_671 = arith.constant 32 : index
        %get3A_672 = tpu.vector_load %arg6[%get3A_670, %get3A_671] {strides = array<i32>} : memref<400x64xf32, #tpu.memory_space<vmem>>, vector<1x16xf32>,
        %get3A_673 = vector.shape_cast %get3A_672 : vector<1x16xf32> to vector<16xf32>
        %add3A_674 = arith.addf %add3A_618, %get3A_673 : vector<16xf32>
        %add3A_675 = arith.constant 3 : i32
        %add3A_676 = arith.addi %add3A_570, %add3A_675 : i32
        %get3A_677 = arith.index_cast %add3A_676 : i32 to index
        %get3A_678 = arith.constant 48 : index
        %get3A_679 = tpu.vector_load %arg6[%get3A_677, %get3A_678] {strides = array<i32>} : memref<400x64xf32, #tpu.memory_space<vmem>>, vector<1x16xf32>,
        %get3A_680 = vector.shape_cast %get3A_679 : vector<1x16xf32> to vector<16xf32>
        %add3A_681 = arith.addf %add3A_625, %get3A_680 : vector<16xf32>
        %add3A_682 = arith.constant 4 : i32
        %add3A_683 = arith.addi %add3A_570, %add3A_682 : i32
        %get3A_684 = arith.index_cast %add3A_683 : i32 to index
        %get3A_685 = arith.constant 0 : index
        %get3A_686 = tpu.vector_load %arg6[%get3A_684, %get3A_685] {strides = array<i32>} : memref<400x64xf32, #tpu.memory_space<vmem>>, vector<1x16xf32>,
        %get3A_687 = vector.shape_cast %get3A_686 : vector<1x16xf32> to vector<16xf32>
        %add3A_688 = arith.addf %add3A_632, %get3A_687 : vector<16xf32>
        %add3A_689 = arith.constant 4 : i32
        %add3A_690 = arith.addi %add3A_570, %add3A_689 : i32
        %get3A_691 = arith.index_cast %add3A_690 : i32 to index
        %get3A_692 = arith.constant 16 : index
        %get3A_693 = tpu.vector_load %arg6[%get3A_691, %get3A_692] {strides = array<i32>} : memref<400x64xf32, #tpu.memory_space<vmem>>, vector<1x16xf32>,
        %get3A_694 = vector.shape_cast %get3A_693 : vector<1x16xf32> to vector<16xf32>
        %add3A_695 = arith.addf %add3A_639, %get3A_694 : vector<16xf32>
        %add3A_696 = arith.constant 4 : i32
        %add3A_697 = arith.addi %add3A_570, %add3A_696 : i32
        %get3A_698 = arith.index_cast %add3A_697 : i32 to index
        %get3A_699 = arith.constant 32 : index
        %get3A_700 = tpu.vector_load %arg6[%get3A_698, %get3A_699] {strides = array<i32>} : memref<400x64xf32, #tpu.memory_space<vmem>>, vector<1x16xf32>,
        %get3A_701 = vector.shape_cast %get3A_700 : vector<1x16xf32> to vector<16xf32>
        %add3A_702 = arith.addf %add3A_646, %get3A_701 : vector<16xf32>
        %add3A_703 = arith.constant 4 : i32
        %add3A_704 = arith.addi %add3A_570, %add3A_703 : i32
        %get3A_705 = arith.index_cast %add3A_704 : i32 to index
        %get3A_706 = arith.constant 48 : index
        %get3A_707 = tpu.vector_load %arg6[%get3A_705, %get3A_706] {strides = array<i32>} : memref<400x64xf32, #tpu.memory_space<vmem>>, vector<1x16xf32>,
        %get3A_708 = vector.shape_cast %get3A_707 : vector<1x16xf32> to vector<16xf32>
        %add3A_709 = arith.addf %add3A_653, %get3A_708 : vector<16xf32>
        %add3A_710 = arith.constant 5 : i32
        %add3A_711 = arith.addi %add3A_570, %add3A_710 : i32
        %get3A_712 = arith.index_cast %add3A_711 : i32 to index
        %get3A_713 = arith.constant 0 : index
        %get3A_714 = tpu.vector_load %arg6[%get3A_712, %get3A_713] {strides = array<i32>} : memref<400x64xf32, #tpu.memory_space<vmem>>, vector<1x16xf32>,
        %get3A_715 = vector.shape_cast %get3A_714 : vector<1x16xf32> to vector<16xf32>
        %add3A_716 = arith.addf %add3A_660, %get3A_715 : vector<16xf32>
        %add3A_717 = arith.constant 5 : i32
        %add3A_718 = arith.addi %add3A_570, %add3A_717 : i32
        %get3A_719 = arith.index_cast %add3A_718 : i32 to index
        %get3A_720 = arith.constant 16 : index
        %get3A_721 = tpu.vector_load %arg6[%get3A_719, %get3A_720] {strides = array<i32>} : memref<400x64xf32, #tpu.memory_space<vmem>>, vector<1x16xf32>,
        %get3A_722 = vector.shape_cast %get3A_721 : vector<1x16xf32> to vector<16xf32>
        %add3A_723 = arith.addf %add3A_667, %get3A_722 : vector<16xf32>
        %add3A_724 = arith.constant 5 : i32
        %add3A_725 = arith.addi %add3A_570, %add3A_724 : i32
        %get3A_726 = arith.index_cast %add3A_725 : i32 to index
        %get3A_727 = arith.constant 32 : index
        %get3A_728 = tpu.vector_load %arg6[%get3A_726, %get3A_727] {strides = array<i32>} : memref<400x64xf32, #tpu.memory_space<vmem>>, vector<1x16xf32>,
        %get3A_729 = vector.shape_cast %get3A_728 : vector<1x16xf32> to vector<16xf32>
        %add3A_730 = arith.addf %add3A_674, %get3A_729 : vector<16xf32>
        %add3A_731 = arith.constant 5 : i32
        %add3A_732 = arith.addi %add3A_570, %add3A_731 : i32
        %get3A_733 = arith.index_cast %add3A_732 : i32 to index
        %get3A_734 = arith.constant 48 : index
        %get3A_735 = tpu.vector_load %arg6[%get3A_733, %get3A_734] {strides = array<i32>} : memref<400x64xf32, #tpu.memory_space<vmem>>, vector<1x16xf32>,
        %get3A_736 = vector.shape_cast %get3A_735 : vector<1x16xf32> to vector<16xf32>
        %add3A_737 = arith.addf %add3A_681, %get3A_736 : vector<16xf32>
        %add3A_738 = arith.constant 6 : i32
        %add3A_739 = arith.addi %add3A_570, %add3A_738 : i32
        %get3A_740 = arith.index_cast %add3A_739 : i32 to index
        %get3A_741 = arith.constant 0 : index
        %get3A_742 = tpu.vector_load %arg6[%get3A_740, %get3A_741] {strides = array<i32>} : memref<400x64xf32, #tpu.memory_space<vmem>>, vector<1x16xf32>,
        %get3A_743 = vector.shape_cast %get3A_742 : vector<1x16xf32> to vector<16xf32>
        %add3A_744 = arith.addf %add3A_688, %get3A_743 : vector<16xf32>
        %add3A_745 = arith.constant 6 : i32
        %add3A_746 = arith.addi %add3A_570, %add3A_745 : i32
        %get3A_747 = arith.index_cast %add3A_746 : i32 to index
        %get3A_748 = arith.constant 16 : index
        %get3A_749 = tpu.vector_load %arg6[%get3A_747, %get3A_748] {strides = array<i32>} : memref<400x64xf32, #tpu.memory_space<vmem>>, vector<1x16xf32>,
        %get3A_750 = vector.shape_cast %get3A_749 : vector<1x16xf32> to vector<16xf32>
        %add3A_751 = arith.addf %add3A_695, %get3A_750 : vector<16xf32>
        %add3A_752 = arith.constant 6 : i32
        %add3A_753 = arith.addi %add3A_570, %add3A_752 : i32
        %get3A_754 = arith.index_cast %add3A_753 : i32 to index
        %get3A_755 = arith.constant 32 : index
        %get3A_756 = tpu.vector_load %arg6[%get3A_754, %get3A_755] {strides = array<i32>} : memref<400x64xf32, #tpu.memory_space<vmem>>, vector<1x16xf32>,
        %get3A_757 = vector.shape_cast %get3A_756 : vector<1x16xf32> to vector<16xf32>
        %add3A_758 = arith.addf %add3A_702, %get3A_757 : vector<16xf32>
        %add3A_759 = arith.constant 6 : i32
        %add3A_760 = arith.addi %add3A_570, %add3A_759 : i32
        %get3A_761 = arith.index_cast %add3A_760 : i32 to index
        %get3A_762 = arith.constant 48 : index
        %get3A_763 = tpu.vector_load %arg6[%get3A_761, %get3A_762] {strides = array<i32>} : memref<400x64xf32, #tpu.memory_space<vmem>>, vector<1x16xf32>,
        %get3A_764 = vector.shape_cast %get3A_763 : vector<1x16xf32> to vector<16xf32>
        %add3A_765 = arith.addf %add3A_709, %get3A_764 : vector<16xf32>
        %add3A_766 = arith.constant 7 : i32
        %add3A_767 = arith.addi %add3A_570, %add3A_766 : i32
        %get3A_768 = arith.index_cast %add3A_767 : i32 to index
        %get3A_769 = arith.constant 0 : index
        %get3A_770 = tpu.vector_load %arg6[%get3A_768, %get3A_769] {strides = array<i32>} : memref<400x64xf32, #tpu.memory_space<vmem>>, vector<1x16xf32>,
        %get3A_771 = vector.shape_cast %get3A_770 : vector<1x16xf32> to vector<16xf32>
        %add3A_772 = arith.addf %add3A_716, %get3A_771 : vector<16xf32>
        %add3A_773 = arith.constant 7 : i32
        %add3A_774 = arith.addi %add3A_570, %add3A_773 : i32
        %get3A_775 = arith.index_cast %add3A_774 : i32 to index
        %get3A_776 = arith.constant 16 : index
        %get3A_777 = tpu.vector_load %arg6[%get3A_775, %get3A_776] {strides = array<i32>} : memref<400x64xf32, #tpu.memory_space<vmem>>, vector<1x16xf32>,
        %get3A_778 = vector.shape_cast %get3A_777 : vector<1x16xf32> to vector<16xf32>
        %add3A_779 = arith.addf %add3A_723, %get3A_778 : vector<16xf32>
        %add3A_780 = arith.constant 7 : i32
        %add3A_781 = arith.addi %add3A_570, %add3A_780 : i32
        %get3A_782 = arith.index_cast %add3A_781 : i32 to index
        %get3A_783 = arith.constant 32 : index
        %get3A_784 = tpu.vector_load %arg6[%get3A_782, %get3A_783] {strides = array<i32>} : memref<400x64xf32, #tpu.memory_space<vmem>>, vector<1x16xf32>,
        %get3A_785 = vector.shape_cast %get3A_784 : vector<1x16xf32> to vector<16xf32>
        %add3A_786 = arith.addf %add3A_730, %get3A_785 : vector<16xf32>
        %add3A_787 = arith.constant 7 : i32
        %add3A_788 = arith.addi %add3A_570, %add3A_787 : i32
        %get3A_789 = arith.index_cast %add3A_788 : i32 to index
        %get3A_790 = arith.constant 48 : index
        %get3A_791 = tpu.vector_load %arg6[%get3A_789, %get3A_790] {strides = array<i32>} : memref<400x64xf32, #tpu.memory_space<vmem>>, vector<1x16xf32>,
        %get3A_792 = vector.shape_cast %get3A_791 : vector<1x16xf32> to vector<16xf32>
        %add3A_793 = arith.addf %add3A_737, %get3A_792 : vector<16xf32>
        scf.yield %add3A_744, %add3A_772, %add3A_751, %add3A_779, %add3A_758, %add3A_786, %add3A_765, %add3A_793 : vector<16xf32>, vector<16xf32>, vector<16xf32>, vector<16xf32>, vector<16xf32>, vector<16xf32>, vector<16xf32>, vector<16xf32>
      }
      %scan3A_255 = arith.constant 25 : i32
      %add3A_256 = arith.addf %scan3A_254#0, %scan3A_254#1 : vector<16xf32>
      %mul3A_257 = vector.broadcast %scan3A_61 : f32 to vector<16xf32>
      %mul3A_258 = arith.mulf %add3A_256, %mul3A_257 : vector<16xf32>
      %mul3A_259 = arith.constant 64 : i32
      %mul3A_260 = arith.muli %add3A_247, %mul3A_259 : i32
      %add3A_261 = arith.constant 0 : i32
      %add3A_262 = arith.addi %mul3A_260, %add3A_261 : i32
      %swap3A_263 = arith.index_cast %add3A_262 : i32 to index
      %swap3A_264 = tpu.vector_load %arg9[%swap3A_263] {strides = array<i32>} : memref<8192xf32, #tpu.memory_space<vmem>>, vector<16xf32>,
      %swap3A_265 = vector.shape_cast %swap3A_264 : vector<16xf32> to vector<16xf32>
      %swap3A_266 = vector.shape_cast %mul3A_258 : vector<16xf32> to vector<16xf32>
      tpu.vector_store %arg9[%swap3A_263], %swap3A_266 {strides = array<i32>} : memref<8192xf32, #tpu.memory_space<vmem>>, vector<16xf32>,
      %add3A_267 = arith.addf %scan3A_254#2, %scan3A_254#3 : vector<16xf32>
      %mul3A_268 = vector.broadcast %scan3A_61 : f32 to vector<16xf32>
      %mul3A_269 = arith.mulf %add3A_267, %mul3A_268 : vector<16xf32>
      %mul3A_270 = arith.constant 64 : i32
      %mul3A_271 = arith.muli %add3A_247, %mul3A_270 : i32
      %add3A_272 = arith.constant 16 : i32
      %add3A_273 = arith.addi %mul3A_271, %add3A_272 : i32
      %swap3A_274 = arith.index_cast %add3A_273 : i32 to index
      %swap3A_275 = tpu.vector_load %arg9[%swap3A_274] {strides = array<i32>} : memref<8192xf32, #tpu.memory_space<vmem>>, vector<16xf32>,
      %swap3A_276 = vector.shape_cast %swap3A_275 : vector<16xf32> to vector<16xf32>
      %swap3A_277 = vector.shape_cast %mul3A_269 : vector<16xf32> to vector<16xf32>
      tpu.vector_store %arg9[%swap3A_274], %swap3A_277 {strides = array<i32>} : memref<8192xf32, #tpu.memory_space<vmem>>, vector<16xf32>,
      %add3A_278 = arith.addf %scan3A_254#4, %scan3A_254#5 : vector<16xf32>
      %mul3A_279 = vector.broadcast %scan3A_61 : f32 to vector<16xf32>
      %mul3A_280 = arith.mulf %add3A_278, %mul3A_279 : vector<16xf32>
      %mul3A_281 = arith.constant 64 : i32
      %mul3A_282 = arith.muli %add3A_247, %mul3A_281 : i32
      %add3A_283 = arith.constant 32 : i32
      %add3A_284 = arith.addi %mul3A_282, %add3A_283 : i32
      %swap3A_285 = arith.index_cast %add3A_284 : i32 to index
      %swap3A_286 = tpu.vector_load %arg9[%swap3A_285] {strides = array<i32>} : memref<8192xf32, #tpu.memory_space<vmem>>, vector<16xf32>,
      %swap3A_287 = vector.shape_cast %swap3A_286 : vector<16xf32> to vector<16xf32>
      %swap3A_288 = vector.shape_cast %mul3A_280 : vector<16xf32> to vector<16xf32>
      tpu.vector_store %arg9[%swap3A_285], %swap3A_288 {strides = array<i32>} : memref<8192xf32, #tpu.memory_space<vmem>>, vector<16xf32>,
      %add3A_289 = arith.addf %scan3A_254#6, %scan3A_254#7 : vector<16xf32>
      %mul3A_290 = vector.broadcast %scan3A_61 : f32 to vector<16xf32>
      %mul3A_291 = arith.mulf %add3A_289, %mul3A_290 : vector<16xf32>
      %mul3A_292 = arith.constant 64 : i32
      %mul3A_293 = arith.muli %add3A_247, %mul3A_292 : i32
      %add3A_294 = arith.constant 48 : i32
      %add3A_295 = arith.addi %mul3A_293, %add3A_294 : i32
      %swap3A_296 = arith.index_cast %add3A_295 : i32 to index
      %swap3A_297 = tpu.vector_load %arg9[%swap3A_296] {strides = array<i32>} : memref<8192xf32, #tpu.memory_space<vmem>>, vector<16xf32>,
      %swap3A_298 = vector.shape_cast %swap3A_297 : vector<16xf32> to vector<16xf32>
      %swap3A_299 = vector.shape_cast %mul3A_291 : vector<16xf32> to vector<16xf32>
      tpu.vector_store %arg9[%swap3A_296], %swap3A_299 {strides = array<i32>} : memref<8192xf32, #tpu.memory_space<vmem>>, vector<16xf32>,
      %add3A_300 = arith.constant 3 : i32
      %add3A_301 = arith.addi %add3A_181, %add3A_300 : i32
      %lt3A = arith.constant 64 : i32
      %lt3A_302 = arith.cmpi slt, %add3A_301, %lt3A : i32
      %convert_element_type3A = arith.extui %lt3A_302 : i1 to i32
      %cond3A = arith.constant 0 : i32
      %cond3A_303 = arith.cmpi ne, %convert_element_type3A, %cond3A : i32
      scf.if %cond3A_303 {
        %add3A_558 = arith.constant 3 : i32
        %add3A_559 = arith.addi %add3A_181, %add3A_558 : i32
        %mul3A_560 = arith.constant 400 : i32
        %mul3A_561 = arith.muli %add3A_559, %mul3A_560 : i32
        %dma_start3A_562 = tpu.memref_slice %arg5[%mul3A_561] : memref<25600xi32, #tpu.memory_space<vmem>> -> memref<400xi32, #tpu.memory_space<vmem>>
        %dma_start3A_563 = arith.constant 0 : i32
        %dma_start3A_564 = arith.constant 0 : i32
        %dma_start3A_565 = tpu.memref_slice %arg3[%dma_start3A_563, %dma_start3A_564] : memref<1000000x64xf32, #tpu.memory_space<hbm>> -> memref<1000000x64xf32, #tpu.memory_space<hbm>>
        tpu.enqueue_indirect_dma source(%dma_start3A_565 : memref<1000000x64xf32, #tpu.memory_space<hbm>>) target(%arg6 : memref<400x64xf32, #tpu.memory_space<vmem>>) offsets(%dma_start3A_562 : memref<400xi32, #tpu.memory_space<vmem>>) semaphore(%arg11 : memref<!tpu.dma_semaphore, #tpu.memory_space<semaphore_mem>>)
      } else {
      }
      %add3A_304 = arith.constant 1 : i32
      %add3A_305 = arith.addi %mul3A_179, %add3A_304 : i32
      %dma_wait3A_306 = arith.constant 0 : i32
      %dma_wait3A_307 = arith.constant 0 : i32
      %dma_wait3A_308 = tpu.memref_slice %arg3[%dma_wait3A_306, %dma_wait3A_307] : memref<1000000x64xf32, #tpu.memory_space<hbm>> -> memref<400x64xf32, #tpu.memory_space<hbm>>
      %dma_wait3A_309 = arith.constant 0 : i32
      %dma_wait3A_310 = arith.constant 0 : i32
      %dma_wait3A_311 = tpu.memref_slice %arg3[%dma_wait3A_309, %dma_wait3A_310] : memref<1000000x64xf32, #tpu.memory_space<hbm>> -> memref<400x64xf32, #tpu.memory_space<hbm>>
      tpu.wait_dma2 semaphore(%arg12 : memref<!tpu.dma_semaphore, #tpu.memory_space<semaphore_mem>>) src(%dma_wait3A_311 : memref<400x64xf32, #tpu.memory_space<hbm>>) dst(%arg7 : memref<400x64xf32, #tpu.memory_space<vmem>>)
      %mul3A_312 = arith.constant 2 : i32
      %mul3A_313 = arith.muli %add3A_305, %mul3A_312 : i32
      %add3A_314 = arith.constant 0 : i32
      %add3A_315 = arith.addi %mul3A_313, %add3A_314 : i32
      %broadcast_in_dim3A_316 = arith.constant 0.000000e+00 : f32
      %broadcast_in_dim3A_317 = vector.broadcast %broadcast_in_dim3A_316 : f32 to vector<16xf32>
      %scan3A_318 = arith.constant 0 : i32
      %scan3A_319 = arith.constant 25 : i32
      %scan3A_320 = arith.addi %scan3A_318, %scan3A_319 : i32
      %scan3A_321 = arith.constant 1 : i32
      %scan3A_322:8 = scf.for %scan3A_558 = %scan3A_318 to %scan3A_320 step %scan3A_321 iter_args(%scan3A_559 = %broadcast_in_dim3A_317, %scan3A_560 = %broadcast_in_dim3A_317, %scan3A_561 = %broadcast_in_dim3A_317, %scan3A_562 = %broadcast_in_dim3A_317, %scan3A_563 = %broadcast_in_dim3A_317, %scan3A_564 = %broadcast_in_dim3A_317, %scan3A_565 = %broadcast_in_dim3A_317, %scan3A_566 = %broadcast_in_dim3A_317) -> (vector<16xf32>, vector<16xf32>, vector<16xf32>, vector<16xf32>, vector<16xf32>, vector<16xf32>, vector<16xf32>, vector<16xf32>)  : i32 {
        %mul3A_567 = arith.constant 8 : i32
        %mul3A_568 = arith.muli %scan3A_558, %mul3A_567 : i32
        %add3A_569 = arith.constant 0 : i32
        %add3A_570 = arith.addi %add3A_569, %mul3A_568 : i32
        %add3A_571 = arith.constant 0 : i32
        %add3A_572 = arith.addi %add3A_570, %add3A_571 : i32
        %get3A = arith.index_cast %add3A_572 : i32 to index
        %get3A_573 = arith.constant 0 : index
        %get3A_574 = tpu.vector_load %arg7[%get3A, %get3A_573] {strides = array<i32>} : memref<400x64xf32, #tpu.memory_space<vmem>>, vector<1x16xf32>,
        %get3A_575 = vector.shape_cast %get3A_574 : vector<1x16xf32> to vector<16xf32>
        %add3A_576 = arith.addf %scan3A_559, %get3A_575 : vector<16xf32>
        %add3A_577 = arith.constant 0 : i32
        %add3A_578 = arith.addi %add3A_570, %add3A_577 : i32
        %get3A_579 = arith.index_cast %add3A_578 : i32 to index
        %get3A_580 = arith.constant 16 : index
        %get3A_581 = tpu.vector_load %arg7[%get3A_579, %get3A_580] {strides = array<i32>} : memref<400x64xf32, #tpu.memory_space<vmem>>, vector<1x16xf32>,
        %get3A_582 = vector.shape_cast %get3A_581 : vector<1x16xf32> to vector<16xf32>
        %add3A_583 = arith.addf %scan3A_561, %get3A_582 : vector<16xf32>
        %add3A_584 = arith.constant 0 : i32
        %add3A_585 = arith.addi %add3A_570, %add3A_584 : i32
        %get3A_586 = arith.index_cast %add3A_585 : i32 to index
        %get3A_587 = arith.constant 32 : index
        %get3A_588 = tpu.vector_load %arg7[%get3A_586, %get3A_587] {strides = array<i32>} : memref<400x64xf32, #tpu.memory_space<vmem>>, vector<1x16xf32>,
        %get3A_589 = vector.shape_cast %get3A_588 : vector<1x16xf32> to vector<16xf32>
        %add3A_590 = arith.addf %scan3A_563, %get3A_589 : vector<16xf32>
        %add3A_591 = arith.constant 0 : i32
        %add3A_592 = arith.addi %add3A_570, %add3A_591 : i32
        %get3A_593 = arith.index_cast %add3A_592 : i32 to index
        %get3A_594 = arith.constant 48 : index
        %get3A_595 = tpu.vector_load %arg7[%get3A_593, %get3A_594] {strides = array<i32>} : memref<400x64xf32, #tpu.memory_space<vmem>>, vector<1x16xf32>,
        %get3A_596 = vector.shape_cast %get3A_595 : vector<1x16xf32> to vector<16xf32>
        %add3A_597 = arith.addf %scan3A_565, %get3A_596 : vector<16xf32>
        %add3A_598 = arith.constant 1 : i32
        %add3A_599 = arith.addi %add3A_570, %add3A_598 : i32
        %get3A_600 = arith.index_cast %add3A_599 : i32 to index
        %get3A_601 = arith.constant 0 : index
        %get3A_602 = tpu.vector_load %arg7[%get3A_600, %get3A_601] {strides = array<i32>} : memref<400x64xf32, #tpu.memory_space<vmem>>, vector<1x16xf32>,
        %get3A_603 = vector.shape_cast %get3A_602 : vector<1x16xf32> to vector<16xf32>
        %add3A_604 = arith.addf %scan3A_560, %get3A_603 : vector<16xf32>
        %add3A_605 = arith.constant 1 : i32
        %add3A_606 = arith.addi %add3A_570, %add3A_605 : i32
        %get3A_607 = arith.index_cast %add3A_606 : i32 to index
        %get3A_608 = arith.constant 16 : index
        %get3A_609 = tpu.vector_load %arg7[%get3A_607, %get3A_608] {strides = array<i32>} : memref<400x64xf32, #tpu.memory_space<vmem>>, vector<1x16xf32>,
        %get3A_610 = vector.shape_cast %get3A_609 : vector<1x16xf32> to vector<16xf32>
        %add3A_611 = arith.addf %scan3A_562, %get3A_610 : vector<16xf32>
        %add3A_612 = arith.constant 1 : i32
        %add3A_613 = arith.addi %add3A_570, %add3A_612 : i32
        %get3A_614 = arith.index_cast %add3A_613 : i32 to index
        %get3A_615 = arith.constant 32 : index
        %get3A_616 = tpu.vector_load %arg7[%get3A_614, %get3A_615] {strides = array<i32>} : memref<400x64xf32, #tpu.memory_space<vmem>>, vector<1x16xf32>,
        %get3A_617 = vector.shape_cast %get3A_616 : vector<1x16xf32> to vector<16xf32>
        %add3A_618 = arith.addf %scan3A_564, %get3A_617 : vector<16xf32>
        %add3A_619 = arith.constant 1 : i32
        %add3A_620 = arith.addi %add3A_570, %add3A_619 : i32
        %get3A_621 = arith.index_cast %add3A_620 : i32 to index
        %get3A_622 = arith.constant 48 : index
        %get3A_623 = tpu.vector_load %arg7[%get3A_621, %get3A_622] {strides = array<i32>} : memref<400x64xf32, #tpu.memory_space<vmem>>, vector<1x16xf32>,
        %get3A_624 = vector.shape_cast %get3A_623 : vector<1x16xf32> to vector<16xf32>
        %add3A_625 = arith.addf %scan3A_566, %get3A_624 : vector<16xf32>
        %add3A_626 = arith.constant 2 : i32
        %add3A_627 = arith.addi %add3A_570, %add3A_626 : i32
        %get3A_628 = arith.index_cast %add3A_627 : i32 to index
        %get3A_629 = arith.constant 0 : index
        %get3A_630 = tpu.vector_load %arg7[%get3A_628, %get3A_629] {strides = array<i32>} : memref<400x64xf32, #tpu.memory_space<vmem>>, vector<1x16xf32>,
        %get3A_631 = vector.shape_cast %get3A_630 : vector<1x16xf32> to vector<16xf32>
        %add3A_632 = arith.addf %add3A_576, %get3A_631 : vector<16xf32>
        %add3A_633 = arith.constant 2 : i32
        %add3A_634 = arith.addi %add3A_570, %add3A_633 : i32
        %get3A_635 = arith.index_cast %add3A_634 : i32 to index
        %get3A_636 = arith.constant 16 : index
        %get3A_637 = tpu.vector_load %arg7[%get3A_635, %get3A_636] {strides = array<i32>} : memref<400x64xf32, #tpu.memory_space<vmem>>, vector<1x16xf32>,
        %get3A_638 = vector.shape_cast %get3A_637 : vector<1x16xf32> to vector<16xf32>
        %add3A_639 = arith.addf %add3A_583, %get3A_638 : vector<16xf32>
        %add3A_640 = arith.constant 2 : i32
        %add3A_641 = arith.addi %add3A_570, %add3A_640 : i32
        %get3A_642 = arith.index_cast %add3A_641 : i32 to index
        %get3A_643 = arith.constant 32 : index
        %get3A_644 = tpu.vector_load %arg7[%get3A_642, %get3A_643] {strides = array<i32>} : memref<400x64xf32, #tpu.memory_space<vmem>>, vector<1x16xf32>,
        %get3A_645 = vector.shape_cast %get3A_644 : vector<1x16xf32> to vector<16xf32>
        %add3A_646 = arith.addf %add3A_590, %get3A_645 : vector<16xf32>
        %add3A_647 = arith.constant 2 : i32
        %add3A_648 = arith.addi %add3A_570, %add3A_647 : i32
        %get3A_649 = arith.index_cast %add3A_648 : i32 to index
        %get3A_650 = arith.constant 48 : index
        %get3A_651 = tpu.vector_load %arg7[%get3A_649, %get3A_650] {strides = array<i32>} : memref<400x64xf32, #tpu.memory_space<vmem>>, vector<1x16xf32>,
        %get3A_652 = vector.shape_cast %get3A_651 : vector<1x16xf32> to vector<16xf32>
        %add3A_653 = arith.addf %add3A_597, %get3A_652 : vector<16xf32>
        %add3A_654 = arith.constant 3 : i32
        %add3A_655 = arith.addi %add3A_570, %add3A_654 : i32
        %get3A_656 = arith.index_cast %add3A_655 : i32 to index
        %get3A_657 = arith.constant 0 : index
        %get3A_658 = tpu.vector_load %arg7[%get3A_656, %get3A_657] {strides = array<i32>} : memref<400x64xf32, #tpu.memory_space<vmem>>, vector<1x16xf32>,
        %get3A_659 = vector.shape_cast %get3A_658 : vector<1x16xf32> to vector<16xf32>
        %add3A_660 = arith.addf %add3A_604, %get3A_659 : vector<16xf32>
        %add3A_661 = arith.constant 3 : i32
        %add3A_662 = arith.addi %add3A_570, %add3A_661 : i32
        %get3A_663 = arith.index_cast %add3A_662 : i32 to index
        %get3A_664 = arith.constant 16 : index
        %get3A_665 = tpu.vector_load %arg7[%get3A_663, %get3A_664] {strides = array<i32>} : memref<400x64xf32, #tpu.memory_space<vmem>>, vector<1x16xf32>,
        %get3A_666 = vector.shape_cast %get3A_665 : vector<1x16xf32> to vector<16xf32>
        %add3A_667 = arith.addf %add3A_611, %get3A_666 : vector<16xf32>
        %add3A_668 = arith.constant 3 : i32
        %add3A_669 = arith.addi %add3A_570, %add3A_668 : i32
        %get3A_670 = arith.index_cast %add3A_669 : i32 to index
        %get3A_671 = arith.constant 32 : index
        %get3A_672 = tpu.vector_load %arg7[%get3A_670, %get3A_671] {strides = array<i32>} : memref<400x64xf32, #tpu.memory_space<vmem>>, vector<1x16xf32>,
        %get3A_673 = vector.shape_cast %get3A_672 : vector<1x16xf32> to vector<16xf32>
        %add3A_674 = arith.addf %add3A_618, %get3A_673 : vector<16xf32>
        %add3A_675 = arith.constant 3 : i32
        %add3A_676 = arith.addi %add3A_570, %add3A_675 : i32
        %get3A_677 = arith.index_cast %add3A_676 : i32 to index
        %get3A_678 = arith.constant 48 : index
        %get3A_679 = tpu.vector_load %arg7[%get3A_677, %get3A_678] {strides = array<i32>} : memref<400x64xf32, #tpu.memory_space<vmem>>, vector<1x16xf32>,
        %get3A_680 = vector.shape_cast %get3A_679 : vector<1x16xf32> to vector<16xf32>
        %add3A_681 = arith.addf %add3A_625, %get3A_680 : vector<16xf32>
        %add3A_682 = arith.constant 4 : i32
        %add3A_683 = arith.addi %add3A_570, %add3A_682 : i32
        %get3A_684 = arith.index_cast %add3A_683 : i32 to index
        %get3A_685 = arith.constant 0 : index
        %get3A_686 = tpu.vector_load %arg7[%get3A_684, %get3A_685] {strides = array<i32>} : memref<400x64xf32, #tpu.memory_space<vmem>>, vector<1x16xf32>,
        %get3A_687 = vector.shape_cast %get3A_686 : vector<1x16xf32> to vector<16xf32>
        %add3A_688 = arith.addf %add3A_632, %get3A_687 : vector<16xf32>
        %add3A_689 = arith.constant 4 : i32
        %add3A_690 = arith.addi %add3A_570, %add3A_689 : i32
        %get3A_691 = arith.index_cast %add3A_690 : i32 to index
        %get3A_692 = arith.constant 16 : index
        %get3A_693 = tpu.vector_load %arg7[%get3A_691, %get3A_692] {strides = array<i32>} : memref<400x64xf32, #tpu.memory_space<vmem>>, vector<1x16xf32>,
        %get3A_694 = vector.shape_cast %get3A_693 : vector<1x16xf32> to vector<16xf32>
        %add3A_695 = arith.addf %add3A_639, %get3A_694 : vector<16xf32>
        %add3A_696 = arith.constant 4 : i32
        %add3A_697 = arith.addi %add3A_570, %add3A_696 : i32
        %get3A_698 = arith.index_cast %add3A_697 : i32 to index
        %get3A_699 = arith.constant 32 : index
        %get3A_700 = tpu.vector_load %arg7[%get3A_698, %get3A_699] {strides = array<i32>} : memref<400x64xf32, #tpu.memory_space<vmem>>, vector<1x16xf32>,
        %get3A_701 = vector.shape_cast %get3A_700 : vector<1x16xf32> to vector<16xf32>
        %add3A_702 = arith.addf %add3A_646, %get3A_701 : vector<16xf32>
        %add3A_703 = arith.constant 4 : i32
        %add3A_704 = arith.addi %add3A_570, %add3A_703 : i32
        %get3A_705 = arith.index_cast %add3A_704 : i32 to index
        %get3A_706 = arith.constant 48 : index
        %get3A_707 = tpu.vector_load %arg7[%get3A_705, %get3A_706] {strides = array<i32>} : memref<400x64xf32, #tpu.memory_space<vmem>>, vector<1x16xf32>,
        %get3A_708 = vector.shape_cast %get3A_707 : vector<1x16xf32> to vector<16xf32>
        %add3A_709 = arith.addf %add3A_653, %get3A_708 : vector<16xf32>
        %add3A_710 = arith.constant 5 : i32
        %add3A_711 = arith.addi %add3A_570, %add3A_710 : i32
        %get3A_712 = arith.index_cast %add3A_711 : i32 to index
        %get3A_713 = arith.constant 0 : index
        %get3A_714 = tpu.vector_load %arg7[%get3A_712, %get3A_713] {strides = array<i32>} : memref<400x64xf32, #tpu.memory_space<vmem>>, vector<1x16xf32>,
        %get3A_715 = vector.shape_cast %get3A_714 : vector<1x16xf32> to vector<16xf32>
        %add3A_716 = arith.addf %add3A_660, %get3A_715 : vector<16xf32>
        %add3A_717 = arith.constant 5 : i32
        %add3A_718 = arith.addi %add3A_570, %add3A_717 : i32
        %get3A_719 = arith.index_cast %add3A_718 : i32 to index
        %get3A_720 = arith.constant 16 : index
        %get3A_721 = tpu.vector_load %arg7[%get3A_719, %get3A_720] {strides = array<i32>} : memref<400x64xf32, #tpu.memory_space<vmem>>, vector<1x16xf32>,
        %get3A_722 = vector.shape_cast %get3A_721 : vector<1x16xf32> to vector<16xf32>
        %add3A_723 = arith.addf %add3A_667, %get3A_722 : vector<16xf32>
        %add3A_724 = arith.constant 5 : i32
        %add3A_725 = arith.addi %add3A_570, %add3A_724 : i32
        %get3A_726 = arith.index_cast %add3A_725 : i32 to index
        %get3A_727 = arith.constant 32 : index
        %get3A_728 = tpu.vector_load %arg7[%get3A_726, %get3A_727] {strides = array<i32>} : memref<400x64xf32, #tpu.memory_space<vmem>>, vector<1x16xf32>,
        %get3A_729 = vector.shape_cast %get3A_728 : vector<1x16xf32> to vector<16xf32>
        %add3A_730 = arith.addf %add3A_674, %get3A_729 : vector<16xf32>
        %add3A_731 = arith.constant 5 : i32
        %add3A_732 = arith.addi %add3A_570, %add3A_731 : i32
        %get3A_733 = arith.index_cast %add3A_732 : i32 to index
        %get3A_734 = arith.constant 48 : index
        %get3A_735 = tpu.vector_load %arg7[%get3A_733, %get3A_734] {strides = array<i32>} : memref<400x64xf32, #tpu.memory_space<vmem>>, vector<1x16xf32>,
        %get3A_736 = vector.shape_cast %get3A_735 : vector<1x16xf32> to vector<16xf32>
        %add3A_737 = arith.addf %add3A_681, %get3A_736 : vector<16xf32>
        %add3A_738 = arith.constant 6 : i32
        %add3A_739 = arith.addi %add3A_570, %add3A_738 : i32
        %get3A_740 = arith.index_cast %add3A_739 : i32 to index
        %get3A_741 = arith.constant 0 : index
        %get3A_742 = tpu.vector_load %arg7[%get3A_740, %get3A_741] {strides = array<i32>} : memref<400x64xf32, #tpu.memory_space<vmem>>, vector<1x16xf32>,
        %get3A_743 = vector.shape_cast %get3A_742 : vector<1x16xf32> to vector<16xf32>
        %add3A_744 = arith.addf %add3A_688, %get3A_743 : vector<16xf32>
        %add3A_745 = arith.constant 6 : i32
        %add3A_746 = arith.addi %add3A_570, %add3A_745 : i32
        %get3A_747 = arith.index_cast %add3A_746 : i32 to index
        %get3A_748 = arith.constant 16 : index
        %get3A_749 = tpu.vector_load %arg7[%get3A_747, %get3A_748] {strides = array<i32>} : memref<400x64xf32, #tpu.memory_space<vmem>>, vector<1x16xf32>,
        %get3A_750 = vector.shape_cast %get3A_749 : vector<1x16xf32> to vector<16xf32>
        %add3A_751 = arith.addf %add3A_695, %get3A_750 : vector<16xf32>
        %add3A_752 = arith.constant 6 : i32
        %add3A_753 = arith.addi %add3A_570, %add3A_752 : i32
        %get3A_754 = arith.index_cast %add3A_753 : i32 to index
        %get3A_755 = arith.constant 32 : index
        %get3A_756 = tpu.vector_load %arg7[%get3A_754, %get3A_755] {strides = array<i32>} : memref<400x64xf32, #tpu.memory_space<vmem>>, vector<1x16xf32>,
        %get3A_757 = vector.shape_cast %get3A_756 : vector<1x16xf32> to vector<16xf32>
        %add3A_758 = arith.addf %add3A_702, %get3A_757 : vector<16xf32>
        %add3A_759 = arith.constant 6 : i32
        %add3A_760 = arith.addi %add3A_570, %add3A_759 : i32
        %get3A_761 = arith.index_cast %add3A_760 : i32 to index
        %get3A_762 = arith.constant 48 : index
        %get3A_763 = tpu.vector_load %arg7[%get3A_761, %get3A_762] {strides = array<i32>} : memref<400x64xf32, #tpu.memory_space<vmem>>, vector<1x16xf32>,
        %get3A_764 = vector.shape_cast %get3A_763 : vector<1x16xf32> to vector<16xf32>
        %add3A_765 = arith.addf %add3A_709, %get3A_764 : vector<16xf32>
        %add3A_766 = arith.constant 7 : i32
        %add3A_767 = arith.addi %add3A_570, %add3A_766 : i32
        %get3A_768 = arith.index_cast %add3A_767 : i32 to index
        %get3A_769 = arith.constant 0 : index
        %get3A_770 = tpu.vector_load %arg7[%get3A_768, %get3A_769] {strides = array<i32>} : memref<400x64xf32, #tpu.memory_space<vmem>>, vector<1x16xf32>,
        %get3A_771 = vector.shape_cast %get3A_770 : vector<1x16xf32> to vector<16xf32>
        %add3A_772 = arith.addf %add3A_716, %get3A_771 : vector<16xf32>
        %add3A_773 = arith.constant 7 : i32
        %add3A_774 = arith.addi %add3A_570, %add3A_773 : i32
        %get3A_775 = arith.index_cast %add3A_774 : i32 to index
        %get3A_776 = arith.constant 16 : index
        %get3A_777 = tpu.vector_load %arg7[%get3A_775, %get3A_776] {strides = array<i32>} : memref<400x64xf32, #tpu.memory_space<vmem>>, vector<1x16xf32>,
        %get3A_778 = vector.shape_cast %get3A_777 : vector<1x16xf32> to vector<16xf32>
        %add3A_779 = arith.addf %add3A_723, %get3A_778 : vector<16xf32>
        %add3A_780 = arith.constant 7 : i32
        %add3A_781 = arith.addi %add3A_570, %add3A_780 : i32
        %get3A_782 = arith.index_cast %add3A_781 : i32 to index
        %get3A_783 = arith.constant 32 : index
        %get3A_784 = tpu.vector_load %arg7[%get3A_782, %get3A_783] {strides = array<i32>} : memref<400x64xf32, #tpu.memory_space<vmem>>, vector<1x16xf32>,
        %get3A_785 = vector.shape_cast %get3A_784 : vector<1x16xf32> to vector<16xf32>
        %add3A_786 = arith.addf %add3A_730, %get3A_785 : vector<16xf32>
        %add3A_787 = arith.constant 7 : i32
        %add3A_788 = arith.addi %add3A_570, %add3A_787 : i32
        %get3A_789 = arith.index_cast %add3A_788 : i32 to index
        %get3A_790 = arith.constant 48 : index
        %get3A_791 = tpu.vector_load %arg7[%get3A_789, %get3A_790] {strides = array<i32>} : memref<400x64xf32, #tpu.memory_space<vmem>>, vector<1x16xf32>,
        %get3A_792 = vector.shape_cast %get3A_791 : vector<1x16xf32> to vector<16xf32>
        %add3A_793 = arith.addf %add3A_737, %get3A_792 : vector<16xf32>
        scf.yield %add3A_744, %add3A_772, %add3A_751, %add3A_779, %add3A_758, %add3A_786, %add3A_765, %add3A_793 : vector<16xf32>, vector<16xf32>, vector<16xf32>, vector<16xf32>, vector<16xf32>, vector<16xf32>, vector<16xf32>, vector<16xf32>
      }
      %scan3A_323 = arith.constant 25 : i32
      %add3A_324 = arith.addf %scan3A_322#0, %scan3A_322#1 : vector<16xf32>
      %mul3A_325 = vector.broadcast %scan3A_61 : f32 to vector<16xf32>
      %mul3A_326 = arith.mulf %add3A_324, %mul3A_325 : vector<16xf32>
      %mul3A_327 = arith.constant 64 : i32
      %mul3A_328 = arith.muli %add3A_315, %mul3A_327 : i32
      %add3A_329 = arith.constant 0 : i32
      %add3A_330 = arith.addi %mul3A_328, %add3A_329 : i32
      %swap3A_331 = arith.index_cast %add3A_330 : i32 to index
      %swap3A_332 = tpu.vector_load %arg9[%swap3A_331] {strides = array<i32>} : memref<8192xf32, #tpu.memory_space<vmem>>, vector<16xf32>,
      %swap3A_333 = vector.shape_cast %swap3A_332 : vector<16xf32> to vector<16xf32>
      %swap3A_334 = vector.shape_cast %mul3A_326 : vector<16xf32> to vector<16xf32>
      tpu.vector_store %arg9[%swap3A_331], %swap3A_334 {strides = array<i32>} : memref<8192xf32, #tpu.memory_space<vmem>>, vector<16xf32>,
      %add3A_335 = arith.addf %scan3A_322#2, %scan3A_322#3 : vector<16xf32>
      %mul3A_336 = vector.broadcast %scan3A_61 : f32 to vector<16xf32>
      %mul3A_337 = arith.mulf %add3A_335, %mul3A_336 : vector<16xf32>
      %mul3A_338 = arith.constant 64 : i32
      %mul3A_339 = arith.muli %add3A_315, %mul3A_338 : i32
      %add3A_340 = arith.constant 16 : i32
      %add3A_341 = arith.addi %mul3A_339, %add3A_340 : i32
      %swap3A_342 = arith.index_cast %add3A_341 : i32 to index
      %swap3A_343 = tpu.vector_load %arg9[%swap3A_342] {strides = array<i32>} : memref<8192xf32, #tpu.memory_space<vmem>>, vector<16xf32>,
      %swap3A_344 = vector.shape_cast %swap3A_343 : vector<16xf32> to vector<16xf32>
      %swap3A_345 = vector.shape_cast %mul3A_337 : vector<16xf32> to vector<16xf32>
      tpu.vector_store %arg9[%swap3A_342], %swap3A_345 {strides = array<i32>} : memref<8192xf32, #tpu.memory_space<vmem>>, vector<16xf32>,
      %add3A_346 = arith.addf %scan3A_322#4, %scan3A_322#5 : vector<16xf32>
      %mul3A_347 = vector.broadcast %scan3A_61 : f32 to vector<16xf32>
      %mul3A_348 = arith.mulf %add3A_346, %mul3A_347 : vector<16xf32>
      %mul3A_349 = arith.constant 64 : i32
      %mul3A_350 = arith.muli %add3A_315, %mul3A_349 : i32
      %add3A_351 = arith.constant 32 : i32
      %add3A_352 = arith.addi %mul3A_350, %add3A_351 : i32
      %swap3A_353 = arith.index_cast %add3A_352 : i32 to index
      %swap3A_354 = tpu.vector_load %arg9[%swap3A_353] {strides = array<i32>} : memref<8192xf32, #tpu.memory_space<vmem>>, vector<16xf32>,
      %swap3A_355 = vector.shape_cast %swap3A_354 : vector<16xf32> to vector<16xf32>
      %swap3A_356 = vector.shape_cast %mul3A_348 : vector<16xf32> to vector<16xf32>
      tpu.vector_store %arg9[%swap3A_353], %swap3A_356 {strides = array<i32>} : memref<8192xf32, #tpu.memory_space<vmem>>, vector<16xf32>,
      %add3A_357 = arith.addf %scan3A_322#6, %scan3A_322#7 : vector<16xf32>
      %mul3A_358 = vector.broadcast %scan3A_61 : f32 to vector<16xf32>
      %mul3A_359 = arith.mulf %add3A_357, %mul3A_358 : vector<16xf32>
      %mul3A_360 = arith.constant 64 : i32
      %mul3A_361 = arith.muli %add3A_315, %mul3A_360 : i32
      %add3A_362 = arith.constant 48 : i32
      %add3A_363 = arith.addi %mul3A_361, %add3A_362 : i32
      %swap3A_364 = arith.index_cast %add3A_363 : i32 to index
      %swap3A_365 = tpu.vector_load %arg9[%swap3A_364] {strides = array<i32>} : memref<8192xf32, #tpu.memory_space<vmem>>, vector<16xf32>,
      %swap3A_366 = vector.shape_cast %swap3A_365 : vector<16xf32> to vector<16xf32>
      %swap3A_367 = vector.shape_cast %mul3A_359 : vector<16xf32> to vector<16xf32>
      tpu.vector_store %arg9[%swap3A_364], %swap3A_367 {strides = array<i32>} : memref<8192xf32, #tpu.memory_space<vmem>>, vector<16xf32>,
      %mul3A_368 = arith.constant 2 : i32
      %mul3A_369 = arith.muli %add3A_305, %mul3A_368 : i32
      %add3A_370 = arith.constant 1 : i32
      %add3A_371 = arith.addi %mul3A_369, %add3A_370 : i32
      %broadcast_in_dim3A_372 = arith.constant 0.000000e+00 : f32
      %broadcast_in_dim3A_373 = vector.broadcast %broadcast_in_dim3A_372 : f32 to vector<16xf32>
      %scan3A_374 = arith.constant 0 : i32
      %scan3A_375 = arith.constant 25 : i32
      %scan3A_376 = arith.addi %scan3A_374, %scan3A_375 : i32
      %scan3A_377 = arith.constant 1 : i32
      %scan3A_378:8 = scf.for %scan3A_558 = %scan3A_374 to %scan3A_376 step %scan3A_377 iter_args(%scan3A_559 = %broadcast_in_dim3A_373, %scan3A_560 = %broadcast_in_dim3A_373, %scan3A_561 = %broadcast_in_dim3A_373, %scan3A_562 = %broadcast_in_dim3A_373, %scan3A_563 = %broadcast_in_dim3A_373, %scan3A_564 = %broadcast_in_dim3A_373, %scan3A_565 = %broadcast_in_dim3A_373, %scan3A_566 = %broadcast_in_dim3A_373) -> (vector<16xf32>, vector<16xf32>, vector<16xf32>, vector<16xf32>, vector<16xf32>, vector<16xf32>, vector<16xf32>, vector<16xf32>)  : i32 {
        %mul3A_567 = arith.constant 8 : i32
        %mul3A_568 = arith.muli %scan3A_558, %mul3A_567 : i32
        %add3A_569 = arith.constant 200 : i32
        %add3A_570 = arith.addi %add3A_569, %mul3A_568 : i32
        %add3A_571 = arith.constant 0 : i32
        %add3A_572 = arith.addi %add3A_570, %add3A_571 : i32
        %get3A = arith.index_cast %add3A_572 : i32 to index
        %get3A_573 = arith.constant 0 : index
        %get3A_574 = tpu.vector_load %arg7[%get3A, %get3A_573] {strides = array<i32>} : memref<400x64xf32, #tpu.memory_space<vmem>>, vector<1x16xf32>,
        %get3A_575 = vector.shape_cast %get3A_574 : vector<1x16xf32> to vector<16xf32>
        %add3A_576 = arith.addf %scan3A_559, %get3A_575 : vector<16xf32>
        %add3A_577 = arith.constant 0 : i32
        %add3A_578 = arith.addi %add3A_570, %add3A_577 : i32
        %get3A_579 = arith.index_cast %add3A_578 : i32 to index
        %get3A_580 = arith.constant 16 : index
        %get3A_581 = tpu.vector_load %arg7[%get3A_579, %get3A_580] {strides = array<i32>} : memref<400x64xf32, #tpu.memory_space<vmem>>, vector<1x16xf32>,
        %get3A_582 = vector.shape_cast %get3A_581 : vector<1x16xf32> to vector<16xf32>
        %add3A_583 = arith.addf %scan3A_561, %get3A_582 : vector<16xf32>
        %add3A_584 = arith.constant 0 : i32
        %add3A_585 = arith.addi %add3A_570, %add3A_584 : i32
        %get3A_586 = arith.index_cast %add3A_585 : i32 to index
        %get3A_587 = arith.constant 32 : index
        %get3A_588 = tpu.vector_load %arg7[%get3A_586, %get3A_587] {strides = array<i32>} : memref<400x64xf32, #tpu.memory_space<vmem>>, vector<1x16xf32>,
        %get3A_589 = vector.shape_cast %get3A_588 : vector<1x16xf32> to vector<16xf32>
        %add3A_590 = arith.addf %scan3A_563, %get3A_589 : vector<16xf32>
        %add3A_591 = arith.constant 0 : i32
        %add3A_592 = arith.addi %add3A_570, %add3A_591 : i32
        %get3A_593 = arith.index_cast %add3A_592 : i32 to index
        %get3A_594 = arith.constant 48 : index
        %get3A_595 = tpu.vector_load %arg7[%get3A_593, %get3A_594] {strides = array<i32>} : memref<400x64xf32, #tpu.memory_space<vmem>>, vector<1x16xf32>,
        %get3A_596 = vector.shape_cast %get3A_595 : vector<1x16xf32> to vector<16xf32>
        %add3A_597 = arith.addf %scan3A_565, %get3A_596 : vector<16xf32>
        %add3A_598 = arith.constant 1 : i32
        %add3A_599 = arith.addi %add3A_570, %add3A_598 : i32
        %get3A_600 = arith.index_cast %add3A_599 : i32 to index
        %get3A_601 = arith.constant 0 : index
        %get3A_602 = tpu.vector_load %arg7[%get3A_600, %get3A_601] {strides = array<i32>} : memref<400x64xf32, #tpu.memory_space<vmem>>, vector<1x16xf32>,
        %get3A_603 = vector.shape_cast %get3A_602 : vector<1x16xf32> to vector<16xf32>
        %add3A_604 = arith.addf %scan3A_560, %get3A_603 : vector<16xf32>
        %add3A_605 = arith.constant 1 : i32
        %add3A_606 = arith.addi %add3A_570, %add3A_605 : i32
        %get3A_607 = arith.index_cast %add3A_606 : i32 to index
        %get3A_608 = arith.constant 16 : index
        %get3A_609 = tpu.vector_load %arg7[%get3A_607, %get3A_608] {strides = array<i32>} : memref<400x64xf32, #tpu.memory_space<vmem>>, vector<1x16xf32>,
        %get3A_610 = vector.shape_cast %get3A_609 : vector<1x16xf32> to vector<16xf32>
        %add3A_611 = arith.addf %scan3A_562, %get3A_610 : vector<16xf32>
        %add3A_612 = arith.constant 1 : i32
        %add3A_613 = arith.addi %add3A_570, %add3A_612 : i32
        %get3A_614 = arith.index_cast %add3A_613 : i32 to index
        %get3A_615 = arith.constant 32 : index
        %get3A_616 = tpu.vector_load %arg7[%get3A_614, %get3A_615] {strides = array<i32>} : memref<400x64xf32, #tpu.memory_space<vmem>>, vector<1x16xf32>,
        %get3A_617 = vector.shape_cast %get3A_616 : vector<1x16xf32> to vector<16xf32>
        %add3A_618 = arith.addf %scan3A_564, %get3A_617 : vector<16xf32>
        %add3A_619 = arith.constant 1 : i32
        %add3A_620 = arith.addi %add3A_570, %add3A_619 : i32
        %get3A_621 = arith.index_cast %add3A_620 : i32 to index
        %get3A_622 = arith.constant 48 : index
        %get3A_623 = tpu.vector_load %arg7[%get3A_621, %get3A_622] {strides = array<i32>} : memref<400x64xf32, #tpu.memory_space<vmem>>, vector<1x16xf32>,
        %get3A_624 = vector.shape_cast %get3A_623 : vector<1x16xf32> to vector<16xf32>
        %add3A_625 = arith.addf %scan3A_566, %get3A_624 : vector<16xf32>
        %add3A_626 = arith.constant 2 : i32
        %add3A_627 = arith.addi %add3A_570, %add3A_626 : i32
        %get3A_628 = arith.index_cast %add3A_627 : i32 to index
        %get3A_629 = arith.constant 0 : index
        %get3A_630 = tpu.vector_load %arg7[%get3A_628, %get3A_629] {strides = array<i32>} : memref<400x64xf32, #tpu.memory_space<vmem>>, vector<1x16xf32>,
        %get3A_631 = vector.shape_cast %get3A_630 : vector<1x16xf32> to vector<16xf32>
        %add3A_632 = arith.addf %add3A_576, %get3A_631 : vector<16xf32>
        %add3A_633 = arith.constant 2 : i32
        %add3A_634 = arith.addi %add3A_570, %add3A_633 : i32
        %get3A_635 = arith.index_cast %add3A_634 : i32 to index
        %get3A_636 = arith.constant 16 : index
        %get3A_637 = tpu.vector_load %arg7[%get3A_635, %get3A_636] {strides = array<i32>} : memref<400x64xf32, #tpu.memory_space<vmem>>, vector<1x16xf32>,
        %get3A_638 = vector.shape_cast %get3A_637 : vector<1x16xf32> to vector<16xf32>
        %add3A_639 = arith.addf %add3A_583, %get3A_638 : vector<16xf32>
        %add3A_640 = arith.constant 2 : i32
        %add3A_641 = arith.addi %add3A_570, %add3A_640 : i32
        %get3A_642 = arith.index_cast %add3A_641 : i32 to index
        %get3A_643 = arith.constant 32 : index
        %get3A_644 = tpu.vector_load %arg7[%get3A_642, %get3A_643] {strides = array<i32>} : memref<400x64xf32, #tpu.memory_space<vmem>>, vector<1x16xf32>,
        %get3A_645 = vector.shape_cast %get3A_644 : vector<1x16xf32> to vector<16xf32>
        %add3A_646 = arith.addf %add3A_590, %get3A_645 : vector<16xf32>
        %add3A_647 = arith.constant 2 : i32
        %add3A_648 = arith.addi %add3A_570, %add3A_647 : i32
        %get3A_649 = arith.index_cast %add3A_648 : i32 to index
        %get3A_650 = arith.constant 48 : index
        %get3A_651 = tpu.vector_load %arg7[%get3A_649, %get3A_650] {strides = array<i32>} : memref<400x64xf32, #tpu.memory_space<vmem>>, vector<1x16xf32>,
        %get3A_652 = vector.shape_cast %get3A_651 : vector<1x16xf32> to vector<16xf32>
        %add3A_653 = arith.addf %add3A_597, %get3A_652 : vector<16xf32>
        %add3A_654 = arith.constant 3 : i32
        %add3A_655 = arith.addi %add3A_570, %add3A_654 : i32
        %get3A_656 = arith.index_cast %add3A_655 : i32 to index
        %get3A_657 = arith.constant 0 : index
        %get3A_658 = tpu.vector_load %arg7[%get3A_656, %get3A_657] {strides = array<i32>} : memref<400x64xf32, #tpu.memory_space<vmem>>, vector<1x16xf32>,
        %get3A_659 = vector.shape_cast %get3A_658 : vector<1x16xf32> to vector<16xf32>
        %add3A_660 = arith.addf %add3A_604, %get3A_659 : vector<16xf32>
        %add3A_661 = arith.constant 3 : i32
        %add3A_662 = arith.addi %add3A_570, %add3A_661 : i32
        %get3A_663 = arith.index_cast %add3A_662 : i32 to index
        %get3A_664 = arith.constant 16 : index
        %get3A_665 = tpu.vector_load %arg7[%get3A_663, %get3A_664] {strides = array<i32>} : memref<400x64xf32, #tpu.memory_space<vmem>>, vector<1x16xf32>,
        %get3A_666 = vector.shape_cast %get3A_665 : vector<1x16xf32> to vector<16xf32>
        %add3A_667 = arith.addf %add3A_611, %get3A_666 : vector<16xf32>
        %add3A_668 = arith.constant 3 : i32
        %add3A_669 = arith.addi %add3A_570, %add3A_668 : i32
        %get3A_670 = arith.index_cast %add3A_669 : i32 to index
        %get3A_671 = arith.constant 32 : index
        %get3A_672 = tpu.vector_load %arg7[%get3A_670, %get3A_671] {strides = array<i32>} : memref<400x64xf32, #tpu.memory_space<vmem>>, vector<1x16xf32>,
        %get3A_673 = vector.shape_cast %get3A_672 : vector<1x16xf32> to vector<16xf32>
        %add3A_674 = arith.addf %add3A_618, %get3A_673 : vector<16xf32>
        %add3A_675 = arith.constant 3 : i32
        %add3A_676 = arith.addi %add3A_570, %add3A_675 : i32
        %get3A_677 = arith.index_cast %add3A_676 : i32 to index
        %get3A_678 = arith.constant 48 : index
        %get3A_679 = tpu.vector_load %arg7[%get3A_677, %get3A_678] {strides = array<i32>} : memref<400x64xf32, #tpu.memory_space<vmem>>, vector<1x16xf32>,
        %get3A_680 = vector.shape_cast %get3A_679 : vector<1x16xf32> to vector<16xf32>
        %add3A_681 = arith.addf %add3A_625, %get3A_680 : vector<16xf32>
        %add3A_682 = arith.constant 4 : i32
        %add3A_683 = arith.addi %add3A_570, %add3A_682 : i32
        %get3A_684 = arith.index_cast %add3A_683 : i32 to index
        %get3A_685 = arith.constant 0 : index
        %get3A_686 = tpu.vector_load %arg7[%get3A_684, %get3A_685] {strides = array<i32>} : memref<400x64xf32, #tpu.memory_space<vmem>>, vector<1x16xf32>,
        %get3A_687 = vector.shape_cast %get3A_686 : vector<1x16xf32> to vector<16xf32>
        %add3A_688 = arith.addf %add3A_632, %get3A_687 : vector<16xf32>
        %add3A_689 = arith.constant 4 : i32
        %add3A_690 = arith.addi %add3A_570, %add3A_689 : i32
        %get3A_691 = arith.index_cast %add3A_690 : i32 to index
        %get3A_692 = arith.constant 16 : index
        %get3A_693 = tpu.vector_load %arg7[%get3A_691, %get3A_692] {strides = array<i32>} : memref<400x64xf32, #tpu.memory_space<vmem>>, vector<1x16xf32>,
        %get3A_694 = vector.shape_cast %get3A_693 : vector<1x16xf32> to vector<16xf32>
        %add3A_695 = arith.addf %add3A_639, %get3A_694 : vector<16xf32>
        %add3A_696 = arith.constant 4 : i32
        %add3A_697 = arith.addi %add3A_570, %add3A_696 : i32
        %get3A_698 = arith.index_cast %add3A_697 : i32 to index
        %get3A_699 = arith.constant 32 : index
        %get3A_700 = tpu.vector_load %arg7[%get3A_698, %get3A_699] {strides = array<i32>} : memref<400x64xf32, #tpu.memory_space<vmem>>, vector<1x16xf32>,
        %get3A_701 = vector.shape_cast %get3A_700 : vector<1x16xf32> to vector<16xf32>
        %add3A_702 = arith.addf %add3A_646, %get3A_701 : vector<16xf32>
        %add3A_703 = arith.constant 4 : i32
        %add3A_704 = arith.addi %add3A_570, %add3A_703 : i32
        %get3A_705 = arith.index_cast %add3A_704 : i32 to index
        %get3A_706 = arith.constant 48 : index
        %get3A_707 = tpu.vector_load %arg7[%get3A_705, %get3A_706] {strides = array<i32>} : memref<400x64xf32, #tpu.memory_space<vmem>>, vector<1x16xf32>,
        %get3A_708 = vector.shape_cast %get3A_707 : vector<1x16xf32> to vector<16xf32>
        %add3A_709 = arith.addf %add3A_653, %get3A_708 : vector<16xf32>
        %add3A_710 = arith.constant 5 : i32
        %add3A_711 = arith.addi %add3A_570, %add3A_710 : i32
        %get3A_712 = arith.index_cast %add3A_711 : i32 to index
        %get3A_713 = arith.constant 0 : index
        %get3A_714 = tpu.vector_load %arg7[%get3A_712, %get3A_713] {strides = array<i32>} : memref<400x64xf32, #tpu.memory_space<vmem>>, vector<1x16xf32>,
        %get3A_715 = vector.shape_cast %get3A_714 : vector<1x16xf32> to vector<16xf32>
        %add3A_716 = arith.addf %add3A_660, %get3A_715 : vector<16xf32>
        %add3A_717 = arith.constant 5 : i32
        %add3A_718 = arith.addi %add3A_570, %add3A_717 : i32
        %get3A_719 = arith.index_cast %add3A_718 : i32 to index
        %get3A_720 = arith.constant 16 : index
        %get3A_721 = tpu.vector_load %arg7[%get3A_719, %get3A_720] {strides = array<i32>} : memref<400x64xf32, #tpu.memory_space<vmem>>, vector<1x16xf32>,
        %get3A_722 = vector.shape_cast %get3A_721 : vector<1x16xf32> to vector<16xf32>
        %add3A_723 = arith.addf %add3A_667, %get3A_722 : vector<16xf32>
        %add3A_724 = arith.constant 5 : i32
        %add3A_725 = arith.addi %add3A_570, %add3A_724 : i32
        %get3A_726 = arith.index_cast %add3A_725 : i32 to index
        %get3A_727 = arith.constant 32 : index
        %get3A_728 = tpu.vector_load %arg7[%get3A_726, %get3A_727] {strides = array<i32>} : memref<400x64xf32, #tpu.memory_space<vmem>>, vector<1x16xf32>,
        %get3A_729 = vector.shape_cast %get3A_728 : vector<1x16xf32> to vector<16xf32>
        %add3A_730 = arith.addf %add3A_674, %get3A_729 : vector<16xf32>
        %add3A_731 = arith.constant 5 : i32
        %add3A_732 = arith.addi %add3A_570, %add3A_731 : i32
        %get3A_733 = arith.index_cast %add3A_732 : i32 to index
        %get3A_734 = arith.constant 48 : index
        %get3A_735 = tpu.vector_load %arg7[%get3A_733, %get3A_734] {strides = array<i32>} : memref<400x64xf32, #tpu.memory_space<vmem>>, vector<1x16xf32>,
        %get3A_736 = vector.shape_cast %get3A_735 : vector<1x16xf32> to vector<16xf32>
        %add3A_737 = arith.addf %add3A_681, %get3A_736 : vector<16xf32>
        %add3A_738 = arith.constant 6 : i32
        %add3A_739 = arith.addi %add3A_570, %add3A_738 : i32
        %get3A_740 = arith.index_cast %add3A_739 : i32 to index
        %get3A_741 = arith.constant 0 : index
        %get3A_742 = tpu.vector_load %arg7[%get3A_740, %get3A_741] {strides = array<i32>} : memref<400x64xf32, #tpu.memory_space<vmem>>, vector<1x16xf32>,
        %get3A_743 = vector.shape_cast %get3A_742 : vector<1x16xf32> to vector<16xf32>
        %add3A_744 = arith.addf %add3A_688, %get3A_743 : vector<16xf32>
        %add3A_745 = arith.constant 6 : i32
        %add3A_746 = arith.addi %add3A_570, %add3A_745 : i32
        %get3A_747 = arith.index_cast %add3A_746 : i32 to index
        %get3A_748 = arith.constant 16 : index
        %get3A_749 = tpu.vector_load %arg7[%get3A_747, %get3A_748] {strides = array<i32>} : memref<400x64xf32, #tpu.memory_space<vmem>>, vector<1x16xf32>,
        %get3A_750 = vector.shape_cast %get3A_749 : vector<1x16xf32> to vector<16xf32>
        %add3A_751 = arith.addf %add3A_695, %get3A_750 : vector<16xf32>
        %add3A_752 = arith.constant 6 : i32
        %add3A_753 = arith.addi %add3A_570, %add3A_752 : i32
        %get3A_754 = arith.index_cast %add3A_753 : i32 to index
        %get3A_755 = arith.constant 32 : index
        %get3A_756 = tpu.vector_load %arg7[%get3A_754, %get3A_755] {strides = array<i32>} : memref<400x64xf32, #tpu.memory_space<vmem>>, vector<1x16xf32>,
        %get3A_757 = vector.shape_cast %get3A_756 : vector<1x16xf32> to vector<16xf32>
        %add3A_758 = arith.addf %add3A_702, %get3A_757 : vector<16xf32>
        %add3A_759 = arith.constant 6 : i32
        %add3A_760 = arith.addi %add3A_570, %add3A_759 : i32
        %get3A_761 = arith.index_cast %add3A_760 : i32 to index
        %get3A_762 = arith.constant 48 : index
        %get3A_763 = tpu.vector_load %arg7[%get3A_761, %get3A_762] {strides = array<i32>} : memref<400x64xf32, #tpu.memory_space<vmem>>, vector<1x16xf32>,
        %get3A_764 = vector.shape_cast %get3A_763 : vector<1x16xf32> to vector<16xf32>
        %add3A_765 = arith.addf %add3A_709, %get3A_764 : vector<16xf32>
        %add3A_766 = arith.constant 7 : i32
        %add3A_767 = arith.addi %add3A_570, %add3A_766 : i32
        %get3A_768 = arith.index_cast %add3A_767 : i32 to index
        %get3A_769 = arith.constant 0 : index
        %get3A_770 = tpu.vector_load %arg7[%get3A_768, %get3A_769] {strides = array<i32>} : memref<400x64xf32, #tpu.memory_space<vmem>>, vector<1x16xf32>,
        %get3A_771 = vector.shape_cast %get3A_770 : vector<1x16xf32> to vector<16xf32>
        %add3A_772 = arith.addf %add3A_716, %get3A_771 : vector<16xf32>
        %add3A_773 = arith.constant 7 : i32
        %add3A_774 = arith.addi %add3A_570, %add3A_773 : i32
        %get3A_775 = arith.index_cast %add3A_774 : i32 to index
        %get3A_776 = arith.constant 16 : index
        %get3A_777 = tpu.vector_load %arg7[%get3A_775, %get3A_776] {strides = array<i32>} : memref<400x64xf32, #tpu.memory_space<vmem>>, vector<1x16xf32>,
        %get3A_778 = vector.shape_cast %get3A_777 : vector<1x16xf32> to vector<16xf32>
        %add3A_779 = arith.addf %add3A_723, %get3A_778 : vector<16xf32>
        %add3A_780 = arith.constant 7 : i32
        %add3A_781 = arith.addi %add3A_570, %add3A_780 : i32
        %get3A_782 = arith.index_cast %add3A_781 : i32 to index
        %get3A_783 = arith.constant 32 : index
        %get3A_784 = tpu.vector_load %arg7[%get3A_782, %get3A_783] {strides = array<i32>} : memref<400x64xf32, #tpu.memory_space<vmem>>, vector<1x16xf32>,
        %get3A_785 = vector.shape_cast %get3A_784 : vector<1x16xf32> to vector<16xf32>
        %add3A_786 = arith.addf %add3A_730, %get3A_785 : vector<16xf32>
        %add3A_787 = arith.constant 7 : i32
        %add3A_788 = arith.addi %add3A_570, %add3A_787 : i32
        %get3A_789 = arith.index_cast %add3A_788 : i32 to index
        %get3A_790 = arith.constant 48 : index
        %get3A_791 = tpu.vector_load %arg7[%get3A_789, %get3A_790] {strides = array<i32>} : memref<400x64xf32, #tpu.memory_space<vmem>>, vector<1x16xf32>,
        %get3A_792 = vector.shape_cast %get3A_791 : vector<1x16xf32> to vector<16xf32>
        %add3A_793 = arith.addf %add3A_737, %get3A_792 : vector<16xf32>
        scf.yield %add3A_744, %add3A_772, %add3A_751, %add3A_779, %add3A_758, %add3A_786, %add3A_765, %add3A_793 : vector<16xf32>, vector<16xf32>, vector<16xf32>, vector<16xf32>, vector<16xf32>, vector<16xf32>, vector<16xf32>, vector<16xf32>
      }
      %scan3A_379 = arith.constant 25 : i32
      %add3A_380 = arith.addf %scan3A_378#0, %scan3A_378#1 : vector<16xf32>
      %mul3A_381 = vector.broadcast %scan3A_61 : f32 to vector<16xf32>
      %mul3A_382 = arith.mulf %add3A_380, %mul3A_381 : vector<16xf32>
      %mul3A_383 = arith.constant 64 : i32
      %mul3A_384 = arith.muli %add3A_371, %mul3A_383 : i32
      %add3A_385 = arith.constant 0 : i32
      %add3A_386 = arith.addi %mul3A_384, %add3A_385 : i32
      %swap3A_387 = arith.index_cast %add3A_386 : i32 to index
      %swap3A_388 = tpu.vector_load %arg9[%swap3A_387] {strides = array<i32>} : memref<8192xf32, #tpu.memory_space<vmem>>, vector<16xf32>,
      %swap3A_389 = vector.shape_cast %swap3A_388 : vector<16xf32> to vector<16xf32>
      %swap3A_390 = vector.shape_cast %mul3A_382 : vector<16xf32> to vector<16xf32>
      tpu.vector_store %arg9[%swap3A_387], %swap3A_390 {strides = array<i32>} : memref<8192xf32, #tpu.memory_space<vmem>>, vector<16xf32>,
      %add3A_391 = arith.addf %scan3A_378#2, %scan3A_378#3 : vector<16xf32>
      %mul3A_392 = vector.broadcast %scan3A_61 : f32 to vector<16xf32>
      %mul3A_393 = arith.mulf %add3A_391, %mul3A_392 : vector<16xf32>
      %mul3A_394 = arith.constant 64 : i32
      %mul3A_395 = arith.muli %add3A_371, %mul3A_394 : i32
      %add3A_396 = arith.constant 16 : i32
      %add3A_397 = arith.addi %mul3A_395, %add3A_396 : i32
      %swap3A_398 = arith.index_cast %add3A_397 : i32 to index
      %swap3A_399 = tpu.vector_load %arg9[%swap3A_398] {strides = array<i32>} : memref<8192xf32, #tpu.memory_space<vmem>>, vector<16xf32>,
      %swap3A_400 = vector.shape_cast %swap3A_399 : vector<16xf32> to vector<16xf32>
      %swap3A_401 = vector.shape_cast %mul3A_393 : vector<16xf32> to vector<16xf32>
      tpu.vector_store %arg9[%swap3A_398], %swap3A_401 {strides = array<i32>} : memref<8192xf32, #tpu.memory_space<vmem>>, vector<16xf32>,
      %add3A_402 = arith.addf %scan3A_378#4, %scan3A_378#5 : vector<16xf32>
      %mul3A_403 = vector.broadcast %scan3A_61 : f32 to vector<16xf32>
      %mul3A_404 = arith.mulf %add3A_402, %mul3A_403 : vector<16xf32>
      %mul3A_405 = arith.constant 64 : i32
      %mul3A_406 = arith.muli %add3A_371, %mul3A_405 : i32
      %add3A_407 = arith.constant 32 : i32
      %add3A_408 = arith.addi %mul3A_406, %add3A_407 : i32
      %swap3A_409 = arith.index_cast %add3A_408 : i32 to index
      %swap3A_410 = tpu.vector_load %arg9[%swap3A_409] {strides = array<i32>} : memref<8192xf32, #tpu.memory_space<vmem>>, vector<16xf32>,
      %swap3A_411 = vector.shape_cast %swap3A_410 : vector<16xf32> to vector<16xf32>
      %swap3A_412 = vector.shape_cast %mul3A_404 : vector<16xf32> to vector<16xf32>
      tpu.vector_store %arg9[%swap3A_409], %swap3A_412 {strides = array<i32>} : memref<8192xf32, #tpu.memory_space<vmem>>, vector<16xf32>,
      %add3A_413 = arith.addf %scan3A_378#6, %scan3A_378#7 : vector<16xf32>
      %mul3A_414 = vector.broadcast %scan3A_61 : f32 to vector<16xf32>
      %mul3A_415 = arith.mulf %add3A_413, %mul3A_414 : vector<16xf32>
      %mul3A_416 = arith.constant 64 : i32
      %mul3A_417 = arith.muli %add3A_371, %mul3A_416 : i32
      %add3A_418 = arith.constant 48 : i32
      %add3A_419 = arith.addi %mul3A_417, %add3A_418 : i32
      %swap3A_420 = arith.index_cast %add3A_419 : i32 to index
      %swap3A_421 = tpu.vector_load %arg9[%swap3A_420] {strides = array<i32>} : memref<8192xf32, #tpu.memory_space<vmem>>, vector<16xf32>,
      %swap3A_422 = vector.shape_cast %swap3A_421 : vector<16xf32> to vector<16xf32>
      %swap3A_423 = vector.shape_cast %mul3A_415 : vector<16xf32> to vector<16xf32>
      tpu.vector_store %arg9[%swap3A_420], %swap3A_423 {strides = array<i32>} : memref<8192xf32, #tpu.memory_space<vmem>>, vector<16xf32>,
      %add3A_424 = arith.constant 3 : i32
      %add3A_425 = arith.addi %add3A_305, %add3A_424 : i32
      %lt3A_426 = arith.constant 64 : i32
      %lt3A_427 = arith.cmpi slt, %add3A_425, %lt3A_426 : i32
      %convert_element_type3A_428 = arith.extui %lt3A_427 : i1 to i32
      %cond3A_429 = arith.constant 0 : i32
      %cond3A_430 = arith.cmpi ne, %convert_element_type3A_428, %cond3A_429 : i32
      scf.if %cond3A_430 {
        %add3A_558 = arith.constant 3 : i32
        %add3A_559 = arith.addi %add3A_305, %add3A_558 : i32
        %mul3A_560 = arith.constant 400 : i32
        %mul3A_561 = arith.muli %add3A_559, %mul3A_560 : i32
        %dma_start3A_562 = tpu.memref_slice %arg5[%mul3A_561] : memref<25600xi32, #tpu.memory_space<vmem>> -> memref<400xi32, #tpu.memory_space<vmem>>
        %dma_start3A_563 = arith.constant 0 : i32
        %dma_start3A_564 = arith.constant 0 : i32
        %dma_start3A_565 = tpu.memref_slice %arg3[%dma_start3A_563, %dma_start3A_564] : memref<1000000x64xf32, #tpu.memory_space<hbm>> -> memref<1000000x64xf32, #tpu.memory_space<hbm>>
        tpu.enqueue_indirect_dma source(%dma_start3A_565 : memref<1000000x64xf32, #tpu.memory_space<hbm>>) target(%arg7 : memref<400x64xf32, #tpu.memory_space<vmem>>) offsets(%dma_start3A_562 : memref<400xi32, #tpu.memory_space<vmem>>) semaphore(%arg12 : memref<!tpu.dma_semaphore, #tpu.memory_space<semaphore_mem>>)
      } else {
      }
      %add3A_431 = arith.constant 2 : i32
      %add3A_432 = arith.addi %mul3A_179, %add3A_431 : i32
      %dma_wait3A_433 = arith.constant 0 : i32
      %dma_wait3A_434 = arith.constant 0 : i32
      %dma_wait3A_435 = tpu.memref_slice %arg3[%dma_wait3A_433, %dma_wait3A_434] : memref<1000000x64xf32, #tpu.memory_space<hbm>> -> memref<400x64xf32, #tpu.memory_space<hbm>>
      %dma_wait3A_436 = arith.constant 0 : i32
      %dma_wait3A_437 = arith.constant 0 : i32
      %dma_wait3A_438 = tpu.memref_slice %arg3[%dma_wait3A_436, %dma_wait3A_437] : memref<1000000x64xf32, #tpu.memory_space<hbm>> -> memref<400x64xf32, #tpu.memory_space<hbm>>
      tpu.wait_dma2 semaphore(%arg13 : memref<!tpu.dma_semaphore, #tpu.memory_space<semaphore_mem>>) src(%dma_wait3A_438 : memref<400x64xf32, #tpu.memory_space<hbm>>) dst(%arg8 : memref<400x64xf32, #tpu.memory_space<vmem>>)
      %mul3A_439 = arith.constant 2 : i32
      %mul3A_440 = arith.muli %add3A_432, %mul3A_439 : i32
      %add3A_441 = arith.constant 0 : i32
      %add3A_442 = arith.addi %mul3A_440, %add3A_441 : i32
      %broadcast_in_dim3A_443 = arith.constant 0.000000e+00 : f32
      %broadcast_in_dim3A_444 = vector.broadcast %broadcast_in_dim3A_443 : f32 to vector<16xf32>
      %scan3A_445 = arith.constant 0 : i32
      %scan3A_446 = arith.constant 25 : i32
      %scan3A_447 = arith.addi %scan3A_445, %scan3A_446 : i32
      %scan3A_448 = arith.constant 1 : i32
      %scan3A_449:8 = scf.for %scan3A_558 = %scan3A_445 to %scan3A_447 step %scan3A_448 iter_args(%scan3A_559 = %broadcast_in_dim3A_444, %scan3A_560 = %broadcast_in_dim3A_444, %scan3A_561 = %broadcast_in_dim3A_444, %scan3A_562 = %broadcast_in_dim3A_444, %scan3A_563 = %broadcast_in_dim3A_444, %scan3A_564 = %broadcast_in_dim3A_444, %scan3A_565 = %broadcast_in_dim3A_444, %scan3A_566 = %broadcast_in_dim3A_444) -> (vector<16xf32>, vector<16xf32>, vector<16xf32>, vector<16xf32>, vector<16xf32>, vector<16xf32>, vector<16xf32>, vector<16xf32>)  : i32 {
        %mul3A_567 = arith.constant 8 : i32
        %mul3A_568 = arith.muli %scan3A_558, %mul3A_567 : i32
        %add3A_569 = arith.constant 0 : i32
        %add3A_570 = arith.addi %add3A_569, %mul3A_568 : i32
        %add3A_571 = arith.constant 0 : i32
        %add3A_572 = arith.addi %add3A_570, %add3A_571 : i32
        %get3A = arith.index_cast %add3A_572 : i32 to index
        %get3A_573 = arith.constant 0 : index
        %get3A_574 = tpu.vector_load %arg8[%get3A, %get3A_573] {strides = array<i32>} : memref<400x64xf32, #tpu.memory_space<vmem>>, vector<1x16xf32>,
        %get3A_575 = vector.shape_cast %get3A_574 : vector<1x16xf32> to vector<16xf32>
        %add3A_576 = arith.addf %scan3A_559, %get3A_575 : vector<16xf32>
        %add3A_577 = arith.constant 0 : i32
        %add3A_578 = arith.addi %add3A_570, %add3A_577 : i32
        %get3A_579 = arith.index_cast %add3A_578 : i32 to index
        %get3A_580 = arith.constant 16 : index
        %get3A_581 = tpu.vector_load %arg8[%get3A_579, %get3A_580] {strides = array<i32>} : memref<400x64xf32, #tpu.memory_space<vmem>>, vector<1x16xf32>,
        %get3A_582 = vector.shape_cast %get3A_581 : vector<1x16xf32> to vector<16xf32>
        %add3A_583 = arith.addf %scan3A_561, %get3A_582 : vector<16xf32>
        %add3A_584 = arith.constant 0 : i32
        %add3A_585 = arith.addi %add3A_570, %add3A_584 : i32
        %get3A_586 = arith.index_cast %add3A_585 : i32 to index
        %get3A_587 = arith.constant 32 : index
        %get3A_588 = tpu.vector_load %arg8[%get3A_586, %get3A_587] {strides = array<i32>} : memref<400x64xf32, #tpu.memory_space<vmem>>, vector<1x16xf32>,
        %get3A_589 = vector.shape_cast %get3A_588 : vector<1x16xf32> to vector<16xf32>
        %add3A_590 = arith.addf %scan3A_563, %get3A_589 : vector<16xf32>
        %add3A_591 = arith.constant 0 : i32
        %add3A_592 = arith.addi %add3A_570, %add3A_591 : i32
        %get3A_593 = arith.index_cast %add3A_592 : i32 to index
        %get3A_594 = arith.constant 48 : index
        %get3A_595 = tpu.vector_load %arg8[%get3A_593, %get3A_594] {strides = array<i32>} : memref<400x64xf32, #tpu.memory_space<vmem>>, vector<1x16xf32>,
        %get3A_596 = vector.shape_cast %get3A_595 : vector<1x16xf32> to vector<16xf32>
        %add3A_597 = arith.addf %scan3A_565, %get3A_596 : vector<16xf32>
        %add3A_598 = arith.constant 1 : i32
        %add3A_599 = arith.addi %add3A_570, %add3A_598 : i32
        %get3A_600 = arith.index_cast %add3A_599 : i32 to index
        %get3A_601 = arith.constant 0 : index
        %get3A_602 = tpu.vector_load %arg8[%get3A_600, %get3A_601] {strides = array<i32>} : memref<400x64xf32, #tpu.memory_space<vmem>>, vector<1x16xf32>,
        %get3A_603 = vector.shape_cast %get3A_602 : vector<1x16xf32> to vector<16xf32>
        %add3A_604 = arith.addf %scan3A_560, %get3A_603 : vector<16xf32>
        %add3A_605 = arith.constant 1 : i32
        %add3A_606 = arith.addi %add3A_570, %add3A_605 : i32
        %get3A_607 = arith.index_cast %add3A_606 : i32 to index
        %get3A_608 = arith.constant 16 : index
        %get3A_609 = tpu.vector_load %arg8[%get3A_607, %get3A_608] {strides = array<i32>} : memref<400x64xf32, #tpu.memory_space<vmem>>, vector<1x16xf32>,
        %get3A_610 = vector.shape_cast %get3A_609 : vector<1x16xf32> to vector<16xf32>
        %add3A_611 = arith.addf %scan3A_562, %get3A_610 : vector<16xf32>
        %add3A_612 = arith.constant 1 : i32
        %add3A_613 = arith.addi %add3A_570, %add3A_612 : i32
        %get3A_614 = arith.index_cast %add3A_613 : i32 to index
        %get3A_615 = arith.constant 32 : index
        %get3A_616 = tpu.vector_load %arg8[%get3A_614, %get3A_615] {strides = array<i32>} : memref<400x64xf32, #tpu.memory_space<vmem>>, vector<1x16xf32>,
        %get3A_617 = vector.shape_cast %get3A_616 : vector<1x16xf32> to vector<16xf32>
        %add3A_618 = arith.addf %scan3A_564, %get3A_617 : vector<16xf32>
        %add3A_619 = arith.constant 1 : i32
        %add3A_620 = arith.addi %add3A_570, %add3A_619 : i32
        %get3A_621 = arith.index_cast %add3A_620 : i32 to index
        %get3A_622 = arith.constant 48 : index
        %get3A_623 = tpu.vector_load %arg8[%get3A_621, %get3A_622] {strides = array<i32>} : memref<400x64xf32, #tpu.memory_space<vmem>>, vector<1x16xf32>,
        %get3A_624 = vector.shape_cast %get3A_623 : vector<1x16xf32> to vector<16xf32>
        %add3A_625 = arith.addf %scan3A_566, %get3A_624 : vector<16xf32>
        %add3A_626 = arith.constant 2 : i32
        %add3A_627 = arith.addi %add3A_570, %add3A_626 : i32
        %get3A_628 = arith.index_cast %add3A_627 : i32 to index
        %get3A_629 = arith.constant 0 : index
        %get3A_630 = tpu.vector_load %arg8[%get3A_628, %get3A_629] {strides = array<i32>} : memref<400x64xf32, #tpu.memory_space<vmem>>, vector<1x16xf32>,
        %get3A_631 = vector.shape_cast %get3A_630 : vector<1x16xf32> to vector<16xf32>
        %add3A_632 = arith.addf %add3A_576, %get3A_631 : vector<16xf32>
        %add3A_633 = arith.constant 2 : i32
        %add3A_634 = arith.addi %add3A_570, %add3A_633 : i32
        %get3A_635 = arith.index_cast %add3A_634 : i32 to index
        %get3A_636 = arith.constant 16 : index
        %get3A_637 = tpu.vector_load %arg8[%get3A_635, %get3A_636] {strides = array<i32>} : memref<400x64xf32, #tpu.memory_space<vmem>>, vector<1x16xf32>,
        %get3A_638 = vector.shape_cast %get3A_637 : vector<1x16xf32> to vector<16xf32>
        %add3A_639 = arith.addf %add3A_583, %get3A_638 : vector<16xf32>
        %add3A_640 = arith.constant 2 : i32
        %add3A_641 = arith.addi %add3A_570, %add3A_640 : i32
        %get3A_642 = arith.index_cast %add3A_641 : i32 to index
        %get3A_643 = arith.constant 32 : index
        %get3A_644 = tpu.vector_load %arg8[%get3A_642, %get3A_643] {strides = array<i32>} : memref<400x64xf32, #tpu.memory_space<vmem>>, vector<1x16xf32>,
        %get3A_645 = vector.shape_cast %get3A_644 : vector<1x16xf32> to vector<16xf32>
        %add3A_646 = arith.addf %add3A_590, %get3A_645 : vector<16xf32>
        %add3A_647 = arith.constant 2 : i32
        %add3A_648 = arith.addi %add3A_570, %add3A_647 : i32
        %get3A_649 = arith.index_cast %add3A_648 : i32 to index
        %get3A_650 = arith.constant 48 : index
        %get3A_651 = tpu.vector_load %arg8[%get3A_649, %get3A_650] {strides = array<i32>} : memref<400x64xf32, #tpu.memory_space<vmem>>, vector<1x16xf32>,
        %get3A_652 = vector.shape_cast %get3A_651 : vector<1x16xf32> to vector<16xf32>
        %add3A_653 = arith.addf %add3A_597, %get3A_652 : vector<16xf32>
        %add3A_654 = arith.constant 3 : i32
        %add3A_655 = arith.addi %add3A_570, %add3A_654 : i32
        %get3A_656 = arith.index_cast %add3A_655 : i32 to index
        %get3A_657 = arith.constant 0 : index
        %get3A_658 = tpu.vector_load %arg8[%get3A_656, %get3A_657] {strides = array<i32>} : memref<400x64xf32, #tpu.memory_space<vmem>>, vector<1x16xf32>,
        %get3A_659 = vector.shape_cast %get3A_658 : vector<1x16xf32> to vector<16xf32>
        %add3A_660 = arith.addf %add3A_604, %get3A_659 : vector<16xf32>
        %add3A_661 = arith.constant 3 : i32
        %add3A_662 = arith.addi %add3A_570, %add3A_661 : i32
        %get3A_663 = arith.index_cast %add3A_662 : i32 to index
        %get3A_664 = arith.constant 16 : index
        %get3A_665 = tpu.vector_load %arg8[%get3A_663, %get3A_664] {strides = array<i32>} : memref<400x64xf32, #tpu.memory_space<vmem>>, vector<1x16xf32>,
        %get3A_666 = vector.shape_cast %get3A_665 : vector<1x16xf32> to vector<16xf32>
        %add3A_667 = arith.addf %add3A_611, %get3A_666 : vector<16xf32>
        %add3A_668 = arith.constant 3 : i32
        %add3A_669 = arith.addi %add3A_570, %add3A_668 : i32
        %get3A_670 = arith.index_cast %add3A_669 : i32 to index
        %get3A_671 = arith.constant 32 : index
        %get3A_672 = tpu.vector_load %arg8[%get3A_670, %get3A_671] {strides = array<i32>} : memref<400x64xf32, #tpu.memory_space<vmem>>, vector<1x16xf32>,
        %get3A_673 = vector.shape_cast %get3A_672 : vector<1x16xf32> to vector<16xf32>
        %add3A_674 = arith.addf %add3A_618, %get3A_673 : vector<16xf32>
        %add3A_675 = arith.constant 3 : i32
        %add3A_676 = arith.addi %add3A_570, %add3A_675 : i32
        %get3A_677 = arith.index_cast %add3A_676 : i32 to index
        %get3A_678 = arith.constant 48 : index
        %get3A_679 = tpu.vector_load %arg8[%get3A_677, %get3A_678] {strides = array<i32>} : memref<400x64xf32, #tpu.memory_space<vmem>>, vector<1x16xf32>,
        %get3A_680 = vector.shape_cast %get3A_679 : vector<1x16xf32> to vector<16xf32>
        %add3A_681 = arith.addf %add3A_625, %get3A_680 : vector<16xf32>
        %add3A_682 = arith.constant 4 : i32
        %add3A_683 = arith.addi %add3A_570, %add3A_682 : i32
        %get3A_684 = arith.index_cast %add3A_683 : i32 to index
        %get3A_685 = arith.constant 0 : index
        %get3A_686 = tpu.vector_load %arg8[%get3A_684, %get3A_685] {strides = array<i32>} : memref<400x64xf32, #tpu.memory_space<vmem>>, vector<1x16xf32>,
        %get3A_687 = vector.shape_cast %get3A_686 : vector<1x16xf32> to vector<16xf32>
        %add3A_688 = arith.addf %add3A_632, %get3A_687 : vector<16xf32>
        %add3A_689 = arith.constant 4 : i32
        %add3A_690 = arith.addi %add3A_570, %add3A_689 : i32
        %get3A_691 = arith.index_cast %add3A_690 : i32 to index
        %get3A_692 = arith.constant 16 : index
        %get3A_693 = tpu.vector_load %arg8[%get3A_691, %get3A_692] {strides = array<i32>} : memref<400x64xf32, #tpu.memory_space<vmem>>, vector<1x16xf32>,
        %get3A_694 = vector.shape_cast %get3A_693 : vector<1x16xf32> to vector<16xf32>
        %add3A_695 = arith.addf %add3A_639, %get3A_694 : vector<16xf32>
        %add3A_696 = arith.constant 4 : i32
        %add3A_697 = arith.addi %add3A_570, %add3A_696 : i32
        %get3A_698 = arith.index_cast %add3A_697 : i32 to index
        %get3A_699 = arith.constant 32 : index
        %get3A_700 = tpu.vector_load %arg8[%get3A_698, %get3A_699] {strides = array<i32>} : memref<400x64xf32, #tpu.memory_space<vmem>>, vector<1x16xf32>,
        %get3A_701 = vector.shape_cast %get3A_700 : vector<1x16xf32> to vector<16xf32>
        %add3A_702 = arith.addf %add3A_646, %get3A_701 : vector<16xf32>
        %add3A_703 = arith.constant 4 : i32
        %add3A_704 = arith.addi %add3A_570, %add3A_703 : i32
        %get3A_705 = arith.index_cast %add3A_704 : i32 to index
        %get3A_706 = arith.constant 48 : index
        %get3A_707 = tpu.vector_load %arg8[%get3A_705, %get3A_706] {strides = array<i32>} : memref<400x64xf32, #tpu.memory_space<vmem>>, vector<1x16xf32>,
        %get3A_708 = vector.shape_cast %get3A_707 : vector<1x16xf32> to vector<16xf32>
        %add3A_709 = arith.addf %add3A_653, %get3A_708 : vector<16xf32>
        %add3A_710 = arith.constant 5 : i32
        %add3A_711 = arith.addi %add3A_570, %add3A_710 : i32
        %get3A_712 = arith.index_cast %add3A_711 : i32 to index
        %get3A_713 = arith.constant 0 : index
        %get3A_714 = tpu.vector_load %arg8[%get3A_712, %get3A_713] {strides = array<i32>} : memref<400x64xf32, #tpu.memory_space<vmem>>, vector<1x16xf32>,
        %get3A_715 = vector.shape_cast %get3A_714 : vector<1x16xf32> to vector<16xf32>
        %add3A_716 = arith.addf %add3A_660, %get3A_715 : vector<16xf32>
        %add3A_717 = arith.constant 5 : i32
        %add3A_718 = arith.addi %add3A_570, %add3A_717 : i32
        %get3A_719 = arith.index_cast %add3A_718 : i32 to index
        %get3A_720 = arith.constant 16 : index
        %get3A_721 = tpu.vector_load %arg8[%get3A_719, %get3A_720] {strides = array<i32>} : memref<400x64xf32, #tpu.memory_space<vmem>>, vector<1x16xf32>,
        %get3A_722 = vector.shape_cast %get3A_721 : vector<1x16xf32> to vector<16xf32>
        %add3A_723 = arith.addf %add3A_667, %get3A_722 : vector<16xf32>
        %add3A_724 = arith.constant 5 : i32
        %add3A_725 = arith.addi %add3A_570, %add3A_724 : i32
        %get3A_726 = arith.index_cast %add3A_725 : i32 to index
        %get3A_727 = arith.constant 32 : index
        %get3A_728 = tpu.vector_load %arg8[%get3A_726, %get3A_727] {strides = array<i32>} : memref<400x64xf32, #tpu.memory_space<vmem>>, vector<1x16xf32>,
        %get3A_729 = vector.shape_cast %get3A_728 : vector<1x16xf32> to vector<16xf32>
        %add3A_730 = arith.addf %add3A_674, %get3A_729 : vector<16xf32>
        %add3A_731 = arith.constant 5 : i32
        %add3A_732 = arith.addi %add3A_570, %add3A_731 : i32
        %get3A_733 = arith.index_cast %add3A_732 : i32 to index
        %get3A_734 = arith.constant 48 : index
        %get3A_735 = tpu.vector_load %arg8[%get3A_733, %get3A_734] {strides = array<i32>} : memref<400x64xf32, #tpu.memory_space<vmem>>, vector<1x16xf32>,
        %get3A_736 = vector.shape_cast %get3A_735 : vector<1x16xf32> to vector<16xf32>
        %add3A_737 = arith.addf %add3A_681, %get3A_736 : vector<16xf32>
        %add3A_738 = arith.constant 6 : i32
        %add3A_739 = arith.addi %add3A_570, %add3A_738 : i32
        %get3A_740 = arith.index_cast %add3A_739 : i32 to index
        %get3A_741 = arith.constant 0 : index
        %get3A_742 = tpu.vector_load %arg8[%get3A_740, %get3A_741] {strides = array<i32>} : memref<400x64xf32, #tpu.memory_space<vmem>>, vector<1x16xf32>,
        %get3A_743 = vector.shape_cast %get3A_742 : vector<1x16xf32> to vector<16xf32>
        %add3A_744 = arith.addf %add3A_688, %get3A_743 : vector<16xf32>
        %add3A_745 = arith.constant 6 : i32
        %add3A_746 = arith.addi %add3A_570, %add3A_745 : i32
        %get3A_747 = arith.index_cast %add3A_746 : i32 to index
        %get3A_748 = arith.constant 16 : index
        %get3A_749 = tpu.vector_load %arg8[%get3A_747, %get3A_748] {strides = array<i32>} : memref<400x64xf32, #tpu.memory_space<vmem>>, vector<1x16xf32>,
        %get3A_750 = vector.shape_cast %get3A_749 : vector<1x16xf32> to vector<16xf32>
        %add3A_751 = arith.addf %add3A_695, %get3A_750 : vector<16xf32>
        %add3A_752 = arith.constant 6 : i32
        %add3A_753 = arith.addi %add3A_570, %add3A_752 : i32
        %get3A_754 = arith.index_cast %add3A_753 : i32 to index
        %get3A_755 = arith.constant 32 : index
        %get3A_756 = tpu.vector_load %arg8[%get3A_754, %get3A_755] {strides = array<i32>} : memref<400x64xf32, #tpu.memory_space<vmem>>, vector<1x16xf32>,
        %get3A_757 = vector.shape_cast %get3A_756 : vector<1x16xf32> to vector<16xf32>
        %add3A_758 = arith.addf %add3A_702, %get3A_757 : vector<16xf32>
        %add3A_759 = arith.constant 6 : i32
        %add3A_760 = arith.addi %add3A_570, %add3A_759 : i32
        %get3A_761 = arith.index_cast %add3A_760 : i32 to index
        %get3A_762 = arith.constant 48 : index
        %get3A_763 = tpu.vector_load %arg8[%get3A_761, %get3A_762] {strides = array<i32>} : memref<400x64xf32, #tpu.memory_space<vmem>>, vector<1x16xf32>,
        %get3A_764 = vector.shape_cast %get3A_763 : vector<1x16xf32> to vector<16xf32>
        %add3A_765 = arith.addf %add3A_709, %get3A_764 : vector<16xf32>
        %add3A_766 = arith.constant 7 : i32
        %add3A_767 = arith.addi %add3A_570, %add3A_766 : i32
        %get3A_768 = arith.index_cast %add3A_767 : i32 to index
        %get3A_769 = arith.constant 0 : index
        %get3A_770 = tpu.vector_load %arg8[%get3A_768, %get3A_769] {strides = array<i32>} : memref<400x64xf32, #tpu.memory_space<vmem>>, vector<1x16xf32>,
        %get3A_771 = vector.shape_cast %get3A_770 : vector<1x16xf32> to vector<16xf32>
        %add3A_772 = arith.addf %add3A_716, %get3A_771 : vector<16xf32>
        %add3A_773 = arith.constant 7 : i32
        %add3A_774 = arith.addi %add3A_570, %add3A_773 : i32
        %get3A_775 = arith.index_cast %add3A_774 : i32 to index
        %get3A_776 = arith.constant 16 : index
        %get3A_777 = tpu.vector_load %arg8[%get3A_775, %get3A_776] {strides = array<i32>} : memref<400x64xf32, #tpu.memory_space<vmem>>, vector<1x16xf32>,
        %get3A_778 = vector.shape_cast %get3A_777 : vector<1x16xf32> to vector<16xf32>
        %add3A_779 = arith.addf %add3A_723, %get3A_778 : vector<16xf32>
        %add3A_780 = arith.constant 7 : i32
        %add3A_781 = arith.addi %add3A_570, %add3A_780 : i32
        %get3A_782 = arith.index_cast %add3A_781 : i32 to index
        %get3A_783 = arith.constant 32 : index
        %get3A_784 = tpu.vector_load %arg8[%get3A_782, %get3A_783] {strides = array<i32>} : memref<400x64xf32, #tpu.memory_space<vmem>>, vector<1x16xf32>,
        %get3A_785 = vector.shape_cast %get3A_784 : vector<1x16xf32> to vector<16xf32>
        %add3A_786 = arith.addf %add3A_730, %get3A_785 : vector<16xf32>
        %add3A_787 = arith.constant 7 : i32
        %add3A_788 = arith.addi %add3A_570, %add3A_787 : i32
        %get3A_789 = arith.index_cast %add3A_788 : i32 to index
        %get3A_790 = arith.constant 48 : index
        %get3A_791 = tpu.vector_load %arg8[%get3A_789, %get3A_790] {strides = array<i32>} : memref<400x64xf32, #tpu.memory_space<vmem>>, vector<1x16xf32>,
        %get3A_792 = vector.shape_cast %get3A_791 : vector<1x16xf32> to vector<16xf32>
        %add3A_793 = arith.addf %add3A_737, %get3A_792 : vector<16xf32>
        scf.yield %add3A_744, %add3A_772, %add3A_751, %add3A_779, %add3A_758, %add3A_786, %add3A_765, %add3A_793 : vector<16xf32>, vector<16xf32>, vector<16xf32>, vector<16xf32>, vector<16xf32>, vector<16xf32>, vector<16xf32>, vector<16xf32>
      }
      %scan3A_450 = arith.constant 25 : i32
      %add3A_451 = arith.addf %scan3A_449#0, %scan3A_449#1 : vector<16xf32>
      %mul3A_452 = vector.broadcast %scan3A_61 : f32 to vector<16xf32>
      %mul3A_453 = arith.mulf %add3A_451, %mul3A_452 : vector<16xf32>
      %mul3A_454 = arith.constant 64 : i32
      %mul3A_455 = arith.muli %add3A_442, %mul3A_454 : i32
      %add3A_456 = arith.constant 0 : i32
      %add3A_457 = arith.addi %mul3A_455, %add3A_456 : i32
      %swap3A_458 = arith.index_cast %add3A_457 : i32 to index
      %swap3A_459 = tpu.vector_load %arg9[%swap3A_458] {strides = array<i32>} : memref<8192xf32, #tpu.memory_space<vmem>>, vector<16xf32>,
      %swap3A_460 = vector.shape_cast %swap3A_459 : vector<16xf32> to vector<16xf32>
      %swap3A_461 = vector.shape_cast %mul3A_453 : vector<16xf32> to vector<16xf32>
      tpu.vector_store %arg9[%swap3A_458], %swap3A_461 {strides = array<i32>} : memref<8192xf32, #tpu.memory_space<vmem>>, vector<16xf32>,
      %add3A_462 = arith.addf %scan3A_449#2, %scan3A_449#3 : vector<16xf32>
      %mul3A_463 = vector.broadcast %scan3A_61 : f32 to vector<16xf32>
      %mul3A_464 = arith.mulf %add3A_462, %mul3A_463 : vector<16xf32>
      %mul3A_465 = arith.constant 64 : i32
      %mul3A_466 = arith.muli %add3A_442, %mul3A_465 : i32
      %add3A_467 = arith.constant 16 : i32
      %add3A_468 = arith.addi %mul3A_466, %add3A_467 : i32
      %swap3A_469 = arith.index_cast %add3A_468 : i32 to index
      %swap3A_470 = tpu.vector_load %arg9[%swap3A_469] {strides = array<i32>} : memref<8192xf32, #tpu.memory_space<vmem>>, vector<16xf32>,
      %swap3A_471 = vector.shape_cast %swap3A_470 : vector<16xf32> to vector<16xf32>
      %swap3A_472 = vector.shape_cast %mul3A_464 : vector<16xf32> to vector<16xf32>
      tpu.vector_store %arg9[%swap3A_469], %swap3A_472 {strides = array<i32>} : memref<8192xf32, #tpu.memory_space<vmem>>, vector<16xf32>,
      %add3A_473 = arith.addf %scan3A_449#4, %scan3A_449#5 : vector<16xf32>
      %mul3A_474 = vector.broadcast %scan3A_61 : f32 to vector<16xf32>
      %mul3A_475 = arith.mulf %add3A_473, %mul3A_474 : vector<16xf32>
      %mul3A_476 = arith.constant 64 : i32
      %mul3A_477 = arith.muli %add3A_442, %mul3A_476 : i32
      %add3A_478 = arith.constant 32 : i32
      %add3A_479 = arith.addi %mul3A_477, %add3A_478 : i32
      %swap3A_480 = arith.index_cast %add3A_479 : i32 to index
      %swap3A_481 = tpu.vector_load %arg9[%swap3A_480] {strides = array<i32>} : memref<8192xf32, #tpu.memory_space<vmem>>, vector<16xf32>,
      %swap3A_482 = vector.shape_cast %swap3A_481 : vector<16xf32> to vector<16xf32>
      %swap3A_483 = vector.shape_cast %mul3A_475 : vector<16xf32> to vector<16xf32>
      tpu.vector_store %arg9[%swap3A_480], %swap3A_483 {strides = array<i32>} : memref<8192xf32, #tpu.memory_space<vmem>>, vector<16xf32>,
      %add3A_484 = arith.addf %scan3A_449#6, %scan3A_449#7 : vector<16xf32>
      %mul3A_485 = vector.broadcast %scan3A_61 : f32 to vector<16xf32>
      %mul3A_486 = arith.mulf %add3A_484, %mul3A_485 : vector<16xf32>
      %mul3A_487 = arith.constant 64 : i32
      %mul3A_488 = arith.muli %add3A_442, %mul3A_487 : i32
      %add3A_489 = arith.constant 48 : i32
      %add3A_490 = arith.addi %mul3A_488, %add3A_489 : i32
      %swap3A_491 = arith.index_cast %add3A_490 : i32 to index
      %swap3A_492 = tpu.vector_load %arg9[%swap3A_491] {strides = array<i32>} : memref<8192xf32, #tpu.memory_space<vmem>>, vector<16xf32>,
      %swap3A_493 = vector.shape_cast %swap3A_492 : vector<16xf32> to vector<16xf32>
      %swap3A_494 = vector.shape_cast %mul3A_486 : vector<16xf32> to vector<16xf32>
      tpu.vector_store %arg9[%swap3A_491], %swap3A_494 {strides = array<i32>} : memref<8192xf32, #tpu.memory_space<vmem>>, vector<16xf32>,
      %mul3A_495 = arith.constant 2 : i32
      %mul3A_496 = arith.muli %add3A_432, %mul3A_495 : i32
      %add3A_497 = arith.constant 1 : i32
      %add3A_498 = arith.addi %mul3A_496, %add3A_497 : i32
      %broadcast_in_dim3A_499 = arith.constant 0.000000e+00 : f32
      %broadcast_in_dim3A_500 = vector.broadcast %broadcast_in_dim3A_499 : f32 to vector<16xf32>
      %scan3A_501 = arith.constant 0 : i32
      %scan3A_502 = arith.constant 25 : i32
      %scan3A_503 = arith.addi %scan3A_501, %scan3A_502 : i32
      %scan3A_504 = arith.constant 1 : i32
      %scan3A_505:8 = scf.for %scan3A_558 = %scan3A_501 to %scan3A_503 step %scan3A_504 iter_args(%scan3A_559 = %broadcast_in_dim3A_500, %scan3A_560 = %broadcast_in_dim3A_500, %scan3A_561 = %broadcast_in_dim3A_500, %scan3A_562 = %broadcast_in_dim3A_500, %scan3A_563 = %broadcast_in_dim3A_500, %scan3A_564 = %broadcast_in_dim3A_500, %scan3A_565 = %broadcast_in_dim3A_500, %scan3A_566 = %broadcast_in_dim3A_500) -> (vector<16xf32>, vector<16xf32>, vector<16xf32>, vector<16xf32>, vector<16xf32>, vector<16xf32>, vector<16xf32>, vector<16xf32>)  : i32 {
        %mul3A_567 = arith.constant 8 : i32
        %mul3A_568 = arith.muli %scan3A_558, %mul3A_567 : i32
        %add3A_569 = arith.constant 200 : i32
        %add3A_570 = arith.addi %add3A_569, %mul3A_568 : i32
        %add3A_571 = arith.constant 0 : i32
        %add3A_572 = arith.addi %add3A_570, %add3A_571 : i32
        %get3A = arith.index_cast %add3A_572 : i32 to index
        %get3A_573 = arith.constant 0 : index
        %get3A_574 = tpu.vector_load %arg8[%get3A, %get3A_573] {strides = array<i32>} : memref<400x64xf32, #tpu.memory_space<vmem>>, vector<1x16xf32>,
        %get3A_575 = vector.shape_cast %get3A_574 : vector<1x16xf32> to vector<16xf32>
        %add3A_576 = arith.addf %scan3A_559, %get3A_575 : vector<16xf32>
        %add3A_577 = arith.constant 0 : i32
        %add3A_578 = arith.addi %add3A_570, %add3A_577 : i32
        %get3A_579 = arith.index_cast %add3A_578 : i32 to index
        %get3A_580 = arith.constant 16 : index
        %get3A_581 = tpu.vector_load %arg8[%get3A_579, %get3A_580] {strides = array<i32>} : memref<400x64xf32, #tpu.memory_space<vmem>>, vector<1x16xf32>,
        %get3A_582 = vector.shape_cast %get3A_581 : vector<1x16xf32> to vector<16xf32>
        %add3A_583 = arith.addf %scan3A_561, %get3A_582 : vector<16xf32>
        %add3A_584 = arith.constant 0 : i32
        %add3A_585 = arith.addi %add3A_570, %add3A_584 : i32
        %get3A_586 = arith.index_cast %add3A_585 : i32 to index
        %get3A_587 = arith.constant 32 : index
        %get3A_588 = tpu.vector_load %arg8[%get3A_586, %get3A_587] {strides = array<i32>} : memref<400x64xf32, #tpu.memory_space<vmem>>, vector<1x16xf32>,
        %get3A_589 = vector.shape_cast %get3A_588 : vector<1x16xf32> to vector<16xf32>
        %add3A_590 = arith.addf %scan3A_563, %get3A_589 : vector<16xf32>
        %add3A_591 = arith.constant 0 : i32
        %add3A_592 = arith.addi %add3A_570, %add3A_591 : i32
        %get3A_593 = arith.index_cast %add3A_592 : i32 to index
        %get3A_594 = arith.constant 48 : index
        %get3A_595 = tpu.vector_load %arg8[%get3A_593, %get3A_594] {strides = array<i32>} : memref<400x64xf32, #tpu.memory_space<vmem>>, vector<1x16xf32>,
        %get3A_596 = vector.shape_cast %get3A_595 : vector<1x16xf32> to vector<16xf32>
        %add3A_597 = arith.addf %scan3A_565, %get3A_596 : vector<16xf32>
        %add3A_598 = arith.constant 1 : i32
        %add3A_599 = arith.addi %add3A_570, %add3A_598 : i32
        %get3A_600 = arith.index_cast %add3A_599 : i32 to index
        %get3A_601 = arith.constant 0 : index
        %get3A_602 = tpu.vector_load %arg8[%get3A_600, %get3A_601] {strides = array<i32>} : memref<400x64xf32, #tpu.memory_space<vmem>>, vector<1x16xf32>,
        %get3A_603 = vector.shape_cast %get3A_602 : vector<1x16xf32> to vector<16xf32>
        %add3A_604 = arith.addf %scan3A_560, %get3A_603 : vector<16xf32>
        %add3A_605 = arith.constant 1 : i32
        %add3A_606 = arith.addi %add3A_570, %add3A_605 : i32
        %get3A_607 = arith.index_cast %add3A_606 : i32 to index
        %get3A_608 = arith.constant 16 : index
        %get3A_609 = tpu.vector_load %arg8[%get3A_607, %get3A_608] {strides = array<i32>} : memref<400x64xf32, #tpu.memory_space<vmem>>, vector<1x16xf32>,
        %get3A_610 = vector.shape_cast %get3A_609 : vector<1x16xf32> to vector<16xf32>
        %add3A_611 = arith.addf %scan3A_562, %get3A_610 : vector<16xf32>
        %add3A_612 = arith.constant 1 : i32
        %add3A_613 = arith.addi %add3A_570, %add3A_612 : i32
        %get3A_614 = arith.index_cast %add3A_613 : i32 to index
        %get3A_615 = arith.constant 32 : index
        %get3A_616 = tpu.vector_load %arg8[%get3A_614, %get3A_615] {strides = array<i32>} : memref<400x64xf32, #tpu.memory_space<vmem>>, vector<1x16xf32>,
        %get3A_617 = vector.shape_cast %get3A_616 : vector<1x16xf32> to vector<16xf32>
        %add3A_618 = arith.addf %scan3A_564, %get3A_617 : vector<16xf32>
        %add3A_619 = arith.constant 1 : i32
        %add3A_620 = arith.addi %add3A_570, %add3A_619 : i32
        %get3A_621 = arith.index_cast %add3A_620 : i32 to index
        %get3A_622 = arith.constant 48 : index
        %get3A_623 = tpu.vector_load %arg8[%get3A_621, %get3A_622] {strides = array<i32>} : memref<400x64xf32, #tpu.memory_space<vmem>>, vector<1x16xf32>,
        %get3A_624 = vector.shape_cast %get3A_623 : vector<1x16xf32> to vector<16xf32>
        %add3A_625 = arith.addf %scan3A_566, %get3A_624 : vector<16xf32>
        %add3A_626 = arith.constant 2 : i32
        %add3A_627 = arith.addi %add3A_570, %add3A_626 : i32
        %get3A_628 = arith.index_cast %add3A_627 : i32 to index
        %get3A_629 = arith.constant 0 : index
        %get3A_630 = tpu.vector_load %arg8[%get3A_628, %get3A_629] {strides = array<i32>} : memref<400x64xf32, #tpu.memory_space<vmem>>, vector<1x16xf32>,
        %get3A_631 = vector.shape_cast %get3A_630 : vector<1x16xf32> to vector<16xf32>
        %add3A_632 = arith.addf %add3A_576, %get3A_631 : vector<16xf32>
        %add3A_633 = arith.constant 2 : i32
        %add3A_634 = arith.addi %add3A_570, %add3A_633 : i32
        %get3A_635 = arith.index_cast %add3A_634 : i32 to index
        %get3A_636 = arith.constant 16 : index
        %get3A_637 = tpu.vector_load %arg8[%get3A_635, %get3A_636] {strides = array<i32>} : memref<400x64xf32, #tpu.memory_space<vmem>>, vector<1x16xf32>,
        %get3A_638 = vector.shape_cast %get3A_637 : vector<1x16xf32> to vector<16xf32>
        %add3A_639 = arith.addf %add3A_583, %get3A_638 : vector<16xf32>
        %add3A_640 = arith.constant 2 : i32
        %add3A_641 = arith.addi %add3A_570, %add3A_640 : i32
        %get3A_642 = arith.index_cast %add3A_641 : i32 to index
        %get3A_643 = arith.constant 32 : index
        %get3A_644 = tpu.vector_load %arg8[%get3A_642, %get3A_643] {strides = array<i32>} : memref<400x64xf32, #tpu.memory_space<vmem>>, vector<1x16xf32>,
        %get3A_645 = vector.shape_cast %get3A_644 : vector<1x16xf32> to vector<16xf32>
        %add3A_646 = arith.addf %add3A_590, %get3A_645 : vector<16xf32>
        %add3A_647 = arith.constant 2 : i32
        %add3A_648 = arith.addi %add3A_570, %add3A_647 : i32
        %get3A_649 = arith.index_cast %add3A_648 : i32 to index
        %get3A_650 = arith.constant 48 : index
        %get3A_651 = tpu.vector_load %arg8[%get3A_649, %get3A_650] {strides = array<i32>} : memref<400x64xf32, #tpu.memory_space<vmem>>, vector<1x16xf32>,
        %get3A_652 = vector.shape_cast %get3A_651 : vector<1x16xf32> to vector<16xf32>
        %add3A_653 = arith.addf %add3A_597, %get3A_652 : vector<16xf32>
        %add3A_654 = arith.constant 3 : i32
        %add3A_655 = arith.addi %add3A_570, %add3A_654 : i32
        %get3A_656 = arith.index_cast %add3A_655 : i32 to index
        %get3A_657 = arith.constant 0 : index
        %get3A_658 = tpu.vector_load %arg8[%get3A_656, %get3A_657] {strides = array<i32>} : memref<400x64xf32, #tpu.memory_space<vmem>>, vector<1x16xf32>,
        %get3A_659 = vector.shape_cast %get3A_658 : vector<1x16xf32> to vector<16xf32>
        %add3A_660 = arith.addf %add3A_604, %get3A_659 : vector<16xf32>
        %add3A_661 = arith.constant 3 : i32
        %add3A_662 = arith.addi %add3A_570, %add3A_661 : i32
        %get3A_663 = arith.index_cast %add3A_662 : i32 to index
        %get3A_664 = arith.constant 16 : index
        %get3A_665 = tpu.vector_load %arg8[%get3A_663, %get3A_664] {strides = array<i32>} : memref<400x64xf32, #tpu.memory_space<vmem>>, vector<1x16xf32>,
        %get3A_666 = vector.shape_cast %get3A_665 : vector<1x16xf32> to vector<16xf32>
        %add3A_667 = arith.addf %add3A_611, %get3A_666 : vector<16xf32>
        %add3A_668 = arith.constant 3 : i32
        %add3A_669 = arith.addi %add3A_570, %add3A_668 : i32
        %get3A_670 = arith.index_cast %add3A_669 : i32 to index
        %get3A_671 = arith.constant 32 : index
        %get3A_672 = tpu.vector_load %arg8[%get3A_670, %get3A_671] {strides = array<i32>} : memref<400x64xf32, #tpu.memory_space<vmem>>, vector<1x16xf32>,
        %get3A_673 = vector.shape_cast %get3A_672 : vector<1x16xf32> to vector<16xf32>
        %add3A_674 = arith.addf %add3A_618, %get3A_673 : vector<16xf32>
        %add3A_675 = arith.constant 3 : i32
        %add3A_676 = arith.addi %add3A_570, %add3A_675 : i32
        %get3A_677 = arith.index_cast %add3A_676 : i32 to index
        %get3A_678 = arith.constant 48 : index
        %get3A_679 = tpu.vector_load %arg8[%get3A_677, %get3A_678] {strides = array<i32>} : memref<400x64xf32, #tpu.memory_space<vmem>>, vector<1x16xf32>,
        %get3A_680 = vector.shape_cast %get3A_679 : vector<1x16xf32> to vector<16xf32>
        %add3A_681 = arith.addf %add3A_625, %get3A_680 : vector<16xf32>
        %add3A_682 = arith.constant 4 : i32
        %add3A_683 = arith.addi %add3A_570, %add3A_682 : i32
        %get3A_684 = arith.index_cast %add3A_683 : i32 to index
        %get3A_685 = arith.constant 0 : index
        %get3A_686 = tpu.vector_load %arg8[%get3A_684, %get3A_685] {strides = array<i32>} : memref<400x64xf32, #tpu.memory_space<vmem>>, vector<1x16xf32>,
        %get3A_687 = vector.shape_cast %get3A_686 : vector<1x16xf32> to vector<16xf32>
        %add3A_688 = arith.addf %add3A_632, %get3A_687 : vector<16xf32>
        %add3A_689 = arith.constant 4 : i32
        %add3A_690 = arith.addi %add3A_570, %add3A_689 : i32
        %get3A_691 = arith.index_cast %add3A_690 : i32 to index
        %get3A_692 = arith.constant 16 : index
        %get3A_693 = tpu.vector_load %arg8[%get3A_691, %get3A_692] {strides = array<i32>} : memref<400x64xf32, #tpu.memory_space<vmem>>, vector<1x16xf32>,
        %get3A_694 = vector.shape_cast %get3A_693 : vector<1x16xf32> to vector<16xf32>
        %add3A_695 = arith.addf %add3A_639, %get3A_694 : vector<16xf32>
        %add3A_696 = arith.constant 4 : i32
        %add3A_697 = arith.addi %add3A_570, %add3A_696 : i32
        %get3A_698 = arith.index_cast %add3A_697 : i32 to index
        %get3A_699 = arith.constant 32 : index
        %get3A_700 = tpu.vector_load %arg8[%get3A_698, %get3A_699] {strides = array<i32>} : memref<400x64xf32, #tpu.memory_space<vmem>>, vector<1x16xf32>,
        %get3A_701 = vector.shape_cast %get3A_700 : vector<1x16xf32> to vector<16xf32>
        %add3A_702 = arith.addf %add3A_646, %get3A_701 : vector<16xf32>
        %add3A_703 = arith.constant 4 : i32
        %add3A_704 = arith.addi %add3A_570, %add3A_703 : i32
        %get3A_705 = arith.index_cast %add3A_704 : i32 to index
        %get3A_706 = arith.constant 48 : index
        %get3A_707 = tpu.vector_load %arg8[%get3A_705, %get3A_706] {strides = array<i32>} : memref<400x64xf32, #tpu.memory_space<vmem>>, vector<1x16xf32>,
        %get3A_708 = vector.shape_cast %get3A_707 : vector<1x16xf32> to vector<16xf32>
        %add3A_709 = arith.addf %add3A_653, %get3A_708 : vector<16xf32>
        %add3A_710 = arith.constant 5 : i32
        %add3A_711 = arith.addi %add3A_570, %add3A_710 : i32
        %get3A_712 = arith.index_cast %add3A_711 : i32 to index
        %get3A_713 = arith.constant 0 : index
        %get3A_714 = tpu.vector_load %arg8[%get3A_712, %get3A_713] {strides = array<i32>} : memref<400x64xf32, #tpu.memory_space<vmem>>, vector<1x16xf32>,
        %get3A_715 = vector.shape_cast %get3A_714 : vector<1x16xf32> to vector<16xf32>
        %add3A_716 = arith.addf %add3A_660, %get3A_715 : vector<16xf32>
        %add3A_717 = arith.constant 5 : i32
        %add3A_718 = arith.addi %add3A_570, %add3A_717 : i32
        %get3A_719 = arith.index_cast %add3A_718 : i32 to index
        %get3A_720 = arith.constant 16 : index
        %get3A_721 = tpu.vector_load %arg8[%get3A_719, %get3A_720] {strides = array<i32>} : memref<400x64xf32, #tpu.memory_space<vmem>>, vector<1x16xf32>,
        %get3A_722 = vector.shape_cast %get3A_721 : vector<1x16xf32> to vector<16xf32>
        %add3A_723 = arith.addf %add3A_667, %get3A_722 : vector<16xf32>
        %add3A_724 = arith.constant 5 : i32
        %add3A_725 = arith.addi %add3A_570, %add3A_724 : i32
        %get3A_726 = arith.index_cast %add3A_725 : i32 to index
        %get3A_727 = arith.constant 32 : index
        %get3A_728 = tpu.vector_load %arg8[%get3A_726, %get3A_727] {strides = array<i32>} : memref<400x64xf32, #tpu.memory_space<vmem>>, vector<1x16xf32>,
        %get3A_729 = vector.shape_cast %get3A_728 : vector<1x16xf32> to vector<16xf32>
        %add3A_730 = arith.addf %add3A_674, %get3A_729 : vector<16xf32>
        %add3A_731 = arith.constant 5 : i32
        %add3A_732 = arith.addi %add3A_570, %add3A_731 : i32
        %get3A_733 = arith.index_cast %add3A_732 : i32 to index
        %get3A_734 = arith.constant 48 : index
        %get3A_735 = tpu.vector_load %arg8[%get3A_733, %get3A_734] {strides = array<i32>} : memref<400x64xf32, #tpu.memory_space<vmem>>, vector<1x16xf32>,
        %get3A_736 = vector.shape_cast %get3A_735 : vector<1x16xf32> to vector<16xf32>
        %add3A_737 = arith.addf %add3A_681, %get3A_736 : vector<16xf32>
        %add3A_738 = arith.constant 6 : i32
        %add3A_739 = arith.addi %add3A_570, %add3A_738 : i32
        %get3A_740 = arith.index_cast %add3A_739 : i32 to index
        %get3A_741 = arith.constant 0 : index
        %get3A_742 = tpu.vector_load %arg8[%get3A_740, %get3A_741] {strides = array<i32>} : memref<400x64xf32, #tpu.memory_space<vmem>>, vector<1x16xf32>,
        %get3A_743 = vector.shape_cast %get3A_742 : vector<1x16xf32> to vector<16xf32>
        %add3A_744 = arith.addf %add3A_688, %get3A_743 : vector<16xf32>
        %add3A_745 = arith.constant 6 : i32
        %add3A_746 = arith.addi %add3A_570, %add3A_745 : i32
        %get3A_747 = arith.index_cast %add3A_746 : i32 to index
        %get3A_748 = arith.constant 16 : index
        %get3A_749 = tpu.vector_load %arg8[%get3A_747, %get3A_748] {strides = array<i32>} : memref<400x64xf32, #tpu.memory_space<vmem>>, vector<1x16xf32>,
        %get3A_750 = vector.shape_cast %get3A_749 : vector<1x16xf32> to vector<16xf32>
        %add3A_751 = arith.addf %add3A_695, %get3A_750 : vector<16xf32>
        %add3A_752 = arith.constant 6 : i32
        %add3A_753 = arith.addi %add3A_570, %add3A_752 : i32
        %get3A_754 = arith.index_cast %add3A_753 : i32 to index
        %get3A_755 = arith.constant 32 : index
        %get3A_756 = tpu.vector_load %arg8[%get3A_754, %get3A_755] {strides = array<i32>} : memref<400x64xf32, #tpu.memory_space<vmem>>, vector<1x16xf32>,
        %get3A_757 = vector.shape_cast %get3A_756 : vector<1x16xf32> to vector<16xf32>
        %add3A_758 = arith.addf %add3A_702, %get3A_757 : vector<16xf32>
        %add3A_759 = arith.constant 6 : i32
        %add3A_760 = arith.addi %add3A_570, %add3A_759 : i32
        %get3A_761 = arith.index_cast %add3A_760 : i32 to index
        %get3A_762 = arith.constant 48 : index
        %get3A_763 = tpu.vector_load %arg8[%get3A_761, %get3A_762] {strides = array<i32>} : memref<400x64xf32, #tpu.memory_space<vmem>>, vector<1x16xf32>,
        %get3A_764 = vector.shape_cast %get3A_763 : vector<1x16xf32> to vector<16xf32>
        %add3A_765 = arith.addf %add3A_709, %get3A_764 : vector<16xf32>
        %add3A_766 = arith.constant 7 : i32
        %add3A_767 = arith.addi %add3A_570, %add3A_766 : i32
        %get3A_768 = arith.index_cast %add3A_767 : i32 to index
        %get3A_769 = arith.constant 0 : index
        %get3A_770 = tpu.vector_load %arg8[%get3A_768, %get3A_769] {strides = array<i32>} : memref<400x64xf32, #tpu.memory_space<vmem>>, vector<1x16xf32>,
        %get3A_771 = vector.shape_cast %get3A_770 : vector<1x16xf32> to vector<16xf32>
        %add3A_772 = arith.addf %add3A_716, %get3A_771 : vector<16xf32>
        %add3A_773 = arith.constant 7 : i32
        %add3A_774 = arith.addi %add3A_570, %add3A_773 : i32
        %get3A_775 = arith.index_cast %add3A_774 : i32 to index
        %get3A_776 = arith.constant 16 : index
        %get3A_777 = tpu.vector_load %arg8[%get3A_775, %get3A_776] {strides = array<i32>} : memref<400x64xf32, #tpu.memory_space<vmem>>, vector<1x16xf32>,
        %get3A_778 = vector.shape_cast %get3A_777 : vector<1x16xf32> to vector<16xf32>
        %add3A_779 = arith.addf %add3A_723, %get3A_778 : vector<16xf32>
        %add3A_780 = arith.constant 7 : i32
        %add3A_781 = arith.addi %add3A_570, %add3A_780 : i32
        %get3A_782 = arith.index_cast %add3A_781 : i32 to index
        %get3A_783 = arith.constant 32 : index
        %get3A_784 = tpu.vector_load %arg8[%get3A_782, %get3A_783] {strides = array<i32>} : memref<400x64xf32, #tpu.memory_space<vmem>>, vector<1x16xf32>,
        %get3A_785 = vector.shape_cast %get3A_784 : vector<1x16xf32> to vector<16xf32>
        %add3A_786 = arith.addf %add3A_730, %get3A_785 : vector<16xf32>
        %add3A_787 = arith.constant 7 : i32
        %add3A_788 = arith.addi %add3A_570, %add3A_787 : i32
        %get3A_789 = arith.index_cast %add3A_788 : i32 to index
        %get3A_790 = arith.constant 48 : index
        %get3A_791 = tpu.vector_load %arg8[%get3A_789, %get3A_790] {strides = array<i32>} : memref<400x64xf32, #tpu.memory_space<vmem>>, vector<1x16xf32>,
        %get3A_792 = vector.shape_cast %get3A_791 : vector<1x16xf32> to vector<16xf32>
        %add3A_793 = arith.addf %add3A_737, %get3A_792 : vector<16xf32>
        scf.yield %add3A_744, %add3A_772, %add3A_751, %add3A_779, %add3A_758, %add3A_786, %add3A_765, %add3A_793 : vector<16xf32>, vector<16xf32>, vector<16xf32>, vector<16xf32>, vector<16xf32>, vector<16xf32>, vector<16xf32>, vector<16xf32>
      }
      %scan3A_506 = arith.constant 25 : i32
      %add3A_507 = arith.addf %scan3A_505#0, %scan3A_505#1 : vector<16xf32>
      %mul3A_508 = vector.broadcast %scan3A_61 : f32 to vector<16xf32>
      %mul3A_509 = arith.mulf %add3A_507, %mul3A_508 : vector<16xf32>
      %mul3A_510 = arith.constant 64 : i32
      %mul3A_511 = arith.muli %add3A_498, %mul3A_510 : i32
      %add3A_512 = arith.constant 0 : i32
      %add3A_513 = arith.addi %mul3A_511, %add3A_512 : i32
      %swap3A_514 = arith.index_cast %add3A_513 : i32 to index
      %swap3A_515 = tpu.vector_load %arg9[%swap3A_514] {strides = array<i32>} : memref<8192xf32, #tpu.memory_space<vmem>>, vector<16xf32>,
      %swap3A_516 = vector.shape_cast %swap3A_515 : vector<16xf32> to vector<16xf32>
      %swap3A_517 = vector.shape_cast %mul3A_509 : vector<16xf32> to vector<16xf32>
      tpu.vector_store %arg9[%swap3A_514], %swap3A_517 {strides = array<i32>} : memref<8192xf32, #tpu.memory_space<vmem>>, vector<16xf32>,
      %add3A_518 = arith.addf %scan3A_505#2, %scan3A_505#3 : vector<16xf32>
      %mul3A_519 = vector.broadcast %scan3A_61 : f32 to vector<16xf32>
      %mul3A_520 = arith.mulf %add3A_518, %mul3A_519 : vector<16xf32>
      %mul3A_521 = arith.constant 64 : i32
      %mul3A_522 = arith.muli %add3A_498, %mul3A_521 : i32
      %add3A_523 = arith.constant 16 : i32
      %add3A_524 = arith.addi %mul3A_522, %add3A_523 : i32
      %swap3A_525 = arith.index_cast %add3A_524 : i32 to index
      %swap3A_526 = tpu.vector_load %arg9[%swap3A_525] {strides = array<i32>} : memref<8192xf32, #tpu.memory_space<vmem>>, vector<16xf32>,
      %swap3A_527 = vector.shape_cast %swap3A_526 : vector<16xf32> to vector<16xf32>
      %swap3A_528 = vector.shape_cast %mul3A_520 : vector<16xf32> to vector<16xf32>
      tpu.vector_store %arg9[%swap3A_525], %swap3A_528 {strides = array<i32>} : memref<8192xf32, #tpu.memory_space<vmem>>, vector<16xf32>,
      %add3A_529 = arith.addf %scan3A_505#4, %scan3A_505#5 : vector<16xf32>
      %mul3A_530 = vector.broadcast %scan3A_61 : f32 to vector<16xf32>
      %mul3A_531 = arith.mulf %add3A_529, %mul3A_530 : vector<16xf32>
      %mul3A_532 = arith.constant 64 : i32
      %mul3A_533 = arith.muli %add3A_498, %mul3A_532 : i32
      %add3A_534 = arith.constant 32 : i32
      %add3A_535 = arith.addi %mul3A_533, %add3A_534 : i32
      %swap3A_536 = arith.index_cast %add3A_535 : i32 to index
      %swap3A_537 = tpu.vector_load %arg9[%swap3A_536] {strides = array<i32>} : memref<8192xf32, #tpu.memory_space<vmem>>, vector<16xf32>,
      %swap3A_538 = vector.shape_cast %swap3A_537 : vector<16xf32> to vector<16xf32>
      %swap3A_539 = vector.shape_cast %mul3A_531 : vector<16xf32> to vector<16xf32>
      tpu.vector_store %arg9[%swap3A_536], %swap3A_539 {strides = array<i32>} : memref<8192xf32, #tpu.memory_space<vmem>>, vector<16xf32>,
      %add3A_540 = arith.addf %scan3A_505#6, %scan3A_505#7 : vector<16xf32>
      %mul3A_541 = vector.broadcast %scan3A_61 : f32 to vector<16xf32>
      %mul3A_542 = arith.mulf %add3A_540, %mul3A_541 : vector<16xf32>
      %mul3A_543 = arith.constant 64 : i32
      %mul3A_544 = arith.muli %add3A_498, %mul3A_543 : i32
      %add3A_545 = arith.constant 48 : i32
      %add3A_546 = arith.addi %mul3A_544, %add3A_545 : i32
      %swap3A_547 = arith.index_cast %add3A_546 : i32 to index
      %swap3A_548 = tpu.vector_load %arg9[%swap3A_547] {strides = array<i32>} : memref<8192xf32, #tpu.memory_space<vmem>>, vector<16xf32>,
      %swap3A_549 = vector.shape_cast %swap3A_548 : vector<16xf32> to vector<16xf32>
      %swap3A_550 = vector.shape_cast %mul3A_542 : vector<16xf32> to vector<16xf32>
      tpu.vector_store %arg9[%swap3A_547], %swap3A_550 {strides = array<i32>} : memref<8192xf32, #tpu.memory_space<vmem>>, vector<16xf32>,
      %add3A_551 = arith.constant 3 : i32
      %add3A_552 = arith.addi %add3A_432, %add3A_551 : i32
      %lt3A_553 = arith.constant 64 : i32
      %lt3A_554 = arith.cmpi slt, %add3A_552, %lt3A_553 : i32
      %convert_element_type3A_555 = arith.extui %lt3A_554 : i1 to i32
      %cond3A_556 = arith.constant 0 : i32
      %cond3A_557 = arith.cmpi ne, %convert_element_type3A_555, %cond3A_556 : i32
      scf.if %cond3A_557 {
        %add3A_558 = arith.constant 3 : i32
        %add3A_559 = arith.addi %add3A_432, %add3A_558 : i32
        %mul3A_560 = arith.constant 400 : i32
        %mul3A_561 = arith.muli %add3A_559, %mul3A_560 : i32
        %dma_start3A_562 = tpu.memref_slice %arg5[%mul3A_561] : memref<25600xi32, #tpu.memory_space<vmem>> -> memref<400xi32, #tpu.memory_space<vmem>>
        %dma_start3A_563 = arith.constant 0 : i32
        %dma_start3A_564 = arith.constant 0 : i32
        %dma_start3A_565 = tpu.memref_slice %arg3[%dma_start3A_563, %dma_start3A_564] : memref<1000000x64xf32, #tpu.memory_space<hbm>> -> memref<1000000x64xf32, #tpu.memory_space<hbm>>
        tpu.enqueue_indirect_dma source(%dma_start3A_565 : memref<1000000x64xf32, #tpu.memory_space<hbm>>) target(%arg8 : memref<400x64xf32, #tpu.memory_space<vmem>>) offsets(%dma_start3A_562 : memref<400xi32, #tpu.memory_space<vmem>>) semaphore(%arg13 : memref<!tpu.dma_semaphore, #tpu.memory_space<semaphore_mem>>)
      } else {
      }
    }
    %scan3A_66 = arith.constant 11 : i32
    %dma_wait3A_67 = arith.constant 0 : i32
    %dma_wait3A_68 = arith.constant 0 : i32
    %dma_wait3A_69 = tpu.memref_slice %arg3[%dma_wait3A_67, %dma_wait3A_68] : memref<1000000x64xf32, #tpu.memory_space<hbm>> -> memref<400x64xf32, #tpu.memory_space<hbm>>
    %dma_wait3A_70 = arith.constant 0 : i32
    %dma_wait3A_71 = arith.constant 0 : i32
    %dma_wait3A_72 = tpu.memref_slice %arg3[%dma_wait3A_70, %dma_wait3A_71] : memref<1000000x64xf32, #tpu.memory_space<hbm>> -> memref<400x64xf32, #tpu.memory_space<hbm>>
    tpu.wait_dma2 semaphore(%arg11 : memref<!tpu.dma_semaphore, #tpu.memory_space<semaphore_mem>>) src(%dma_wait3A_72 : memref<400x64xf32, #tpu.memory_space<hbm>>) dst(%arg6 : memref<400x64xf32, #tpu.memory_space<vmem>>)
    %broadcast_in_dim3A = arith.constant 0.000000e+00 : f32
    %broadcast_in_dim3A_73 = vector.broadcast %broadcast_in_dim3A : f32 to vector<16xf32>
    %scan3A_74 = arith.constant 0 : i32
    %scan3A_75 = arith.constant 25 : i32
    %scan3A_76 = arith.addi %scan3A_74, %scan3A_75 : i32
    %scan3A_77 = arith.constant 1 : i32
    %scan3A_78:8 = scf.for %scan3A_177 = %scan3A_74 to %scan3A_76 step %scan3A_77 iter_args(%scan3A_178 = %broadcast_in_dim3A_73, %scan3A_179 = %broadcast_in_dim3A_73, %scan3A_180 = %broadcast_in_dim3A_73, %scan3A_181 = %broadcast_in_dim3A_73, %scan3A_182 = %broadcast_in_dim3A_73, %scan3A_183 = %broadcast_in_dim3A_73, %scan3A_184 = %broadcast_in_dim3A_73, %scan3A_185 = %broadcast_in_dim3A_73) -> (vector<16xf32>, vector<16xf32>, vector<16xf32>, vector<16xf32>, vector<16xf32>, vector<16xf32>, vector<16xf32>, vector<16xf32>)  : i32 {
      %mul3A_186 = arith.constant 8 : i32
      %mul3A_187 = arith.muli %scan3A_177, %mul3A_186 : i32
      %add3A_188 = arith.constant 0 : i32
      %add3A_189 = arith.addi %add3A_188, %mul3A_187 : i32
      %add3A_190 = arith.constant 0 : i32
      %add3A_191 = arith.addi %add3A_189, %add3A_190 : i32
      %get3A = arith.index_cast %add3A_191 : i32 to index
      %get3A_192 = arith.constant 0 : index
      %get3A_193 = tpu.vector_load %arg6[%get3A, %get3A_192] {strides = array<i32>} : memref<400x64xf32, #tpu.memory_space<vmem>>, vector<1x16xf32>,
      %get3A_194 = vector.shape_cast %get3A_193 : vector<1x16xf32> to vector<16xf32>
      %add3A_195 = arith.addf %scan3A_178, %get3A_194 : vector<16xf32>
      %add3A_196 = arith.constant 0 : i32
      %add3A_197 = arith.addi %add3A_189, %add3A_196 : i32
      %get3A_198 = arith.index_cast %add3A_197 : i32 to index
      %get3A_199 = arith.constant 16 : index
      %get3A_200 = tpu.vector_load %arg6[%get3A_198, %get3A_199] {strides = array<i32>} : memref<400x64xf32, #tpu.memory_space<vmem>>, vector<1x16xf32>,
      %get3A_201 = vector.shape_cast %get3A_200 : vector<1x16xf32> to vector<16xf32>
      %add3A_202 = arith.addf %scan3A_180, %get3A_201 : vector<16xf32>
      %add3A_203 = arith.constant 0 : i32
      %add3A_204 = arith.addi %add3A_189, %add3A_203 : i32
      %get3A_205 = arith.index_cast %add3A_204 : i32 to index
      %get3A_206 = arith.constant 32 : index
      %get3A_207 = tpu.vector_load %arg6[%get3A_205, %get3A_206] {strides = array<i32>} : memref<400x64xf32, #tpu.memory_space<vmem>>, vector<1x16xf32>,
      %get3A_208 = vector.shape_cast %get3A_207 : vector<1x16xf32> to vector<16xf32>
      %add3A_209 = arith.addf %scan3A_182, %get3A_208 : vector<16xf32>
      %add3A_210 = arith.constant 0 : i32
      %add3A_211 = arith.addi %add3A_189, %add3A_210 : i32
      %get3A_212 = arith.index_cast %add3A_211 : i32 to index
      %get3A_213 = arith.constant 48 : index
      %get3A_214 = tpu.vector_load %arg6[%get3A_212, %get3A_213] {strides = array<i32>} : memref<400x64xf32, #tpu.memory_space<vmem>>, vector<1x16xf32>,
      %get3A_215 = vector.shape_cast %get3A_214 : vector<1x16xf32> to vector<16xf32>
      %add3A_216 = arith.addf %scan3A_184, %get3A_215 : vector<16xf32>
      %add3A_217 = arith.constant 1 : i32
      %add3A_218 = arith.addi %add3A_189, %add3A_217 : i32
      %get3A_219 = arith.index_cast %add3A_218 : i32 to index
      %get3A_220 = arith.constant 0 : index
      %get3A_221 = tpu.vector_load %arg6[%get3A_219, %get3A_220] {strides = array<i32>} : memref<400x64xf32, #tpu.memory_space<vmem>>, vector<1x16xf32>,
      %get3A_222 = vector.shape_cast %get3A_221 : vector<1x16xf32> to vector<16xf32>
      %add3A_223 = arith.addf %scan3A_179, %get3A_222 : vector<16xf32>
      %add3A_224 = arith.constant 1 : i32
      %add3A_225 = arith.addi %add3A_189, %add3A_224 : i32
      %get3A_226 = arith.index_cast %add3A_225 : i32 to index
      %get3A_227 = arith.constant 16 : index
      %get3A_228 = tpu.vector_load %arg6[%get3A_226, %get3A_227] {strides = array<i32>} : memref<400x64xf32, #tpu.memory_space<vmem>>, vector<1x16xf32>,
      %get3A_229 = vector.shape_cast %get3A_228 : vector<1x16xf32> to vector<16xf32>
      %add3A_230 = arith.addf %scan3A_181, %get3A_229 : vector<16xf32>
      %add3A_231 = arith.constant 1 : i32
      %add3A_232 = arith.addi %add3A_189, %add3A_231 : i32
      %get3A_233 = arith.index_cast %add3A_232 : i32 to index
      %get3A_234 = arith.constant 32 : index
      %get3A_235 = tpu.vector_load %arg6[%get3A_233, %get3A_234] {strides = array<i32>} : memref<400x64xf32, #tpu.memory_space<vmem>>, vector<1x16xf32>,
      %get3A_236 = vector.shape_cast %get3A_235 : vector<1x16xf32> to vector<16xf32>
      %add3A_237 = arith.addf %scan3A_183, %get3A_236 : vector<16xf32>
      %add3A_238 = arith.constant 1 : i32
      %add3A_239 = arith.addi %add3A_189, %add3A_238 : i32
      %get3A_240 = arith.index_cast %add3A_239 : i32 to index
      %get3A_241 = arith.constant 48 : index
      %get3A_242 = tpu.vector_load %arg6[%get3A_240, %get3A_241] {strides = array<i32>} : memref<400x64xf32, #tpu.memory_space<vmem>>, vector<1x16xf32>,
      %get3A_243 = vector.shape_cast %get3A_242 : vector<1x16xf32> to vector<16xf32>
      %add3A_244 = arith.addf %scan3A_185, %get3A_243 : vector<16xf32>
      %add3A_245 = arith.constant 2 : i32
      %add3A_246 = arith.addi %add3A_189, %add3A_245 : i32
      %get3A_247 = arith.index_cast %add3A_246 : i32 to index
      %get3A_248 = arith.constant 0 : index
      %get3A_249 = tpu.vector_load %arg6[%get3A_247, %get3A_248] {strides = array<i32>} : memref<400x64xf32, #tpu.memory_space<vmem>>, vector<1x16xf32>,
      %get3A_250 = vector.shape_cast %get3A_249 : vector<1x16xf32> to vector<16xf32>
      %add3A_251 = arith.addf %add3A_195, %get3A_250 : vector<16xf32>
      %add3A_252 = arith.constant 2 : i32
      %add3A_253 = arith.addi %add3A_189, %add3A_252 : i32
      %get3A_254 = arith.index_cast %add3A_253 : i32 to index
      %get3A_255 = arith.constant 16 : index
      %get3A_256 = tpu.vector_load %arg6[%get3A_254, %get3A_255] {strides = array<i32>} : memref<400x64xf32, #tpu.memory_space<vmem>>, vector<1x16xf32>,
      %get3A_257 = vector.shape_cast %get3A_256 : vector<1x16xf32> to vector<16xf32>
      %add3A_258 = arith.addf %add3A_202, %get3A_257 : vector<16xf32>
      %add3A_259 = arith.constant 2 : i32
      %add3A_260 = arith.addi %add3A_189, %add3A_259 : i32
      %get3A_261 = arith.index_cast %add3A_260 : i32 to index
      %get3A_262 = arith.constant 32 : index
      %get3A_263 = tpu.vector_load %arg6[%get3A_261, %get3A_262] {strides = array<i32>} : memref<400x64xf32, #tpu.memory_space<vmem>>, vector<1x16xf32>,
      %get3A_264 = vector.shape_cast %get3A_263 : vector<1x16xf32> to vector<16xf32>
      %add3A_265 = arith.addf %add3A_209, %get3A_264 : vector<16xf32>
      %add3A_266 = arith.constant 2 : i32
      %add3A_267 = arith.addi %add3A_189, %add3A_266 : i32
      %get3A_268 = arith.index_cast %add3A_267 : i32 to index
      %get3A_269 = arith.constant 48 : index
      %get3A_270 = tpu.vector_load %arg6[%get3A_268, %get3A_269] {strides = array<i32>} : memref<400x64xf32, #tpu.memory_space<vmem>>, vector<1x16xf32>,
      %get3A_271 = vector.shape_cast %get3A_270 : vector<1x16xf32> to vector<16xf32>
      %add3A_272 = arith.addf %add3A_216, %get3A_271 : vector<16xf32>
      %add3A_273 = arith.constant 3 : i32
      %add3A_274 = arith.addi %add3A_189, %add3A_273 : i32
      %get3A_275 = arith.index_cast %add3A_274 : i32 to index
      %get3A_276 = arith.constant 0 : index
      %get3A_277 = tpu.vector_load %arg6[%get3A_275, %get3A_276] {strides = array<i32>} : memref<400x64xf32, #tpu.memory_space<vmem>>, vector<1x16xf32>,
      %get3A_278 = vector.shape_cast %get3A_277 : vector<1x16xf32> to vector<16xf32>
      %add3A_279 = arith.addf %add3A_223, %get3A_278 : vector<16xf32>
      %add3A_280 = arith.constant 3 : i32
      %add3A_281 = arith.addi %add3A_189, %add3A_280 : i32
      %get3A_282 = arith.index_cast %add3A_281 : i32 to index
      %get3A_283 = arith.constant 16 : index
      %get3A_284 = tpu.vector_load %arg6[%get3A_282, %get3A_283] {strides = array<i32>} : memref<400x64xf32, #tpu.memory_space<vmem>>, vector<1x16xf32>,
      %get3A_285 = vector.shape_cast %get3A_284 : vector<1x16xf32> to vector<16xf32>
      %add3A_286 = arith.addf %add3A_230, %get3A_285 : vector<16xf32>
      %add3A_287 = arith.constant 3 : i32
      %add3A_288 = arith.addi %add3A_189, %add3A_287 : i32
      %get3A_289 = arith.index_cast %add3A_288 : i32 to index
      %get3A_290 = arith.constant 32 : index
      %get3A_291 = tpu.vector_load %arg6[%get3A_289, %get3A_290] {strides = array<i32>} : memref<400x64xf32, #tpu.memory_space<vmem>>, vector<1x16xf32>,
      %get3A_292 = vector.shape_cast %get3A_291 : vector<1x16xf32> to vector<16xf32>
      %add3A_293 = arith.addf %add3A_237, %get3A_292 : vector<16xf32>
      %add3A_294 = arith.constant 3 : i32
      %add3A_295 = arith.addi %add3A_189, %add3A_294 : i32
      %get3A_296 = arith.index_cast %add3A_295 : i32 to index
      %get3A_297 = arith.constant 48 : index
      %get3A_298 = tpu.vector_load %arg6[%get3A_296, %get3A_297] {strides = array<i32>} : memref<400x64xf32, #tpu.memory_space<vmem>>, vector<1x16xf32>,
      %get3A_299 = vector.shape_cast %get3A_298 : vector<1x16xf32> to vector<16xf32>
      %add3A_300 = arith.addf %add3A_244, %get3A_299 : vector<16xf32>
      %add3A_301 = arith.constant 4 : i32
      %add3A_302 = arith.addi %add3A_189, %add3A_301 : i32
      %get3A_303 = arith.index_cast %add3A_302 : i32 to index
      %get3A_304 = arith.constant 0 : index
      %get3A_305 = tpu.vector_load %arg6[%get3A_303, %get3A_304] {strides = array<i32>} : memref<400x64xf32, #tpu.memory_space<vmem>>, vector<1x16xf32>,
      %get3A_306 = vector.shape_cast %get3A_305 : vector<1x16xf32> to vector<16xf32>
      %add3A_307 = arith.addf %add3A_251, %get3A_306 : vector<16xf32>
      %add3A_308 = arith.constant 4 : i32
      %add3A_309 = arith.addi %add3A_189, %add3A_308 : i32
      %get3A_310 = arith.index_cast %add3A_309 : i32 to index
      %get3A_311 = arith.constant 16 : index
      %get3A_312 = tpu.vector_load %arg6[%get3A_310, %get3A_311] {strides = array<i32>} : memref<400x64xf32, #tpu.memory_space<vmem>>, vector<1x16xf32>,
      %get3A_313 = vector.shape_cast %get3A_312 : vector<1x16xf32> to vector<16xf32>
      %add3A_314 = arith.addf %add3A_258, %get3A_313 : vector<16xf32>
      %add3A_315 = arith.constant 4 : i32
      %add3A_316 = arith.addi %add3A_189, %add3A_315 : i32
      %get3A_317 = arith.index_cast %add3A_316 : i32 to index
      %get3A_318 = arith.constant 32 : index
      %get3A_319 = tpu.vector_load %arg6[%get3A_317, %get3A_318] {strides = array<i32>} : memref<400x64xf32, #tpu.memory_space<vmem>>, vector<1x16xf32>,
      %get3A_320 = vector.shape_cast %get3A_319 : vector<1x16xf32> to vector<16xf32>
      %add3A_321 = arith.addf %add3A_265, %get3A_320 : vector<16xf32>
      %add3A_322 = arith.constant 4 : i32
      %add3A_323 = arith.addi %add3A_189, %add3A_322 : i32
      %get3A_324 = arith.index_cast %add3A_323 : i32 to index
      %get3A_325 = arith.constant 48 : index
      %get3A_326 = tpu.vector_load %arg6[%get3A_324, %get3A_325] {strides = array<i32>} : memref<400x64xf32, #tpu.memory_space<vmem>>, vector<1x16xf32>,
      %get3A_327 = vector.shape_cast %get3A_326 : vector<1x16xf32> to vector<16xf32>
      %add3A_328 = arith.addf %add3A_272, %get3A_327 : vector<16xf32>
      %add3A_329 = arith.constant 5 : i32
      %add3A_330 = arith.addi %add3A_189, %add3A_329 : i32
      %get3A_331 = arith.index_cast %add3A_330 : i32 to index
      %get3A_332 = arith.constant 0 : index
      %get3A_333 = tpu.vector_load %arg6[%get3A_331, %get3A_332] {strides = array<i32>} : memref<400x64xf32, #tpu.memory_space<vmem>>, vector<1x16xf32>,
      %get3A_334 = vector.shape_cast %get3A_333 : vector<1x16xf32> to vector<16xf32>
      %add3A_335 = arith.addf %add3A_279, %get3A_334 : vector<16xf32>
      %add3A_336 = arith.constant 5 : i32
      %add3A_337 = arith.addi %add3A_189, %add3A_336 : i32
      %get3A_338 = arith.index_cast %add3A_337 : i32 to index
      %get3A_339 = arith.constant 16 : index
      %get3A_340 = tpu.vector_load %arg6[%get3A_338, %get3A_339] {strides = array<i32>} : memref<400x64xf32, #tpu.memory_space<vmem>>, vector<1x16xf32>,
      %get3A_341 = vector.shape_cast %get3A_340 : vector<1x16xf32> to vector<16xf32>
      %add3A_342 = arith.addf %add3A_286, %get3A_341 : vector<16xf32>
      %add3A_343 = arith.constant 5 : i32
      %add3A_344 = arith.addi %add3A_189, %add3A_343 : i32
      %get3A_345 = arith.index_cast %add3A_344 : i32 to index
      %get3A_346 = arith.constant 32 : index
      %get3A_347 = tpu.vector_load %arg6[%get3A_345, %get3A_346] {strides = array<i32>} : memref<400x64xf32, #tpu.memory_space<vmem>>, vector<1x16xf32>,
      %get3A_348 = vector.shape_cast %get3A_347 : vector<1x16xf32> to vector<16xf32>
      %add3A_349 = arith.addf %add3A_293, %get3A_348 : vector<16xf32>
      %add3A_350 = arith.constant 5 : i32
      %add3A_351 = arith.addi %add3A_189, %add3A_350 : i32
      %get3A_352 = arith.index_cast %add3A_351 : i32 to index
      %get3A_353 = arith.constant 48 : index
      %get3A_354 = tpu.vector_load %arg6[%get3A_352, %get3A_353] {strides = array<i32>} : memref<400x64xf32, #tpu.memory_space<vmem>>, vector<1x16xf32>,
      %get3A_355 = vector.shape_cast %get3A_354 : vector<1x16xf32> to vector<16xf32>
      %add3A_356 = arith.addf %add3A_300, %get3A_355 : vector<16xf32>
      %add3A_357 = arith.constant 6 : i32
      %add3A_358 = arith.addi %add3A_189, %add3A_357 : i32
      %get3A_359 = arith.index_cast %add3A_358 : i32 to index
      %get3A_360 = arith.constant 0 : index
      %get3A_361 = tpu.vector_load %arg6[%get3A_359, %get3A_360] {strides = array<i32>} : memref<400x64xf32, #tpu.memory_space<vmem>>, vector<1x16xf32>,
      %get3A_362 = vector.shape_cast %get3A_361 : vector<1x16xf32> to vector<16xf32>
      %add3A_363 = arith.addf %add3A_307, %get3A_362 : vector<16xf32>
      %add3A_364 = arith.constant 6 : i32
      %add3A_365 = arith.addi %add3A_189, %add3A_364 : i32
      %get3A_366 = arith.index_cast %add3A_365 : i32 to index
      %get3A_367 = arith.constant 16 : index
      %get3A_368 = tpu.vector_load %arg6[%get3A_366, %get3A_367] {strides = array<i32>} : memref<400x64xf32, #tpu.memory_space<vmem>>, vector<1x16xf32>,
      %get3A_369 = vector.shape_cast %get3A_368 : vector<1x16xf32> to vector<16xf32>
      %add3A_370 = arith.addf %add3A_314, %get3A_369 : vector<16xf32>
      %add3A_371 = arith.constant 6 : i32
      %add3A_372 = arith.addi %add3A_189, %add3A_371 : i32
      %get3A_373 = arith.index_cast %add3A_372 : i32 to index
      %get3A_374 = arith.constant 32 : index
      %get3A_375 = tpu.vector_load %arg6[%get3A_373, %get3A_374] {strides = array<i32>} : memref<400x64xf32, #tpu.memory_space<vmem>>, vector<1x16xf32>,
      %get3A_376 = vector.shape_cast %get3A_375 : vector<1x16xf32> to vector<16xf32>
      %add3A_377 = arith.addf %add3A_321, %get3A_376 : vector<16xf32>
      %add3A_378 = arith.constant 6 : i32
      %add3A_379 = arith.addi %add3A_189, %add3A_378 : i32
      %get3A_380 = arith.index_cast %add3A_379 : i32 to index
      %get3A_381 = arith.constant 48 : index
      %get3A_382 = tpu.vector_load %arg6[%get3A_380, %get3A_381] {strides = array<i32>} : memref<400x64xf32, #tpu.memory_space<vmem>>, vector<1x16xf32>,
      %get3A_383 = vector.shape_cast %get3A_382 : vector<1x16xf32> to vector<16xf32>
      %add3A_384 = arith.addf %add3A_328, %get3A_383 : vector<16xf32>
      %add3A_385 = arith.constant 7 : i32
      %add3A_386 = arith.addi %add3A_189, %add3A_385 : i32
      %get3A_387 = arith.index_cast %add3A_386 : i32 to index
      %get3A_388 = arith.constant 0 : index
      %get3A_389 = tpu.vector_load %arg6[%get3A_387, %get3A_388] {strides = array<i32>} : memref<400x64xf32, #tpu.memory_space<vmem>>, vector<1x16xf32>,
      %get3A_390 = vector.shape_cast %get3A_389 : vector<1x16xf32> to vector<16xf32>
      %add3A_391 = arith.addf %add3A_335, %get3A_390 : vector<16xf32>
      %add3A_392 = arith.constant 7 : i32
      %add3A_393 = arith.addi %add3A_189, %add3A_392 : i32
      %get3A_394 = arith.index_cast %add3A_393 : i32 to index
      %get3A_395 = arith.constant 16 : index
      %get3A_396 = tpu.vector_load %arg6[%get3A_394, %get3A_395] {strides = array<i32>} : memref<400x64xf32, #tpu.memory_space<vmem>>, vector<1x16xf32>,
      %get3A_397 = vector.shape_cast %get3A_396 : vector<1x16xf32> to vector<16xf32>
      %add3A_398 = arith.addf %add3A_342, %get3A_397 : vector<16xf32>
      %add3A_399 = arith.constant 7 : i32
      %add3A_400 = arith.addi %add3A_189, %add3A_399 : i32
      %get3A_401 = arith.index_cast %add3A_400 : i32 to index
      %get3A_402 = arith.constant 32 : index
      %get3A_403 = tpu.vector_load %arg6[%get3A_401, %get3A_402] {strides = array<i32>} : memref<400x64xf32, #tpu.memory_space<vmem>>, vector<1x16xf32>,
      %get3A_404 = vector.shape_cast %get3A_403 : vector<1x16xf32> to vector<16xf32>
      %add3A_405 = arith.addf %add3A_349, %get3A_404 : vector<16xf32>
      %add3A_406 = arith.constant 7 : i32
      %add3A_407 = arith.addi %add3A_189, %add3A_406 : i32
      %get3A_408 = arith.index_cast %add3A_407 : i32 to index
      %get3A_409 = arith.constant 48 : index
      %get3A_410 = tpu.vector_load %arg6[%get3A_408, %get3A_409] {strides = array<i32>} : memref<400x64xf32, #tpu.memory_space<vmem>>, vector<1x16xf32>,
      %get3A_411 = vector.shape_cast %get3A_410 : vector<1x16xf32> to vector<16xf32>
      %add3A_412 = arith.addf %add3A_356, %get3A_411 : vector<16xf32>
      scf.yield %add3A_363, %add3A_391, %add3A_370, %add3A_398, %add3A_377, %add3A_405, %add3A_384, %add3A_412 : vector<16xf32>, vector<16xf32>, vector<16xf32>, vector<16xf32>, vector<16xf32>, vector<16xf32>, vector<16xf32>, vector<16xf32>
    }
    %scan3A_79 = arith.constant 25 : i32
    %add3A_80 = arith.addf %scan3A_78#0, %scan3A_78#1 : vector<16xf32>
    %mul3A_81 = arith.constant 5.000000e-03 : f32
    %mul3A_82 = vector.broadcast %mul3A_81 : f32 to vector<16xf32>
    %mul3A_83 = arith.mulf %add3A_80, %mul3A_82 : vector<16xf32>
    %swap3A = arith.constant 8064 : index
    %swap3A_84 = tpu.vector_load %arg9[%swap3A] {strides = array<i32>} : memref<8192xf32, #tpu.memory_space<vmem>>, vector<16xf32>,
    %swap3A_85 = vector.shape_cast %swap3A_84 : vector<16xf32> to vector<16xf32>
    %swap3A_86 = vector.shape_cast %mul3A_83 : vector<16xf32> to vector<16xf32>
    tpu.vector_store %arg9[%swap3A], %swap3A_86 {strides = array<i32>} : memref<8192xf32, #tpu.memory_space<vmem>>, vector<16xf32>,
    %add3A_87 = arith.addf %scan3A_78#2, %scan3A_78#3 : vector<16xf32>
    %mul3A_88 = arith.constant 5.000000e-03 : f32
    %mul3A_89 = vector.broadcast %mul3A_88 : f32 to vector<16xf32>
    %mul3A_90 = arith.mulf %add3A_87, %mul3A_89 : vector<16xf32>
    %swap3A_91 = arith.constant 8080 : index
    %swap3A_92 = tpu.vector_load %arg9[%swap3A_91] {strides = array<i32>} : memref<8192xf32, #tpu.memory_space<vmem>>, vector<16xf32>,
    %swap3A_93 = vector.shape_cast %swap3A_92 : vector<16xf32> to vector<16xf32>
    %swap3A_94 = vector.shape_cast %mul3A_90 : vector<16xf32> to vector<16xf32>
    tpu.vector_store %arg9[%swap3A_91], %swap3A_94 {strides = array<i32>} : memref<8192xf32, #tpu.memory_space<vmem>>, vector<16xf32>,
    %add3A_95 = arith.addf %scan3A_78#4, %scan3A_78#5 : vector<16xf32>
    %mul3A_96 = arith.constant 5.000000e-03 : f32
    %mul3A_97 = vector.broadcast %mul3A_96 : f32 to vector<16xf32>
    %mul3A_98 = arith.mulf %add3A_95, %mul3A_97 : vector<16xf32>
    %swap3A_99 = arith.constant 8096 : index
    %swap3A_100 = tpu.vector_load %arg9[%swap3A_99] {strides = array<i32>} : memref<8192xf32, #tpu.memory_space<vmem>>, vector<16xf32>,
    %swap3A_101 = vector.shape_cast %swap3A_100 : vector<16xf32> to vector<16xf32>
    %swap3A_102 = vector.shape_cast %mul3A_98 : vector<16xf32> to vector<16xf32>
    tpu.vector_store %arg9[%swap3A_99], %swap3A_102 {strides = array<i32>} : memref<8192xf32, #tpu.memory_space<vmem>>, vector<16xf32>,
    %add3A_103 = arith.addf %scan3A_78#6, %scan3A_78#7 : vector<16xf32>
    %mul3A_104 = arith.constant 5.000000e-03 : f32
    %mul3A_105 = vector.broadcast %mul3A_104 : f32 to vector<16xf32>
    %mul3A_106 = arith.mulf %add3A_103, %mul3A_105 : vector<16xf32>
    %swap3A_107 = arith.constant 8112 : index
    %swap3A_108 = tpu.vector_load %arg9[%swap3A_107] {strides = array<i32>} : memref<8192xf32, #tpu.memory_space<vmem>>, vector<16xf32>,
    %swap3A_109 = vector.shape_cast %swap3A_108 : vector<16xf32> to vector<16xf32>
    %swap3A_110 = vector.shape_cast %mul3A_106 : vector<16xf32> to vector<16xf32>
    tpu.vector_store %arg9[%swap3A_107], %swap3A_110 {strides = array<i32>} : memref<8192xf32, #tpu.memory_space<vmem>>, vector<16xf32>,
    %broadcast_in_dim3A_111 = arith.constant 0.000000e+00 : f32
    %broadcast_in_dim3A_112 = vector.broadcast %broadcast_in_dim3A_111 : f32 to vector<16xf32>
    %scan3A_113 = arith.constant 0 : i32
    %scan3A_114 = arith.constant 25 : i32
    %scan3A_115 = arith.addi %scan3A_113, %scan3A_114 : i32
    %scan3A_116 = arith.constant 1 : i32
    %scan3A_117:8 = scf.for %scan3A_177 = %scan3A_113 to %scan3A_115 step %scan3A_116 iter_args(%scan3A_178 = %broadcast_in_dim3A_112, %scan3A_179 = %broadcast_in_dim3A_112, %scan3A_180 = %broadcast_in_dim3A_112, %scan3A_181 = %broadcast_in_dim3A_112, %scan3A_182 = %broadcast_in_dim3A_112, %scan3A_183 = %broadcast_in_dim3A_112, %scan3A_184 = %broadcast_in_dim3A_112, %scan3A_185 = %broadcast_in_dim3A_112) -> (vector<16xf32>, vector<16xf32>, vector<16xf32>, vector<16xf32>, vector<16xf32>, vector<16xf32>, vector<16xf32>, vector<16xf32>)  : i32 {
      %mul3A_186 = arith.constant 8 : i32
      %mul3A_187 = arith.muli %scan3A_177, %mul3A_186 : i32
      %add3A_188 = arith.constant 200 : i32
      %add3A_189 = arith.addi %add3A_188, %mul3A_187 : i32
      %add3A_190 = arith.constant 0 : i32
      %add3A_191 = arith.addi %add3A_189, %add3A_190 : i32
      %get3A = arith.index_cast %add3A_191 : i32 to index
      %get3A_192 = arith.constant 0 : index
      %get3A_193 = tpu.vector_load %arg6[%get3A, %get3A_192] {strides = array<i32>} : memref<400x64xf32, #tpu.memory_space<vmem>>, vector<1x16xf32>,
      %get3A_194 = vector.shape_cast %get3A_193 : vector<1x16xf32> to vector<16xf32>
      %add3A_195 = arith.addf %scan3A_178, %get3A_194 : vector<16xf32>
      %add3A_196 = arith.constant 0 : i32
      %add3A_197 = arith.addi %add3A_189, %add3A_196 : i32
      %get3A_198 = arith.index_cast %add3A_197 : i32 to index
      %get3A_199 = arith.constant 16 : index
      %get3A_200 = tpu.vector_load %arg6[%get3A_198, %get3A_199] {strides = array<i32>} : memref<400x64xf32, #tpu.memory_space<vmem>>, vector<1x16xf32>,
      %get3A_201 = vector.shape_cast %get3A_200 : vector<1x16xf32> to vector<16xf32>
      %add3A_202 = arith.addf %scan3A_180, %get3A_201 : vector<16xf32>
      %add3A_203 = arith.constant 0 : i32
      %add3A_204 = arith.addi %add3A_189, %add3A_203 : i32
      %get3A_205 = arith.index_cast %add3A_204 : i32 to index
      %get3A_206 = arith.constant 32 : index
      %get3A_207 = tpu.vector_load %arg6[%get3A_205, %get3A_206] {strides = array<i32>} : memref<400x64xf32, #tpu.memory_space<vmem>>, vector<1x16xf32>,
      %get3A_208 = vector.shape_cast %get3A_207 : vector<1x16xf32> to vector<16xf32>
      %add3A_209 = arith.addf %scan3A_182, %get3A_208 : vector<16xf32>
      %add3A_210 = arith.constant 0 : i32
      %add3A_211 = arith.addi %add3A_189, %add3A_210 : i32
      %get3A_212 = arith.index_cast %add3A_211 : i32 to index
      %get3A_213 = arith.constant 48 : index
      %get3A_214 = tpu.vector_load %arg6[%get3A_212, %get3A_213] {strides = array<i32>} : memref<400x64xf32, #tpu.memory_space<vmem>>, vector<1x16xf32>,
      %get3A_215 = vector.shape_cast %get3A_214 : vector<1x16xf32> to vector<16xf32>
      %add3A_216 = arith.addf %scan3A_184, %get3A_215 : vector<16xf32>
      %add3A_217 = arith.constant 1 : i32
      %add3A_218 = arith.addi %add3A_189, %add3A_217 : i32
      %get3A_219 = arith.index_cast %add3A_218 : i32 to index
      %get3A_220 = arith.constant 0 : index
      %get3A_221 = tpu.vector_load %arg6[%get3A_219, %get3A_220] {strides = array<i32>} : memref<400x64xf32, #tpu.memory_space<vmem>>, vector<1x16xf32>,
      %get3A_222 = vector.shape_cast %get3A_221 : vector<1x16xf32> to vector<16xf32>
      %add3A_223 = arith.addf %scan3A_179, %get3A_222 : vector<16xf32>
      %add3A_224 = arith.constant 1 : i32
      %add3A_225 = arith.addi %add3A_189, %add3A_224 : i32
      %get3A_226 = arith.index_cast %add3A_225 : i32 to index
      %get3A_227 = arith.constant 16 : index
      %get3A_228 = tpu.vector_load %arg6[%get3A_226, %get3A_227] {strides = array<i32>} : memref<400x64xf32, #tpu.memory_space<vmem>>, vector<1x16xf32>,
      %get3A_229 = vector.shape_cast %get3A_228 : vector<1x16xf32> to vector<16xf32>
      %add3A_230 = arith.addf %scan3A_181, %get3A_229 : vector<16xf32>
      %add3A_231 = arith.constant 1 : i32
      %add3A_232 = arith.addi %add3A_189, %add3A_231 : i32
      %get3A_233 = arith.index_cast %add3A_232 : i32 to index
      %get3A_234 = arith.constant 32 : index
      %get3A_235 = tpu.vector_load %arg6[%get3A_233, %get3A_234] {strides = array<i32>} : memref<400x64xf32, #tpu.memory_space<vmem>>, vector<1x16xf32>,
      %get3A_236 = vector.shape_cast %get3A_235 : vector<1x16xf32> to vector<16xf32>
      %add3A_237 = arith.addf %scan3A_183, %get3A_236 : vector<16xf32>
      %add3A_238 = arith.constant 1 : i32
      %add3A_239 = arith.addi %add3A_189, %add3A_238 : i32
      %get3A_240 = arith.index_cast %add3A_239 : i32 to index
      %get3A_241 = arith.constant 48 : index
      %get3A_242 = tpu.vector_load %arg6[%get3A_240, %get3A_241] {strides = array<i32>} : memref<400x64xf32, #tpu.memory_space<vmem>>, vector<1x16xf32>,
      %get3A_243 = vector.shape_cast %get3A_242 : vector<1x16xf32> to vector<16xf32>
      %add3A_244 = arith.addf %scan3A_185, %get3A_243 : vector<16xf32>
      %add3A_245 = arith.constant 2 : i32
      %add3A_246 = arith.addi %add3A_189, %add3A_245 : i32
      %get3A_247 = arith.index_cast %add3A_246 : i32 to index
      %get3A_248 = arith.constant 0 : index
      %get3A_249 = tpu.vector_load %arg6[%get3A_247, %get3A_248] {strides = array<i32>} : memref<400x64xf32, #tpu.memory_space<vmem>>, vector<1x16xf32>,
      %get3A_250 = vector.shape_cast %get3A_249 : vector<1x16xf32> to vector<16xf32>
      %add3A_251 = arith.addf %add3A_195, %get3A_250 : vector<16xf32>
      %add3A_252 = arith.constant 2 : i32
      %add3A_253 = arith.addi %add3A_189, %add3A_252 : i32
      %get3A_254 = arith.index_cast %add3A_253 : i32 to index
      %get3A_255 = arith.constant 16 : index
      %get3A_256 = tpu.vector_load %arg6[%get3A_254, %get3A_255] {strides = array<i32>} : memref<400x64xf32, #tpu.memory_space<vmem>>, vector<1x16xf32>,
      %get3A_257 = vector.shape_cast %get3A_256 : vector<1x16xf32> to vector<16xf32>
      %add3A_258 = arith.addf %add3A_202, %get3A_257 : vector<16xf32>
      %add3A_259 = arith.constant 2 : i32
      %add3A_260 = arith.addi %add3A_189, %add3A_259 : i32
      %get3A_261 = arith.index_cast %add3A_260 : i32 to index
      %get3A_262 = arith.constant 32 : index
      %get3A_263 = tpu.vector_load %arg6[%get3A_261, %get3A_262] {strides = array<i32>} : memref<400x64xf32, #tpu.memory_space<vmem>>, vector<1x16xf32>,
      %get3A_264 = vector.shape_cast %get3A_263 : vector<1x16xf32> to vector<16xf32>
      %add3A_265 = arith.addf %add3A_209, %get3A_264 : vector<16xf32>
      %add3A_266 = arith.constant 2 : i32
      %add3A_267 = arith.addi %add3A_189, %add3A_266 : i32
      %get3A_268 = arith.index_cast %add3A_267 : i32 to index
      %get3A_269 = arith.constant 48 : index
      %get3A_270 = tpu.vector_load %arg6[%get3A_268, %get3A_269] {strides = array<i32>} : memref<400x64xf32, #tpu.memory_space<vmem>>, vector<1x16xf32>,
      %get3A_271 = vector.shape_cast %get3A_270 : vector<1x16xf32> to vector<16xf32>
      %add3A_272 = arith.addf %add3A_216, %get3A_271 : vector<16xf32>
      %add3A_273 = arith.constant 3 : i32
      %add3A_274 = arith.addi %add3A_189, %add3A_273 : i32
      %get3A_275 = arith.index_cast %add3A_274 : i32 to index
      %get3A_276 = arith.constant 0 : index
      %get3A_277 = tpu.vector_load %arg6[%get3A_275, %get3A_276] {strides = array<i32>} : memref<400x64xf32, #tpu.memory_space<vmem>>, vector<1x16xf32>,
      %get3A_278 = vector.shape_cast %get3A_277 : vector<1x16xf32> to vector<16xf32>
      %add3A_279 = arith.addf %add3A_223, %get3A_278 : vector<16xf32>
      %add3A_280 = arith.constant 3 : i32
      %add3A_281 = arith.addi %add3A_189, %add3A_280 : i32
      %get3A_282 = arith.index_cast %add3A_281 : i32 to index
      %get3A_283 = arith.constant 16 : index
      %get3A_284 = tpu.vector_load %arg6[%get3A_282, %get3A_283] {strides = array<i32>} : memref<400x64xf32, #tpu.memory_space<vmem>>, vector<1x16xf32>,
      %get3A_285 = vector.shape_cast %get3A_284 : vector<1x16xf32> to vector<16xf32>
      %add3A_286 = arith.addf %add3A_230, %get3A_285 : vector<16xf32>
      %add3A_287 = arith.constant 3 : i32
      %add3A_288 = arith.addi %add3A_189, %add3A_287 : i32
      %get3A_289 = arith.index_cast %add3A_288 : i32 to index
      %get3A_290 = arith.constant 32 : index
      %get3A_291 = tpu.vector_load %arg6[%get3A_289, %get3A_290] {strides = array<i32>} : memref<400x64xf32, #tpu.memory_space<vmem>>, vector<1x16xf32>,
      %get3A_292 = vector.shape_cast %get3A_291 : vector<1x16xf32> to vector<16xf32>
      %add3A_293 = arith.addf %add3A_237, %get3A_292 : vector<16xf32>
      %add3A_294 = arith.constant 3 : i32
      %add3A_295 = arith.addi %add3A_189, %add3A_294 : i32
      %get3A_296 = arith.index_cast %add3A_295 : i32 to index
      %get3A_297 = arith.constant 48 : index
      %get3A_298 = tpu.vector_load %arg6[%get3A_296, %get3A_297] {strides = array<i32>} : memref<400x64xf32, #tpu.memory_space<vmem>>, vector<1x16xf32>,
      %get3A_299 = vector.shape_cast %get3A_298 : vector<1x16xf32> to vector<16xf32>
      %add3A_300 = arith.addf %add3A_244, %get3A_299 : vector<16xf32>
      %add3A_301 = arith.constant 4 : i32
      %add3A_302 = arith.addi %add3A_189, %add3A_301 : i32
      %get3A_303 = arith.index_cast %add3A_302 : i32 to index
      %get3A_304 = arith.constant 0 : index
      %get3A_305 = tpu.vector_load %arg6[%get3A_303, %get3A_304] {strides = array<i32>} : memref<400x64xf32, #tpu.memory_space<vmem>>, vector<1x16xf32>,
      %get3A_306 = vector.shape_cast %get3A_305 : vector<1x16xf32> to vector<16xf32>
      %add3A_307 = arith.addf %add3A_251, %get3A_306 : vector<16xf32>
      %add3A_308 = arith.constant 4 : i32
      %add3A_309 = arith.addi %add3A_189, %add3A_308 : i32
      %get3A_310 = arith.index_cast %add3A_309 : i32 to index
      %get3A_311 = arith.constant 16 : index
      %get3A_312 = tpu.vector_load %arg6[%get3A_310, %get3A_311] {strides = array<i32>} : memref<400x64xf32, #tpu.memory_space<vmem>>, vector<1x16xf32>,
      %get3A_313 = vector.shape_cast %get3A_312 : vector<1x16xf32> to vector<16xf32>
      %add3A_314 = arith.addf %add3A_258, %get3A_313 : vector<16xf32>
      %add3A_315 = arith.constant 4 : i32
      %add3A_316 = arith.addi %add3A_189, %add3A_315 : i32
      %get3A_317 = arith.index_cast %add3A_316 : i32 to index
      %get3A_318 = arith.constant 32 : index
      %get3A_319 = tpu.vector_load %arg6[%get3A_317, %get3A_318] {strides = array<i32>} : memref<400x64xf32, #tpu.memory_space<vmem>>, vector<1x16xf32>,
      %get3A_320 = vector.shape_cast %get3A_319 : vector<1x16xf32> to vector<16xf32>
      %add3A_321 = arith.addf %add3A_265, %get3A_320 : vector<16xf32>
      %add3A_322 = arith.constant 4 : i32
      %add3A_323 = arith.addi %add3A_189, %add3A_322 : i32
      %get3A_324 = arith.index_cast %add3A_323 : i32 to index
      %get3A_325 = arith.constant 48 : index
      %get3A_326 = tpu.vector_load %arg6[%get3A_324, %get3A_325] {strides = array<i32>} : memref<400x64xf32, #tpu.memory_space<vmem>>, vector<1x16xf32>,
      %get3A_327 = vector.shape_cast %get3A_326 : vector<1x16xf32> to vector<16xf32>
      %add3A_328 = arith.addf %add3A_272, %get3A_327 : vector<16xf32>
      %add3A_329 = arith.constant 5 : i32
      %add3A_330 = arith.addi %add3A_189, %add3A_329 : i32
      %get3A_331 = arith.index_cast %add3A_330 : i32 to index
      %get3A_332 = arith.constant 0 : index
      %get3A_333 = tpu.vector_load %arg6[%get3A_331, %get3A_332] {strides = array<i32>} : memref<400x64xf32, #tpu.memory_space<vmem>>, vector<1x16xf32>,
      %get3A_334 = vector.shape_cast %get3A_333 : vector<1x16xf32> to vector<16xf32>
      %add3A_335 = arith.addf %add3A_279, %get3A_334 : vector<16xf32>
      %add3A_336 = arith.constant 5 : i32
      %add3A_337 = arith.addi %add3A_189, %add3A_336 : i32
      %get3A_338 = arith.index_cast %add3A_337 : i32 to index
      %get3A_339 = arith.constant 16 : index
      %get3A_340 = tpu.vector_load %arg6[%get3A_338, %get3A_339] {strides = array<i32>} : memref<400x64xf32, #tpu.memory_space<vmem>>, vector<1x16xf32>,
      %get3A_341 = vector.shape_cast %get3A_340 : vector<1x16xf32> to vector<16xf32>
      %add3A_342 = arith.addf %add3A_286, %get3A_341 : vector<16xf32>
      %add3A_343 = arith.constant 5 : i32
      %add3A_344 = arith.addi %add3A_189, %add3A_343 : i32
      %get3A_345 = arith.index_cast %add3A_344 : i32 to index
      %get3A_346 = arith.constant 32 : index
      %get3A_347 = tpu.vector_load %arg6[%get3A_345, %get3A_346] {strides = array<i32>} : memref<400x64xf32, #tpu.memory_space<vmem>>, vector<1x16xf32>,
      %get3A_348 = vector.shape_cast %get3A_347 : vector<1x16xf32> to vector<16xf32>
      %add3A_349 = arith.addf %add3A_293, %get3A_348 : vector<16xf32>
      %add3A_350 = arith.constant 5 : i32
      %add3A_351 = arith.addi %add3A_189, %add3A_350 : i32
      %get3A_352 = arith.index_cast %add3A_351 : i32 to index
      %get3A_353 = arith.constant 48 : index
      %get3A_354 = tpu.vector_load %arg6[%get3A_352, %get3A_353] {strides = array<i32>} : memref<400x64xf32, #tpu.memory_space<vmem>>, vector<1x16xf32>,
      %get3A_355 = vector.shape_cast %get3A_354 : vector<1x16xf32> to vector<16xf32>
      %add3A_356 = arith.addf %add3A_300, %get3A_355 : vector<16xf32>
      %add3A_357 = arith.constant 6 : i32
      %add3A_358 = arith.addi %add3A_189, %add3A_357 : i32
      %get3A_359 = arith.index_cast %add3A_358 : i32 to index
      %get3A_360 = arith.constant 0 : index
      %get3A_361 = tpu.vector_load %arg6[%get3A_359, %get3A_360] {strides = array<i32>} : memref<400x64xf32, #tpu.memory_space<vmem>>, vector<1x16xf32>,
      %get3A_362 = vector.shape_cast %get3A_361 : vector<1x16xf32> to vector<16xf32>
      %add3A_363 = arith.addf %add3A_307, %get3A_362 : vector<16xf32>
      %add3A_364 = arith.constant 6 : i32
      %add3A_365 = arith.addi %add3A_189, %add3A_364 : i32
      %get3A_366 = arith.index_cast %add3A_365 : i32 to index
      %get3A_367 = arith.constant 16 : index
      %get3A_368 = tpu.vector_load %arg6[%get3A_366, %get3A_367] {strides = array<i32>} : memref<400x64xf32, #tpu.memory_space<vmem>>, vector<1x16xf32>,
      %get3A_369 = vector.shape_cast %get3A_368 : vector<1x16xf32> to vector<16xf32>
      %add3A_370 = arith.addf %add3A_314, %get3A_369 : vector<16xf32>
      %add3A_371 = arith.constant 6 : i32
      %add3A_372 = arith.addi %add3A_189, %add3A_371 : i32
      %get3A_373 = arith.index_cast %add3A_372 : i32 to index
      %get3A_374 = arith.constant 32 : index
      %get3A_375 = tpu.vector_load %arg6[%get3A_373, %get3A_374] {strides = array<i32>} : memref<400x64xf32, #tpu.memory_space<vmem>>, vector<1x16xf32>,
      %get3A_376 = vector.shape_cast %get3A_375 : vector<1x16xf32> to vector<16xf32>
      %add3A_377 = arith.addf %add3A_321, %get3A_376 : vector<16xf32>
      %add3A_378 = arith.constant 6 : i32
      %add3A_379 = arith.addi %add3A_189, %add3A_378 : i32
      %get3A_380 = arith.index_cast %add3A_379 : i32 to index
      %get3A_381 = arith.constant 48 : index
      %get3A_382 = tpu.vector_load %arg6[%get3A_380, %get3A_381] {strides = array<i32>} : memref<400x64xf32, #tpu.memory_space<vmem>>, vector<1x16xf32>,
      %get3A_383 = vector.shape_cast %get3A_382 : vector<1x16xf32> to vector<16xf32>
      %add3A_384 = arith.addf %add3A_328, %get3A_383 : vector<16xf32>
      %add3A_385 = arith.constant 7 : i32
      %add3A_386 = arith.addi %add3A_189, %add3A_385 : i32
      %get3A_387 = arith.index_cast %add3A_386 : i32 to index
      %get3A_388 = arith.constant 0 : index
      %get3A_389 = tpu.vector_load %arg6[%get3A_387, %get3A_388] {strides = array<i32>} : memref<400x64xf32, #tpu.memory_space<vmem>>, vector<1x16xf32>,
      %get3A_390 = vector.shape_cast %get3A_389 : vector<1x16xf32> to vector<16xf32>
      %add3A_391 = arith.addf %add3A_335, %get3A_390 : vector<16xf32>
      %add3A_392 = arith.constant 7 : i32
      %add3A_393 = arith.addi %add3A_189, %add3A_392 : i32
      %get3A_394 = arith.index_cast %add3A_393 : i32 to index
      %get3A_395 = arith.constant 16 : index
      %get3A_396 = tpu.vector_load %arg6[%get3A_394, %get3A_395] {strides = array<i32>} : memref<400x64xf32, #tpu.memory_space<vmem>>, vector<1x16xf32>,
      %get3A_397 = vector.shape_cast %get3A_396 : vector<1x16xf32> to vector<16xf32>
      %add3A_398 = arith.addf %add3A_342, %get3A_397 : vector<16xf32>
      %add3A_399 = arith.constant 7 : i32
      %add3A_400 = arith.addi %add3A_189, %add3A_399 : i32
      %get3A_401 = arith.index_cast %add3A_400 : i32 to index
      %get3A_402 = arith.constant 32 : index
      %get3A_403 = tpu.vector_load %arg6[%get3A_401, %get3A_402] {strides = array<i32>} : memref<400x64xf32, #tpu.memory_space<vmem>>, vector<1x16xf32>,
      %get3A_404 = vector.shape_cast %get3A_403 : vector<1x16xf32> to vector<16xf32>
      %add3A_405 = arith.addf %add3A_349, %get3A_404 : vector<16xf32>
      %add3A_406 = arith.constant 7 : i32
      %add3A_407 = arith.addi %add3A_189, %add3A_406 : i32
      %get3A_408 = arith.index_cast %add3A_407 : i32 to index
      %get3A_409 = arith.constant 48 : index
      %get3A_410 = tpu.vector_load %arg6[%get3A_408, %get3A_409] {strides = array<i32>} : memref<400x64xf32, #tpu.memory_space<vmem>>, vector<1x16xf32>,
      %get3A_411 = vector.shape_cast %get3A_410 : vector<1x16xf32> to vector<16xf32>
      %add3A_412 = arith.addf %add3A_356, %get3A_411 : vector<16xf32>
      scf.yield %add3A_363, %add3A_391, %add3A_370, %add3A_398, %add3A_377, %add3A_405, %add3A_384, %add3A_412 : vector<16xf32>, vector<16xf32>, vector<16xf32>, vector<16xf32>, vector<16xf32>, vector<16xf32>, vector<16xf32>, vector<16xf32>
    }
    %scan3A_118 = arith.constant 25 : i32
    %add3A_119 = arith.addf %scan3A_117#0, %scan3A_117#1 : vector<16xf32>
    %mul3A_120 = arith.constant 5.000000e-03 : f32
    %mul3A_121 = vector.broadcast %mul3A_120 : f32 to vector<16xf32>
    %mul3A_122 = arith.mulf %add3A_119, %mul3A_121 : vector<16xf32>
    %swap3A_123 = arith.constant 8128 : index
    %swap3A_124 = tpu.vector_load %arg9[%swap3A_123] {strides = array<i32>} : memref<8192xf32, #tpu.memory_space<vmem>>, vector<16xf32>,
    %swap3A_125 = vector.shape_cast %swap3A_124 : vector<16xf32> to vector<16xf32>
    %swap3A_126 = vector.shape_cast %mul3A_122 : vector<16xf32> to vector<16xf32>
    tpu.vector_store %arg9[%swap3A_123], %swap3A_126 {strides = array<i32>} : memref<8192xf32, #tpu.memory_space<vmem>>, vector<16xf32>,
    %add3A_127 = arith.addf %scan3A_117#2, %scan3A_117#3 : vector<16xf32>
    %mul3A_128 = arith.constant 5.000000e-03 : f32
    %mul3A_129 = vector.broadcast %mul3A_128 : f32 to vector<16xf32>
    %mul3A_130 = arith.mulf %add3A_127, %mul3A_129 : vector<16xf32>
    %swap3A_131 = arith.constant 8144 : index
    %swap3A_132 = tpu.vector_load %arg9[%swap3A_131] {strides = array<i32>} : memref<8192xf32, #tpu.memory_space<vmem>>, vector<16xf32>,
    %swap3A_133 = vector.shape_cast %swap3A_132 : vector<16xf32> to vector<16xf32>
    %swap3A_134 = vector.shape_cast %mul3A_130 : vector<16xf32> to vector<16xf32>
    tpu.vector_store %arg9[%swap3A_131], %swap3A_134 {strides = array<i32>} : memref<8192xf32, #tpu.memory_space<vmem>>, vector<16xf32>,
    %add3A_135 = arith.addf %scan3A_117#4, %scan3A_117#5 : vector<16xf32>
    %mul3A_136 = arith.constant 5.000000e-03 : f32
    %mul3A_137 = vector.broadcast %mul3A_136 : f32 to vector<16xf32>
    %mul3A_138 = arith.mulf %add3A_135, %mul3A_137 : vector<16xf32>
    %swap3A_139 = arith.constant 8160 : index
    %swap3A_140 = tpu.vector_load %arg9[%swap3A_139] {strides = array<i32>} : memref<8192xf32, #tpu.memory_space<vmem>>, vector<16xf32>,
    %swap3A_141 = vector.shape_cast %swap3A_140 : vector<16xf32> to vector<16xf32>
    %swap3A_142 = vector.shape_cast %mul3A_138 : vector<16xf32> to vector<16xf32>
    tpu.vector_store %arg9[%swap3A_139], %swap3A_142 {strides = array<i32>} : memref<8192xf32, #tpu.memory_space<vmem>>, vector<16xf32>,
    %add3A_143 = arith.addf %scan3A_117#6, %scan3A_117#7 : vector<16xf32>
    %mul3A_144 = arith.constant 5.000000e-03 : f32
    %mul3A_145 = vector.broadcast %mul3A_144 : f32 to vector<16xf32>
    %mul3A_146 = arith.mulf %add3A_143, %mul3A_145 : vector<16xf32>
    %swap3A_147 = arith.constant 8176 : index
    %swap3A_148 = tpu.vector_load %arg9[%swap3A_147] {strides = array<i32>} : memref<8192xf32, #tpu.memory_space<vmem>>, vector<16xf32>,
    %swap3A_149 = vector.shape_cast %swap3A_148 : vector<16xf32> to vector<16xf32>
    %swap3A_150 = vector.shape_cast %mul3A_146 : vector<16xf32> to vector<16xf32>
    tpu.vector_store %arg9[%swap3A_147], %swap3A_150 {strides = array<i32>} : memref<8192xf32, #tpu.memory_space<vmem>>, vector<16xf32>,
    %mul3A_151 = arith.constant 8192 : i32
    %mul3A_152 = arith.muli %add3A, %mul3A_151 : i32
    %add3A_153 = arith.constant 3840 : i32
    %add3A_154 = arith.addi %mul3A_152, %add3A_153 : i32
    %dma_start3A_155 = arith.constant 3840 : i32
    %dma_start3A_156 = tpu.memref_slice %arg9[%dma_start3A_155] : memref<8192xf32, #tpu.memory_space<vmem>> -> memref<4352xf32, #tpu.memory_space<vmem>>
    %dma_start3A_157 = tpu.memref_slice %arg4[%add3A_154] : memref<262144xf32, #tpu.memory_space<hbm>> -> memref<4352xf32, #tpu.memory_space<hbm>>
    %dma_start3A_158 = tpu.memref_slice %arg4[%add3A_154] : memref<262144xf32, #tpu.memory_space<hbm>> -> memref<4352xf32, #tpu.memory_space<hbm>>
    %dma_start3A_159 = arith.constant 3840 : i32
    %dma_start3A_160 = tpu.memref_slice %arg9[%dma_start3A_159] : memref<8192xf32, #tpu.memory_space<vmem>> -> memref<4352xf32, #tpu.memory_space<vmem>>
    tpu.enqueue_dma source(%dma_start3A_160 : memref<4352xf32, #tpu.memory_space<vmem>>) target(%dma_start3A_158 : memref<4352xf32, #tpu.memory_space<hbm>>) target_semaphore(%arg14 : memref<!tpu.dma_semaphore, #tpu.memory_space<semaphore_mem>>)
    %dma_wait3A_161 = arith.constant 0 : i32
    %dma_wait3A_162 = tpu.memref_slice %arg9[%dma_wait3A_161] : memref<8192xf32, #tpu.memory_space<vmem>> -> memref<3840xf32, #tpu.memory_space<vmem>>
    %dma_wait3A_163 = arith.constant 0 : i32
    %dma_wait3A_164 = tpu.memref_slice %arg4[%dma_wait3A_163] : memref<262144xf32, #tpu.memory_space<hbm>> -> memref<3840xf32, #tpu.memory_space<hbm>>
    %dma_wait3A_165 = arith.constant 0 : i32
    %dma_wait3A_166 = tpu.memref_slice %arg4[%dma_wait3A_165] : memref<262144xf32, #tpu.memory_space<hbm>> -> memref<3840xf32, #tpu.memory_space<hbm>>
    %dma_wait3A_167 = arith.constant 0 : i32
    %dma_wait3A_168 = tpu.memref_slice %arg9[%dma_wait3A_167] : memref<8192xf32, #tpu.memory_space<vmem>> -> memref<3840xf32, #tpu.memory_space<vmem>>
    tpu.wait_dma2 semaphore(%arg14 : memref<!tpu.dma_semaphore, #tpu.memory_space<semaphore_mem>>) src(%dma_wait3A_168 : memref<3840xf32, #tpu.memory_space<vmem>>) dst(%dma_wait3A_166 : memref<3840xf32, #tpu.memory_space<hbm>>)
    %dma_wait3A_169 = arith.constant 3840 : i32
    %dma_wait3A_170 = tpu.memref_slice %arg9[%dma_wait3A_169] : memref<8192xf32, #tpu.memory_space<vmem>> -> memref<4352xf32, #tpu.memory_space<vmem>>
    %dma_wait3A_171 = arith.constant 0 : i32
    %dma_wait3A_172 = tpu.memref_slice %arg4[%dma_wait3A_171] : memref<262144xf32, #tpu.memory_space<hbm>> -> memref<4352xf32, #tpu.memory_space<hbm>>
    %dma_wait3A_173 = arith.constant 0 : i32
    %dma_wait3A_174 = tpu.memref_slice %arg4[%dma_wait3A_173] : memref<262144xf32, #tpu.memory_space<hbm>> -> memref<4352xf32, #tpu.memory_space<hbm>>
    %dma_wait3A_175 = arith.constant 3840 : i32
    %dma_wait3A_176 = tpu.memref_slice %arg9[%dma_wait3A_175] : memref<8192xf32, #tpu.memory_space<vmem>> -> memref<4352xf32, #tpu.memory_space<vmem>>
    tpu.wait_dma2 semaphore(%arg14 : memref<!tpu.dma_semaphore, #tpu.memory_space<semaphore_mem>>) src(%dma_wait3A_176 : memref<4352xf32, #tpu.memory_space<vmem>>) dst(%dma_wait3A_174 : memref<4352xf32, #tpu.memory_space<hbm>>)
    return
  }
}

</mosaic_0001>

<sc_bundles>
// kernel: kernel.3.cloned.1.call-start
scs
__scs_entry_jumppad:
0x0: {  	(pc) =	sbr.rel $0x88, $3  }
0x1: {  	(tag) =	ssettag $0x0;
	lr =	simm.s32 $0x1  }
0x2: {  	[smem:$0x3F9F] =	sst lr;
	_ =	strace $0xD0000000  }
0x3: {  	_ = 	snop  }
0x4: {  	_ = 	snop  }
0x5: {  	_ = 	snop  }
0x6: {  	_ = 	snop  }
0x7: {  	_ = 	snop  }
__scs_overlays_trampoline_lowered:
0x8: {  	[smem:$0x3FAE] =	sst s0  }
0x9: {  	[smem:$0x3FAF] =	sst s1  }
0xa: {  	[smem:$0x3FB0] =	sst s2  }
0xb: {  	[smem:$0x3FB1] =	sst s3  }
0xc: {  	[smem:$0x3FB2] =	sst s4  }
0xd: {  	[smem:$0x3FB3] =	sst s5  }
0xe: {  	[smem:$0x3FB4] =	sst s6  }
0xf: {  	[smem:$0x3FB5] =	sst s7  }
0x10: {  	[smem:$0x3FB6] =	sst s8  }
0x11: {  	[smem:$0x3FB7] =	sst s9;
	s0 =	simm.s32 @!p0 $0x0  }
0x12: {  	s1 =	sld [smem:$0x3F9D];
	s0 =	simm.s32 @p0 $0x1  }
0x13: {  	[smem:$0x3FB8] =	sst s0;
	s0 =	simm.s32 @!p1 $0x0  }
0x14: {  	s2 =	sld [smem:$0x3F9C];
	s0 =	simm.s32 @p1 $0x1  }
0x15: {  	[smem:$0x3FB9] =	sst s0;
	s0 =	simm.s32 @!p2 $0x0  }
0x16: {  	s3 =	sld [smem:$0x3FDB];
	s0 =	simm.s32 @p2 $0x1  }
0x17: {  	s4 =	simm.s32 $0x1BF5;
	[smem:$0x3FBB] =	sst s0  }
0x18: {  	s0 =	sld [smem:$0x3F9E];
	_ =	swait.ge [sflag:s4], $0x0  }
0x19: {  	s7 =	sld [smem:$0x3F9F]  }
0x1a: {  	s8 =	sadd.s32 $0xFFFFE003, lr  }
0x1b: {  	s9 =	sadd.s32 $0xFFFFFEF7, lr;
	s5 =	simm.s32 $0xFFFFFFFF;
	p2 =	slt.u32 s8, $0xFFFFF086  }
0x1c: {  	p1 =	slt.u32 s9, $0xF7A;
	s5 =	simm.s32 @!p2 $0x0  }
0x1d: {  	s5 =	simm.s32 @p1 $0x1;
	p0 =	seq.s32 s7, s2  }
0x1e: {  	s7 =	smul.u32 @!p0 $0xF7A, s2;
	p2 =	seq.s32 @!p0 s5, $0x0  }
0x1f: {  	s9 =	smul.u32 $0xF7A, s1;
	s8 =	simm.s32 @!p0 $0x1BF5;
	p2 =	por !p2, p0  }
0x20: {  	[sflag:s8] =	ssyncset.s32 @!p0 $0xFFFFF086;
	s6 =	sadd.s32 @!p0 s3, s7;
	s7 =	simm.s32 @!p0 $0x108  }
0x21: {  	s3 =	sadd.s32 s3, s9;
	s6 =	sadd.s32 @!p0 $0x88, s6;
	s7 =	simm.s32 @p2 $0x1082  }
0x22: {  	[simem:s7], [sflag:s8] =	dma.local @!p0 [hbm:s6], $0xF7A  }
0x23: {  	s9 =	sor.u32 $0xD0000000, s2;
	s6 =	simm.s32 $0x108;
	_ =	swait.ge @!p0 [sflag:s8], $0x0  }
0x24: {  	s3 =	sadd.s32 $0x88, s3;
	s6 =	simm.s32 @!p1 $0x1082;
	[sflag:s4] =	ssyncset.s32 $0xFFFFF086  }
0x25: {  	[simem:s6], [sflag:s4] =	dma.local [hbm:s3], $0xF7A  }
0x26: {  	[smem:$0x3F9F] =	sst s1;
	(tag) =	ssettag s2;
	_ =	strace s9  }
0x27: {  	s1 =	sld [smem:$0x3FAF]  }
0x28: {  	s2 =	sld [smem:$0x3FB0]  }
0x29: {  	s4 =	sld [smem:$0x3FB2]  }
0x2a: {  	p0 =	seq.s32 s5, $0x0;
	s5 =	sld [smem:$0x3FB3]  }
0x2b: {  	s6 =	sld [smem:$0x3FB4]  }
0x2c: {  	s7 =	sld [smem:$0x3FB5]  }
0x2d: {  	s3 =	simm.s32 $0x108;
	s8 =	sld [smem:$0x3FB6]  }
0x2e: {  	s3 =	simm.s32 @!p0 $0x1082;
	s9 =	sld [smem:$0x3FB7]  }
0x2f: {  	lr =	sadd.s32 s0, s3;
	s0 =	sld [smem:$0x3FAE]  }
0x30: {  	s3 =	sld [smem:$0x3FB1]  }
0x31: {  	[smem:$0x3FBA] =	sst s10  }
0x32: {  	s10 =	sld [smem:$0x3FB8];
	_ =	sdelay $0x3  }
0x33: {  	p0 =	seq.s32 s10, $0x1;
	s10 =	sld [smem:$0x3FBA];
	_ =	sdelay $0x3  }
0x34: {  	[smem:$0x3FBA] =	sst s10  }
0x35: {  	s10 =	sld [smem:$0x3FB9];
	_ =	sdelay $0x3  }
0x36: {  	p1 =	seq.s32 s10, $0x1;
	s10 =	sld [smem:$0x3FBA];
	_ =	sdelay $0x3  }
0x37: {  	[smem:$0x3FBA] =	sst s10  }
0x38: {  	s10 =	sld [smem:$0x3FBB]  }
0x39: {  	_ = 	snop;
	(pc) =	sbr.ind lr, $3  }
0x3a: {  	_ = 	snop  }
0x3b: {  	_ = 	snop  }
0x3c: {  	p2 =	seq.s32 s10, $0x1;
	s10 =	sld [smem:$0x3FBA]  }
0x3d: {  	_ =	shalt  }
0x3e: {  	_ =	shalt  }
0x3f: {  	_ =	shalt  }
0x40: {  	_ =	shalt  }
0x41: {  	_ =	shalt  }
0x42: {  	_ =	shalt  }
0x43: {  	_ =	shalt  }
0x44: {  	_ =	shalt  }
0x45: {  	_ =	shalt  }
0x46: {  	_ =	shalt  }
0x47: {  	_ =	shalt  }
0x48: {  	_ =	shalt  }
0x49: {  	_ =	shalt  }
0x4a: {  	_ =	shalt  }
0x4b: {  	_ =	shalt  }
0x4c: {  	_ =	shalt  }
0x4d: {  	_ =	shalt  }
0x4e: {  	_ =	shalt  }
0x4f: {  	_ =	shalt  }
0x50: {  	_ =	shalt  }
0x51: {  	_ =	shalt  }
0x52: {  	_ =	shalt  }
0x53: {  	_ =	shalt  }
0x54: {  	_ =	shalt  }
0x55: {  	_ =	shalt  }
0x56: {  	_ =	shalt  }
0x57: {  	_ =	shalt  }
0x58: {  	_ =	shalt  }
0x59: {  	_ =	shalt  }
0x5a: {  	_ =	shalt  }
0x5b: {  	_ =	shalt  }
0x5c: {  	_ =	shalt  }
0x5d: {  	_ =	shalt  }
0x5e: {  	_ =	shalt  }
0x5f: {  	_ =	shalt  }
0x60: {  	_ =	shalt  }
0x61: {  	_ =	shalt  }
0x62: {  	_ =	shalt  }
0x63: {  	_ =	shalt  }
0x64: {  	_ =	shalt  }
0x65: {  	_ =	shalt  }
0x66: {  	_ =	shalt  }
0x67: {  	_ =	shalt  }
0x68: {  	_ =	shalt  }
0x69: {  	_ =	shalt  }
0x6a: {  	_ =	shalt  }
0x6b: {  	_ =	shalt  }
0x6c: {  	_ =	shalt  }
0x6d: {  	_ =	shalt  }
0x6e: {  	_ =	shalt  }
0x6f: {  	_ =	shalt  }
0x70: {  	_ =	shalt  }
0x71: {  	_ =	shalt  }
0x72: {  	_ =	shalt  }
0x73: {  	_ =	shalt  }
0x74: {  	_ =	shalt  }
0x75: {  	_ =	shalt  }
0x76: {  	_ =	shalt  }
0x77: {  	_ =	shalt  }
0x78: {  	_ =	shalt  }
0x79: {  	_ =	shalt  }
0x7a: {  	_ =	shalt  }
0x7b: {  	_ =	shalt  }
0x7c: {  	_ =	shalt  }
0x7d: {  	_ =	shalt  }
0x7e: {  	_ =	shalt  }
0x7f: {  	_ =	shalt  }
0x80: {  	_ =	shalt  }
0x81: {  	_ =	shalt  }
0x82: {  	_ =	shalt  }
0x83: {  	_ =	shalt  }
0x84: {  	_ =	shalt  }
0x85: {  	_ =	shalt  }
0x86: {  	_ =	shalt  }
0x87: {  	_ =	shalt  }
.Lfunc_end0:
.L_simem_size_0:
called_computation_lowered:
.L_overlay_start_0:
0x88: {  	s2 =	sld [smem:$0x3FD9]  }
0x89: {  	s3 =	sld [smem:$0x3FFE];
	_ =	sdelay $0x1  }
0x8a: {  	s1 =	srdreg.scid  }
0x8b: {  	s0 =	sand.u32 $0x1, s1  }
0x8c: {  	s17 =	sshll.u32 s0, $0xA;
	s2 =	sadd.s32 s3, s2  }
0x8d: {  	s2 =	sadd.s32 s2, s17  }
0x8e: {  	[smem:$0x3FC6] =	sst s2  }
0x8f: {  	_ = 	snop  }
0x90: {  	s2 =	sld [smem:$0x3FD0];
	(tm) =	ssettm $0x1  }
0x91: {  	s18 =	sld [smem:$0x3FFB];
	_ =	sdelay $0x3  }
0x92: {  	_ =	strace s18  }
0x93: {  	s3 =	sld [smem:$0x3FFC];
	_ =	sdelay $0x3  }
0x94: {  	_ =	strace s3  }
0x95: {  	s3 =	sld [smem:$0x3FFD];
	_ =	sdelay $0x3  }
0x96: {  	_ =	strace s3  }
0x97: {  	_ =	strace $0x8FFFFFFF  }
0x98: {  	s19 =	sld [smem:$0x3FDB];
	_ =	sdelay $0x1  }
0x99: {  	s4 =	simm.s32 $_scs_section_size  }
0x9a: {  	s5 =	simm.s32 $_size__tile_overlayer_lowered;
	s6 =	simm.s32 $_tile_overlayer_lowered  }
0x9b: {  	s22 =	simm.s32 $0x1BFF;
	s21 =	sshll.u32 s6, $0x1;
	s3 =	sadd.s32 s4, s19  }
0x9c: {  	s7 =	simm.s32 $0x0;
	s20 =	sshll.u32 s5, $0x1;
	s5 =	sadd.s32 s21, s3  }
0x9d: {  	[timem:s7], [sflag:s22] =	dma.local [hbm:s5], s20  }
0x9e: {  	_ =	swait.ge [sflag:s22], s20  }
0x9f: {  	s4 =	ssub.s32 $0x0, s20;
	[sflag:s22] =	ssyncset.done $0x0  }
0xa0: {  	[sflag:s22] =	ssyncadd.s32 s4;
	_ =	sdelay $0x1  }
0xa1: {  	s23 =	simm.s32 $0x1B8B  }
0xa2: {  	_ =	swait.ge [sflag:s23], $0x1  }
0xa3: {  	[sflag:s23] =	ssyncset.done $0x0  }
0xa4: {  	s25 =	simm.s32 $0x1B8E;
	s24 =	sld [smem:$0x3FFE];
	[sflag:s23] =	ssyncadd.s32 $0xFFFFFFFF  }
0xa5: {  	s26 =	simm.s32 $execute0_lowered;
	[smem:$0x3FD2] =	sst s25  }
0xa6: {  	s5 =	sshll.u32 s26, $0x1;
	_ =	strace $0x80000046;
	[dreg:$0x1] =	wrdreg $0xFFFFFFFF  }
0xa7: {  	s28 =	simm.s32 $_size_execute0_lowered;
	s3 =	sadd.s32 s3, s5;
	[dreg:$0x0] =	wrdreg $0x0  }
0xa8: {  	s5 =	sshll.u32 s28, $0x1;
	[dreg:$0x2] =	wrdreg s3  }
0xa9: {  	[dreg:$0x3] =	wrdreg s5  }
0xaa: {  	[dreg:$0x4] =	wrdreg $0xC0  }
0xab: {  	_ =	task [dreg:s7], $0x5FFFF  }
0xac: {  	[dreg:$0x1] =	wrdreg $0xFFFFFFFF  }
0xad: {  	[dreg:$0x0] =	wrdreg $0x60  }
0xae: {  	[dreg:$0x2] =	wrdreg s24  }
0xaf: {  	[dreg:$0x3] =	wrdreg s2  }
0xb0: {  	[dreg:$0x4] =	wrdreg $0x9  }
0xb1: {  	_ =	task.clear_ibuf [dreg:s7], $0x5FFFF;
	_ =	strace $0x90000046  }
0xb2: {  	s29 =	simm.s32 $0x9;
	_ =	strace $0x80000048  }
0xb3: {  	_ =	swait.ge [sflag:s29], $0x1  }
0xb4: {  	[sflag:s29] =	ssyncadd.s32 $0xFFFFFFFF  }
0xb5: {  	_ =	strace $0x90000048  }
0xb6: {  	_ =	sfence  }
0xb7: {  	s30 =	sld [smem:$0x0];
	_ =	sdelay $0x2  }
0xb8: {  	s31 =	sshll.u32 s1, $0xD;
	s1 =	sshrl.u32 s1, $0x2  }
0xb9: {  	s3 =	sand.u32 $0x4000, s31;
	s1 =	sadd.s32 s1, s30  }
0xba: {  	s0 =	sor.u32 s3, s0;
	s1 =	sshll.u32 s1, $0x11  }
0xbb: {  	s0 =	sor.u32 s1, s0  }
0xbc: {  	s0 =	sadd.s32 $0x8F2B, s0  }
0xbd: {  	[sflag:s0] =	ssyncadd.remote.s32 $0x1  }
0xbe: {  	_ =	sfence.sel $0xFFFF  }
0xbf: {  	[dreg:$0x0] =	wrdreg $0xFFFFFFFF;
	(pc) =	sbr.abs _section_cstart, $3  }
0xc0: {  	[dreg:$0x1] =	wrdreg $0xFFFFFFFF  }
0xc1: {  	_ =	task.clear_ibuf [dreg:s7], $0x2FFFF;
	_ =	strace $0x9FFFFFFF  }
0xc2: {  	(tm) =	ssettm $0x7FFFFFFF  }
0xc3: {  	_ =	shalt  }
tec
execute0_lowered:
.L_overlay_start_1:
0x0: {  	(tag) =	ssettag $0x1  }
0x1: {  	s1 =	srdreg.scid;
	s3 =	rddreg [dreg:$0x0]  }
0x2: {  	s0 =	stileid.u32;
	s5 =	rddreg [dreg:$0x1];
	s2 =	simm.s32 $0x0  }
0x3: {  	s9 =	simm.s32 $0x3200;
	s10 =	simm.s32 $0x1;
	s11 =	simm.s32 $0x190  }
0x4: {  	s12 =	simm.s32 $0x6400;
	s13 =	simm.s32 $0xC800;
	s14 =	simm.s32 $0x320  }
0x5: {  	s15 =	simm.s32 $0x12C00;
	s16 =	simm.s32 $0x2;
	s17 =	simm.s32 $0x3  }
0x6: {  	s18 =	simm.s32 $0x4;
	s19 =	simm.s32 $0x19000;
	s20 =	simm.s32 $0x19F00  }
0x7: {  	s21 =	simm.s32 $0x5;
	s4 =	sand.u32 $0x1, s1;
	s31 =	sshll.u32 s0, $0x1  }
0x8: {  	s22 =	simm.s32 $0x0;
	s1 =	rddreg [dreg:$0x2];
	s6 =	sor.u32 s4, s31  }
0x9: {  	[smem:$0x7FF] =	sst s2;
	s4 =	ssub.s32 $0x2, s4;
	s7 =	smul.u32 $0x6400, s6  }
0xa: {  	_ =	strace $0x80000047;
	s8 =	sshrl.u32 s4, $0x1;
	s6 =	sshll.u32 s6, $0xA  }
0xb: {  	s8 =	ssub.s32 s4, s8;
	s4 =	sadd.s32 s5, s6;
	s7 =	sshrl.u32 s7, $0x3  }
0xc: {  	s8 =	smax.u32 s8, $0x1;
	s7 =	sadd.s32 s7, s3;
	s3 =	sadd.s32 $0xF42A00, s3  }
0xd: {  	s5 =	sadd.s32 $0x600, s7;
	s6 =	sadd.s32 $0xC40, s7;
	s7 =	sadd.s32 $0x1E0, s4  }
.LBB2_1:
0xe: {  	[tilespmem:s2], [sflag:$0x1] =	stream.linear.gather [hbm4b:s5+s2], $0x3200, $0x38;
	[tilespmem:$0x1B000] =	vst v63  }
0xf: {  	_ = 	snop  }
0x10: {  	[tilespmem:s9], [sflag:$0x1] =	stream.linear.gather [hbm4b:s6+s2], $0x3200, $0x38;
	[tilespmem:$0x1B000] =	vst v63  }
0x11: {  	_ =	swait.ge [sflag:s10], $0x3200  }
0x12: {  	[sflag:s10] =	ssyncset.done $0x0  }
0x13: {  	[sflag:s10] =	ssyncadd.s32 $0xFFFFCE00  }
0x14: {  	[tilespmem:s12], [sflag:$0x2] =	stream.indirect.gather [hbm4b:s3+s11], $0x40, s2, s11, $0xb8;
	[tilespmem:$0x1B000] =	vst v63  }
0x15: {  	_ = 	snop  }
0x16: {  	[tilespmem:s13], [sflag:$0x3] =	stream.indirect.gather [hbm4b:s3+s11], $0x40, s11, s11, $0xb8;
	[tilespmem:$0x1B000] =	vst v63  }
0x17: {  	_ = 	snop  }
0x18: {  	[tilespmem:s15], [sflag:$0x4] =	stream.indirect.gather [hbm4b:s3+s11], $0x40, s14, s11, $0xb8;
	[tilespmem:$0x1B000] =	vst v63  }
0x19: {  	_ =	swait.ge [sflag:s10], $0x3200  }
0x1a: {  	[sflag:s10] =	ssyncset.done $0x0  }
0x1b: {  	s23 =	simm.s32 $0x0;
	[sflag:s10] =	ssyncadd.s32 $0xFFFFCE00  }
.LBB2_2:
0x1c: {  	_ =	swait.ge [sflag:s16], $0x6400  }
0x1d: {  	[sflag:s16] =	ssyncset.done $0x0  }
0x1e: {  	s24 =	simm.s32 $0x0;
	[sflag:s16] =	ssyncadd.s32 $0xFFFF9C00  }
0x1f: {  	v3 =	vld [tilespmem:s24+$0x6580]  }
0x20: {  	v4 =	vld [tilespmem:s24+$0x6590]  }
0x21: {  	v5 =	vld [tilespmem:s24+$0x65A0]  }
0x22: {  	v6 =	vld [tilespmem:s24+$0x65B0]  }
0x23: {  	v0 =	vld [tilespmem:s24+$0x65C0]  }
0x24: {  	v1 =	vld [tilespmem:s24+$0x65D0]  }
0x25: {  	v13 =	vld [tilespmem:s24+$0x6500]  }
0x26: {  	v15 =	vld [tilespmem:s24+$0x6510]  }
0x27: {  	v12 =	vld [tilespmem:s24+$0x6520]  }
0x28: {  	v14 =	vld [tilespmem:s24+$0x6530]  }
0x29: {  	v2 =	vld [tilespmem:s24+$0x6540]  }
0x2a: {  	v9 =	vld [tilespmem:s24+$0x6480]  }
0x2b: {  	v10 =	vld [tilespmem:s24+$0x6490]  }
0x2c: {  	v11 =	vld [tilespmem:s24+$0x6400]  }
0x2d: {  	v17 =	vld [tilespmem:s24+$0x6410]  }
0x2e: {  	v18 =	vld [tilespmem:s24+$0x6420]  }
0x2f: {  	v19 =	vld [tilespmem:s24+$0x6430]  }
0x30: {  	v20 =	vld [tilespmem:s24+$0x64A0]  }
0x31: {  	v24 =	vld [tilespmem:s24+$0x64B0]  }
0x32: {  	v8 =	vimm.f32 $0.0e+00;
	v7 =	vld [tilespmem:s24+$0x6550]  }
0x33: {  	v16 =	vld [tilespmem:s24+$0x64C0];
	v11 =	vadd.f32 v11, v8;
	v22 =	vadd.f32 v17, v8  }
0x34: {  	v17 =	vld [tilespmem:s24+$0x64D0];
	v23 =	vadd.f32 v18, v8;
	v25 =	vadd.f32 v19, v8  }
0x35: {  	v18 =	vld [tilespmem:s24+$0x6440];
	v21 =	vadd.f32 v9, v11;
	v22 =	vadd.f32 v10, v22  }
0x36: {  	v19 =	vld [tilespmem:s24+$0x6450];
	v23 =	vadd.f32 v20, v23;
	v24 =	vadd.f32 v24, v25  }
0x37: {  	s25 =	simm.s32 $0x800;
	v20 =	vld [tilespmem:s24+$0x6460];
	v11 =	vimm.f32 $0.0e+00;
	v10 =	vimm.f32 $0.0e+00;
	v9 =	vimm.f32 $0.0e+00  }
.LBB2_3:
0x38: {  	p0 =	sne.s32 s25, $0xC000;
	v25 =	vld [tilespmem:s24+$0x6470];
	v13 =	vadd.f32 v13, v21;
	v15 =	vadd.f32 v15, v22  }
0x39: {  	v21 =	vld [tilespmem:s24+$0x64E0];
	v12 =	vadd.f32 v12, v23;
	v14 =	vadd.f32 v14, v24  }
0x3a: {  	v22 =	vld [tilespmem:s24+$0x64F0];
	v23 =	vadd.f32 v3, v13;
	v24 =	vadd.f32 v4, v15  }
0x3b: {  	v13 =	vld [tilespmem:s24+$0x6560];
	v26 =	vadd.f32 v5, v12;
	v27 =	vadd.f32 v6, v14  }
0x3c: {  	v3 =	vadd.f32 v18, v8;
	v4 =	vadd.f32 v19, v11;
	v6 =	vld [tilespmem:s24+$0x6570]  }
0x3d: {  	v5 =	vadd.f32 v20, v10;
	v8 =	vadd.f32 v25, v9;
	v9 =	vld [tilespmem:s24+$0x65E0]  }
0x3e: {  	v10 =	vadd.f32 v16, v3;
	v11 =	vadd.f32 v17, v4;
	v12 =	vld [tilespmem:s24+$0x65F0];
	s24 =	sshra.s32 s25, $0x2  }
0x3f: {  	v14 =	vadd.f32 v21, v5;
	v3 =	vld [tilespmem:s24+$0x6580];
	v8 =	vadd.f32 v22, v8  }
0x40: {  	v2 =	vadd.f32 v2, v10;
	v7 =	vadd.f32 v7, v11;
	v4 =	vld [tilespmem:s24+$0x6590]  }
0x41: {  	v10 =	vadd.f32 v13, v14;
	v5 =	vld [tilespmem:s24+$0x65A0];
	v13 =	vadd.f32 v6, v8  }
0x42: {  	v8 =	vadd.f32 v0, v2;
	v11 =	vadd.f32 v1, v7;
	v6 =	vld [tilespmem:s24+$0x65B0]  }
0x43: {  	v10 =	vadd.f32 v9, v10;
	v0 =	vld [tilespmem:s24+$0x65C0];
	v9 =	vadd.f32 v12, v13  }
0x44: {  	v1 =	vld [tilespmem:s24+$0x65D0]  }
0x45: {  	v13 =	vld [tilespmem:s24+$0x6500]  }
0x46: {  	v15 =	vld [tilespmem:s24+$0x6510]  }
0x47: {  	v12 =	vld [tilespmem:s24+$0x6520]  }
0x48: {  	v14 =	vld [tilespmem:s24+$0x6530]  }
0x49: {  	v2 =	vld [tilespmem:s24+$0x6540]  }
0x4a: {  	v7 =	vld [tilespmem:s24+$0x6550]  }
0x4b: {  	v20 =	vld [tilespmem:s24+$0x6480]  }
0x4c: {  	v22 =	vld [tilespmem:s24+$0x6490]  }
0x4d: {  	v17 =	vld [tilespmem:s24+$0x6400]  }
0x4e: {  	v18 =	vld [tilespmem:s24+$0x6410]  }
0x4f: {  	v19 =	vld [tilespmem:s24+$0x6420]  }
0x50: {  	v21 =	vld [tilespmem:s24+$0x6430]  }
0x51: {  	v25 =	vld [tilespmem:s24+$0x64A0]  }
0x52: {  	v28 =	vld [tilespmem:s24+$0x64B0]  }
.Ltmp0:
0x53: {  	v16 =	vld [tilespmem:s24+$0x64C0];
	(pc) =	sbr.rel @p0 .LBB2_3-.Ltmp0, $4  }
0x54: {  	v23 =	vadd.f32 v17, v23;
	v24 =	vadd.f32 v18, v24;
	v17 =	vld [tilespmem:s24+$0x64D0]  }
0x55: {  	v26 =	vadd.f32 v19, v26;
	v27 =	vadd.f32 v21, v27;
	v18 =	vld [tilespmem:s24+$0x6440]  }
0x56: {  	v21 =	vadd.f32 v20, v23;
	v22 =	vadd.f32 v22, v24;
	v19 =	vld [tilespmem:s24+$0x6450]  }
0x57: {  	s25 =	sadd.s32 $0x800, s25;
	v23 =	vadd.f32 v25, v26;
	v20 =	vld [tilespmem:s24+$0x6460];
	v24 =	vadd.f32 v28, v27  }
0x58: {  	v13 =	vadd.f32 v13, v21;
	v15 =	vadd.f32 v15, v22  }
0x59: {  	v21 =	vld [tilespmem:s24+$0x6470];
	v12 =	vadd.f32 v12, v23;
	v14 =	vadd.f32 v14, v24  }
0x5a: {  	v22 =	vld [tilespmem:s24+$0x64E0];
	v3 =	vadd.f32 v3, v13;
	v4 =	vadd.f32 v4, v15  }
0x5b: {  	v13 =	vld [tilespmem:s24+$0x64F0];
	v8 =	vadd.f32 v18, v8;
	v5 =	vadd.f32 v5, v12  }
0x5c: {  	v12 =	vld [tilespmem:s24+$0x6560];
	v6 =	vadd.f32 v6, v14;
	v11 =	vadd.f32 v19, v11  }
0x5d: {  	v14 =	vld [tilespmem:s24+$0x6570];
	v10 =	vadd.f32 v20, v10;
	v8 =	vadd.f32 v16, v8  }
0x5e: {  	v15 =	vld [tilespmem:s24+$0x65E0];
	v9 =	vadd.f32 v21, v9;
	v11 =	vadd.f32 v17, v11  }
0x5f: {  	v16 =	vld [tilespmem:s24+$0x65F0];
	v10 =	vadd.f32 v22, v10;
	v2 =	vadd.f32 v2, v8  }
0x60: {  	v8 =	vadd.f32 v13, v9;
	v7 =	vadd.f32 v7, v11  }
0x61: {  	v9 =	vadd.f32 v12, v10;
	v0 =	vadd.f32 v0, v2  }
0x62: {  	v2 =	vadd.f32 v14, v8;
	v1 =	vadd.f32 v1, v7  }
0x63: {  	v7 =	vadd.f32 v15, v9;
	v0 =	vadd.f32 v0, v3  }
0x64: {  	s31 =	smul.u32 $0x600, s23;
	v2 =	vadd.f32 v16, v2;
	v1 =	vadd.f32 v1, v4  }
0x65: {  	v0 =	vmul.f32 $4.999999890e-03, v0;
	v3 =	vadd.f32 v7, v5  }
0x66: {  	s24 =	sshra.s32 s31, $0x2;
	v1 =	vmul.f32 $4.999999890e-03, v1;
	v2 =	vadd.f32 v2, v6  }
0x67: {  	[tilespmem:s24+$0x19000] =	vst v0;
	v0 =	vmul.f32 $4.999999890e-03, v3  }
0x68: {  	[tilespmem:s24+$0x19010] =	vst v1;
	v1 =	vmul.f32 $4.999999890e-03, v2  }
0x69: {  	[tilespmem:s24+$0x19020] =	vst v0  }
0x6a: {  	s25 =	simm.s32 $0x0;
	[tilespmem:s24+$0x19030] =	vst v1  }
0x6b: {  	v3 =	vld [tilespmem:s25+$0x9780]  }
0x6c: {  	v4 =	vld [tilespmem:s25+$0x9790]  }
0x6d: {  	v5 =	vld [tilespmem:s25+$0x97A0]  }
0x6e: {  	v6 =	vld [tilespmem:s25+$0x97B0]  }
0x6f: {  	v0 =	vld [tilespmem:s25+$0x97C0]  }
0x70: {  	v1 =	vld [tilespmem:s25+$0x97D0]  }
0x71: {  	v13 =	vld [tilespmem:s25+$0x9700]  }
0x72: {  	v15 =	vld [tilespmem:s25+$0x9710]  }
0x73: {  	v12 =	vld [tilespmem:s25+$0x9720]  }
0x74: {  	v14 =	vld [tilespmem:s25+$0x9730]  }
0x75: {  	v2 =	vld [tilespmem:s25+$0x9740]  }
0x76: {  	v9 =	vld [tilespmem:s25+$0x9680]  }
0x77: {  	v10 =	vld [tilespmem:s25+$0x9690]  }
0x78: {  	v11 =	vld [tilespmem:s25+$0x9600]  }
0x79: {  	v17 =	vld [tilespmem:s25+$0x9610]  }
0x7a: {  	v18 =	vld [tilespmem:s25+$0x9620]  }
0x7b: {  	v19 =	vld [tilespmem:s25+$0x9630]  }
0x7c: {  	v20 =	vld [tilespmem:s25+$0x96A0]  }
0x7d: {  	v24 =	vld [tilespmem:s25+$0x96B0]  }
0x7e: {  	v8 =	vimm.f32 $0.0e+00;
	v7 =	vld [tilespmem:s25+$0x9750]  }
0x7f: {  	v16 =	vld [tilespmem:s25+$0x96C0];
	v11 =	vadd.f32 v11, v8;
	v22 =	vadd.f32 v17, v8  }
0x80: {  	v17 =	vld [tilespmem:s25+$0x96D0];
	v23 =	vadd.f32 v18, v8;
	v25 =	vadd.f32 v19, v8  }
0x81: {  	v18 =	vld [tilespmem:s25+$0x9640];
	v21 =	vadd.f32 v9, v11;
	v22 =	vadd.f32 v10, v22  }
0x82: {  	v19 =	vld [tilespmem:s25+$0x9650];
	v23 =	vadd.f32 v20, v23;
	v24 =	vadd.f32 v24, v25  }
0x83: {  	s26 =	simm.s32 $0x800;
	v20 =	vld [tilespmem:s25+$0x9660];
	v11 =	vimm.f32 $0.0e+00;
	v10 =	vimm.f32 $0.0e+00;
	v9 =	vimm.f32 $0.0e+00  }
.LBB2_5:
0x84: {  	p0 =	sne.s32 s26, $0xC000;
	v25 =	vld [tilespmem:s25+$0x9670];
	v13 =	vadd.f32 v13, v21;
	v15 =	vadd.f32 v15, v22  }
0x85: {  	v21 =	vld [tilespmem:s25+$0x96E0];
	v12 =	vadd.f32 v12, v23;
	v14 =	vadd.f32 v14, v24  }
0x86: {  	v22 =	vld [tilespmem:s25+$0x96F0];
	v23 =	vadd.f32 v3, v13;
	v24 =	vadd.f32 v4, v15  }
0x87: {  	v13 =	vld [tilespmem:s25+$0x9760];
	v26 =	vadd.f32 v5, v12;
	v27 =	vadd.f32 v6, v14  }
0x88: {  	v3 =	vadd.f32 v18, v8;
	v4 =	vadd.f32 v19, v11;
	v6 =	vld [tilespmem:s25+$0x9770]  }
0x89: {  	v5 =	vadd.f32 v20, v10;
	v8 =	vadd.f32 v25, v9;
	v9 =	vld [tilespmem:s25+$0x97E0]  }
0x8a: {  	v10 =	vadd.f32 v16, v3;
	v11 =	vadd.f32 v17, v4;
	v12 =	vld [tilespmem:s25+$0x97F0];
	s25 =	sshra.s32 s26, $0x2  }
0x8b: {  	v14 =	vadd.f32 v21, v5;
	v3 =	vld [tilespmem:s25+$0x9780];
	v8 =	vadd.f32 v22, v8  }
0x8c: {  	v2 =	vadd.f32 v2, v10;
	v7 =	vadd.f32 v7, v11;
	v4 =	vld [tilespmem:s25+$0x9790]  }
0x8d: {  	v10 =	vadd.f32 v13, v14;
	v5 =	vld [tilespmem:s25+$0x97A0];
	v13 =	vadd.f32 v6, v8  }
0x8e: {  	v8 =	vadd.f32 v0, v2;
	v11 =	vadd.f32 v1, v7;
	v6 =	vld [tilespmem:s25+$0x97B0]  }
0x8f: {  	v10 =	vadd.f32 v9, v10;
	v0 =	vld [tilespmem:s25+$0x97C0];
	v9 =	vadd.f32 v12, v13  }
0x90: {  	v1 =	vld [tilespmem:s25+$0x97D0]  }
0x91: {  	v13 =	vld [tilespmem:s25+$0x9700]  }
0x92: {  	v15 =	vld [tilespmem:s25+$0x9710]  }
0x93: {  	v12 =	vld [tilespmem:s25+$0x9720]  }
0x94: {  	v14 =	vld [tilespmem:s25+$0x9730]  }
0x95: {  	v2 =	vld [tilespmem:s25+$0x9740]  }
0x96: {  	v7 =	vld [tilespmem:s25+$0x9750]  }
0x97: {  	v20 =	vld [tilespmem:s25+$0x9680]  }
0x98: {  	v22 =	vld [tilespmem:s25+$0x9690]  }
0x99: {  	v17 =	vld [tilespmem:s25+$0x9600]  }
0x9a: {  	v18 =	vld [tilespmem:s25+$0x9610]  }
0x9b: {  	v19 =	vld [tilespmem:s25+$0x9620]  }
0x9c: {  	v21 =	vld [tilespmem:s25+$0x9630]  }
0x9d: {  	v25 =	vld [tilespmem:s25+$0x96A0]  }
0x9e: {  	v28 =	vld [tilespmem:s25+$0x96B0]  }
.Ltmp1:
0x9f: {  	v16 =	vld [tilespmem:s25+$0x96C0];
	(pc) =	sbr.rel @p0 .LBB2_5-.Ltmp1, $4  }
0xa0: {  	v23 =	vadd.f32 v17, v23;
	v24 =	vadd.f32 v18, v24;
	v17 =	vld [tilespmem:s25+$0x96D0]  }
0xa1: {  	v26 =	vadd.f32 v19, v26;
	v27 =	vadd.f32 v21, v27;
	v18 =	vld [tilespmem:s25+$0x9640]  }
0xa2: {  	v21 =	vadd.f32 v20, v23;
	v22 =	vadd.f32 v22, v24;
	v19 =	vld [tilespmem:s25+$0x9650]  }
0xa3: {  	s26 =	sadd.s32 $0x800, s26;
	v23 =	vadd.f32 v25, v26;
	v20 =	vld [tilespmem:s25+$0x9660];
	v24 =	vadd.f32 v28, v27  }
0xa4: {  	v13 =	vadd.f32 v13, v21;
	v15 =	vadd.f32 v15, v22  }
0xa5: {  	v21 =	vld [tilespmem:s25+$0x9670];
	v12 =	vadd.f32 v12, v23;
	v14 =	vadd.f32 v14, v24  }
0xa6: {  	v22 =	vld [tilespmem:s25+$0x96E0];
	v3 =	vadd.f32 v3, v13;
	v4 =	vadd.f32 v4, v15  }
0xa7: {  	v13 =	vld [tilespmem:s25+$0x96F0];
	v8 =	vadd.f32 v18, v8;
	v5 =	vadd.f32 v5, v12  }
0xa8: {  	v12 =	vld [tilespmem:s25+$0x9760];
	v6 =	vadd.f32 v6, v14;
	v11 =	vadd.f32 v19, v11  }
0xa9: {  	v14 =	vld [tilespmem:s25+$0x9770];
	v10 =	vadd.f32 v20, v10;
	v8 =	vadd.f32 v16, v8  }
0xaa: {  	v15 =	vld [tilespmem:s25+$0x97E0];
	v9 =	vadd.f32 v21, v9;
	v11 =	vadd.f32 v17, v11  }
0xab: {  	v16 =	vld [tilespmem:s25+$0x97F0];
	v10 =	vadd.f32 v22, v10;
	v2 =	vadd.f32 v2, v8  }
0xac: {  	v8 =	vadd.f32 v13, v9;
	v7 =	vadd.f32 v7, v11  }
0xad: {  	v9 =	vadd.f32 v12, v10;
	v0 =	vadd.f32 v0, v2  }
0xae: {  	v2 =	vadd.f32 v14, v8;
	v1 =	vadd.f32 v1, v7  }
0xaf: {  	v7 =	vadd.f32 v15, v9;
	v0 =	vadd.f32 v0, v3  }
0xb0: {  	v2 =	vadd.f32 v16, v2;
	v1 =	vadd.f32 v1, v4  }
0xb1: {  	v0 =	vmul.f32 $4.999999890e-03, v0;
	v3 =	vadd.f32 v7, v5  }
0xb2: {  	v1 =	vmul.f32 $4.999999890e-03, v1;
	v2 =	vadd.f32 v2, v6  }
0xb3: {  	s31 =	smul.u32 $0x12C0, s23;
	[tilespmem:s24+$0x19040] =	vst v0;
	v0 =	vmul.f32 $4.999999890e-03, v3  }
0xb4: {  	[tilespmem:s24+$0x19050] =	vst v1;
	v1 =	vmul.f32 $4.999999890e-03, v2  }
0xb5: {  	s25 =	sshra.s32 s31, $0x2;
	[tilespmem:s24+$0x19060] =	vst v0  }
0xb6: {  	s26 =	sadd.s32 $0x4B0, s25;
	[tilespmem:s24+$0x19070] =	vst v1  }
0xb7: {  	[tilespmem:s12], [sflag:$0x2] =	stream.indirect.gather [hbm4b:s3+s11], $0x40, s26, s11, $0xb8;
	[tilespmem:$0x1B000] =	vst v63  }
0xb8: {  	_ =	swait.ge [sflag:s17], $0x6400  }
0xb9: {  	[sflag:s17] =	ssyncset.done $0x0  }
0xba: {  	s26 =	simm.s32 $0x0;
	[sflag:s17] =	ssyncadd.s32 $0xFFFF9C00  }
0xbb: {  	v3 =	vld [tilespmem:s26+$0xC980]  }
0xbc: {  	v4 =	vld [tilespmem:s26+$0xC990]  }
0xbd: {  	v5 =	vld [tilespmem:s26+$0xC9A0]  }
0xbe: {  	v6 =	vld [tilespmem:s26+$0xC9B0]  }
0xbf: {  	v0 =	vld [tilespmem:s26+$0xC9C0]  }
0xc0: {  	v1 =	vld [tilespmem:s26+$0xC9D0]  }
0xc1: {  	v13 =	vld [tilespmem:s26+$0xC900]  }
0xc2: {  	v15 =	vld [tilespmem:s26+$0xC910]  }
0xc3: {  	v12 =	vld [tilespmem:s26+$0xC920]  }
0xc4: {  	v14 =	vld [tilespmem:s26+$0xC930]  }
0xc5: {  	v2 =	vld [tilespmem:s26+$0xC940]  }
0xc6: {  	v9 =	vld [tilespmem:s26+$0xC880]  }
0xc7: {  	v10 =	vld [tilespmem:s26+$0xC890]  }
0xc8: {  	v11 =	vld [tilespmem:s26+$0xC800]  }
0xc9: {  	v17 =	vld [tilespmem:s26+$0xC810]  }
0xca: {  	v18 =	vld [tilespmem:s26+$0xC820]  }
0xcb: {  	v19 =	vld [tilespmem:s26+$0xC830]  }
0xcc: {  	v20 =	vld [tilespmem:s26+$0xC8A0]  }
0xcd: {  	v24 =	vld [tilespmem:s26+$0xC8B0]  }
0xce: {  	v8 =	vimm.f32 $0.0e+00;
	v7 =	vld [tilespmem:s26+$0xC950]  }
0xcf: {  	v16 =	vld [tilespmem:s26+$0xC8C0];
	v11 =	vadd.f32 v11, v8;
	v22 =	vadd.f32 v17, v8  }
0xd0: {  	v17 =	vld [tilespmem:s26+$0xC8D0];
	v23 =	vadd.f32 v18, v8;
	v25 =	vadd.f32 v19, v8  }
0xd1: {  	v18 =	vld [tilespmem:s26+$0xC840];
	v21 =	vadd.f32 v9, v11;
	v22 =	vadd.f32 v10, v22  }
0xd2: {  	v19 =	vld [tilespmem:s26+$0xC850];
	v23 =	vadd.f32 v20, v23;
	v24 =	vadd.f32 v24, v25  }
0xd3: {  	s28 =	simm.s32 $0x800;
	v20 =	vld [tilespmem:s26+$0xC860];
	v11 =	vimm.f32 $0.0e+00;
	v10 =	vimm.f32 $0.0e+00;
	v9 =	vimm.f32 $0.0e+00  }
.LBB2_7:
0xd4: {  	p0 =	sne.s32 s28, $0xC000;
	v25 =	vld [tilespmem:s26+$0xC870];
	v13 =	vadd.f32 v13, v21;
	v15 =	vadd.f32 v15, v22  }
0xd5: {  	v21 =	vld [tilespmem:s26+$0xC8E0];
	v12 =	vadd.f32 v12, v23;
	v14 =	vadd.f32 v14, v24  }
0xd6: {  	v22 =	vld [tilespmem:s26+$0xC8F0];
	v23 =	vadd.f32 v3, v13;
	v24 =	vadd.f32 v4, v15  }
0xd7: {  	v13 =	vld [tilespmem:s26+$0xC960];
	v26 =	vadd.f32 v5, v12;
	v27 =	vadd.f32 v6, v14  }
0xd8: {  	v3 =	vadd.f32 v18, v8;
	v4 =	vadd.f32 v19, v11;
	v6 =	vld [tilespmem:s26+$0xC970]  }
0xd9: {  	v5 =	vadd.f32 v20, v10;
	v8 =	vadd.f32 v25, v9;
	v9 =	vld [tilespmem:s26+$0xC9E0]  }
0xda: {  	v10 =	vadd.f32 v16, v3;
	v11 =	vadd.f32 v17, v4;
	v12 =	vld [tilespmem:s26+$0xC9F0];
	s26 =	sshra.s32 s28, $0x2  }
0xdb: {  	v14 =	vadd.f32 v21, v5;
	v3 =	vld [tilespmem:s26+$0xC980];
	v8 =	vadd.f32 v22, v8  }
0xdc: {  	v2 =	vadd.f32 v2, v10;
	v7 =	vadd.f32 v7, v11;
	v4 =	vld [tilespmem:s26+$0xC990]  }
0xdd: {  	v10 =	vadd.f32 v13, v14;
	v5 =	vld [tilespmem:s26+$0xC9A0];
	v13 =	vadd.f32 v6, v8  }
0xde: {  	v8 =	vadd.f32 v0, v2;
	v11 =	vadd.f32 v1, v7;
	v6 =	vld [tilespmem:s26+$0xC9B0]  }
0xdf: {  	v10 =	vadd.f32 v9, v10;
	v0 =	vld [tilespmem:s26+$0xC9C0];
	v9 =	vadd.f32 v12, v13  }
0xe0: {  	v1 =	vld [tilespmem:s26+$0xC9D0]  }
0xe1: {  	v13 =	vld [tilespmem:s26+$0xC900]  }
0xe2: {  	v15 =	vld [tilespmem:s26+$0xC910]  }
0xe3: {  	v12 =	vld [tilespmem:s26+$0xC920]  }
0xe4: {  	v14 =	vld [tilespmem:s26+$0xC930]  }
0xe5: {  	v2 =	vld [tilespmem:s26+$0xC940]  }
0xe6: {  	v7 =	vld [tilespmem:s26+$0xC950]  }
0xe7: {  	v20 =	vld [tilespmem:s26+$0xC880]  }
0xe8: {  	v22 =	vld [tilespmem:s26+$0xC890]  }
0xe9: {  	v17 =	vld [tilespmem:s26+$0xC800]  }
0xea: {  	v18 =	vld [tilespmem:s26+$0xC810]  }
0xeb: {  	v19 =	vld [tilespmem:s26+$0xC820]  }
0xec: {  	v21 =	vld [tilespmem:s26+$0xC830]  }
0xed: {  	v25 =	vld [tilespmem:s26+$0xC8A0]  }
0xee: {  	v28 =	vld [tilespmem:s26+$0xC8B0]  }
.Ltmp2:
0xef: {  	v16 =	vld [tilespmem:s26+$0xC8C0];
	(pc) =	sbr.rel @p0 .LBB2_7-.Ltmp2, $4  }
0xf0: {  	v23 =	vadd.f32 v17, v23;
	v24 =	vadd.f32 v18, v24;
	v17 =	vld [tilespmem:s26+$0xC8D0]  }
0xf1: {  	v26 =	vadd.f32 v19, v26;
	v27 =	vadd.f32 v21, v27;
	v18 =	vld [tilespmem:s26+$0xC840]  }
0xf2: {  	v21 =	vadd.f32 v20, v23;
	v22 =	vadd.f32 v22, v24;
	v19 =	vld [tilespmem:s26+$0xC850]  }
0xf3: {  	s28 =	sadd.s32 $0x800, s28;
	v23 =	vadd.f32 v25, v26;
	v20 =	vld [tilespmem:s26+$0xC860];
	v24 =	vadd.f32 v28, v27  }
0xf4: {  	v13 =	vadd.f32 v13, v21;
	v15 =	vadd.f32 v15, v22  }
0xf5: {  	v21 =	vld [tilespmem:s26+$0xC870];
	v12 =	vadd.f32 v12, v23;
	v14 =	vadd.f32 v14, v24  }
0xf6: {  	v22 =	vld [tilespmem:s26+$0xC8E0];
	v3 =	vadd.f32 v3, v13;
	v4 =	vadd.f32 v4, v15  }
0xf7: {  	v13 =	vld [tilespmem:s26+$0xC8F0];
	v8 =	vadd.f32 v18, v8;
	v5 =	vadd.f32 v5, v12  }
0xf8: {  	v12 =	vld [tilespmem:s26+$0xC960];
	v6 =	vadd.f32 v6, v14;
	v11 =	vadd.f32 v19, v11  }
0xf9: {  	v14 =	vld [tilespmem:s26+$0xC970];
	v10 =	vadd.f32 v20, v10;
	v8 =	vadd.f32 v16, v8  }
0xfa: {  	v15 =	vld [tilespmem:s26+$0xC9E0];
	v9 =	vadd.f32 v21, v9;
	v11 =	vadd.f32 v17, v11  }
0xfb: {  	v16 =	vld [tilespmem:s26+$0xC9F0];
	v10 =	vadd.f32 v22, v10;
	v2 =	vadd.f32 v2, v8  }
0xfc: {  	v8 =	vadd.f32 v13, v9;
	v7 =	vadd.f32 v7, v11  }
0xfd: {  	v9 =	vadd.f32 v12, v10;
	v0 =	vadd.f32 v0, v2  }
0xfe: {  	v2 =	vadd.f32 v14, v8;
	v1 =	vadd.f32 v1, v7  }
0xff: {  	v7 =	vadd.f32 v15, v9;
	v0 =	vadd.f32 v0, v3  }
0x100: {  	v2 =	vadd.f32 v16, v2;
	v1 =	vadd.f32 v1, v4  }
0x101: {  	v0 =	vmul.f32 $4.999999890e-03, v0;
	v3 =	vadd.f32 v7, v5  }
0x102: {  	v1 =	vmul.f32 $4.999999890e-03, v1;
	v2 =	vadd.f32 v2, v6  }
0x103: {  	[tilespmem:s24+$0x19080] =	vst v0;
	v0 =	vmul.f32 $4.999999890e-03, v3  }
0x104: {  	[tilespmem:s24+$0x19090] =	vst v1;
	v1 =	vmul.f32 $4.999999890e-03, v2  }
0x105: {  	[tilespmem:s24+$0x190A0] =	vst v0  }
0x106: {  	s26 =	simm.s32 $0x0;
	[tilespmem:s24+$0x190B0] =	vst v1  }
0x107: {  	v3 =	vld [tilespmem:s26+$0xFB80]  }
0x108: {  	v4 =	vld [tilespmem:s26+$0xFB90]  }
0x109: {  	v5 =	vld [tilespmem:s26+$0xFBA0]  }
0x10a: {  	v6 =	vld [tilespmem:s26+$0xFBB0]  }
0x10b: {  	v0 =	vld [tilespmem:s26+$0xFBC0]  }
0x10c: {  	v1 =	vld [tilespmem:s26+$0xFBD0]  }
0x10d: {  	v13 =	vld [tilespmem:s26+$0xFB00]  }
0x10e: {  	v15 =	vld [tilespmem:s26+$0xFB10]  }
0x10f: {  	v12 =	vld [tilespmem:s26+$0xFB20]  }
0x110: {  	v14 =	vld [tilespmem:s26+$0xFB30]  }
0x111: {  	v2 =	vld [tilespmem:s26+$0xFB40]  }
0x112: {  	v9 =	vld [tilespmem:s26+$0xFA80]  }
0x113: {  	v10 =	vld [tilespmem:s26+$0xFA90]  }
0x114: {  	v11 =	vld [tilespmem:s26+$0xFA00]  }
0x115: {  	v17 =	vld [tilespmem:s26+$0xFA10]  }
0x116: {  	v18 =	vld [tilespmem:s26+$0xFA20]  }
0x117: {  	v19 =	vld [tilespmem:s26+$0xFA30]  }
0x118: {  	v20 =	vld [tilespmem:s26+$0xFAA0]  }
0x119: {  	v24 =	vld [tilespmem:s26+$0xFAB0]  }
0x11a: {  	v8 =	vimm.f32 $0.0e+00;
	v7 =	vld [tilespmem:s26+$0xFB50]  }
0x11b: {  	v16 =	vld [tilespmem:s26+$0xFAC0];
	v11 =	vadd.f32 v11, v8;
	v22 =	vadd.f32 v17, v8  }
0x11c: {  	v17 =	vld [tilespmem:s26+$0xFAD0];
	v23 =	vadd.f32 v18, v8;
	v25 =	vadd.f32 v19, v8  }
0x11d: {  	v18 =	vld [tilespmem:s26+$0xFA40];
	v21 =	vadd.f32 v9, v11;
	v22 =	vadd.f32 v10, v22  }
0x11e: {  	v19 =	vld [tilespmem:s26+$0xFA50];
	v23 =	vadd.f32 v20, v23;
	v24 =	vadd.f32 v24, v25  }
0x11f: {  	s28 =	simm.s32 $0x800;
	v20 =	vld [tilespmem:s26+$0xFA60];
	v11 =	vimm.f32 $0.0e+00;
	v10 =	vimm.f32 $0.0e+00;
	v9 =	vimm.f32 $0.0e+00  }
.LBB2_9:
0x120: {  	p0 =	sne.s32 s28, $0xC000;
	v25 =	vld [tilespmem:s26+$0xFA70];
	v13 =	vadd.f32 v13, v21;
	v15 =	vadd.f32 v15, v22  }
0x121: {  	v21 =	vld [tilespmem:s26+$0xFAE0];
	v12 =	vadd.f32 v12, v23;
	v14 =	vadd.f32 v14, v24  }
0x122: {  	v22 =	vld [tilespmem:s26+$0xFAF0];
	v23 =	vadd.f32 v3, v13;
	v24 =	vadd.f32 v4, v15  }
0x123: {  	v13 =	vld [tilespmem:s26+$0xFB60];
	v26 =	vadd.f32 v5, v12;
	v27 =	vadd.f32 v6, v14  }
0x124: {  	v3 =	vadd.f32 v18, v8;
	v4 =	vadd.f32 v19, v11;
	v6 =	vld [tilespmem:s26+$0xFB70]  }
0x125: {  	v5 =	vadd.f32 v20, v10;
	v8 =	vadd.f32 v25, v9;
	v9 =	vld [tilespmem:s26+$0xFBE0]  }
0x126: {  	v10 =	vadd.f32 v16, v3;
	v11 =	vadd.f32 v17, v4;
	v12 =	vld [tilespmem:s26+$0xFBF0];
	s26 =	sshra.s32 s28, $0x2  }
0x127: {  	v14 =	vadd.f32 v21, v5;
	v3 =	vld [tilespmem:s26+$0xFB80];
	v8 =	vadd.f32 v22, v8  }
0x128: {  	v2 =	vadd.f32 v2, v10;
	v7 =	vadd.f32 v7, v11;
	v4 =	vld [tilespmem:s26+$0xFB90]  }
0x129: {  	v10 =	vadd.f32 v13, v14;
	v5 =	vld [tilespmem:s26+$0xFBA0];
	v13 =	vadd.f32 v6, v8  }
0x12a: {  	v8 =	vadd.f32 v0, v2;
	v11 =	vadd.f32 v1, v7;
	v6 =	vld [tilespmem:s26+$0xFBB0]  }
0x12b: {  	v10 =	vadd.f32 v9, v10;
	v0 =	vld [tilespmem:s26+$0xFBC0];
	v9 =	vadd.f32 v12, v13  }
0x12c: {  	v1 =	vld [tilespmem:s26+$0xFBD0]  }
0x12d: {  	v13 =	vld [tilespmem:s26+$0xFB00]  }
0x12e: {  	v15 =	vld [tilespmem:s26+$0xFB10]  }
0x12f: {  	v12 =	vld [tilespmem:s26+$0xFB20]  }
0x130: {  	v14 =	vld [tilespmem:s26+$0xFB30]  }
0x131: {  	v2 =	vld [tilespmem:s26+$0xFB40]  }
0x132: {  	v7 =	vld [tilespmem:s26+$0xFB50]  }
0x133: {  	v20 =	vld [tilespmem:s26+$0xFA80]  }
0x134: {  	v22 =	vld [tilespmem:s26+$0xFA90]  }
0x135: {  	v17 =	vld [tilespmem:s26+$0xFA00]  }
0x136: {  	v18 =	vld [tilespmem:s26+$0xFA10]  }
0x137: {  	v19 =	vld [tilespmem:s26+$0xFA20]  }
0x138: {  	v21 =	vld [tilespmem:s26+$0xFA30]  }
0x139: {  	v25 =	vld [tilespmem:s26+$0xFAA0]  }
0x13a: {  	v28 =	vld [tilespmem:s26+$0xFAB0]  }
.Ltmp3:
0x13b: {  	v16 =	vld [tilespmem:s26+$0xFAC0];
	(pc) =	sbr.rel @p0 .LBB2_9-.Ltmp3, $4  }
0x13c: {  	v23 =	vadd.f32 v17, v23;
	v24 =	vadd.f32 v18, v24;
	v17 =	vld [tilespmem:s26+$0xFAD0]  }
0x13d: {  	v26 =	vadd.f32 v19, v26;
	v27 =	vadd.f32 v21, v27;
	v18 =	vld [tilespmem:s26+$0xFA40]  }
0x13e: {  	v21 =	vadd.f32 v20, v23;
	v22 =	vadd.f32 v22, v24;
	v19 =	vld [tilespmem:s26+$0xFA50]  }
0x13f: {  	s28 =	sadd.s32 $0x800, s28;
	v23 =	vadd.f32 v25, v26;
	v20 =	vld [tilespmem:s26+$0xFA60];
	v24 =	vadd.f32 v28, v27  }
0x140: {  	v13 =	vadd.f32 v13, v21;
	v15 =	vadd.f32 v15, v22  }
0x141: {  	v21 =	vld [tilespmem:s26+$0xFA70];
	v12 =	vadd.f32 v12, v23;
	v14 =	vadd.f32 v14, v24  }
0x142: {  	v22 =	vld [tilespmem:s26+$0xFAE0];
	v3 =	vadd.f32 v3, v13;
	v4 =	vadd.f32 v4, v15  }
0x143: {  	v13 =	vld [tilespmem:s26+$0xFAF0];
	v8 =	vadd.f32 v18, v8;
	v5 =	vadd.f32 v5, v12  }
0x144: {  	v12 =	vld [tilespmem:s26+$0xFB60];
	v6 =	vadd.f32 v6, v14;
	v11 =	vadd.f32 v19, v11  }
0x145: {  	v14 =	vld [tilespmem:s26+$0xFB70];
	v10 =	vadd.f32 v20, v10;
	v8 =	vadd.f32 v16, v8  }
0x146: {  	v15 =	vld [tilespmem:s26+$0xFBE0];
	v9 =	vadd.f32 v21, v9;
	v11 =	vadd.f32 v17, v11  }
0x147: {  	v16 =	vld [tilespmem:s26+$0xFBF0];
	v10 =	vadd.f32 v22, v10;
	v2 =	vadd.f32 v2, v8  }
0x148: {  	v8 =	vadd.f32 v13, v9;
	v7 =	vadd.f32 v7, v11  }
0x149: {  	v9 =	vadd.f32 v12, v10;
	v0 =	vadd.f32 v0, v2  }
0x14a: {  	v2 =	vadd.f32 v14, v8;
	v1 =	vadd.f32 v1, v7  }
0x14b: {  	v7 =	vadd.f32 v15, v9;
	v0 =	vadd.f32 v0, v3  }
0x14c: {  	v2 =	vadd.f32 v16, v2;
	v1 =	vadd.f32 v1, v4  }
0x14d: {  	v0 =	vmul.f32 $4.999999890e-03, v0;
	v3 =	vadd.f32 v7, v5  }
0x14e: {  	v1 =	vmul.f32 $4.999999890e-03, v1;
	v2 =	vadd.f32 v2, v6  }
0x14f: {  	[tilespmem:s24+$0x190C0] =	vst v0;
	v0 =	vmul.f32 $4.999999890e-03, v3  }
0x150: {  	[tilespmem:s24+$0x190D0] =	vst v1;
	v1 =	vmul.f32 $4.999999890e-03, v2  }
0x151: {  	[tilespmem:s24+$0x190E0] =	vst v0  }
0x152: {  	s31 =	sadd.s32 $0x640, s25;
	[tilespmem:s24+$0x190F0] =	vst v1  }
0x153: {  	[tilespmem:s13], [sflag:$0x3] =	stream.indirect.gather [hbm4b:s3+s11], $0x40, s31, s11, $0xb8;
	[tilespmem:$0x1B000] =	vst v63  }
0x154: {  	_ =	swait.ge [sflag:s18], $0x6400  }
0x155: {  	[sflag:s18] =	ssyncset.done $0x0  }
0x156: {  	s26 =	simm.s32 $0x0;
	[sflag:s18] =	ssyncadd.s32 $0xFFFF9C00  }
0x157: {  	v3 =	vld [tilespmem:s26+$0x12D80]  }
0x158: {  	v4 =	vld [tilespmem:s26+$0x12D90]  }
0x159: {  	v5 =	vld [tilespmem:s26+$0x12DA0]  }
0x15a: {  	v6 =	vld [tilespmem:s26+$0x12DB0]  }
0x15b: {  	v0 =	vld [tilespmem:s26+$0x12DC0]  }
0x15c: {  	v1 =	vld [tilespmem:s26+$0x12DD0]  }
0x15d: {  	v13 =	vld [tilespmem:s26+$0x12D00]  }
0x15e: {  	v15 =	vld [tilespmem:s26+$0x12D10]  }
0x15f: {  	v12 =	vld [tilespmem:s26+$0x12D20]  }
0x160: {  	v14 =	vld [tilespmem:s26+$0x12D30]  }
0x161: {  	v2 =	vld [tilespmem:s26+$0x12D40]  }
0x162: {  	v9 =	vld [tilespmem:s26+$0x12C80]  }
0x163: {  	v10 =	vld [tilespmem:s26+$0x12C90]  }
0x164: {  	v11 =	vld [tilespmem:s26+$0x12C00]  }
0x165: {  	v17 =	vld [tilespmem:s26+$0x12C10]  }
0x166: {  	v18 =	vld [tilespmem:s26+$0x12C20]  }
0x167: {  	v19 =	vld [tilespmem:s26+$0x12C30]  }
0x168: {  	v20 =	vld [tilespmem:s26+$0x12CA0]  }
0x169: {  	v24 =	vld [tilespmem:s26+$0x12CB0]  }
0x16a: {  	v8 =	vimm.f32 $0.0e+00;
	v7 =	vld [tilespmem:s26+$0x12D50]  }
0x16b: {  	v16 =	vld [tilespmem:s26+$0x12CC0];
	v11 =	vadd.f32 v11, v8;
	v22 =	vadd.f32 v17, v8  }
0x16c: {  	v17 =	vld [tilespmem:s26+$0x12CD0];
	v23 =	vadd.f32 v18, v8;
	v25 =	vadd.f32 v19, v8  }
0x16d: {  	v18 =	vld [tilespmem:s26+$0x12C40];
	v21 =	vadd.f32 v9, v11;
	v22 =	vadd.f32 v10, v22  }
0x16e: {  	v19 =	vld [tilespmem:s26+$0x12C50];
	v23 =	vadd.f32 v20, v23;
	v24 =	vadd.f32 v24, v25  }
0x16f: {  	s28 =	simm.s32 $0x800;
	v20 =	vld [tilespmem:s26+$0x12C60];
	v11 =	vimm.f32 $0.0e+00;
	v10 =	vimm.f32 $0.0e+00;
	v9 =	vimm.f32 $0.0e+00  }
.LBB2_11:
0x170: {  	p0 =	sne.s32 s28, $0xC000;
	v25 =	vld [tilespmem:s26+$0x12C70];
	v13 =	vadd.f32 v13, v21;
	v15 =	vadd.f32 v15, v22  }
0x171: {  	v21 =	vld [tilespmem:s26+$0x12CE0];
	v12 =	vadd.f32 v12, v23;
	v14 =	vadd.f32 v14, v24  }
0x172: {  	v22 =	vld [tilespmem:s26+$0x12CF0];
	v23 =	vadd.f32 v3, v13;
	v24 =	vadd.f32 v4, v15  }
0x173: {  	v13 =	vld [tilespmem:s26+$0x12D60];
	v26 =	vadd.f32 v5, v12;
	v27 =	vadd.f32 v6, v14  }
0x174: {  	v3 =	vadd.f32 v18, v8;
	v4 =	vadd.f32 v19, v11;
	v6 =	vld [tilespmem:s26+$0x12D70]  }
0x175: {  	v5 =	vadd.f32 v20, v10;
	v8 =	vadd.f32 v25, v9;
	v9 =	vld [tilespmem:s26+$0x12DE0]  }
0x176: {  	v10 =	vadd.f32 v16, v3;
	v11 =	vadd.f32 v17, v4;
	v12 =	vld [tilespmem:s26+$0x12DF0];
	s26 =	sshra.s32 s28, $0x2  }
0x177: {  	v14 =	vadd.f32 v21, v5;
	v3 =	vld [tilespmem:s26+$0x12D80];
	v8 =	vadd.f32 v22, v8  }
0x178: {  	v2 =	vadd.f32 v2, v10;
	v7 =	vadd.f32 v7, v11;
	v4 =	vld [tilespmem:s26+$0x12D90]  }
0x179: {  	v10 =	vadd.f32 v13, v14;
	v5 =	vld [tilespmem:s26+$0x12DA0];
	v13 =	vadd.f32 v6, v8  }
0x17a: {  	v8 =	vadd.f32 v0, v2;
	v11 =	vadd.f32 v1, v7;
	v6 =	vld [tilespmem:s26+$0x12DB0]  }
0x17b: {  	v10 =	vadd.f32 v9, v10;
	v0 =	vld [tilespmem:s26+$0x12DC0];
	v9 =	vadd.f32 v12, v13  }
0x17c: {  	v1 =	vld [tilespmem:s26+$0x12DD0]  }
0x17d: {  	v13 =	vld [tilespmem:s26+$0x12D00]  }
0x17e: {  	v15 =	vld [tilespmem:s26+$0x12D10]  }
0x17f: {  	v12 =	vld [tilespmem:s26+$0x12D20]  }
0x180: {  	v14 =	vld [tilespmem:s26+$0x12D30]  }
0x181: {  	v2 =	vld [tilespmem:s26+$0x12D40]  }
0x182: {  	v7 =	vld [tilespmem:s26+$0x12D50]  }
0x183: {  	v20 =	vld [tilespmem:s26+$0x12C80]  }
0x184: {  	v22 =	vld [tilespmem:s26+$0x12C90]  }
0x185: {  	v17 =	vld [tilespmem:s26+$0x12C00]  }
0x186: {  	v18 =	vld [tilespmem:s26+$0x12C10]  }
0x187: {  	v19 =	vld [tilespmem:s26+$0x12C20]  }
0x188: {  	v21 =	vld [tilespmem:s26+$0x12C30]  }
0x189: {  	v25 =	vld [tilespmem:s26+$0x12CA0]  }
0x18a: {  	v28 =	vld [tilespmem:s26+$0x12CB0]  }
.Ltmp4:
0x18b: {  	v16 =	vld [tilespmem:s26+$0x12CC0];
	(pc) =	sbr.rel @p0 .LBB2_11-.Ltmp4, $4  }
0x18c: {  	v23 =	vadd.f32 v17, v23;
	v24 =	vadd.f32 v18, v24;
	v17 =	vld [tilespmem:s26+$0x12CD0]  }
0x18d: {  	v26 =	vadd.f32 v19, v26;
	v27 =	vadd.f32 v21, v27;
	v18 =	vld [tilespmem:s26+$0x12C40]  }
0x18e: {  	v21 =	vadd.f32 v20, v23;
	v22 =	vadd.f32 v22, v24;
	v19 =	vld [tilespmem:s26+$0x12C50]  }
0x18f: {  	s28 =	sadd.s32 $0x800, s28;
	v23 =	vadd.f32 v25, v26;
	v20 =	vld [tilespmem:s26+$0x12C60];
	v24 =	vadd.f32 v28, v27  }
0x190: {  	v13 =	vadd.f32 v13, v21;
	v15 =	vadd.f32 v15, v22  }
0x191: {  	v21 =	vld [tilespmem:s26+$0x12C70];
	v12 =	vadd.f32 v12, v23;
	v14 =	vadd.f32 v14, v24  }
0x192: {  	v22 =	vld [tilespmem:s26+$0x12CE0];
	v3 =	vadd.f32 v3, v13;
	v4 =	vadd.f32 v4, v15  }
0x193: {  	v13 =	vld [tilespmem:s26+$0x12CF0];
	v8 =	vadd.f32 v18, v8;
	v5 =	vadd.f32 v5, v12  }
0x194: {  	v12 =	vld [tilespmem:s26+$0x12D60];
	v6 =	vadd.f32 v6, v14;
	v11 =	vadd.f32 v19, v11  }
0x195: {  	v14 =	vld [tilespmem:s26+$0x12D70];
	v10 =	vadd.f32 v20, v10;
	v8 =	vadd.f32 v16, v8  }
0x196: {  	v15 =	vld [tilespmem:s26+$0x12DE0];
	v9 =	vadd.f32 v21, v9;
	v11 =	vadd.f32 v17, v11  }
0x197: {  	v16 =	vld [tilespmem:s26+$0x12DF0];
	v10 =	vadd.f32 v22, v10;
	v2 =	vadd.f32 v2, v8  }
0x198: {  	v8 =	vadd.f32 v13, v9;
	v7 =	vadd.f32 v7, v11  }
0x199: {  	v9 =	vadd.f32 v12, v10;
	v0 =	vadd.f32 v0, v2  }
0x19a: {  	v2 =	vadd.f32 v14, v8;
	v1 =	vadd.f32 v1, v7  }
0x19b: {  	v7 =	vadd.f32 v15, v9;
	v0 =	vadd.f32 v0, v3  }
0x19c: {  	v2 =	vadd.f32 v16, v2;
	v1 =	vadd.f32 v1, v4  }
0x19d: {  	v0 =	vmul.f32 $4.999999890e-03, v0;
	v3 =	vadd.f32 v7, v5  }
0x19e: {  	v1 =	vmul.f32 $4.999999890e-03, v1;
	v2 =	vadd.f32 v2, v6  }
0x19f: {  	[tilespmem:s24+$0x19100] =	vst v0;
	v0 =	vmul.f32 $4.999999890e-03, v3  }
0x1a0: {  	[tilespmem:s24+$0x19110] =	vst v1;
	v1 =	vmul.f32 $4.999999890e-03, v2  }
0x1a1: {  	[tilespmem:s24+$0x19120] =	vst v0  }
0x1a2: {  	s26 =	simm.s32 $0x0;
	[tilespmem:s24+$0x19130] =	vst v1  }
0x1a3: {  	v3 =	vld [tilespmem:s26+$0x15F80]  }
0x1a4: {  	v4 =	vld [tilespmem:s26+$0x15F90]  }
0x1a5: {  	v5 =	vld [tilespmem:s26+$0x15FA0]  }
0x1a6: {  	v6 =	vld [tilespmem:s26+$0x15FB0]  }
0x1a7: {  	v0 =	vld [tilespmem:s26+$0x15FC0]  }
0x1a8: {  	v1 =	vld [tilespmem:s26+$0x15FD0]  }
0x1a9: {  	v13 =	vld [tilespmem:s26+$0x15F00]  }
0x1aa: {  	v15 =	vld [tilespmem:s26+$0x15F10]  }
0x1ab: {  	v12 =	vld [tilespmem:s26+$0x15F20]  }
0x1ac: {  	v14 =	vld [tilespmem:s26+$0x15F30]  }
0x1ad: {  	v2 =	vld [tilespmem:s26+$0x15F40]  }
0x1ae: {  	v9 =	vld [tilespmem:s26+$0x15E80]  }
0x1af: {  	v10 =	vld [tilespmem:s26+$0x15E90]  }
0x1b0: {  	v11 =	vld [tilespmem:s26+$0x15E00]  }
0x1b1: {  	v17 =	vld [tilespmem:s26+$0x15E10]  }
0x1b2: {  	v18 =	vld [tilespmem:s26+$0x15E20]  }
0x1b3: {  	v19 =	vld [tilespmem:s26+$0x15E30]  }
0x1b4: {  	v20 =	vld [tilespmem:s26+$0x15EA0]  }
0x1b5: {  	v24 =	vld [tilespmem:s26+$0x15EB0]  }
0x1b6: {  	v8 =	vimm.f32 $0.0e+00;
	v7 =	vld [tilespmem:s26+$0x15F50]  }
0x1b7: {  	v16 =	vld [tilespmem:s26+$0x15EC0];
	v11 =	vadd.f32 v11, v8;
	v22 =	vadd.f32 v17, v8  }
0x1b8: {  	v17 =	vld [tilespmem:s26+$0x15ED0];
	v23 =	vadd.f32 v18, v8;
	v25 =	vadd.f32 v19, v8  }
0x1b9: {  	v18 =	vld [tilespmem:s26+$0x15E40];
	v21 =	vadd.f32 v9, v11;
	v22 =	vadd.f32 v10, v22  }
0x1ba: {  	v19 =	vld [tilespmem:s26+$0x15E50];
	v23 =	vadd.f32 v20, v23;
	v24 =	vadd.f32 v24, v25  }
0x1bb: {  	s28 =	simm.s32 $0x800;
	v20 =	vld [tilespmem:s26+$0x15E60];
	v11 =	vimm.f32 $0.0e+00;
	v10 =	vimm.f32 $0.0e+00;
	v9 =	vimm.f32 $0.0e+00  }
.LBB2_13:
0x1bc: {  	p0 =	sne.s32 s28, $0xC000;
	v25 =	vld [tilespmem:s26+$0x15E70];
	v13 =	vadd.f32 v13, v21;
	v15 =	vadd.f32 v15, v22  }
0x1bd: {  	v21 =	vld [tilespmem:s26+$0x15EE0];
	v12 =	vadd.f32 v12, v23;
	v14 =	vadd.f32 v14, v24  }
0x1be: {  	v22 =	vld [tilespmem:s26+$0x15EF0];
	v23 =	vadd.f32 v3, v13;
	v24 =	vadd.f32 v4, v15  }
0x1bf: {  	v13 =	vld [tilespmem:s26+$0x15F60];
	v26 =	vadd.f32 v5, v12;
	v27 =	vadd.f32 v6, v14  }
0x1c0: {  	v3 =	vadd.f32 v18, v8;
	v4 =	vadd.f32 v19, v11;
	v6 =	vld [tilespmem:s26+$0x15F70]  }
0x1c1: {  	v5 =	vadd.f32 v20, v10;
	v8 =	vadd.f32 v25, v9;
	v9 =	vld [tilespmem:s26+$0x15FE0]  }
0x1c2: {  	v10 =	vadd.f32 v16, v3;
	v11 =	vadd.f32 v17, v4;
	v12 =	vld [tilespmem:s26+$0x15FF0];
	s26 =	sshra.s32 s28, $0x2  }
0x1c3: {  	v14 =	vadd.f32 v21, v5;
	v3 =	vld [tilespmem:s26+$0x15F80];
	v8 =	vadd.f32 v22, v8  }
0x1c4: {  	v2 =	vadd.f32 v2, v10;
	v7 =	vadd.f32 v7, v11;
	v4 =	vld [tilespmem:s26+$0x15F90]  }
0x1c5: {  	v10 =	vadd.f32 v13, v14;
	v5 =	vld [tilespmem:s26+$0x15FA0];
	v13 =	vadd.f32 v6, v8  }
0x1c6: {  	v8 =	vadd.f32 v0, v2;
	v11 =	vadd.f32 v1, v7;
	v6 =	vld [tilespmem:s26+$0x15FB0]  }
0x1c7: {  	v10 =	vadd.f32 v9, v10;
	v0 =	vld [tilespmem:s26+$0x15FC0];
	v9 =	vadd.f32 v12, v13  }
0x1c8: {  	v1 =	vld [tilespmem:s26+$0x15FD0]  }
0x1c9: {  	v13 =	vld [tilespmem:s26+$0x15F00]  }
0x1ca: {  	v15 =	vld [tilespmem:s26+$0x15F10]  }
0x1cb: {  	v12 =	vld [tilespmem:s26+$0x15F20]  }
0x1cc: {  	v14 =	vld [tilespmem:s26+$0x15F30]  }
0x1cd: {  	v2 =	vld [tilespmem:s26+$0x15F40]  }
0x1ce: {  	v7 =	vld [tilespmem:s26+$0x15F50]  }
0x1cf: {  	v20 =	vld [tilespmem:s26+$0x15E80]  }
0x1d0: {  	v22 =	vld [tilespmem:s26+$0x15E90]  }
0x1d1: {  	v17 =	vld [tilespmem:s26+$0x15E00]  }
0x1d2: {  	v18 =	vld [tilespmem:s26+$0x15E10]  }
0x1d3: {  	v19 =	vld [tilespmem:s26+$0x15E20]  }
0x1d4: {  	v21 =	vld [tilespmem:s26+$0x15E30]  }
0x1d5: {  	v25 =	vld [tilespmem:s26+$0x15EA0]  }
0x1d6: {  	v28 =	vld [tilespmem:s26+$0x15EB0]  }
.Ltmp5:
0x1d7: {  	v16 =	vld [tilespmem:s26+$0x15EC0];
	(pc) =	sbr.rel @p0 .LBB2_13-.Ltmp5, $4  }
0x1d8: {  	v23 =	vadd.f32 v17, v23;
	v24 =	vadd.f32 v18, v24;
	v17 =	vld [tilespmem:s26+$0x15ED0]  }
0x1d9: {  	v26 =	vadd.f32 v19, v26;
	v27 =	vadd.f32 v21, v27;
	v18 =	vld [tilespmem:s26+$0x15E40]  }
0x1da: {  	v21 =	vadd.f32 v20, v23;
	v22 =	vadd.f32 v22, v24;
	v19 =	vld [tilespmem:s26+$0x15E50]  }
0x1db: {  	s28 =	sadd.s32 $0x800, s28;
	v23 =	vadd.f32 v25, v26;
	v20 =	vld [tilespmem:s26+$0x15E60];
	v24 =	vadd.f32 v28, v27  }
0x1dc: {  	v13 =	vadd.f32 v13, v21;
	v15 =	vadd.f32 v15, v22  }
0x1dd: {  	v50 =	vld [tilespmem:s26+$0x15E70];
	v12 =	vadd.f32 v12, v23;
	v14 =	vadd.f32 v14, v24  }
0x1de: {  	v51 =	vld [tilespmem:s26+$0x15EE0];
	v3 =	vadd.f32 v3, v13;
	v4 =	vadd.f32 v4, v15  }
0x1df: {  	v52 =	vld [tilespmem:s26+$0x15EF0];
	v8 =	vadd.f32 v18, v8;
	v5 =	vadd.f32 v5, v12  }
0x1e0: {  	v53 =	vld [tilespmem:s26+$0x15F60];
	v6 =	vadd.f32 v6, v14;
	v11 =	vadd.f32 v19, v11  }
0x1e1: {  	v54 =	vld [tilespmem:s26+$0x15F70];
	v10 =	vadd.f32 v20, v10;
	v8 =	vadd.f32 v16, v8  }
0x1e2: {  	v55 =	vld [tilespmem:s26+$0x15FE0];
	v9 =	vadd.f32 v50, v9;
	v11 =	vadd.f32 v17, v11  }
0x1e3: {  	v56 =	vld [tilespmem:s26+$0x15FF0];
	v10 =	vadd.f32 v51, v10;
	v2 =	vadd.f32 v2, v8  }
0x1e4: {  	v57 =	vadd.f32 v52, v9;
	v7 =	vadd.f32 v7, v11  }
0x1e5: {  	v58 =	vadd.f32 v53, v10;
	v0 =	vadd.f32 v0, v2  }
0x1e6: {  	v59 =	vadd.f32 v54, v57;
	v1 =	vadd.f32 v1, v7  }
0x1e7: {  	v60 =	vadd.f32 v55, v58;
	v0 =	vadd.f32 v0, v3  }
0x1e8: {  	v2 =	vadd.f32 v56, v59;
	v1 =	vadd.f32 v1, v4  }
0x1e9: {  	s23 =	sadd.s32 $0x1, s23;
	v0 =	vmul.f32 $4.999999890e-03, v0;
	v61 =	vadd.f32 v60, v5  }
0x1ea: {  	p0 =	sne.s32 s23, $0xA;
	v1 =	vmul.f32 $4.999999890e-03, v1;
	v2 =	vadd.f32 v2, v6  }
.Ltmp6:
0x1eb: {  	[tilespmem:s24+$0x19140] =	vst v0;
	v62 =	vmul.f32 $4.999999890e-03, v61;
	(pc) =	sbr.rel @p0 .LBB2_2-.Ltmp6, $4  }
0x1ec: {  	[tilespmem:s24+$0x19150] =	vst v1;
	v63 =	vmul.f32 $4.999999890e-03, v2  }
0x1ed: {  	[tilespmem:s24+$0x19160] =	vst v62  }
0x1ee: {  	s31 =	sadd.s32 $0x7D0, s25;
	[tilespmem:s24+$0x19170] =	vst v63  }
0x1ef: {  	[tilespmem:s15], [sflag:$0x4] =	stream.indirect.gather [hbm4b:s3+s11], $0x40, s31, s11, $0xb8;
	[tilespmem:$0x1B000] =	vst v63  }
0x1f0: {  	[hbm4b:s4+s2] =	stream.linear.scatter [tilespmem:s19], [sflag:$0x5], $0xF00, $0x38;
	[tilespmem:$0x1B000] =	vst v63  }
0x1f1: {  	s23 =	simm.s32 $0xA  }
.LBB2_16:
0x1f2: {  	_ =	swait.ge [sflag:s16], $0x6400  }
0x1f3: {  	[sflag:s16] =	ssyncset.done $0x0  }
0x1f4: {  	s24 =	simm.s32 $0x0;
	[sflag:s16] =	ssyncadd.s32 $0xFFFF9C00  }
0x1f5: {  	v3 =	vld [tilespmem:s24+$0x6580]  }
0x1f6: {  	v4 =	vld [tilespmem:s24+$0x6590]  }
0x1f7: {  	v5 =	vld [tilespmem:s24+$0x65A0]  }
0x1f8: {  	v6 =	vld [tilespmem:s24+$0x65B0]  }
0x1f9: {  	v0 =	vld [tilespmem:s24+$0x65C0]  }
0x1fa: {  	v1 =	vld [tilespmem:s24+$0x65D0]  }
0x1fb: {  	v13 =	vld [tilespmem:s24+$0x6500]  }
0x1fc: {  	v15 =	vld [tilespmem:s24+$0x6510]  }
0x1fd: {  	v12 =	vld [tilespmem:s24+$0x6520]  }
0x1fe: {  	v14 =	vld [tilespmem:s24+$0x6530]  }
0x1ff: {  	v2 =	vld [tilespmem:s24+$0x6540]  }
0x200: {  	v9 =	vld [tilespmem:s24+$0x6480]  }
0x201: {  	v10 =	vld [tilespmem:s24+$0x6490]  }
0x202: {  	v11 =	vld [tilespmem:s24+$0x6400]  }
0x203: {  	v17 =	vld [tilespmem:s24+$0x6410]  }
0x204: {  	v18 =	vld [tilespmem:s24+$0x6420]  }
0x205: {  	v19 =	vld [tilespmem:s24+$0x6430]  }
0x206: {  	v20 =	vld [tilespmem:s24+$0x64A0]  }
0x207: {  	v24 =	vld [tilespmem:s24+$0x64B0]  }
0x208: {  	v8 =	vimm.f32 $0.0e+00;
	v7 =	vld [tilespmem:s24+$0x6550]  }
0x209: {  	v16 =	vld [tilespmem:s24+$0x64C0];
	v11 =	vadd.f32 v11, v8;
	v22 =	vadd.f32 v17, v8  }
0x20a: {  	v17 =	vld [tilespmem:s24+$0x64D0];
	v23 =	vadd.f32 v18, v8;
	v25 =	vadd.f32 v19, v8  }
0x20b: {  	v18 =	vld [tilespmem:s24+$0x6440];
	v21 =	vadd.f32 v9, v11;
	v22 =	vadd.f32 v10, v22  }
0x20c: {  	v19 =	vld [tilespmem:s24+$0x6450];
	v23 =	vadd.f32 v20, v23;
	v24 =	vadd.f32 v24, v25  }
0x20d: {  	s25 =	simm.s32 $0x800;
	v20 =	vld [tilespmem:s24+$0x6460];
	v11 =	vimm.f32 $0.0e+00;
	v10 =	vimm.f32 $0.0e+00;
	v9 =	vimm.f32 $0.0e+00  }
.LBB2_17:
0x20e: {  	p0 =	sne.s32 s25, $0xC000;
	v25 =	vld [tilespmem:s24+$0x6470];
	v13 =	vadd.f32 v13, v21;
	v15 =	vadd.f32 v15, v22  }
0x20f: {  	v21 =	vld [tilespmem:s24+$0x64E0];
	v12 =	vadd.f32 v12, v23;
	v14 =	vadd.f32 v14, v24  }
0x210: {  	v22 =	vld [tilespmem:s24+$0x64F0];
	v23 =	vadd.f32 v3, v13;
	v24 =	vadd.f32 v4, v15  }
0x211: {  	v13 =	vld [tilespmem:s24+$0x6560];
	v26 =	vadd.f32 v5, v12;
	v27 =	vadd.f32 v6, v14  }
0x212: {  	v3 =	vadd.f32 v18, v8;
	v4 =	vadd.f32 v19, v11;
	v6 =	vld [tilespmem:s24+$0x6570]  }
0x213: {  	v5 =	vadd.f32 v20, v10;
	v8 =	vadd.f32 v25, v9;
	v9 =	vld [tilespmem:s24+$0x65E0]  }
0x214: {  	v10 =	vadd.f32 v16, v3;
	v11 =	vadd.f32 v17, v4;
	v12 =	vld [tilespmem:s24+$0x65F0];
	s24 =	sshra.s32 s25, $0x2  }
0x215: {  	v14 =	vadd.f32 v21, v5;
	v3 =	vld [tilespmem:s24+$0x6580];
	v8 =	vadd.f32 v22, v8  }
0x216: {  	v2 =	vadd.f32 v2, v10;
	v7 =	vadd.f32 v7, v11;
	v4 =	vld [tilespmem:s24+$0x6590]  }
0x217: {  	v10 =	vadd.f32 v13, v14;
	v5 =	vld [tilespmem:s24+$0x65A0];
	v13 =	vadd.f32 v6, v8  }
0x218: {  	v8 =	vadd.f32 v0, v2;
	v11 =	vadd.f32 v1, v7;
	v6 =	vld [tilespmem:s24+$0x65B0]  }
0x219: {  	v10 =	vadd.f32 v9, v10;
	v0 =	vld [tilespmem:s24+$0x65C0];
	v9 =	vadd.f32 v12, v13  }
0x21a: {  	v1 =	vld [tilespmem:s24+$0x65D0]  }
0x21b: {  	v13 =	vld [tilespmem:s24+$0x6500]  }
0x21c: {  	v15 =	vld [tilespmem:s24+$0x6510]  }
0x21d: {  	v12 =	vld [tilespmem:s24+$0x6520]  }
0x21e: {  	v14 =	vld [tilespmem:s24+$0x6530]  }
0x21f: {  	v2 =	vld [tilespmem:s24+$0x6540]  }
0x220: {  	v7 =	vld [tilespmem:s24+$0x6550]  }
0x221: {  	v20 =	vld [tilespmem:s24+$0x6480]  }
0x222: {  	v22 =	vld [tilespmem:s24+$0x6490]  }
0x223: {  	v17 =	vld [tilespmem:s24+$0x6400]  }
0x224: {  	v18 =	vld [tilespmem:s24+$0x6410]  }
0x225: {  	v19 =	vld [tilespmem:s24+$0x6420]  }
0x226: {  	v21 =	vld [tilespmem:s24+$0x6430]  }
0x227: {  	v25 =	vld [tilespmem:s24+$0x64A0]  }
0x228: {  	v28 =	vld [tilespmem:s24+$0x64B0]  }
.Ltmp7:
0x229: {  	v16 =	vld [tilespmem:s24+$0x64C0];
	(pc) =	sbr.rel @p0 .LBB2_17-.Ltmp7, $4  }
0x22a: {  	v23 =	vadd.f32 v17, v23;
	v24 =	vadd.f32 v18, v24;
	v17 =	vld [tilespmem:s24+$0x64D0]  }
0x22b: {  	v26 =	vadd.f32 v19, v26;
	v27 =	vadd.f32 v21, v27;
	v18 =	vld [tilespmem:s24+$0x6440]  }
0x22c: {  	v21 =	vadd.f32 v20, v23;
	v22 =	vadd.f32 v22, v24;
	v19 =	vld [tilespmem:s24+$0x6450]  }
0x22d: {  	s25 =	sadd.s32 $0x800, s25;
	v23 =	vadd.f32 v25, v26;
	v20 =	vld [tilespmem:s24+$0x6460];
	v24 =	vadd.f32 v28, v27  }
0x22e: {  	v13 =	vadd.f32 v13, v21;
	v15 =	vadd.f32 v15, v22  }
0x22f: {  	v21 =	vld [tilespmem:s24+$0x6470];
	v12 =	vadd.f32 v12, v23;
	v14 =	vadd.f32 v14, v24  }
0x230: {  	v22 =	vld [tilespmem:s24+$0x64E0];
	v3 =	vadd.f32 v3, v13;
	v4 =	vadd.f32 v4, v15  }
0x231: {  	v13 =	vld [tilespmem:s24+$0x64F0];
	v8 =	vadd.f32 v18, v8;
	v5 =	vadd.f32 v5, v12  }
0x232: {  	v12 =	vld [tilespmem:s24+$0x6560];
	v6 =	vadd.f32 v6, v14;
	v11 =	vadd.f32 v19, v11  }
0x233: {  	v14 =	vld [tilespmem:s24+$0x6570];
	v10 =	vadd.f32 v20, v10;
	v8 =	vadd.f32 v16, v8  }
0x234: {  	v15 =	vld [tilespmem:s24+$0x65E0];
	v9 =	vadd.f32 v21, v9;
	v11 =	vadd.f32 v17, v11  }
0x235: {  	v16 =	vld [tilespmem:s24+$0x65F0];
	v10 =	vadd.f32 v22, v10;
	v2 =	vadd.f32 v2, v8  }
0x236: {  	v8 =	vadd.f32 v13, v9;
	v7 =	vadd.f32 v7, v11  }
0x237: {  	v9 =	vadd.f32 v12, v10;
	v0 =	vadd.f32 v0, v2  }
0x238: {  	v2 =	vadd.f32 v14, v8;
	v1 =	vadd.f32 v1, v7  }
0x239: {  	v7 =	vadd.f32 v15, v9;
	v0 =	vadd.f32 v0, v3  }
0x23a: {  	s31 =	smul.u32 $0x600, s23;
	v2 =	vadd.f32 v16, v2;
	v1 =	vadd.f32 v1, v4  }
0x23b: {  	v0 =	vmul.f32 $4.999999890e-03, v0;
	v3 =	vadd.f32 v7, v5  }
0x23c: {  	s24 =	sshra.s32 s31, $0x2;
	v1 =	vmul.f32 $4.999999890e-03, v1;
	v2 =	vadd.f32 v2, v6  }
0x23d: {  	[tilespmem:s24+$0x19000] =	vst v0;
	v0 =	vmul.f32 $4.999999890e-03, v3  }
0x23e: {  	[tilespmem:s24+$0x19010] =	vst v1;
	v1 =	vmul.f32 $4.999999890e-03, v2  }
0x23f: {  	[tilespmem:s24+$0x19020] =	vst v0  }
0x240: {  	s25 =	simm.s32 $0x0;
	[tilespmem:s24+$0x19030] =	vst v1  }
0x241: {  	v3 =	vld [tilespmem:s25+$0x9780]  }
0x242: {  	v4 =	vld [tilespmem:s25+$0x9790]  }
0x243: {  	v5 =	vld [tilespmem:s25+$0x97A0]  }
0x244: {  	v6 =	vld [tilespmem:s25+$0x97B0]  }
0x245: {  	v0 =	vld [tilespmem:s25+$0x97C0]  }
0x246: {  	v1 =	vld [tilespmem:s25+$0x97D0]  }
0x247: {  	v13 =	vld [tilespmem:s25+$0x9700]  }
0x248: {  	v15 =	vld [tilespmem:s25+$0x9710]  }
0x249: {  	v12 =	vld [tilespmem:s25+$0x9720]  }
0x24a: {  	v14 =	vld [tilespmem:s25+$0x9730]  }
0x24b: {  	v2 =	vld [tilespmem:s25+$0x9740]  }
0x24c: {  	v9 =	vld [tilespmem:s25+$0x9680]  }
0x24d: {  	v10 =	vld [tilespmem:s25+$0x9690]  }
0x24e: {  	v11 =	vld [tilespmem:s25+$0x9600]  }
0x24f: {  	v17 =	vld [tilespmem:s25+$0x9610]  }
0x250: {  	v18 =	vld [tilespmem:s25+$0x9620]  }
0x251: {  	v19 =	vld [tilespmem:s25+$0x9630]  }
0x252: {  	v20 =	vld [tilespmem:s25+$0x96A0]  }
0x253: {  	v24 =	vld [tilespmem:s25+$0x96B0]  }
0x254: {  	v8 =	vimm.f32 $0.0e+00;
	v7 =	vld [tilespmem:s25+$0x9750]  }
0x255: {  	v16 =	vld [tilespmem:s25+$0x96C0];
	v11 =	vadd.f32 v11, v8;
	v22 =	vadd.f32 v17, v8  }
0x256: {  	v17 =	vld [tilespmem:s25+$0x96D0];
	v23 =	vadd.f32 v18, v8;
	v25 =	vadd.f32 v19, v8  }
0x257: {  	v18 =	vld [tilespmem:s25+$0x9640];
	v21 =	vadd.f32 v9, v11;
	v22 =	vadd.f32 v10, v22  }
0x258: {  	v19 =	vld [tilespmem:s25+$0x9650];
	v23 =	vadd.f32 v20, v23;
	v24 =	vadd.f32 v24, v25  }
0x259: {  	s26 =	simm.s32 $0x800;
	v20 =	vld [tilespmem:s25+$0x9660];
	v11 =	vimm.f32 $0.0e+00;
	v10 =	vimm.f32 $0.0e+00;
	v9 =	vimm.f32 $0.0e+00  }
.LBB2_19:
0x25a: {  	p0 =	sne.s32 s26, $0xC000;
	v25 =	vld [tilespmem:s25+$0x9670];
	v13 =	vadd.f32 v13, v21;
	v15 =	vadd.f32 v15, v22  }
0x25b: {  	v21 =	vld [tilespmem:s25+$0x96E0];
	v12 =	vadd.f32 v12, v23;
	v14 =	vadd.f32 v14, v24  }
0x25c: {  	v22 =	vld [tilespmem:s25+$0x96F0];
	v23 =	vadd.f32 v3, v13;
	v24 =	vadd.f32 v4, v15  }
0x25d: {  	v13 =	vld [tilespmem:s25+$0x9760];
	v26 =	vadd.f32 v5, v12;
	v27 =	vadd.f32 v6, v14  }
0x25e: {  	v3 =	vadd.f32 v18, v8;
	v4 =	vadd.f32 v19, v11;
	v6 =	vld [tilespmem:s25+$0x9770]  }
0x25f: {  	v5 =	vadd.f32 v20, v10;
	v8 =	vadd.f32 v25, v9;
	v9 =	vld [tilespmem:s25+$0x97E0]  }
0x260: {  	v10 =	vadd.f32 v16, v3;
	v11 =	vadd.f32 v17, v4;
	v12 =	vld [tilespmem:s25+$0x97F0];
	s25 =	sshra.s32 s26, $0x2  }
0x261: {  	v14 =	vadd.f32 v21, v5;
	v3 =	vld [tilespmem:s25+$0x9780];
	v8 =	vadd.f32 v22, v8  }
0x262: {  	v2 =	vadd.f32 v2, v10;
	v7 =	vadd.f32 v7, v11;
	v4 =	vld [tilespmem:s25+$0x9790]  }
0x263: {  	v10 =	vadd.f32 v13, v14;
	v5 =	vld [tilespmem:s25+$0x97A0];
	v13 =	vadd.f32 v6, v8  }
0x264: {  	v8 =	vadd.f32 v0, v2;
	v11 =	vadd.f32 v1, v7;
	v6 =	vld [tilespmem:s25+$0x97B0]  }
0x265: {  	v10 =	vadd.f32 v9, v10;
	v0 =	vld [tilespmem:s25+$0x97C0];
	v9 =	vadd.f32 v12, v13  }
0x266: {  	v1 =	vld [tilespmem:s25+$0x97D0]  }
0x267: {  	v13 =	vld [tilespmem:s25+$0x9700]  }
0x268: {  	v15 =	vld [tilespmem:s25+$0x9710]  }
0x269: {  	v12 =	vld [tilespmem:s25+$0x9720]  }
0x26a: {  	v14 =	vld [tilespmem:s25+$0x9730]  }
0x26b: {  	v2 =	vld [tilespmem:s25+$0x9740]  }
0x26c: {  	v7 =	vld [tilespmem:s25+$0x9750]  }
0x26d: {  	v20 =	vld [tilespmem:s25+$0x9680]  }
0x26e: {  	v22 =	vld [tilespmem:s25+$0x9690]  }
0x26f: {  	v17 =	vld [tilespmem:s25+$0x9600]  }
0x270: {  	v18 =	vld [tilespmem:s25+$0x9610]  }
0x271: {  	v19 =	vld [tilespmem:s25+$0x9620]  }
0x272: {  	v21 =	vld [tilespmem:s25+$0x9630]  }
0x273: {  	v25 =	vld [tilespmem:s25+$0x96A0]  }
0x274: {  	v28 =	vld [tilespmem:s25+$0x96B0]  }
.Ltmp8:
0x275: {  	v16 =	vld [tilespmem:s25+$0x96C0];
	(pc) =	sbr.rel @p0 .LBB2_19-.Ltmp8, $4  }
0x276: {  	v23 =	vadd.f32 v17, v23;
	v24 =	vadd.f32 v18, v24;
	v17 =	vld [tilespmem:s25+$0x96D0]  }
0x277: {  	v26 =	vadd.f32 v19, v26;
	v27 =	vadd.f32 v21, v27;
	v18 =	vld [tilespmem:s25+$0x9640]  }
0x278: {  	v21 =	vadd.f32 v20, v23;
	v22 =	vadd.f32 v22, v24;
	v19 =	vld [tilespmem:s25+$0x9650]  }
0x279: {  	s26 =	sadd.s32 $0x800, s26;
	v23 =	vadd.f32 v25, v26;
	v20 =	vld [tilespmem:s25+$0x9660];
	v24 =	vadd.f32 v28, v27  }
0x27a: {  	v13 =	vadd.f32 v13, v21;
	v15 =	vadd.f32 v15, v22  }
0x27b: {  	v21 =	vld [tilespmem:s25+$0x9670];
	v12 =	vadd.f32 v12, v23;
	v14 =	vadd.f32 v14, v24  }
0x27c: {  	v22 =	vld [tilespmem:s25+$0x96E0];
	v3 =	vadd.f32 v3, v13;
	v4 =	vadd.f32 v4, v15  }
0x27d: {  	v13 =	vld [tilespmem:s25+$0x96F0];
	v8 =	vadd.f32 v18, v8;
	v5 =	vadd.f32 v5, v12  }
0x27e: {  	v12 =	vld [tilespmem:s25+$0x9760];
	v6 =	vadd.f32 v6, v14;
	v11 =	vadd.f32 v19, v11  }
0x27f: {  	v14 =	vld [tilespmem:s25+$0x9770];
	v10 =	vadd.f32 v20, v10;
	v8 =	vadd.f32 v16, v8  }
0x280: {  	v15 =	vld [tilespmem:s25+$0x97E0];
	v9 =	vadd.f32 v21, v9;
	v11 =	vadd.f32 v17, v11  }
0x281: {  	v16 =	vld [tilespmem:s25+$0x97F0];
	v10 =	vadd.f32 v22, v10;
	v2 =	vadd.f32 v2, v8  }
0x282: {  	v8 =	vadd.f32 v13, v9;
	v7 =	vadd.f32 v7, v11  }
0x283: {  	v9 =	vadd.f32 v12, v10;
	v0 =	vadd.f32 v0, v2  }
0x284: {  	v2 =	vadd.f32 v14, v8;
	v1 =	vadd.f32 v1, v7  }
0x285: {  	v7 =	vadd.f32 v15, v9;
	v0 =	vadd.f32 v0, v3  }
0x286: {  	v2 =	vadd.f32 v16, v2;
	v1 =	vadd.f32 v1, v4  }
0x287: {  	v0 =	vmul.f32 $4.999999890e-03, v0;
	v3 =	vadd.f32 v7, v5  }
0x288: {  	v1 =	vmul.f32 $4.999999890e-03, v1;
	v2 =	vadd.f32 v2, v6  }
0x289: {  	s31 =	smul.u32 $0x12C0, s23;
	[tilespmem:s24+$0x19040] =	vst v0;
	v0 =	vmul.f32 $4.999999890e-03, v3  }
0x28a: {  	[tilespmem:s24+$0x19050] =	vst v1;
	v1 =	vmul.f32 $4.999999890e-03, v2  }
0x28b: {  	s25 =	sshra.s32 s31, $0x2;
	[tilespmem:s24+$0x19060] =	vst v0  }
0x28c: {  	s26 =	sadd.s32 $0x4B0, s25;
	[tilespmem:s24+$0x19070] =	vst v1  }
0x28d: {  	[tilespmem:s12], [sflag:$0x2] =	stream.indirect.gather [hbm4b:s3+s11], $0x40, s26, s11, $0xb8;
	[tilespmem:$0x1B000] =	vst v63  }
0x28e: {  	_ =	swait.ge [sflag:s17], $0x6400  }
0x28f: {  	[sflag:s17] =	ssyncset.done $0x0  }
0x290: {  	s26 =	simm.s32 $0x0;
	[sflag:s17] =	ssyncadd.s32 $0xFFFF9C00  }
0x291: {  	v3 =	vld [tilespmem:s26+$0xC980]  }
0x292: {  	v4 =	vld [tilespmem:s26+$0xC990]  }
0x293: {  	v5 =	vld [tilespmem:s26+$0xC9A0]  }
0x294: {  	v6 =	vld [tilespmem:s26+$0xC9B0]  }
0x295: {  	v0 =	vld [tilespmem:s26+$0xC9C0]  }
0x296: {  	v1 =	vld [tilespmem:s26+$0xC9D0]  }
0x297: {  	v13 =	vld [tilespmem:s26+$0xC900]  }
0x298: {  	v15 =	vld [tilespmem:s26+$0xC910]  }
0x299: {  	v12 =	vld [tilespmem:s26+$0xC920]  }
0x29a: {  	v14 =	vld [tilespmem:s26+$0xC930]  }
0x29b: {  	v2 =	vld [tilespmem:s26+$0xC940]  }
0x29c: {  	v9 =	vld [tilespmem:s26+$0xC880]  }
0x29d: {  	v10 =	vld [tilespmem:s26+$0xC890]  }
0x29e: {  	v11 =	vld [tilespmem:s26+$0xC800]  }
0x29f: {  	v17 =	vld [tilespmem:s26+$0xC810]  }
0x2a0: {  	v18 =	vld [tilespmem:s26+$0xC820]  }
0x2a1: {  	v19 =	vld [tilespmem:s26+$0xC830]  }
0x2a2: {  	v20 =	vld [tilespmem:s26+$0xC8A0]  }
0x2a3: {  	v24 =	vld [tilespmem:s26+$0xC8B0]  }
0x2a4: {  	v8 =	vimm.f32 $0.0e+00;
	v7 =	vld [tilespmem:s26+$0xC950]  }
0x2a5: {  	v16 =	vld [tilespmem:s26+$0xC8C0];
	v11 =	vadd.f32 v11, v8;
	v22 =	vadd.f32 v17, v8  }
0x2a6: {  	v17 =	vld [tilespmem:s26+$0xC8D0];
	v23 =	vadd.f32 v18, v8;
	v25 =	vadd.f32 v19, v8  }
0x2a7: {  	v18 =	vld [tilespmem:s26+$0xC840];
	v21 =	vadd.f32 v9, v11;
	v22 =	vadd.f32 v10, v22  }
0x2a8: {  	v19 =	vld [tilespmem:s26+$0xC850];
	v23 =	vadd.f32 v20, v23;
	v24 =	vadd.f32 v24, v25  }
0x2a9: {  	s28 =	simm.s32 $0x800;
	v20 =	vld [tilespmem:s26+$0xC860];
	v11 =	vimm.f32 $0.0e+00;
	v10 =	vimm.f32 $0.0e+00;
	v9 =	vimm.f32 $0.0e+00  }
.LBB2_21:
0x2aa: {  	p0 =	sne.s32 s28, $0xC000;
	v25 =	vld [tilespmem:s26+$0xC870];
	v13 =	vadd.f32 v13, v21;
	v15 =	vadd.f32 v15, v22  }
0x2ab: {  	v21 =	vld [tilespmem:s26+$0xC8E0];
	v12 =	vadd.f32 v12, v23;
	v14 =	vadd.f32 v14, v24  }
0x2ac: {  	v22 =	vld [tilespmem:s26+$0xC8F0];
	v23 =	vadd.f32 v3, v13;
	v24 =	vadd.f32 v4, v15  }
0x2ad: {  	v13 =	vld [tilespmem:s26+$0xC960];
	v26 =	vadd.f32 v5, v12;
	v27 =	vadd.f32 v6, v14  }
0x2ae: {  	v3 =	vadd.f32 v18, v8;
	v4 =	vadd.f32 v19, v11;
	v6 =	vld [tilespmem:s26+$0xC970]  }
0x2af: {  	v5 =	vadd.f32 v20, v10;
	v8 =	vadd.f32 v25, v9;
	v9 =	vld [tilespmem:s26+$0xC9E0]  }
0x2b0: {  	v10 =	vadd.f32 v16, v3;
	v11 =	vadd.f32 v17, v4;
	v12 =	vld [tilespmem:s26+$0xC9F0];
	s26 =	sshra.s32 s28, $0x2  }
0x2b1: {  	v14 =	vadd.f32 v21, v5;
	v3 =	vld [tilespmem:s26+$0xC980];
	v8 =	vadd.f32 v22, v8  }
0x2b2: {  	v2 =	vadd.f32 v2, v10;
	v7 =	vadd.f32 v7, v11;
	v4 =	vld [tilespmem:s26+$0xC990]  }
0x2b3: {  	v10 =	vadd.f32 v13, v14;
	v5 =	vld [tilespmem:s26+$0xC9A0];
	v13 =	vadd.f32 v6, v8  }
0x2b4: {  	v8 =	vadd.f32 v0, v2;
	v11 =	vadd.f32 v1, v7;
	v6 =	vld [tilespmem:s26+$0xC9B0]  }
0x2b5: {  	v10 =	vadd.f32 v9, v10;
	v0 =	vld [tilespmem:s26+$0xC9C0];
	v9 =	vadd.f32 v12, v13  }
0x2b6: {  	v1 =	vld [tilespmem:s26+$0xC9D0]  }
0x2b7: {  	v13 =	vld [tilespmem:s26+$0xC900]  }
0x2b8: {  	v15 =	vld [tilespmem:s26+$0xC910]  }
0x2b9: {  	v12 =	vld [tilespmem:s26+$0xC920]  }
0x2ba: {  	v14 =	vld [tilespmem:s26+$0xC930]  }
0x2bb: {  	v2 =	vld [tilespmem:s26+$0xC940]  }
0x2bc: {  	v7 =	vld [tilespmem:s26+$0xC950]  }
0x2bd: {  	v20 =	vld [tilespmem:s26+$0xC880]  }
0x2be: {  	v22 =	vld [tilespmem:s26+$0xC890]  }
0x2bf: {  	v17 =	vld [tilespmem:s26+$0xC800]  }
0x2c0: {  	v18 =	vld [tilespmem:s26+$0xC810]  }
0x2c1: {  	v19 =	vld [tilespmem:s26+$0xC820]  }
0x2c2: {  	v21 =	vld [tilespmem:s26+$0xC830]  }
0x2c3: {  	v25 =	vld [tilespmem:s26+$0xC8A0]  }
0x2c4: {  	v28 =	vld [tilespmem:s26+$0xC8B0]  }
.Ltmp9:
0x2c5: {  	v16 =	vld [tilespmem:s26+$0xC8C0];
	(pc) =	sbr.rel @p0 .LBB2_21-.Ltmp9, $4  }
0x2c6: {  	v23 =	vadd.f32 v17, v23;
	v24 =	vadd.f32 v18, v24;
	v17 =	vld [tilespmem:s26+$0xC8D0]  }
0x2c7: {  	v26 =	vadd.f32 v19, v26;
	v27 =	vadd.f32 v21, v27;
	v18 =	vld [tilespmem:s26+$0xC840]  }
0x2c8: {  	v21 =	vadd.f32 v20, v23;
	v22 =	vadd.f32 v22, v24;
	v19 =	vld [tilespmem:s26+$0xC850]  }
0x2c9: {  	s28 =	sadd.s32 $0x800, s28;
	v23 =	vadd.f32 v25, v26;
	v20 =	vld [tilespmem:s26+$0xC860];
	v24 =	vadd.f32 v28, v27  }
0x2ca: {  	v13 =	vadd.f32 v13, v21;
	v15 =	vadd.f32 v15, v22  }
0x2cb: {  	v21 =	vld [tilespmem:s26+$0xC870];
	v12 =	vadd.f32 v12, v23;
	v14 =	vadd.f32 v14, v24  }
0x2cc: {  	v22 =	vld [tilespmem:s26+$0xC8E0];
	v3 =	vadd.f32 v3, v13;
	v4 =	vadd.f32 v4, v15  }
0x2cd: {  	v13 =	vld [tilespmem:s26+$0xC8F0];
	v8 =	vadd.f32 v18, v8;
	v5 =	vadd.f32 v5, v12  }
0x2ce: {  	v12 =	vld [tilespmem:s26+$0xC960];
	v6 =	vadd.f32 v6, v14;
	v11 =	vadd.f32 v19, v11  }
0x2cf: {  	v14 =	vld [tilespmem:s26+$0xC970];
	v10 =	vadd.f32 v20, v10;
	v8 =	vadd.f32 v16, v8  }
0x2d0: {  	v15 =	vld [tilespmem:s26+$0xC9E0];
	v9 =	vadd.f32 v21, v9;
	v11 =	vadd.f32 v17, v11  }
0x2d1: {  	v16 =	vld [tilespmem:s26+$0xC9F0];
	v10 =	vadd.f32 v22, v10;
	v2 =	vadd.f32 v2, v8  }
0x2d2: {  	v8 =	vadd.f32 v13, v9;
	v7 =	vadd.f32 v7, v11  }
0x2d3: {  	v9 =	vadd.f32 v12, v10;
	v0 =	vadd.f32 v0, v2  }
0x2d4: {  	v2 =	vadd.f32 v14, v8;
	v1 =	vadd.f32 v1, v7  }
0x2d5: {  	v7 =	vadd.f32 v15, v9;
	v0 =	vadd.f32 v0, v3  }
0x2d6: {  	v2 =	vadd.f32 v16, v2;
	v1 =	vadd.f32 v1, v4  }
0x2d7: {  	v0 =	vmul.f32 $4.999999890e-03, v0;
	v3 =	vadd.f32 v7, v5  }
0x2d8: {  	v1 =	vmul.f32 $4.999999890e-03, v1;
	v2 =	vadd.f32 v2, v6  }
0x2d9: {  	[tilespmem:s24+$0x19080] =	vst v0;
	v0 =	vmul.f32 $4.999999890e-03, v3  }
0x2da: {  	[tilespmem:s24+$0x19090] =	vst v1;
	v1 =	vmul.f32 $4.999999890e-03, v2  }
0x2db: {  	[tilespmem:s24+$0x190A0] =	vst v0  }
0x2dc: {  	s26 =	simm.s32 $0x0;
	[tilespmem:s24+$0x190B0] =	vst v1  }
0x2dd: {  	v3 =	vld [tilespmem:s26+$0xFB80]  }
0x2de: {  	v4 =	vld [tilespmem:s26+$0xFB90]  }
0x2df: {  	v5 =	vld [tilespmem:s26+$0xFBA0]  }
0x2e0: {  	v6 =	vld [tilespmem:s26+$0xFBB0]  }
0x2e1: {  	v0 =	vld [tilespmem:s26+$0xFBC0]  }
0x2e2: {  	v1 =	vld [tilespmem:s26+$0xFBD0]  }
0x2e3: {  	v13 =	vld [tilespmem:s26+$0xFB00]  }
0x2e4: {  	v15 =	vld [tilespmem:s26+$0xFB10]  }
0x2e5: {  	v12 =	vld [tilespmem:s26+$0xFB20]  }
0x2e6: {  	v14 =	vld [tilespmem:s26+$0xFB30]  }
0x2e7: {  	v2 =	vld [tilespmem:s26+$0xFB40]  }
0x2e8: {  	v9 =	vld [tilespmem:s26+$0xFA80]  }
0x2e9: {  	v10 =	vld [tilespmem:s26+$0xFA90]  }
0x2ea: {  	v11 =	vld [tilespmem:s26+$0xFA00]  }
0x2eb: {  	v17 =	vld [tilespmem:s26+$0xFA10]  }
0x2ec: {  	v18 =	vld [tilespmem:s26+$0xFA20]  }
0x2ed: {  	v19 =	vld [tilespmem:s26+$0xFA30]  }
0x2ee: {  	v20 =	vld [tilespmem:s26+$0xFAA0]  }
0x2ef: {  	v24 =	vld [tilespmem:s26+$0xFAB0]  }
0x2f0: {  	v8 =	vimm.f32 $0.0e+00;
	v7 =	vld [tilespmem:s26+$0xFB50]  }
0x2f1: {  	v16 =	vld [tilespmem:s26+$0xFAC0];
	v11 =	vadd.f32 v11, v8;
	v22 =	vadd.f32 v17, v8  }
0x2f2: {  	v17 =	vld [tilespmem:s26+$0xFAD0];
	v23 =	vadd.f32 v18, v8;
	v25 =	vadd.f32 v19, v8  }
0x2f3: {  	v18 =	vld [tilespmem:s26+$0xFA40];
	v21 =	vadd.f32 v9, v11;
	v22 =	vadd.f32 v10, v22  }
0x2f4: {  	v19 =	vld [tilespmem:s26+$0xFA50];
	v23 =	vadd.f32 v20, v23;
	v24 =	vadd.f32 v24, v25  }
0x2f5: {  	s28 =	simm.s32 $0x800;
	v20 =	vld [tilespmem:s26+$0xFA60];
	v11 =	vimm.f32 $0.0e+00;
	v10 =	vimm.f32 $0.0e+00;
	v9 =	vimm.f32 $0.0e+00  }
.LBB2_23:
0x2f6: {  	p0 =	sne.s32 s28, $0xC000;
	v25 =	vld [tilespmem:s26+$0xFA70];
	v13 =	vadd.f32 v13, v21;
	v15 =	vadd.f32 v15, v22  }
0x2f7: {  	v21 =	vld [tilespmem:s26+$0xFAE0];
	v12 =	vadd.f32 v12, v23;
	v14 =	vadd.f32 v14, v24  }
0x2f8: {  	v22 =	vld [tilespmem:s26+$0xFAF0];
	v23 =	vadd.f32 v3, v13;
	v24 =	vadd.f32 v4, v15  }
0x2f9: {  	v13 =	vld [tilespmem:s26+$0xFB60];
	v26 =	vadd.f32 v5, v12;
	v27 =	vadd.f32 v6, v14  }
0x2fa: {  	v3 =	vadd.f32 v18, v8;
	v4 =	vadd.f32 v19, v11;
	v6 =	vld [tilespmem:s26+$0xFB70]  }
0x2fb: {  	v5 =	vadd.f32 v20, v10;
	v8 =	vadd.f32 v25, v9;
	v9 =	vld [tilespmem:s26+$0xFBE0]  }
0x2fc: {  	v10 =	vadd.f32 v16, v3;
	v11 =	vadd.f32 v17, v4;
	v12 =	vld [tilespmem:s26+$0xFBF0];
	s26 =	sshra.s32 s28, $0x2  }
0x2fd: {  	v14 =	vadd.f32 v21, v5;
	v3 =	vld [tilespmem:s26+$0xFB80];
	v8 =	vadd.f32 v22, v8  }
0x2fe: {  	v2 =	vadd.f32 v2, v10;
	v7 =	vadd.f32 v7, v11;
	v4 =	vld [tilespmem:s26+$0xFB90]  }
0x2ff: {  	v10 =	vadd.f32 v13, v14;
	v5 =	vld [tilespmem:s26+$0xFBA0];
	v13 =	vadd.f32 v6, v8  }
0x300: {  	v8 =	vadd.f32 v0, v2;
	v11 =	vadd.f32 v1, v7;
	v6 =	vld [tilespmem:s26+$0xFBB0]  }
0x301: {  	v10 =	vadd.f32 v9, v10;
	v0 =	vld [tilespmem:s26+$0xFBC0];
	v9 =	vadd.f32 v12, v13  }
0x302: {  	v1 =	vld [tilespmem:s26+$0xFBD0]  }
0x303: {  	v13 =	vld [tilespmem:s26+$0xFB00]  }
0x304: {  	v15 =	vld [tilespmem:s26+$0xFB10]  }
0x305: {  	v12 =	vld [tilespmem:s26+$0xFB20]  }
0x306: {  	v14 =	vld [tilespmem:s26+$0xFB30]  }
0x307: {  	v2 =	vld [tilespmem:s26+$0xFB40]  }
0x308: {  	v7 =	vld [tilespmem:s26+$0xFB50]  }
0x309: {  	v20 =	vld [tilespmem:s26+$0xFA80]  }
0x30a: {  	v22 =	vld [tilespmem:s26+$0xFA90]  }
0x30b: {  	v17 =	vld [tilespmem:s26+$0xFA00]  }
0x30c: {  	v18 =	vld [tilespmem:s26+$0xFA10]  }
0x30d: {  	v19 =	vld [tilespmem:s26+$0xFA20]  }
0x30e: {  	v21 =	vld [tilespmem:s26+$0xFA30]  }
0x30f: {  	v25 =	vld [tilespmem:s26+$0xFAA0]  }
0x310: {  	v28 =	vld [tilespmem:s26+$0xFAB0]  }
.Ltmp10:
0x311: {  	v16 =	vld [tilespmem:s26+$0xFAC0];
	(pc) =	sbr.rel @p0 .LBB2_23-.Ltmp10, $4  }
0x312: {  	v23 =	vadd.f32 v17, v23;
	v24 =	vadd.f32 v18, v24;
	v17 =	vld [tilespmem:s26+$0xFAD0]  }
0x313: {  	v26 =	vadd.f32 v19, v26;
	v27 =	vadd.f32 v21, v27;
	v18 =	vld [tilespmem:s26+$0xFA40]  }
0x314: {  	v21 =	vadd.f32 v20, v23;
	v22 =	vadd.f32 v22, v24;
	v19 =	vld [tilespmem:s26+$0xFA50]  }
0x315: {  	s28 =	sadd.s32 $0x800, s28;
	v23 =	vadd.f32 v25, v26;
	v20 =	vld [tilespmem:s26+$0xFA60];
	v24 =	vadd.f32 v28, v27  }
0x316: {  	v13 =	vadd.f32 v13, v21;
	v15 =	vadd.f32 v15, v22  }
0x317: {  	v21 =	vld [tilespmem:s26+$0xFA70];
	v12 =	vadd.f32 v12, v23;
	v14 =	vadd.f32 v14, v24  }
0x318: {  	v22 =	vld [tilespmem:s26+$0xFAE0];
	v3 =	vadd.f32 v3, v13;
	v4 =	vadd.f32 v4, v15  }
0x319: {  	v13 =	vld [tilespmem:s26+$0xFAF0];
	v8 =	vadd.f32 v18, v8;
	v5 =	vadd.f32 v5, v12  }
0x31a: {  	v12 =	vld [tilespmem:s26+$0xFB60];
	v6 =	vadd.f32 v6, v14;
	v11 =	vadd.f32 v19, v11  }
0x31b: {  	v14 =	vld [tilespmem:s26+$0xFB70];
	v10 =	vadd.f32 v20, v10;
	v8 =	vadd.f32 v16, v8  }
0x31c: {  	v15 =	vld [tilespmem:s26+$0xFBE0];
	v9 =	vadd.f32 v21, v9;
	v11 =	vadd.f32 v17, v11  }
0x31d: {  	v16 =	vld [tilespmem:s26+$0xFBF0];
	v10 =	vadd.f32 v22, v10;
	v2 =	vadd.f32 v2, v8  }
0x31e: {  	v8 =	vadd.f32 v13, v9;
	v7 =	vadd.f32 v7, v11  }
0x31f: {  	v9 =	vadd.f32 v12, v10;
	v0 =	vadd.f32 v0, v2  }
0x320: {  	v2 =	vadd.f32 v14, v8;
	v1 =	vadd.f32 v1, v7  }
0x321: {  	v7 =	vadd.f32 v15, v9;
	v0 =	vadd.f32 v0, v3  }
0x322: {  	v2 =	vadd.f32 v16, v2;
	v1 =	vadd.f32 v1, v4  }
0x323: {  	v0 =	vmul.f32 $4.999999890e-03, v0;
	v3 =	vadd.f32 v7, v5  }
0x324: {  	v1 =	vmul.f32 $4.999999890e-03, v1;
	v2 =	vadd.f32 v2, v6  }
0x325: {  	[tilespmem:s24+$0x190C0] =	vst v0;
	v0 =	vmul.f32 $4.999999890e-03, v3  }
0x326: {  	[tilespmem:s24+$0x190D0] =	vst v1;
	v1 =	vmul.f32 $4.999999890e-03, v2  }
0x327: {  	p0 =	seq.s32 s23, $0x14;
	[tilespmem:s24+$0x190E0] =	vst v0  }
0x328: {  	s28 =	simm.s32 @!p0 $0x190;
	s29 =	simm.s32 @!p0 $0xC800;
	s26 =	sadd.s32 @!p0 $0x640, s25;
	[tilespmem:s24+$0x190F0] =	vst v1  }
0x329: {  	[tilespmem:s29], [sflag:$0x3] =	stream.indirect.gather @!p0 [hbm4b:s3+s28], $0x40, s26, s28, $0xb8;
	[tilespmem:$0x1B000] =	vst v63  }
0x32a: {  	_ =	swait.ge [sflag:s18], $0x6400  }
0x32b: {  	[sflag:s18] =	ssyncset.done $0x0  }
0x32c: {  	s26 =	simm.s32 $0x0;
	[sflag:s18] =	ssyncadd.s32 $0xFFFF9C00  }
0x32d: {  	v3 =	vld [tilespmem:s26+$0x12D80]  }
0x32e: {  	v4 =	vld [tilespmem:s26+$0x12D90]  }
0x32f: {  	v5 =	vld [tilespmem:s26+$0x12DA0]  }
0x330: {  	v6 =	vld [tilespmem:s26+$0x12DB0]  }
0x331: {  	v0 =	vld [tilespmem:s26+$0x12DC0]  }
0x332: {  	v1 =	vld [tilespmem:s26+$0x12DD0]  }
0x333: {  	v13 =	vld [tilespmem:s26+$0x12D00]  }
0x334: {  	v15 =	vld [tilespmem:s26+$0x12D10]  }
0x335: {  	v12 =	vld [tilespmem:s26+$0x12D20]  }
0x336: {  	v14 =	vld [tilespmem:s26+$0x12D30]  }
0x337: {  	v2 =	vld [tilespmem:s26+$0x12D40]  }
0x338: {  	v9 =	vld [tilespmem:s26+$0x12C80]  }
0x339: {  	v10 =	vld [tilespmem:s26+$0x12C90]  }
0x33a: {  	v11 =	vld [tilespmem:s26+$0x12C00]  }
0x33b: {  	v17 =	vld [tilespmem:s26+$0x12C10]  }
0x33c: {  	v18 =	vld [tilespmem:s26+$0x12C20]  }
0x33d: {  	v19 =	vld [tilespmem:s26+$0x12C30]  }
0x33e: {  	v20 =	vld [tilespmem:s26+$0x12CA0]  }
0x33f: {  	v24 =	vld [tilespmem:s26+$0x12CB0]  }
0x340: {  	v8 =	vimm.f32 $0.0e+00;
	v7 =	vld [tilespmem:s26+$0x12D50]  }
0x341: {  	v16 =	vld [tilespmem:s26+$0x12CC0];
	v11 =	vadd.f32 v11, v8;
	v22 =	vadd.f32 v17, v8  }
0x342: {  	v17 =	vld [tilespmem:s26+$0x12CD0];
	v23 =	vadd.f32 v18, v8;
	v25 =	vadd.f32 v19, v8  }
0x343: {  	v18 =	vld [tilespmem:s26+$0x12C40];
	v21 =	vadd.f32 v9, v11;
	v22 =	vadd.f32 v10, v22  }
0x344: {  	v19 =	vld [tilespmem:s26+$0x12C50];
	v23 =	vadd.f32 v20, v23;
	v24 =	vadd.f32 v24, v25  }
0x345: {  	s28 =	simm.s32 $0x800;
	v20 =	vld [tilespmem:s26+$0x12C60];
	v11 =	vimm.f32 $0.0e+00;
	v10 =	vimm.f32 $0.0e+00;
	v9 =	vimm.f32 $0.0e+00  }
.LBB2_25:
0x346: {  	p1 =	sne.s32 s28, $0xC000;
	v25 =	vld [tilespmem:s26+$0x12C70];
	v13 =	vadd.f32 v13, v21;
	v15 =	vadd.f32 v15, v22  }
0x347: {  	v21 =	vld [tilespmem:s26+$0x12CE0];
	v12 =	vadd.f32 v12, v23;
	v14 =	vadd.f32 v14, v24  }
0x348: {  	v22 =	vld [tilespmem:s26+$0x12CF0];
	v23 =	vadd.f32 v3, v13;
	v24 =	vadd.f32 v4, v15  }
0x349: {  	v13 =	vld [tilespmem:s26+$0x12D60];
	v26 =	vadd.f32 v5, v12;
	v27 =	vadd.f32 v6, v14  }
0x34a: {  	v3 =	vadd.f32 v18, v8;
	v4 =	vadd.f32 v19, v11;
	v6 =	vld [tilespmem:s26+$0x12D70]  }
0x34b: {  	v5 =	vadd.f32 v20, v10;
	v8 =	vadd.f32 v25, v9;
	v9 =	vld [tilespmem:s26+$0x12DE0]  }
0x34c: {  	v10 =	vadd.f32 v16, v3;
	v11 =	vadd.f32 v17, v4;
	v12 =	vld [tilespmem:s26+$0x12DF0];
	s26 =	sshra.s32 s28, $0x2  }
0x34d: {  	v14 =	vadd.f32 v21, v5;
	v3 =	vld [tilespmem:s26+$0x12D80];
	v8 =	vadd.f32 v22, v8  }
0x34e: {  	v2 =	vadd.f32 v2, v10;
	v7 =	vadd.f32 v7, v11;
	v4 =	vld [tilespmem:s26+$0x12D90]  }
0x34f: {  	v10 =	vadd.f32 v13, v14;
	v5 =	vld [tilespmem:s26+$0x12DA0];
	v13 =	vadd.f32 v6, v8  }
0x350: {  	v8 =	vadd.f32 v0, v2;
	v11 =	vadd.f32 v1, v7;
	v6 =	vld [tilespmem:s26+$0x12DB0]  }
0x351: {  	v10 =	vadd.f32 v9, v10;
	v0 =	vld [tilespmem:s26+$0x12DC0];
	v9 =	vadd.f32 v12, v13  }
0x352: {  	v1 =	vld [tilespmem:s26+$0x12DD0]  }
0x353: {  	v13 =	vld [tilespmem:s26+$0x12D00]  }
0x354: {  	v15 =	vld [tilespmem:s26+$0x12D10]  }
0x355: {  	v12 =	vld [tilespmem:s26+$0x12D20]  }
0x356: {  	v14 =	vld [tilespmem:s26+$0x12D30]  }
0x357: {  	v2 =	vld [tilespmem:s26+$0x12D40]  }
0x358: {  	v7 =	vld [tilespmem:s26+$0x12D50]  }
0x359: {  	v20 =	vld [tilespmem:s26+$0x12C80]  }
0x35a: {  	v22 =	vld [tilespmem:s26+$0x12C90]  }
0x35b: {  	v17 =	vld [tilespmem:s26+$0x12C00]  }
0x35c: {  	v18 =	vld [tilespmem:s26+$0x12C10]  }
0x35d: {  	v19 =	vld [tilespmem:s26+$0x12C20]  }
0x35e: {  	v21 =	vld [tilespmem:s26+$0x12C30]  }
0x35f: {  	v25 =	vld [tilespmem:s26+$0x12CA0]  }
0x360: {  	v28 =	vld [tilespmem:s26+$0x12CB0]  }
.Ltmp11:
0x361: {  	v16 =	vld [tilespmem:s26+$0x12CC0];
	(pc) =	sbr.rel @p1 .LBB2_25-.Ltmp11, $4  }
0x362: {  	v23 =	vadd.f32 v17, v23;
	v24 =	vadd.f32 v18, v24;
	v17 =	vld [tilespmem:s26+$0x12CD0]  }
0x363: {  	v26 =	vadd.f32 v19, v26;
	v27 =	vadd.f32 v21, v27;
	v18 =	vld [tilespmem:s26+$0x12C40]  }
0x364: {  	v21 =	vadd.f32 v20, v23;
	v22 =	vadd.f32 v22, v24;
	v19 =	vld [tilespmem:s26+$0x12C50]  }
0x365: {  	s28 =	sadd.s32 $0x800, s28;
	v23 =	vadd.f32 v25, v26;
	v20 =	vld [tilespmem:s26+$0x12C60];
	v24 =	vadd.f32 v28, v27  }
0x366: {  	v13 =	vadd.f32 v13, v21;
	v15 =	vadd.f32 v15, v22  }
0x367: {  	v21 =	vld [tilespmem:s26+$0x12C70];
	v12 =	vadd.f32 v12, v23;
	v14 =	vadd.f32 v14, v24  }
0x368: {  	v22 =	vld [tilespmem:s26+$0x12CE0];
	v3 =	vadd.f32 v3, v13;
	v4 =	vadd.f32 v4, v15  }
0x369: {  	v13 =	vld [tilespmem:s26+$0x12CF0];
	v8 =	vadd.f32 v18, v8;
	v5 =	vadd.f32 v5, v12  }
0x36a: {  	v12 =	vld [tilespmem:s26+$0x12D60];
	v6 =	vadd.f32 v6, v14;
	v11 =	vadd.f32 v19, v11  }
0x36b: {  	v14 =	vld [tilespmem:s26+$0x12D70];
	v10 =	vadd.f32 v20, v10;
	v8 =	vadd.f32 v16, v8  }
0x36c: {  	v15 =	vld [tilespmem:s26+$0x12DE0];
	v9 =	vadd.f32 v21, v9;
	v11 =	vadd.f32 v17, v11  }
0x36d: {  	v16 =	vld [tilespmem:s26+$0x12DF0];
	v10 =	vadd.f32 v22, v10;
	v2 =	vadd.f32 v2, v8  }
0x36e: {  	v8 =	vadd.f32 v13, v9;
	v7 =	vadd.f32 v7, v11  }
0x36f: {  	v9 =	vadd.f32 v12, v10;
	v0 =	vadd.f32 v0, v2  }
0x370: {  	v2 =	vadd.f32 v14, v8;
	v1 =	vadd.f32 v1, v7  }
0x371: {  	v7 =	vadd.f32 v15, v9;
	v0 =	vadd.f32 v0, v3  }
0x372: {  	v2 =	vadd.f32 v16, v2;
	v1 =	vadd.f32 v1, v4  }
0x373: {  	v0 =	vmul.f32 $4.999999890e-03, v0;
	v3 =	vadd.f32 v7, v5  }
0x374: {  	v1 =	vmul.f32 $4.999999890e-03, v1;
	v2 =	vadd.f32 v2, v6  }
0x375: {  	[tilespmem:s24+$0x19100] =	vst v0;
	v0 =	vmul.f32 $4.999999890e-03, v3  }
0x376: {  	[tilespmem:s24+$0x19110] =	vst v1;
	v1 =	vmul.f32 $4.999999890e-03, v2  }
0x377: {  	[tilespmem:s24+$0x19120] =	vst v0  }
0x378: {  	s26 =	simm.s32 $0x0;
	[tilespmem:s24+$0x19130] =	vst v1  }
0x379: {  	v3 =	vld [tilespmem:s26+$0x15F80]  }
0x37a: {  	v4 =	vld [tilespmem:s26+$0x15F90]  }
0x37b: {  	v5 =	vld [tilespmem:s26+$0x15FA0]  }
0x37c: {  	v6 =	vld [tilespmem:s26+$0x15FB0]  }
0x37d: {  	v0 =	vld [tilespmem:s26+$0x15FC0]  }
0x37e: {  	v1 =	vld [tilespmem:s26+$0x15FD0]  }
0x37f: {  	v13 =	vld [tilespmem:s26+$0x15F00]  }
0x380: {  	v15 =	vld [tilespmem:s26+$0x15F10]  }
0x381: {  	v12 =	vld [tilespmem:s26+$0x15F20]  }
0x382: {  	v14 =	vld [tilespmem:s26+$0x15F30]  }
0x383: {  	v2 =	vld [tilespmem:s26+$0x15F40]  }
0x384: {  	v9 =	vld [tilespmem:s26+$0x15E80]  }
0x385: {  	v10 =	vld [tilespmem:s26+$0x15E90]  }
0x386: {  	v11 =	vld [tilespmem:s26+$0x15E00]  }
0x387: {  	v17 =	vld [tilespmem:s26+$0x15E10]  }
0x388: {  	v18 =	vld [tilespmem:s26+$0x15E20]  }
0x389: {  	v19 =	vld [tilespmem:s26+$0x15E30]  }
0x38a: {  	v20 =	vld [tilespmem:s26+$0x15EA0]  }
0x38b: {  	v24 =	vld [tilespmem:s26+$0x15EB0]  }
0x38c: {  	v8 =	vimm.f32 $0.0e+00;
	v7 =	vld [tilespmem:s26+$0x15F50]  }
0x38d: {  	v16 =	vld [tilespmem:s26+$0x15EC0];
	v11 =	vadd.f32 v11, v8;
	v22 =	vadd.f32 v17, v8  }
0x38e: {  	v17 =	vld [tilespmem:s26+$0x15ED0];
	v23 =	vadd.f32 v18, v8;
	v25 =	vadd.f32 v19, v8  }
0x38f: {  	v18 =	vld [tilespmem:s26+$0x15E40];
	v21 =	vadd.f32 v9, v11;
	v22 =	vadd.f32 v10, v22  }
0x390: {  	v19 =	vld [tilespmem:s26+$0x15E50];
	v23 =	vadd.f32 v20, v23;
	v24 =	vadd.f32 v24, v25  }
0x391: {  	s28 =	simm.s32 $0x800;
	v20 =	vld [tilespmem:s26+$0x15E60];
	v11 =	vimm.f32 $0.0e+00;
	v10 =	vimm.f32 $0.0e+00;
	v9 =	vimm.f32 $0.0e+00  }
.LBB2_27:
0x392: {  	p1 =	sne.s32 s28, $0xC000;
	v25 =	vld [tilespmem:s26+$0x15E70];
	v13 =	vadd.f32 v13, v21;
	v15 =	vadd.f32 v15, v22  }
0x393: {  	v21 =	vld [tilespmem:s26+$0x15EE0];
	v12 =	vadd.f32 v12, v23;
	v14 =	vadd.f32 v14, v24  }
0x394: {  	v22 =	vld [tilespmem:s26+$0x15EF0];
	v23 =	vadd.f32 v3, v13;
	v24 =	vadd.f32 v4, v15  }
0x395: {  	v13 =	vld [tilespmem:s26+$0x15F60];
	v26 =	vadd.f32 v5, v12;
	v27 =	vadd.f32 v6, v14  }
0x396: {  	v3 =	vadd.f32 v18, v8;
	v4 =	vadd.f32 v19, v11;
	v6 =	vld [tilespmem:s26+$0x15F70]  }
0x397: {  	v5 =	vadd.f32 v20, v10;
	v8 =	vadd.f32 v25, v9;
	v9 =	vld [tilespmem:s26+$0x15FE0]  }
0x398: {  	v10 =	vadd.f32 v16, v3;
	v11 =	vadd.f32 v17, v4;
	v12 =	vld [tilespmem:s26+$0x15FF0];
	s26 =	sshra.s32 s28, $0x2  }
0x399: {  	v14 =	vadd.f32 v21, v5;
	v3 =	vld [tilespmem:s26+$0x15F80];
	v8 =	vadd.f32 v22, v8  }
0x39a: {  	v2 =	vadd.f32 v2, v10;
	v7 =	vadd.f32 v7, v11;
	v4 =	vld [tilespmem:s26+$0x15F90]  }
0x39b: {  	v10 =	vadd.f32 v13, v14;
	v5 =	vld [tilespmem:s26+$0x15FA0];
	v13 =	vadd.f32 v6, v8  }
0x39c: {  	v8 =	vadd.f32 v0, v2;
	v11 =	vadd.f32 v1, v7;
	v6 =	vld [tilespmem:s26+$0x15FB0]  }
0x39d: {  	v10 =	vadd.f32 v9, v10;
	v0 =	vld [tilespmem:s26+$0x15FC0];
	v9 =	vadd.f32 v12, v13  }
0x39e: {  	v1 =	vld [tilespmem:s26+$0x15FD0]  }
0x39f: {  	v13 =	vld [tilespmem:s26+$0x15F00]  }
0x3a0: {  	v15 =	vld [tilespmem:s26+$0x15F10]  }
0x3a1: {  	v12 =	vld [tilespmem:s26+$0x15F20]  }
0x3a2: {  	v14 =	vld [tilespmem:s26+$0x15F30]  }
0x3a3: {  	v2 =	vld [tilespmem:s26+$0x15F40]  }
0x3a4: {  	v7 =	vld [tilespmem:s26+$0x15F50]  }
0x3a5: {  	v20 =	vld [tilespmem:s26+$0x15E80]  }
0x3a6: {  	v22 =	vld [tilespmem:s26+$0x15E90]  }
0x3a7: {  	v17 =	vld [tilespmem:s26+$0x15E00]  }
0x3a8: {  	v18 =	vld [tilespmem:s26+$0x15E10]  }
0x3a9: {  	v19 =	vld [tilespmem:s26+$0x15E20]  }
0x3aa: {  	v21 =	vld [tilespmem:s26+$0x15E30]  }
0x3ab: {  	v25 =	vld [tilespmem:s26+$0x15EA0]  }
0x3ac: {  	v28 =	vld [tilespmem:s26+$0x15EB0]  }
.Ltmp12:
0x3ad: {  	v16 =	vld [tilespmem:s26+$0x15EC0];
	(pc) =	sbr.rel @p1 .LBB2_27-.Ltmp12, $4  }
0x3ae: {  	v23 =	vadd.f32 v17, v23;
	v24 =	vadd.f32 v18, v24;
	v17 =	vld [tilespmem:s26+$0x15ED0]  }
0x3af: {  	v26 =	vadd.f32 v19, v26;
	v27 =	vadd.f32 v21, v27;
	v18 =	vld [tilespmem:s26+$0x15E40]  }
0x3b0: {  	v21 =	vadd.f32 v20, v23;
	v22 =	vadd.f32 v22, v24;
	v19 =	vld [tilespmem:s26+$0x15E50]  }
0x3b1: {  	s28 =	sadd.s32 $0x800, s28;
	v23 =	vadd.f32 v25, v26;
	v20 =	vld [tilespmem:s26+$0x15E60];
	v24 =	vadd.f32 v28, v27  }
0x3b2: {  	v13 =	vadd.f32 v13, v21;
	v15 =	vadd.f32 v15, v22  }
0x3b3: {  	v50 =	vld [tilespmem:s26+$0x15E70];
	v12 =	vadd.f32 v12, v23;
	v14 =	vadd.f32 v14, v24  }
0x3b4: {  	v51 =	vld [tilespmem:s26+$0x15EE0];
	v3 =	vadd.f32 v3, v13;
	v4 =	vadd.f32 v4, v15  }
0x3b5: {  	v52 =	vld [tilespmem:s26+$0x15EF0];
	v8 =	vadd.f32 v18, v8;
	v5 =	vadd.f32 v5, v12  }
0x3b6: {  	v53 =	vld [tilespmem:s26+$0x15F60];
	v6 =	vadd.f32 v6, v14;
	v11 =	vadd.f32 v19, v11  }
0x3b7: {  	v54 =	vld [tilespmem:s26+$0x15F70];
	v10 =	vadd.f32 v20, v10;
	v8 =	vadd.f32 v16, v8  }
0x3b8: {  	v55 =	vld [tilespmem:s26+$0x15FE0];
	v9 =	vadd.f32 v50, v9;
	v11 =	vadd.f32 v17, v11  }
0x3b9: {  	v56 =	vld [tilespmem:s26+$0x15FF0];
	v10 =	vadd.f32 v51, v10;
	v2 =	vadd.f32 v2, v8  }
0x3ba: {  	v57 =	vadd.f32 v52, v9;
	v7 =	vadd.f32 v7, v11  }
0x3bb: {  	v58 =	vadd.f32 v53, v10;
	v0 =	vadd.f32 v0, v2  }
0x3bc: {  	v59 =	vadd.f32 v54, v57;
	v1 =	vadd.f32 v1, v7  }
0x3bd: {  	v60 =	vadd.f32 v55, v58;
	v0 =	vadd.f32 v0, v3  }
0x3be: {  	v2 =	vadd.f32 v56, v59;
	v1 =	vadd.f32 v1, v4  }
0x3bf: {  	v0 =	vmul.f32 $4.999999890e-03, v0;
	v61 =	vadd.f32 v60, v5  }
.Ltmp13:
0x3c0: {  	v1 =	vmul.f32 $4.999999890e-03, v1;
	v2 =	vadd.f32 v2, v6;
	(pc) =	sbr.rel @p0 .LBB2_30-.Ltmp13, $4  }
0x3c1: {  	[tilespmem:s24+$0x19140] =	vst v0;
	v62 =	vmul.f32 $4.999999890e-03, v61  }
0x3c2: {  	[tilespmem:s24+$0x19150] =	vst v1;
	v63 =	vmul.f32 $4.999999890e-03, v2  }
0x3c3: {  	[tilespmem:s24+$0x19160] =	vst v62  }
0x3c4: {  	[tilespmem:s24+$0x19170] =	vst v63  }
.Ltmp14:
0x3c5: {  	(pc) =	sbr.rel .LBB2_16-.Ltmp14, $3  }
0x3c6: {  	_ =	sdelay $0x1  }
0x3c7: {  	s24 =	sadd.s32 $0x7D0, s25;
	s23 =	sadd.s32 $0x1, s23  }
0x3c8: {  	[tilespmem:s15], [sflag:$0x4] =	stream.indirect.gather [hbm4b:s3+s11], $0x40, s24, s11, $0xb8;
	[tilespmem:$0x1B000] =	vst v63  }
.LBB2_30:
0x3c9: {  	_ =	swait.ge [sflag:s16], $0x6400  }
0x3ca: {  	[sflag:s16] =	ssyncset.done $0x0  }
0x3cb: {  	s23 =	simm.s32 $0x0;
	[sflag:s16] =	ssyncadd.s32 $0xFFFF9C00  }
0x3cc: {  	v3 =	vld [tilespmem:s23+$0x6580]  }
0x3cd: {  	v4 =	vld [tilespmem:s23+$0x6590]  }
0x3ce: {  	v5 =	vld [tilespmem:s23+$0x65A0]  }
0x3cf: {  	v6 =	vld [tilespmem:s23+$0x65B0]  }
0x3d0: {  	v0 =	vld [tilespmem:s23+$0x65C0]  }
0x3d1: {  	v1 =	vld [tilespmem:s23+$0x65D0]  }
0x3d2: {  	v13 =	vld [tilespmem:s23+$0x6500]  }
0x3d3: {  	v15 =	vld [tilespmem:s23+$0x6510]  }
0x3d4: {  	v12 =	vld [tilespmem:s23+$0x6520]  }
0x3d5: {  	v14 =	vld [tilespmem:s23+$0x6530]  }
0x3d6: {  	v2 =	vld [tilespmem:s23+$0x6540]  }
0x3d7: {  	v9 =	vld [tilespmem:s23+$0x6480]  }
0x3d8: {  	v10 =	vld [tilespmem:s23+$0x6490]  }
0x3d9: {  	v11 =	vld [tilespmem:s23+$0x6400]  }
0x3da: {  	v17 =	vld [tilespmem:s23+$0x6410]  }
0x3db: {  	v18 =	vld [tilespmem:s23+$0x6420]  }
0x3dc: {  	v19 =	vld [tilespmem:s23+$0x6430]  }
0x3dd: {  	v20 =	vld [tilespmem:s23+$0x64A0]  }
0x3de: {  	v24 =	vld [tilespmem:s23+$0x64B0]  }
0x3df: {  	v8 =	vimm.f32 $0.0e+00;
	v7 =	vld [tilespmem:s23+$0x6550]  }
0x3e0: {  	v16 =	vld [tilespmem:s23+$0x64C0];
	v11 =	vadd.f32 v11, v8;
	v22 =	vadd.f32 v17, v8  }
0x3e1: {  	v17 =	vld [tilespmem:s23+$0x64D0];
	v23 =	vadd.f32 v18, v8;
	v25 =	vadd.f32 v19, v8  }
0x3e2: {  	v18 =	vld [tilespmem:s23+$0x6440];
	v21 =	vadd.f32 v9, v11;
	v22 =	vadd.f32 v10, v22  }
0x3e3: {  	v19 =	vld [tilespmem:s23+$0x6450];
	v23 =	vadd.f32 v20, v23;
	v24 =	vadd.f32 v24, v25  }
0x3e4: {  	s24 =	simm.s32 $0x800;
	v20 =	vld [tilespmem:s23+$0x6460];
	v11 =	vimm.f32 $0.0e+00;
	v10 =	vimm.f32 $0.0e+00;
	v9 =	vimm.f32 $0.0e+00  }
.LBB2_31:
0x3e5: {  	p0 =	sne.s32 s24, $0xC000;
	v25 =	vld [tilespmem:s23+$0x6470];
	v13 =	vadd.f32 v13, v21;
	v15 =	vadd.f32 v15, v22  }
0x3e6: {  	v21 =	vld [tilespmem:s23+$0x64E0];
	v12 =	vadd.f32 v12, v23;
	v14 =	vadd.f32 v14, v24  }
0x3e7: {  	v22 =	vld [tilespmem:s23+$0x64F0];
	v23 =	vadd.f32 v3, v13;
	v24 =	vadd.f32 v4, v15  }
0x3e8: {  	v13 =	vld [tilespmem:s23+$0x6560];
	v26 =	vadd.f32 v5, v12;
	v27 =	vadd.f32 v6, v14  }
0x3e9: {  	v3 =	vadd.f32 v18, v8;
	v4 =	vadd.f32 v19, v11;
	v6 =	vld [tilespmem:s23+$0x6570]  }
0x3ea: {  	v5 =	vadd.f32 v20, v10;
	v8 =	vadd.f32 v25, v9;
	v9 =	vld [tilespmem:s23+$0x65E0]  }
0x3eb: {  	v10 =	vadd.f32 v16, v3;
	v11 =	vadd.f32 v17, v4;
	v12 =	vld [tilespmem:s23+$0x65F0];
	s23 =	sshra.s32 s24, $0x2  }
0x3ec: {  	v14 =	vadd.f32 v21, v5;
	v3 =	vld [tilespmem:s23+$0x6580];
	v8 =	vadd.f32 v22, v8  }
0x3ed: {  	v2 =	vadd.f32 v2, v10;
	v7 =	vadd.f32 v7, v11;
	v4 =	vld [tilespmem:s23+$0x6590]  }
0x3ee: {  	v10 =	vadd.f32 v13, v14;
	v5 =	vld [tilespmem:s23+$0x65A0];
	v13 =	vadd.f32 v6, v8  }
0x3ef: {  	v8 =	vadd.f32 v0, v2;
	v11 =	vadd.f32 v1, v7;
	v6 =	vld [tilespmem:s23+$0x65B0]  }
0x3f0: {  	v10 =	vadd.f32 v9, v10;
	v0 =	vld [tilespmem:s23+$0x65C0];
	v9 =	vadd.f32 v12, v13  }
0x3f1: {  	v1 =	vld [tilespmem:s23+$0x65D0]  }
0x3f2: {  	v13 =	vld [tilespmem:s23+$0x6500]  }
0x3f3: {  	v15 =	vld [tilespmem:s23+$0x6510]  }
0x3f4: {  	v12 =	vld [tilespmem:s23+$0x6520]  }
0x3f5: {  	v14 =	vld [tilespmem:s23+$0x6530]  }
0x3f6: {  	v2 =	vld [tilespmem:s23+$0x6540]  }
0x3f7: {  	v7 =	vld [tilespmem:s23+$0x6550]  }
0x3f8: {  	v20 =	vld [tilespmem:s23+$0x6480]  }
0x3f9: {  	v22 =	vld [tilespmem:s23+$0x6490]  }
0x3fa: {  	v17 =	vld [tilespmem:s23+$0x6400]  }
0x3fb: {  	v18 =	vld [tilespmem:s23+$0x6410]  }
0x3fc: {  	v19 =	vld [tilespmem:s23+$0x6420]  }
0x3fd: {  	v21 =	vld [tilespmem:s23+$0x6430]  }
0x3fe: {  	v25 =	vld [tilespmem:s23+$0x64A0]  }
0x3ff: {  	v28 =	vld [tilespmem:s23+$0x64B0]  }
.Ltmp15:
0x400: {  	v16 =	vld [tilespmem:s23+$0x64C0];
	(pc) =	sbr.rel @p0 .LBB2_31-.Ltmp15, $4  }
0x401: {  	v23 =	vadd.f32 v17, v23;
	v24 =	vadd.f32 v18, v24;
	v17 =	vld [tilespmem:s23+$0x64D0]  }
0x402: {  	v26 =	vadd.f32 v19, v26;
	v27 =	vadd.f32 v21, v27;
	v18 =	vld [tilespmem:s23+$0x6440]  }
0x403: {  	v21 =	vadd.f32 v20, v23;
	v22 =	vadd.f32 v22, v24;
	v19 =	vld [tilespmem:s23+$0x6450]  }
0x404: {  	s24 =	sadd.s32 $0x800, s24;
	v23 =	vadd.f32 v25, v26;
	v20 =	vld [tilespmem:s23+$0x6460];
	v24 =	vadd.f32 v28, v27  }
0x405: {  	v13 =	vadd.f32 v13, v21;
	v15 =	vadd.f32 v15, v22  }
0x406: {  	v21 =	vld [tilespmem:s23+$0x6470];
	v12 =	vadd.f32 v12, v23;
	v14 =	vadd.f32 v14, v24  }
0x407: {  	v22 =	vld [tilespmem:s23+$0x64E0];
	v3 =	vadd.f32 v3, v13;
	v4 =	vadd.f32 v4, v15  }
0x408: {  	v13 =	vld [tilespmem:s23+$0x64F0];
	v8 =	vadd.f32 v18, v8;
	v5 =	vadd.f32 v5, v12  }
0x409: {  	v12 =	vld [tilespmem:s23+$0x6560];
	v6 =	vadd.f32 v6, v14;
	v11 =	vadd.f32 v19, v11  }
0x40a: {  	v14 =	vld [tilespmem:s23+$0x6570];
	v10 =	vadd.f32 v20, v10;
	v8 =	vadd.f32 v16, v8  }
0x40b: {  	v15 =	vld [tilespmem:s23+$0x65E0];
	v9 =	vadd.f32 v21, v9;
	v11 =	vadd.f32 v17, v11  }
0x40c: {  	v16 =	vld [tilespmem:s23+$0x65F0];
	v10 =	vadd.f32 v22, v10;
	v2 =	vadd.f32 v2, v8  }
0x40d: {  	v8 =	vadd.f32 v13, v9;
	v7 =	vadd.f32 v7, v11  }
0x40e: {  	v9 =	vadd.f32 v12, v10;
	v0 =	vadd.f32 v0, v2  }
0x40f: {  	v2 =	vadd.f32 v14, v8;
	v1 =	vadd.f32 v1, v7  }
0x410: {  	v7 =	vadd.f32 v15, v9;
	v0 =	vadd.f32 v0, v3  }
0x411: {  	v2 =	vadd.f32 v16, v2;
	v1 =	vadd.f32 v1, v4  }
0x412: {  	v0 =	vmul.f32 $4.999999890e-03, v0;
	v3 =	vadd.f32 v7, v5  }
0x413: {  	v1 =	vmul.f32 $4.999999890e-03, v1;
	v2 =	vadd.f32 v2, v6  }
0x414: {  	[tilespmem:$0x1AF80] =	vst v0;
	v0 =	vmul.f32 $4.999999890e-03, v3  }
0x415: {  	[tilespmem:$0x1AF90] =	vst v1;
	v1 =	vmul.f32 $4.999999890e-03, v2  }
0x416: {  	[tilespmem:$0x1AFA0] =	vst v0  }
0x417: {  	s23 =	simm.s32 $0x0;
	[tilespmem:$0x1AFB0] =	vst v1  }
0x418: {  	v3 =	vld [tilespmem:s23+$0x9780]  }
0x419: {  	v4 =	vld [tilespmem:s23+$0x9790]  }
0x41a: {  	v5 =	vld [tilespmem:s23+$0x97A0]  }
0x41b: {  	v6 =	vld [tilespmem:s23+$0x97B0]  }
0x41c: {  	v0 =	vld [tilespmem:s23+$0x97C0]  }
0x41d: {  	v1 =	vld [tilespmem:s23+$0x97D0]  }
0x41e: {  	v13 =	vld [tilespmem:s23+$0x9700]  }
0x41f: {  	v15 =	vld [tilespmem:s23+$0x9710]  }
0x420: {  	v12 =	vld [tilespmem:s23+$0x9720]  }
0x421: {  	v14 =	vld [tilespmem:s23+$0x9730]  }
0x422: {  	v2 =	vld [tilespmem:s23+$0x9740]  }
0x423: {  	v9 =	vld [tilespmem:s23+$0x9680]  }
0x424: {  	v10 =	vld [tilespmem:s23+$0x9690]  }
0x425: {  	v11 =	vld [tilespmem:s23+$0x9600]  }
0x426: {  	v17 =	vld [tilespmem:s23+$0x9610]  }
0x427: {  	v18 =	vld [tilespmem:s23+$0x9620]  }
0x428: {  	v19 =	vld [tilespmem:s23+$0x9630]  }
0x429: {  	v20 =	vld [tilespmem:s23+$0x96A0]  }
0x42a: {  	v24 =	vld [tilespmem:s23+$0x96B0]  }
0x42b: {  	v8 =	vimm.f32 $0.0e+00;
	v7 =	vld [tilespmem:s23+$0x9750]  }
0x42c: {  	v16 =	vld [tilespmem:s23+$0x96C0];
	v11 =	vadd.f32 v11, v8;
	v22 =	vadd.f32 v17, v8  }
0x42d: {  	v17 =	vld [tilespmem:s23+$0x96D0];
	v23 =	vadd.f32 v18, v8;
	v25 =	vadd.f32 v19, v8  }
0x42e: {  	v18 =	vld [tilespmem:s23+$0x9640];
	v21 =	vadd.f32 v9, v11;
	v22 =	vadd.f32 v10, v22  }
0x42f: {  	v19 =	vld [tilespmem:s23+$0x9650];
	v23 =	vadd.f32 v20, v23;
	v24 =	vadd.f32 v24, v25  }
0x430: {  	s24 =	simm.s32 $0x800;
	v20 =	vld [tilespmem:s23+$0x9660];
	v11 =	vimm.f32 $0.0e+00;
	v10 =	vimm.f32 $0.0e+00;
	v9 =	vimm.f32 $0.0e+00  }
.LBB2_33:
0x431: {  	p0 =	sne.s32 s24, $0xC000;
	v25 =	vld [tilespmem:s23+$0x9670];
	v13 =	vadd.f32 v13, v21;
	v15 =	vadd.f32 v15, v22  }
0x432: {  	v21 =	vld [tilespmem:s23+$0x96E0];
	v12 =	vadd.f32 v12, v23;
	v14 =	vadd.f32 v14, v24  }
0x433: {  	v22 =	vld [tilespmem:s23+$0x96F0];
	v23 =	vadd.f32 v3, v13;
	v24 =	vadd.f32 v4, v15  }
0x434: {  	v13 =	vld [tilespmem:s23+$0x9760];
	v26 =	vadd.f32 v5, v12;
	v27 =	vadd.f32 v6, v14  }
0x435: {  	v3 =	vadd.f32 v18, v8;
	v4 =	vadd.f32 v19, v11;
	v6 =	vld [tilespmem:s23+$0x9770]  }
0x436: {  	v5 =	vadd.f32 v20, v10;
	v8 =	vadd.f32 v25, v9;
	v9 =	vld [tilespmem:s23+$0x97E0]  }
0x437: {  	v10 =	vadd.f32 v16, v3;
	v11 =	vadd.f32 v17, v4;
	v12 =	vld [tilespmem:s23+$0x97F0];
	s23 =	sshra.s32 s24, $0x2  }
0x438: {  	v14 =	vadd.f32 v21, v5;
	v3 =	vld [tilespmem:s23+$0x9780];
	v8 =	vadd.f32 v22, v8  }
0x439: {  	v2 =	vadd.f32 v2, v10;
	v7 =	vadd.f32 v7, v11;
	v4 =	vld [tilespmem:s23+$0x9790]  }
0x43a: {  	v10 =	vadd.f32 v13, v14;
	v5 =	vld [tilespmem:s23+$0x97A0];
	v13 =	vadd.f32 v6, v8  }
0x43b: {  	v8 =	vadd.f32 v0, v2;
	v11 =	vadd.f32 v1, v7;
	v6 =	vld [tilespmem:s23+$0x97B0]  }
0x43c: {  	v10 =	vadd.f32 v9, v10;
	v0 =	vld [tilespmem:s23+$0x97C0];
	v9 =	vadd.f32 v12, v13  }
0x43d: {  	v1 =	vld [tilespmem:s23+$0x97D0]  }
0x43e: {  	v13 =	vld [tilespmem:s23+$0x9700]  }
0x43f: {  	v15 =	vld [tilespmem:s23+$0x9710]  }
0x440: {  	v12 =	vld [tilespmem:s23+$0x9720]  }
0x441: {  	v14 =	vld [tilespmem:s23+$0x9730]  }
0x442: {  	v2 =	vld [tilespmem:s23+$0x9740]  }
0x443: {  	v7 =	vld [tilespmem:s23+$0x9750]  }
0x444: {  	v20 =	vld [tilespmem:s23+$0x9680]  }
0x445: {  	v22 =	vld [tilespmem:s23+$0x9690]  }
0x446: {  	v17 =	vld [tilespmem:s23+$0x9600]  }
0x447: {  	v18 =	vld [tilespmem:s23+$0x9610]  }
0x448: {  	v19 =	vld [tilespmem:s23+$0x9620]  }
0x449: {  	v21 =	vld [tilespmem:s23+$0x9630]  }
0x44a: {  	v25 =	vld [tilespmem:s23+$0x96A0]  }
0x44b: {  	v28 =	vld [tilespmem:s23+$0x96B0]  }
.Ltmp16:
0x44c: {  	v16 =	vld [tilespmem:s23+$0x96C0];
	(pc) =	sbr.rel @p0 .LBB2_33-.Ltmp16, $4  }
0x44d: {  	v23 =	vadd.f32 v17, v23;
	v24 =	vadd.f32 v18, v24;
	v17 =	vld [tilespmem:s23+$0x96D0]  }
0x44e: {  	v26 =	vadd.f32 v19, v26;
	v27 =	vadd.f32 v21, v27;
	v18 =	vld [tilespmem:s23+$0x9640]  }
0x44f: {  	v21 =	vadd.f32 v20, v23;
	v22 =	vadd.f32 v22, v24;
	v19 =	vld [tilespmem:s23+$0x9650]  }
0x450: {  	s24 =	sadd.s32 $0x800, s24;
	v23 =	vadd.f32 v25, v26;
	v20 =	vld [tilespmem:s23+$0x9660];
	v24 =	vadd.f32 v28, v27  }
0x451: {  	v13 =	vadd.f32 v13, v21;
	v15 =	vadd.f32 v15, v22  }
0x452: {  	v50 =	vld [tilespmem:s23+$0x9670];
	v12 =	vadd.f32 v12, v23;
	v14 =	vadd.f32 v14, v24  }
0x453: {  	v51 =	vld [tilespmem:s23+$0x96E0];
	v3 =	vadd.f32 v3, v13;
	v4 =	vadd.f32 v4, v15  }
0x454: {  	v52 =	vld [tilespmem:s23+$0x96F0];
	v8 =	vadd.f32 v18, v8;
	v5 =	vadd.f32 v5, v12  }
0x455: {  	v53 =	vld [tilespmem:s23+$0x9760];
	v6 =	vadd.f32 v6, v14;
	v11 =	vadd.f32 v19, v11  }
0x456: {  	v54 =	vld [tilespmem:s23+$0x9770];
	v10 =	vadd.f32 v20, v10;
	v8 =	vadd.f32 v16, v8  }
0x457: {  	v55 =	vld [tilespmem:s23+$0x97E0];
	v9 =	vadd.f32 v50, v9;
	v11 =	vadd.f32 v17, v11  }
0x458: {  	v56 =	vld [tilespmem:s23+$0x97F0];
	v10 =	vadd.f32 v51, v10;
	v2 =	vadd.f32 v2, v8  }
0x459: {  	v57 =	vadd.f32 v52, v9;
	v7 =	vadd.f32 v7, v11  }
0x45a: {  	v58 =	vadd.f32 v53, v10;
	v0 =	vadd.f32 v0, v2  }
0x45b: {  	v59 =	vadd.f32 v54, v57;
	v1 =	vadd.f32 v1, v7  }
0x45c: {  	v60 =	vadd.f32 v55, v58;
	v0 =	vadd.f32 v0, v3  }
0x45d: {  	v2 =	vadd.f32 v56, v59;
	v1 =	vadd.f32 v1, v4  }
0x45e: {  	v0 =	vmul.f32 $4.999999890e-03, v0;
	v61 =	vadd.f32 v60, v5  }
0x45f: {  	v1 =	vmul.f32 $4.999999890e-03, v1;
	v2 =	vadd.f32 v2, v6  }
0x460: {  	[tilespmem:$0x1AFC0] =	vst v0;
	v62 =	vmul.f32 $4.999999890e-03, v61  }
0x461: {  	[tilespmem:$0x1AFD0] =	vst v1;
	v63 =	vmul.f32 $4.999999890e-03, v2  }
0x462: {  	[tilespmem:$0x1AFE0] =	vst v62  }
0x463: {  	s22 =	sadd.s32 $0x1, s22;
	[tilespmem:$0x1AFF0] =	vst v63  }
0x464: {  	[hbm4b:s7+s2] =	stream.linear.scatter [tilespmem:s20], [sflag:$0x5], $0x1100, $0x38;
	[tilespmem:$0x1B000] =	vst v63  }
0x465: {  	p0 =	sne.s32 s22, s8;
	_ =	swait.ge [sflag:s21], $0xF00  }
.Ltmp17:
0x466: {  	[sflag:s21] =	ssyncset.done $0x0;
	(pc) =	sbr.rel @p0 .LBB2_1-.Ltmp17, $4  }
0x467: {  	[sflag:s21] =	ssyncadd.s32 $0xFFFFF100  }
0x468: {  	_ =	swait.ge [sflag:s21], $0x1100  }
0x469: {  	[sflag:s21] =	ssyncset.done $0x0  }
0x46a: {  	[sflag:s21] =	ssyncadd.s32 $0xFFFFEF00  }
0x46b: {  	_ =	sfence.sel $0x180000  }
0x46c: {  	[bflag:$0x0] =	sbarrier.arrive $0xFFFF  }
0x46d: {  	p0 =	sne.s32 s0, $0x0;
	_ =	strace $0x90000047  }
0x46e: {  	s0 =	sadd.s32 @!p0 $0x100000, s1;
	[bflag:$0x2] =	sbarrier.arrive $0xFFFF  }
0x46f: {  	[sflag:s0] =	ssyncadd.tile.s32 @!p0 $0x1;
	_ =	shalt  }
.Lfunc_end2:
_tile_overlayer_lowered:
.L_overlay_start_2:
0x470: {  	(tag) =	ssettag $0x2  }
0x471: {  	s0 =	rddreg [dreg:$0x0];
	s2 =	stileid.u32  }
0x472: {  	s1 =	rddreg [dreg:$0x1];
	p0 =	sne.s32 s2, $0x0  }
0x473: {  	s3 =	rddreg [dreg:$0x2];
	[bflag:$0x3] =	sbarrier.arrive $0xFFFF;
	s2 =	simm.s32 @!p0 $0x1C06  }
0x474: {  	[timem:s3], [sflag:s2] =	dma.local @!p0 [hbm:s0], s1  }
0x475: {  	s0 =	simm.s32 @!p0 $0x6  }
0x476: {  	_ =	swait.ge @!p0 [sflag:s0], s1  }
0x477: {  	s1 =	ssub.s32 @!p0 $0x0, s1;
	[sflag:s0] =	ssyncset.done @!p0 $0x0  }
0x478: {  	[sflag:s0] =	ssyncadd.s32 @!p0 s1  }
0x479: {  	[bflag:$0x3] =	sbarrier.arrive $0xFFFF  }
0x47a: {  	_ =	shalt  }

</sc_bundles>
